<compile_context>
chip_gen: v7x
topology: tpu7x:2x2x1
jax: 0.10.2.dev20260603
libtpu: 0.0.44.dev20260713+nightly
codegen_flags: <defaults>
</compile_context>

<pallas_src>
import functools

import jax
import jax.numpy as jnp
from jax import lax
from jax.experimental import pallas as pl
from jax.experimental.pallas import tpu as pltpu
from jax.experimental.pallas import tpu_sc as plsc

N = 20000
D = 128
E = 320000
HN = N // 2
ROWS = E // 128
PROWS = 2560
NTILE = 16
NSC = 2
NREL = 8
ACC_ROWS = 10112
CMAX = 2176

_REL_SRC = (0, 0, 1, 2, 2, 3, 0, 4)
_REL_W = (0, 1, 2, 3, 7, 8, 13, 14)

_SC_PARAMS = pltpu.CompilerParams(needs_layout_passes=False)
_SC_KERNELS = {}


def _mesh():
    return plsc.VectorSubcoreMesh(core_axis_name="c", subcore_axis_name="s")



def _sc_degrees_body(s3, d3, hist_out, hist, ibuf):
    c = lax.axis_index("c")
    s = lax.axis_index("s")
    w = s * NSC + c
    task = w % 16
    rel = task // 2
    sel = task % 2
    half = w // 16

    def zero_body(i, carry):
        hist[pl.ds(i * 16, 16)] = jnp.zeros((16,), jnp.float32)
        return carry

    lax.fori_loop(0, N // 16, zero_body, 0)

    ones = jnp.ones((16,), jnp.float32)
    base_row = half * 1280
    total_rows = jnp.where(half == 0, 1280, ROWS - 1280)
    for sv in range(2):
        @pl.when(sel == sv)
        def _process(sv=sv):
            src = (s3 if sv == 0 else d3).at[rel]
            for ch in range(10):
                pltpu.sync_copy(src.at[pl.ds(base_row + ch * 128, 128)], ibuf)
                rows_this = jnp.minimum(total_rows - ch * 128, 128)

                def row_body(i, carry):
                    for j in range(8):
                        idx16 = ibuf[i, pl.ds(j * 16, 16)]
                        plsc.addupdate_scatter(hist, [idx16], ones)
                    return carry

                lax.fori_loop(0, rows_this, row_body, 0)

    pltpu.sync_copy(hist, hist_out.at[w, 0])


def _sc_degrees(*args):
    if "deg" not in _SC_KERNELS:
        _SC_KERNELS["deg"] = functools.partial(
            pl.kernel,
            out_type=jax.ShapeDtypeStruct((32, 1, N), jnp.float32),
            mesh=_mesh(),
            compiler_params=_SC_PARAMS,
            scratch_types=[
                pltpu.VMEM((N,), jnp.float32),
                pltpu.VMEM((128, 128), jnp.int32),
            ],
        )(_sc_degrees_body)
    return _SC_KERNELS["deg"](*args)


_RB = 1000


def _tc_prep_body(hist_ref, x0, x1, x2, x3, x4, m_ref, sid_ref):
    xs = (x0, x1, x2, x3, x4)
    deg = hist_ref[:, 0:16] + hist_ref[:, 16:32]
    sc = lax.rsqrt(jnp.maximum(deg, 1.0))
    for r in range(NREL):
        m_ref[r] = xs[_REL_SRC[r]][...] * sc[:, 2 * r][:, None]
    sid_ref[...] = jnp.stack([sc[:, 2 * r + 1] for r in range(NREL)], axis=1)


def _tc_prep(hist_t, x_list):
    return pl.pallas_call(
        _tc_prep_body,
        grid=(N // _RB,),
        in_specs=[pl.BlockSpec((_RB, 32), lambda i: (i, 0))]
        + [pl.BlockSpec((_RB, D), lambda i: (i, 0))] * 5,
        out_specs=[
            pl.BlockSpec((NREL, _RB, D), lambda i: (0, i, 0)),
            pl.BlockSpec((_RB, NREL), lambda i: (i, 0)),
        ],
        out_shape=[
            jax.ShapeDtypeStruct((NREL, N, D), jnp.float32),
            jax.ShapeDtypeStruct((N, NREL), jnp.float32),
        ],
    )(hist_t, *x_list)




_STG = 16
_NSTG = 10
_GB = 64


def _sc_main_body(m_hbm, s3, d3, zrows, agg, acc, sidx, didx, cbuf_s, cbuf_d,
                  didx2, rowbuf, semg, sems, semi):
    c = lax.axis_index("c")
    s = lax.axis_index("s")
    lo = c * HN

    row_start = jnp.where(s < 8, s * 160, 1280 + (s - 8) * 152)
    nrows = jnp.where(s < 8, 160, jnp.where(s < 15, 152, 156))
    drain_start = jnp.where(s < 2, s * 632, 1264 + (s - 2) * 624)

    def zero_mine(carry):
        pltpu.sync_copy(zrows.at[pl.ds(0, 624)],
                        acc.at[pl.ds(drain_start, 624)])

        @pl.when(s < 2)
        def _z8():
            pltpu.sync_copy(zrows.at[pl.ds(624, 8)],
                            acc.at[pl.ds(drain_start + 624, 8)])

    zero_mine(0)
    plsc.subcore_barrier()

    def rel_body(r, carry):
        table = m_hbm.at[r]

        def stage_fire(st, sb):
            pltpu.async_copy(
                s3.at[r, pl.ds(row_start + st * _STG, _STG)],
                sidx.at[sb], semi.at[sb])
            pltpu.async_copy(
                d3.at[r, pl.ds(row_start + st * _STG, _STG)],
                didx.at[sb], semi.at[sb])

        def gs_blocks(ngf, carry):
            def gs(g, carry2):
                bi = lax.rem(g, 4)
                pltpu.make_async_copy(
                    table.at[cbuf_s.at[pl.ds(g * _GB, _GB)]],
                    rowbuf.at[bi], semg.at[bi]).wait()

                for j in range(_GB // 16):
                    didx2[bi, pl.ds(j * 16, 16)] = \
                        cbuf_d[pl.ds(g * _GB + j * 16, 16)]
                pltpu.async_copy(rowbuf.at[bi], acc.at[didx2.at[bi]],
                                 sems.at[bi], add=True)

                @pl.when(g >= 2)
                def _retire():
                    bj = lax.rem(g - 2, 4)
                    pltpu.make_async_copy(
                        rowbuf.at[bj], acc.at[didx2.at[bj]],
                        sems.at[bj]).wait()

                @pl.when(g + 2 < ngf)
                def _next():
                    bk = lax.rem(g + 2, 4)
                    pltpu.async_copy(
                        table.at[cbuf_s.at[pl.ds((g + 2) * _GB, _GB)]],
                        rowbuf.at[bk], semg.at[bk])
                return carry2

            @pl.when(ngf > 0)
            def _run():
                pltpu.async_copy(
                    table.at[cbuf_s.at[pl.ds(0, _GB)]], rowbuf.at[0],
                    semg.at[0])

                @pl.when(ngf > 1)
                def _p2():
                    pltpu.async_copy(
                        table.at[cbuf_s.at[pl.ds(_GB, _GB)]],
                        rowbuf.at[1], semg.at[1])

                lax.fori_loop(0, ngf, gs, 0)
                bl = lax.rem(ngf - 1, 4)
                pltpu.make_async_copy(
                    rowbuf.at[bl], acc.at[didx2.at[bl]], sems.at[bl]).wait()

                @pl.when(ngf > 1)
                def _d2():
                    bm = lax.rem(ngf - 2, 4)
                    pltpu.make_async_copy(
                        rowbuf.at[bm], acc.at[didx2.at[bm]],
                        sems.at[bm]).wait()

        def stage_body(st, rem):
            sb = lax.rem(st, 2)

            @pl.when(st + 1 < _NSTG)
            def _prefetch():
                stage_fire(st + 1, lax.rem(st + 1, 2))

            pltpu.make_async_copy(
                s3.at[r, pl.ds(row_start + st * _STG, _STG)],
                sidx.at[sb], semi.at[sb]).wait()
            pltpu.make_async_copy(
                d3.at[r, pl.ds(row_start + st * _STG, _STG)],
                didx.at[sb], semi.at[sb]).wait()
            rows_this = jnp.clip(nrows - st * _STG, 0, _STG)

            def crow(i, cnt):
                for j in range(8):
                    sv = sidx[sb, i, pl.ds(j * 16, 16)]
                    dv = didx[sb, i, pl.ds(j * 16, 16)] - lo
                    msk = (dv >= 0) & (dv < HN)
                    plsc.store_compressed(
                        cbuf_s.at[pl.ds(cnt, 16)], sv, mask=msk)
                    plsc.store_compressed(
                        cbuf_d.at[pl.ds(cnt, 16)], dv, mask=msk)
                    cnt = cnt + jnp.sum(msk.astype(jnp.int32))
                return cnt

            cnt = lax.fori_loop(0, rows_this, crow, rem)
            ngf = cnt // _GB
            gs_blocks(ngf, 0)
            new_rem = cnt - ngf * _GB
            for j in range(_GB // 16):
                sv = cbuf_s[pl.ds(ngf * _GB + j * 16, 16)]
                dv = cbuf_d[pl.ds(ngf * _GB + j * 16, 16)]
                cbuf_s[pl.ds(j * 16, 16)] = sv
                cbuf_d[pl.ds(j * 16, 16)] = dv
            return new_rem

        stage_fire(0, 0)
        rem = lax.fori_loop(0, _NSTG, stage_body, jnp.int32(0))

        for j in range(_GB // 16):
            cbuf_s[pl.ds(rem + j * 16, 16)] = jnp.zeros((16,), jnp.int32)
            cbuf_d[pl.ds(rem + j * 16, 16)] = jnp.full((16,), HN, jnp.int32)
        gs_blocks(jnp.int32(1), 0)

        plsc.subcore_barrier()
        pltpu.sync_copy(
            acc.at[pl.ds(drain_start, 624)],
            agg.at[r, pl.ds(lo + drain_start, 624)],
        )

        @pl.when(s < 2)
        def _drain_extra():
            pltpu.sync_copy(
                acc.at[pl.ds(drain_start + 624, 8)],
                agg.at[r, pl.ds(lo + drain_start + 624, 8)],
            )

        zero_mine(0)
        plsc.subcore_barrier()
        return carry

    lax.fori_loop(0, NREL, rel_body, 0)


def _sc_main(*args):
    if "main" not in _SC_KERNELS:
        _SC_KERNELS["main"] = functools.partial(
            pl.kernel,
            out_type=jax.ShapeDtypeStruct((NREL, N, D), jnp.float32),
            mesh=_mesh(),
            compiler_params=_SC_PARAMS,
            scratch_types=[
                pltpu.VMEM_SHARED((ACC_ROWS, D), jnp.float32),
                pltpu.VMEM((2, _STG, 128), jnp.int32),
                pltpu.VMEM((2, _STG, 128), jnp.int32),
                pltpu.VMEM((CMAX,), jnp.int32),
                pltpu.VMEM((CMAX,), jnp.int32),
                pltpu.VMEM((4, _GB), jnp.int32),
                pltpu.VMEM((4, _GB, D), jnp.float32),
                pltpu.SemaphoreType.DMA((4,)),
                pltpu.SemaphoreType.DMA((4,)),
                pltpu.SemaphoreType.DMA((2,)),
            ],
        )(_sc_main_body)
    return _SC_KERNELS["main"](*args)



def _tc_finish_body(agg_ref, sid_ref, w_ref, b_ref, a_ref,
                    out_drug, out_disease, out_cpm, out_chp, out_gene):
    def conv(r):
        a = agg_ref[r] * sid_ref[:, r][:, None]
        wi = _REL_W[r]
        return jnp.dot(a, w_ref[wi], preferred_element_type=jnp.float32) + b_ref[wi][None, :]

    def prelu(v, ai):
        a = a_ref[ai]
        return jnp.where(v >= 0, v, a * v)

    out_drug[...] = prelu(conv(0), 0)
    out_disease[...] = prelu(conv(1) + conv(2), 0)
    out_cpm[...] = prelu(conv(3), 1)
    out_chp[...] = prelu(conv(4) + conv(5), 2)
    out_gene[...] = prelu(conv(6) + conv(7), 4)


def _tc_finish(agg, sid, W, b, prelu_a):
    return pl.pallas_call(
        _tc_finish_body,
        grid=(N // _RB,),
        in_specs=[
            pl.BlockSpec((NREL, _RB, D), lambda i: (0, i, 0)),
            pl.BlockSpec((_RB, NREL), lambda i: (i, 0)),
            pl.BlockSpec((18, D, D), lambda i: (0, 0, 0)),
            pl.BlockSpec((18, D), lambda i: (0, 0)),
            pl.BlockSpec(memory_space=pltpu.SMEM),
        ],
        out_specs=[pl.BlockSpec((_RB, D), lambda i: (i, 0))] * 5,
        out_shape=[jax.ShapeDtypeStruct((N, D), jnp.float32)] * 5,
    )(agg, sid, W, b, prelu_a)




def kernel(x_drug, x_disease, x_CPM, x_CHP, x_gene,
           e_drug_drug, e_drug_disease, e_disease_disease,
           e_CPM_CPM, e_CPM_disease, e_CPM_CHP,
           e_CHP_CHP, e_CHP_drug, e_drug_gene,
           e_gene_gene, e_gene_disease,
           W, b, prelu_a):
    xs = [x_drug, x_disease, x_CPM, x_CHP, x_gene]
    es = [e_drug_drug, e_drug_disease, e_disease_disease, e_CPM_CPM,
          e_CPM_CHP, e_CHP_CHP, e_drug_gene, e_gene_gene]

    pad = jnp.zeros((NREL, PROWS * 128 - E), jnp.int32)
    stacked = jnp.stack(es)
    s3 = jnp.concatenate([stacked[:, 0], pad], axis=1).reshape(NREL, PROWS, 128)
    d3 = jnp.concatenate([stacked[:, 1], pad], axis=1).reshape(NREL, PROWS, 128)

    hist = _sc_degrees(s3, d3)
    m, sid = _tc_prep(hist.reshape(32, N).T, xs)
    zrows = jnp.zeros((632, D), jnp.float32)
    agg = _sc_main(m, s3, d3, zrows)
    return tuple(_tc_finish(agg, sid, W, b, prelu_a))

# --- scband reference (transcript-rebuilt; emitter-appended) ---
"""Pipeline reference for scband-subnetwork-encoder-74285754351672 (READ-ONLY COPY).

The authoritative reference and input builder live on the scoring server;
editing this copy changes nothing except your own understanding.
"""

import jax, jax.numpy as jnp
import numpy as np

N = 20000
D = 128
E = 320000

NTYPES = ['drug', 'disease', 'CPM', 'CHP', 'gene']
RELS = ['drug_drug', 'drug_disease', 'disease_disease', 'CPM_CPM', 'CPM_disease', 'CPM_CHP', 'CHP_CHP', 'CHP_drug', 'drug_gene', 'gene_gene', 'gene_disease']
ENCODERS = [
    ['drug_drug', 'drug_disease', 'disease_disease'],
    ['CPM_CPM', 'CPM_disease', 'disease_disease'],
    ['CPM_CPM', 'CPM_CHP', 'CHP_CHP'],
    ['CHP_CHP', 'CHP_drug', 'drug_drug'],
    ['drug_drug', 'drug_gene', 'gene_gene'],
    ['gene_gene', 'gene_disease', 'disease_disease'],
]


def _src_dst(rel):
    s, d = rel.split('_')
    return s, d


def setup_inputs(seed: int = 0) -> dict:
    key = jax.random.key(seed)
    ks = jax.random.split(key, 40)
    inp = {}
    for i, nt in enumerate(NTYPES):
        inp['x_' + nt] = jax.random.normal(ks[i], (N, D), dtype=jnp.float32)
    for j, rel in enumerate(RELS):
        inp['e_' + rel] = jax.random.randint(ks[5 + j], (2, E), 0, N, dtype=jnp.int32)
    # 6 encoders x 3 GraphConvs each = 18 weight matrices (xavier normal) + zero biases
    inp['W'] = (jax.random.normal(ks[20], (18, D, D), dtype=jnp.float32) * np.sqrt(2.0 / (D + D))).astype(jnp.float32)
    inp['b'] = jnp.zeros((18, D), dtype=jnp.float32)
    # one PReLU scalar per NodeEmbedding (torch default init 0.25)
    inp['prelu_a'] = jnp.full((6,), 0.25, dtype=jnp.float32)
    return inp


def _gcn(x_src, edges, W, b):
    # DGL GraphConv, norm='both', allow_zero_in_degree=True
    src, dst = edges[0], edges[1]
    out_deg = jnp.clip(jnp.bincount(src, length=N), 1).astype(jnp.float32)
    m = x_src * (out_deg ** -0.5)[:, None]
    agg = jax.ops.segment_sum(m[src], dst, num_segments=N)
    in_deg = jnp.clip(jnp.bincount(dst, length=N), 1).astype(jnp.float32)
    return (agg * (in_deg ** -0.5)[:, None]) @ W + b


def _forward(xs, es, W, b, prelu_a):
    enc_out = []
    for i, rels in enumerate(ENCODERS):
        acc = {}
        for j, rel in enumerate(rels):
            s, d = _src_dst(rel)
            r = _gcn(xs[s], es[rel], W[i * 3 + j], b[i * 3 + j])
            acc[d] = acc[d] + r if d in acc else r
        a = prelu_a[i]
        enc_out.append({k: jnp.where(v >= 0, v, a * v) for k, v in acc.items()})
    # SubnetworkEncoder keeps only the FIRST computed embedding per ntype
    return (enc_out[0]['drug'], enc_out[0]['disease'], enc_out[1]['CPM'], enc_out[2]['CHP'], enc_out[4]['gene'])


def reference(x_drug, x_disease, x_CPM, x_CHP, x_gene,
              e_drug_drug, e_drug_disease, e_disease_disease,
              e_CPM_CPM, e_CPM_disease, e_CPM_CHP,
              e_CHP_CHP, e_CHP_drug, e_drug_gene,
              e_gene_gene, e_gene_disease,
              W, b, prelu_a):
    xs = {'drug': x_drug, 'disease': x_disease, 'CPM': x_CPM, 'CHP': x_CHP, 'gene': x_gene}
    es = {'drug_drug': e_drug_drug, 'drug_disease': e_drug_disease, 'disease_disease': e_disease_disease,
          'CPM_CPM': e_CPM_CPM, 'CPM_disease': e_CPM_disease, 'CPM_CHP': e_CPM_CHP,
          'CHP_CHP': e_CHP_CHP, 'CHP_drug': e_CHP_drug, 'drug_gene': e_drug_gene,
          'gene_gene': e_gene_gene, 'gene_disease': e_gene_disease}
    return _forward(xs, es, W, b, prelu_a)

if __name__ == "__main__":
    import jax
    _d = setup_inputs()
    print(jax.jit(kernel)(*tuple(_d.values())))

</pallas_src>

<mosaic_0001>
#map = affine_map<(d0, d1) -> (0, 0, 0)>
module attributes {stable_mosaic.version = 14 : i64} {
  func.func @_sc_degrees_body(%arg0: i32, %arg1: i32, %arg2: memref<8x2560x128xi32, #tpu.memory_space<hbm>>, %arg3: memref<8x2560x128xi32, #tpu.memory_space<hbm>>, %arg4: memref<32x1x20000xf32, #tpu.memory_space<hbm>>, %arg5: memref<20000xf32, #tpu.memory_space<vmem>>, %arg6: memref<128x128xi32, #tpu.memory_space<vmem>>) attributes {dimension_semantics = [#tpu.dimension_semantics<core_parallel>, #tpu.dimension_semantics<subcore_parallel>], iteration_bounds = array<i64: 2, 16>, scalar_prefetch = 0 : i64, scratch_operands = 2 : i64, tpu.core_type = #tpu.core_type<sc_vector_subcore>, window_params = [{transform_indices = #map}, {transform_indices = #map}, {transform_indices = #map}]} {
    %mul3A = arith.constant 2 : i32
    %mul3A_0 = arith.muli %arg1, %mul3A : i32
    %add3A = arith.addi %mul3A_0, %arg0 : i32
    %jit3A = arith.constant 16 : i32
    %eq3A = arith.constant 0 : i32
    %eq3A_1 = arith.cmpi eq, %jit3A, %eq3A : i32
    %jit3A_2 = arith.constant 1 : i32
    %select_n3A = arith.select %eq3A_1, %jit3A_2, %jit3A : i32
    %rem3A = arith.remsi %add3A, %select_n3A : i32
    %ne3A = arith.constant 0 : i32
    %ne3A_3 = arith.cmpi ne, %rem3A, %ne3A : i32
    %lt3A = arith.constant 0 : i32
    %lt3A_4 = arith.cmpi slt, %rem3A, %lt3A : i32
    %lt3A_5 = arith.constant 0 : i32
    %lt3A_6 = arith.cmpi slt, %select_n3A, %lt3A_5 : i32
    %ne3A_7 = arith.xori %lt3A_4, %lt3A_6 : i1
    %and3A = arith.andi %ne3A_7, %ne3A_3 : i1
    %add3A_8 = arith.addi %rem3A, %select_n3A : i32
    %select_n3A_9 = arith.select %and3A, %add3A_8, %rem3A : i32
    %jit3A_10 = arith.constant 2 : i32
    %div3A = arith.divsi %select_n3A_9, %jit3A_10 : i32
    %sign3A = arith.constant 0 : i32
    %sign3A_11 = arith.cmpi sgt, %select_n3A_9, %sign3A : i32
    %sign3A_12 = arith.extui %sign3A_11 : i1 to i32
    %sign3A_13 = arith.constant 0 : i32
    %sign3A_14 = arith.cmpi slt, %select_n3A_9, %sign3A_13 : i32
    %sign3A_15 = arith.extui %sign3A_14 : i1 to i32
    %sign3A_16 = arith.subi %sign3A_12, %sign3A_15 : i32
    %sign3A_17 = arith.constant 0 : i32
    %sign3A_18 = arith.cmpi sgt, %jit3A_10, %sign3A_17 : i32
    %sign3A_19 = arith.extui %sign3A_18 : i1 to i32
    %sign3A_20 = arith.constant 0 : i32
    %sign3A_21 = arith.cmpi slt, %jit3A_10, %sign3A_20 : i32
    %sign3A_22 = arith.extui %sign3A_21 : i1 to i32
    %sign3A_23 = arith.subi %sign3A_19, %sign3A_22 : i32
    %ne3A_24 = arith.cmpi ne, %sign3A_16, %sign3A_23 : i32
    %rem3A_25 = arith.remsi %select_n3A_9, %jit3A_10 : i32
    %ne3A_26 = arith.constant 0 : i32
    %ne3A_27 = arith.cmpi ne, %rem3A_25, %ne3A_26 : i32
    %and3A_28 = arith.andi %ne3A_24, %ne3A_27 : i1
    %sub3A = arith.constant 1 : i32
    %sub3A_29 = arith.subi %div3A, %sub3A : i32
    %select_n3A_30 = arith.select %and3A_28, %sub3A_29, %div3A : i32
    %jit3A_31 = arith.constant 2 : i32
    %eq3A_32 = arith.constant 0 : i32
    %eq3A_33 = arith.cmpi eq, %jit3A_31, %eq3A_32 : i32
    %jit3A_34 = arith.constant 1 : i32
    %select_n3A_35 = arith.select %eq3A_33, %jit3A_34, %jit3A_31 : i32
    %rem3A_36 = arith.remsi %select_n3A_9, %select_n3A_35 : i32
    %ne3A_37 = arith.constant 0 : i32
    %ne3A_38 = arith.cmpi ne, %rem3A_36, %ne3A_37 : i32
    %lt3A_39 = arith.constant 0 : i32
    %lt3A_40 = arith.cmpi slt, %rem3A_36, %lt3A_39 : i32
    %lt3A_41 = arith.constant 0 : i32
    %lt3A_42 = arith.cmpi slt, %select_n3A_35, %lt3A_41 : i32
    %ne3A_43 = arith.xori %lt3A_40, %lt3A_42 : i1
    %and3A_44 = arith.andi %ne3A_43, %ne3A_38 : i1
    %add3A_45 = arith.addi %rem3A_36, %select_n3A_35 : i32
    %select_n3A_46 = arith.select %and3A_44, %add3A_45, %rem3A_36 : i32
    %jit3A_47 = arith.constant 16 : i32
    %div3A_48 = arith.divsi %add3A, %jit3A_47 : i32
    %sign3A_49 = arith.constant 0 : i32
    %sign3A_50 = arith.cmpi sgt, %add3A, %sign3A_49 : i32
    %sign3A_51 = arith.extui %sign3A_50 : i1 to i32
    %sign3A_52 = arith.constant 0 : i32
    %sign3A_53 = arith.cmpi slt, %add3A, %sign3A_52 : i32
    %sign3A_54 = arith.extui %sign3A_53 : i1 to i32
    %sign3A_55 = arith.subi %sign3A_51, %sign3A_54 : i32
    %sign3A_56 = arith.constant 0 : i32
    %sign3A_57 = arith.cmpi sgt, %jit3A_47, %sign3A_56 : i32
    %sign3A_58 = arith.extui %sign3A_57 : i1 to i32
    %sign3A_59 = arith.constant 0 : i32
    %sign3A_60 = arith.cmpi slt, %jit3A_47, %sign3A_59 : i32
    %sign3A_61 = arith.extui %sign3A_60 : i1 to i32
    %sign3A_62 = arith.subi %sign3A_58, %sign3A_61 : i32
    %ne3A_63 = arith.cmpi ne, %sign3A_55, %sign3A_62 : i32
    %rem3A_64 = arith.remsi %add3A, %jit3A_47 : i32
    %ne3A_65 = arith.constant 0 : i32
    %ne3A_66 = arith.cmpi ne, %rem3A_64, %ne3A_65 : i32
    %and3A_67 = arith.andi %ne3A_63, %ne3A_66 : i1
    %sub3A_68 = arith.constant 1 : i32
    %sub3A_69 = arith.subi %div3A_48, %sub3A_68 : i32
    %select_n3A_70 = arith.select %and3A_67, %sub3A_69, %div3A_48 : i32
    %scan3A = arith.constant 0 : i32
    %scan3A_71 = arith.constant 0 : i32
    %scan3A_72 = arith.constant 1250 : i32
    %scan3A_73 = arith.addi %scan3A_71, %scan3A_72 : i32
    %scan3A_74 = arith.constant 1 : i32
    scf.for %scan3A_92 = %scan3A_71 to %scan3A_73 step %scan3A_74  : i32 {
      %broadcast_in_dim3A_93 = arith.constant 0.000000e+00 : f32
      %broadcast_in_dim3A_94 = vector.broadcast %broadcast_in_dim3A_93 : f32 to vector<16xf32>
      %mul3A_95 = arith.constant 16 : i32
      %mul3A_96 = arith.muli %scan3A_92, %mul3A_95 : i32
      %swap3A = arith.index_cast %mul3A_96 : i32 to index
      %swap3A_97 = tpu.vector_load %arg5[%swap3A] {strides = array<i32>} : memref<20000xf32, #tpu.memory_space<vmem>>, vector<16xf32>,
      tpu.vector_store %arg5[%swap3A], %broadcast_in_dim3A_94 {strides = array<i32>} : memref<20000xf32, #tpu.memory_space<vmem>>, vector<16xf32>,
    }
    %scan3A_75 = arith.constant 1250 : i32
    %broadcast_in_dim3A = arith.constant 1.000000e+00 : f32
    %broadcast_in_dim3A_76 = vector.broadcast %broadcast_in_dim3A : f32 to vector<16xf32>
    %mul3A_77 = arith.constant 1280 : i32
    %mul3A_78 = arith.muli %select_n3A_70, %mul3A_77 : i32
    %eq3A_79 = arith.constant 0 : i32
    %eq3A_80 = arith.cmpi eq, %select_n3A_70, %eq3A_79 : i32
    %jit3A_81 = arith.constant 1280 : i32
    %jit3A_82 = arith.constant 1220 : i32
    %select_n3A_83 = arith.select %eq3A_80, %jit3A_81, %jit3A_82 : i32
    %eq3A_84 = arith.constant 0 : i32
    %eq3A_85 = arith.cmpi eq, %select_n3A_46, %eq3A_84 : i32
    %convert_element_type3A = arith.extui %eq3A_85 : i1 to i32
    %cond3A = arith.constant 0 : i32
    %cond3A_86 = arith.cmpi ne, %convert_element_type3A, %cond3A : i32
    scf.if %cond3A_86 {
      %add3A_92 = arith.constant 0 : i32
      %add3A_93 = arith.addi %mul3A_78, %add3A_92 : i32
      "tpu.region"() ({
        %run_scoped3A_250 = tpu.sem_alloc : memref<!tpu.dma_semaphore, #tpu.memory_space<semaphore_mem>>
        %dma_start3A = arith.constant 0 : i32
        %dma_start3A_251 = arith.constant 0 : i32
        %dma_start3A_252 = tpu.memref_slice %arg2[%select_n3A_30, %dma_start3A, %dma_start3A_251] : memref<8x2560x128xi32, #tpu.memory_space<hbm>> -> memref<1x2560x128xi32, #tpu.memory_space<hbm>>
        %dma_start3A_253 = tpu.memref_squeeze %dma_start3A_252 : memref<1x2560x128xi32, #tpu.memory_space<hbm>> -> memref<2560x128xi32, #tpu.memory_space<hbm>>
        %dma_start3A_254 = arith.constant 0 : i32
        %dma_start3A_255 = tpu.memref_slice %dma_start3A_253[%add3A_93, %dma_start3A_254] : memref<2560x128xi32, #tpu.memory_space<hbm>> -> memref<128x128xi32, #tpu.memory_space<hbm>>
        %dma_start3A_256 = arith.constant 0 : i32
        %dma_start3A_257 = arith.constant 0 : i32
        %dma_start3A_258 = tpu.memref_slice %arg2[%select_n3A_30, %dma_start3A_256, %dma_start3A_257] : memref<8x2560x128xi32, #tpu.memory_space<hbm>> -> memref<1x2560x128xi32, #tpu.memory_space<hbm>>
        %dma_start3A_259 = tpu.memref_squeeze %dma_start3A_258 : memref<1x2560x128xi32, #tpu.memory_space<hbm>> -> memref<2560x128xi32, #tpu.memory_space<hbm>>
        %dma_start3A_260 = arith.constant 0 : i32
        %dma_start3A_261 = tpu.memref_slice %dma_start3A_259[%add3A_93, %dma_start3A_260] : memref<2560x128xi32, #tpu.memory_space<hbm>> -> memref<128x128xi32, #tpu.memory_space<hbm>>
        tpu.enqueue_dma source(%dma_start3A_261 : memref<128x128xi32, #tpu.memory_space<hbm>>) target(%arg6 : memref<128x128xi32, #tpu.memory_space<vmem>>) target_semaphore(%run_scoped3A_250 : memref<!tpu.dma_semaphore, #tpu.memory_space<semaphore_mem>>)
        %dma_wait3A = arith.constant 0 : i32
        %dma_wait3A_262 = arith.constant 0 : i32
        %dma_wait3A_263 = tpu.memref_slice %arg2[%select_n3A_30, %dma_wait3A, %dma_wait3A_262] : memref<8x2560x128xi32, #tpu.memory_space<hbm>> -> memref<1x2560x128xi32, #tpu.memory_space<hbm>>
        %dma_wait3A_264 = tpu.memref_squeeze %dma_wait3A_263 : memref<1x2560x128xi32, #tpu.memory_space<hbm>> -> memref<2560x128xi32, #tpu.memory_space<hbm>>
        %dma_wait3A_265 = arith.constant 0 : i32
        %dma_wait3A_266 = tpu.memref_slice %dma_wait3A_264[%add3A_93, %dma_wait3A_265] : memref<2560x128xi32, #tpu.memory_space<hbm>> -> memref<128x128xi32, #tpu.memory_space<hbm>>
        %dma_wait3A_267 = arith.constant 0 : i32
        %dma_wait3A_268 = arith.constant 0 : i32
        %dma_wait3A_269 = tpu.memref_slice %arg2[%select_n3A_30, %dma_wait3A_267, %dma_wait3A_268] : memref<8x2560x128xi32, #tpu.memory_space<hbm>> -> memref<1x2560x128xi32, #tpu.memory_space<hbm>>
        %dma_wait3A_270 = tpu.memref_squeeze %dma_wait3A_269 : memref<1x2560x128xi32, #tpu.memory_space<hbm>> -> memref<2560x128xi32, #tpu.memory_space<hbm>>
        %dma_wait3A_271 = arith.constant 0 : i32
        %dma_wait3A_272 = tpu.memref_slice %dma_wait3A_270[%add3A_93, %dma_wait3A_271] : memref<2560x128xi32, #tpu.memory_space<hbm>> -> memref<128x128xi32, #tpu.memory_space<hbm>>
        tpu.wait_dma2 semaphore(%run_scoped3A_250 : memref<!tpu.dma_semaphore, #tpu.memory_space<semaphore_mem>>) src(%dma_wait3A_272 : memref<128x128xi32, #tpu.memory_space<hbm>>) dst(%arg6 : memref<128x128xi32, #tpu.memory_space<vmem>>)
        tpu.yield
      }) : () -> ()
      %sub3A_94 = arith.constant 0 : i32
      %sub3A_95 = arith.subi %select_n3A_83, %sub3A_94 : i32
      %min3A = arith.constant 128 : i32
      %min3A_96 = arith.minsi %sub3A_95, %min3A : i32
      %while3A = arith.constant 0 : i32
      %while3A_97 = arith.constant 0 : i32
      %while3A_98 = arith.subi %min3A_96, %while3A_97 : i32
      %while3A_99 = arith.addi %while3A_97, %while3A_98 : i32
      %while3A_100 = arith.constant 1 : i32
      %while3A_101 = arith.divsi %while3A_98, %while3A_100 : i32
      %while3A_102 = arith.muli %while3A_101, %while3A_100 : i32
      %while3A_103 = arith.addi %while3A_97, %while3A_102 : i32
      %while3A_104 = arith.constant 1 : i32
      scf.for %while3A_250 = %while3A_97 to %while3A_103 step %while3A_104  : i32 {
        %get3A = arith.index_cast %while3A_250 : i32 to index
        %get3A_251 = arith.constant 0 : index
        %get3A_252 = tpu.vector_load %arg6[%get3A, %get3A_251] {strides = array<i32>} : memref<128x128xi32, #tpu.memory_space<vmem>>, vector<16xi32>,
        tpu.vector_store_idx %arg5[%get3A_252], %broadcast_in_dim3A_76 {add = true} : memref<20000xf32, #tpu.memory_space<vmem>>[vector<16xi32>], vector<16xf32>,
        %get3A_253 = arith.index_cast %while3A_250 : i32 to index
        %get3A_254 = arith.constant 16 : index
        %get3A_255 = tpu.vector_load %arg6[%get3A_253, %get3A_254] {strides = array<i32>} : memref<128x128xi32, #tpu.memory_space<vmem>>, vector<16xi32>,
        tpu.vector_store_idx %arg5[%get3A_255], %broadcast_in_dim3A_76 {add = true} : memref<20000xf32, #tpu.memory_space<vmem>>[vector<16xi32>], vector<16xf32>,
        %get3A_256 = arith.index_cast %while3A_250 : i32 to index
        %get3A_257 = arith.constant 32 : index
        %get3A_258 = tpu.vector_load %arg6[%get3A_256, %get3A_257] {strides = array<i32>} : memref<128x128xi32, #tpu.memory_space<vmem>>, vector<16xi32>,
        tpu.vector_store_idx %arg5[%get3A_258], %broadcast_in_dim3A_76 {add = true} : memref<20000xf32, #tpu.memory_space<vmem>>[vector<16xi32>], vector<16xf32>,
        %get3A_259 = arith.index_cast %while3A_250 : i32 to index
        %get3A_260 = arith.constant 48 : index
        %get3A_261 = tpu.vector_load %arg6[%get3A_259, %get3A_260] {strides = array<i32>} : memref<128x128xi32, #tpu.memory_space<vmem>>, vector<16xi32>,
        tpu.vector_store_idx %arg5[%get3A_261], %broadcast_in_dim3A_76 {add = true} : memref<20000xf32, #tpu.memory_space<vmem>>[vector<16xi32>], vector<16xf32>,
        %get3A_262 = arith.index_cast %while3A_250 : i32 to index
        %get3A_263 = arith.constant 64 : index
        %get3A_264 = tpu.vector_load %arg6[%get3A_262, %get3A_263] {strides = array<i32>} : memref<128x128xi32, #tpu.memory_space<vmem>>, vector<16xi32>,
        tpu.vector_store_idx %arg5[%get3A_264], %broadcast_in_dim3A_76 {add = true} : memref<20000xf32, #tpu.memory_space<vmem>>[vector<16xi32>], vector<16xf32>,
        %get3A_265 = arith.index_cast %while3A_250 : i32 to index
        %get3A_266 = arith.constant 80 : index
        %get3A_267 = tpu.vector_load %arg6[%get3A_265, %get3A_266] {strides = array<i32>} : memref<128x128xi32, #tpu.memory_space<vmem>>, vector<16xi32>,
        tpu.vector_store_idx %arg5[%get3A_267], %broadcast_in_dim3A_76 {add = true} : memref<20000xf32, #tpu.memory_space<vmem>>[vector<16xi32>], vector<16xf32>,
        %get3A_268 = arith.index_cast %while3A_250 : i32 to index
        %get3A_269 = arith.constant 96 : index
        %get3A_270 = tpu.vector_load %arg6[%get3A_268, %get3A_269] {strides = array<i32>} : memref<128x128xi32, #tpu.memory_space<vmem>>, vector<16xi32>,
        tpu.vector_store_idx %arg5[%get3A_270], %broadcast_in_dim3A_76 {add = true} : memref<20000xf32, #tpu.memory_space<vmem>>[vector<16xi32>], vector<16xf32>,
        %get3A_271 = arith.index_cast %while3A_250 : i32 to index
        %get3A_272 = arith.constant 112 : index
        %get3A_273 = tpu.vector_load %arg6[%get3A_271, %get3A_272] {strides = array<i32>} : memref<128x128xi32, #tpu.memory_space<vmem>>, vector<16xi32>,
        tpu.vector_store_idx %arg5[%get3A_273], %broadcast_in_dim3A_76 {add = true} : memref<20000xf32, #tpu.memory_space<vmem>>[vector<16xi32>], vector<16xf32>,
      }
      %while3A_105 = arith.constant 1 : i32
      scf.for %while3A_250 = %while3A_103 to %while3A_99 step %while3A_105  : i32 {
        %get3A = arith.index_cast %while3A_250 : i32 to index
        %get3A_251 = arith.constant 0 : index
        %get3A_252 = tpu.vector_load %arg6[%get3A, %get3A_251] {strides = array<i32>} : memref<128x128xi32, #tpu.memory_space<vmem>>, vector<16xi32>,
        tpu.vector_store_idx %arg5[%get3A_252], %broadcast_in_dim3A_76 {add = true} : memref<20000xf32, #tpu.memory_space<vmem>>[vector<16xi32>], vector<16xf32>,
        %get3A_253 = arith.index_cast %while3A_250 : i32 to index
        %get3A_254 = arith.constant 16 : index
        %get3A_255 = tpu.vector_load %arg6[%get3A_253, %get3A_254] {strides = array<i32>} : memref<128x128xi32, #tpu.memory_space<vmem>>, vector<16xi32>,
        tpu.vector_store_idx %arg5[%get3A_255], %broadcast_in_dim3A_76 {add = true} : memref<20000xf32, #tpu.memory_space<vmem>>[vector<16xi32>], vector<16xf32>,
        %get3A_256 = arith.index_cast %while3A_250 : i32 to index
        %get3A_257 = arith.constant 32 : index
        %get3A_258 = tpu.vector_load %arg6[%get3A_256, %get3A_257] {strides = array<i32>} : memref<128x128xi32, #tpu.memory_space<vmem>>, vector<16xi32>,
        tpu.vector_store_idx %arg5[%get3A_258], %broadcast_in_dim3A_76 {add = true} : memref<20000xf32, #tpu.memory_space<vmem>>[vector<16xi32>], vector<16xf32>,
        %get3A_259 = arith.index_cast %while3A_250 : i32 to index
        %get3A_260 = arith.constant 48 : index
        %get3A_261 = tpu.vector_load %arg6[%get3A_259, %get3A_260] {strides = array<i32>} : memref<128x128xi32, #tpu.memory_space<vmem>>, vector<16xi32>,
        tpu.vector_store_idx %arg5[%get3A_261], %broadcast_in_dim3A_76 {add = true} : memref<20000xf32, #tpu.memory_space<vmem>>[vector<16xi32>], vector<16xf32>,
        %get3A_262 = arith.index_cast %while3A_250 : i32 to index
        %get3A_263 = arith.constant 64 : index
        %get3A_264 = tpu.vector_load %arg6[%get3A_262, %get3A_263] {strides = array<i32>} : memref<128x128xi32, #tpu.memory_space<vmem>>, vector<16xi32>,
        tpu.vector_store_idx %arg5[%get3A_264], %broadcast_in_dim3A_76 {add = true} : memref<20000xf32, #tpu.memory_space<vmem>>[vector<16xi32>], vector<16xf32>,
        %get3A_265 = arith.index_cast %while3A_250 : i32 to index
        %get3A_266 = arith.constant 80 : index
        %get3A_267 = tpu.vector_load %arg6[%get3A_265, %get3A_266] {strides = array<i32>} : memref<128x128xi32, #tpu.memory_space<vmem>>, vector<16xi32>,
        tpu.vector_store_idx %arg5[%get3A_267], %broadcast_in_dim3A_76 {add = true} : memref<20000xf32, #tpu.memory_space<vmem>>[vector<16xi32>], vector<16xf32>,
        %get3A_268 = arith.index_cast %while3A_250 : i32 to index
        %get3A_269 = arith.constant 96 : index
        %get3A_270 = tpu.vector_load %arg6[%get3A_268, %get3A_269] {strides = array<i32>} : memref<128x128xi32, #tpu.memory_space<vmem>>, vector<16xi32>,
        tpu.vector_store_idx %arg5[%get3A_270], %broadcast_in_dim3A_76 {add = true} : memref<20000xf32, #tpu.memory_space<vmem>>[vector<16xi32>], vector<16xf32>,
        %get3A_271 = arith.index_cast %while3A_250 : i32 to index
        %get3A_272 = arith.constant 112 : index
        %get3A_273 = tpu.vector_load %arg6[%get3A_271, %get3A_272] {strides = array<i32>} : memref<128x128xi32, #tpu.memory_space<vmem>>, vector<16xi32>,
        tpu.vector_store_idx %arg5[%get3A_273], %broadcast_in_dim3A_76 {add = true} : memref<20000xf32, #tpu.memory_space<vmem>>[vector<16xi32>], vector<16xf32>,
      }
      %add3A_106 = arith.constant 128 : i32
      %add3A_107 = arith.addi %mul3A_78, %add3A_106 : i32
      "tpu.region"() ({
        %run_scoped3A_250 = tpu.sem_alloc : memref<!tpu.dma_semaphore, #tpu.memory_space<semaphore_mem>>
        %dma_start3A = arith.constant 0 : i32
        %dma_start3A_251 = arith.constant 0 : i32
        %dma_start3A_252 = tpu.memref_slice %arg2[%select_n3A_30, %dma_start3A, %dma_start3A_251] : memref<8x2560x128xi32, #tpu.memory_space<hbm>> -> memref<1x2560x128xi32, #tpu.memory_space<hbm>>
        %dma_start3A_253 = tpu.memref_squeeze %dma_start3A_252 : memref<1x2560x128xi32, #tpu.memory_space<hbm>> -> memref<2560x128xi32, #tpu.memory_space<hbm>>
        %dma_start3A_254 = arith.constant 0 : i32
        %dma_start3A_255 = tpu.memref_slice %dma_start3A_253[%add3A_107, %dma_start3A_254] : memref<2560x128xi32, #tpu.memory_space<hbm>> -> memref<128x128xi32, #tpu.memory_space<hbm>>
        %dma_start3A_256 = arith.constant 0 : i32
        %dma_start3A_257 = arith.constant 0 : i32
        %dma_start3A_258 = tpu.memref_slice %arg2[%select_n3A_30, %dma_start3A_256, %dma_start3A_257] : memref<8x2560x128xi32, #tpu.memory_space<hbm>> -> memref<1x2560x128xi32, #tpu.memory_space<hbm>>
        %dma_start3A_259 = tpu.memref_squeeze %dma_start3A_258 : memref<1x2560x128xi32, #tpu.memory_space<hbm>> -> memref<2560x128xi32, #tpu.memory_space<hbm>>
        %dma_start3A_260 = arith.constant 0 : i32
        %dma_start3A_261 = tpu.memref_slice %dma_start3A_259[%add3A_107, %dma_start3A_260] : memref<2560x128xi32, #tpu.memory_space<hbm>> -> memref<128x128xi32, #tpu.memory_space<hbm>>
        tpu.enqueue_dma source(%dma_start3A_261 : memref<128x128xi32, #tpu.memory_space<hbm>>) target(%arg6 : memref<128x128xi32, #tpu.memory_space<vmem>>) target_semaphore(%run_scoped3A_250 : memref<!tpu.dma_semaphore, #tpu.memory_space<semaphore_mem>>)
        %dma_wait3A = arith.constant 0 : i32
        %dma_wait3A_262 = arith.constant 0 : i32
        %dma_wait3A_263 = tpu.memref_slice %arg2[%select_n3A_30, %dma_wait3A, %dma_wait3A_262] : memref<8x2560x128xi32, #tpu.memory_space<hbm>> -> memref<1x2560x128xi32, #tpu.memory_space<hbm>>
        %dma_wait3A_264 = tpu.memref_squeeze %dma_wait3A_263 : memref<1x2560x128xi32, #tpu.memory_space<hbm>> -> memref<2560x128xi32, #tpu.memory_space<hbm>>
        %dma_wait3A_265 = arith.constant 0 : i32
        %dma_wait3A_266 = tpu.memref_slice %dma_wait3A_264[%add3A_107, %dma_wait3A_265] : memref<2560x128xi32, #tpu.memory_space<hbm>> -> memref<128x128xi32, #tpu.memory_space<hbm>>
        %dma_wait3A_267 = arith.constant 0 : i32
        %dma_wait3A_268 = arith.constant 0 : i32
        %dma_wait3A_269 = tpu.memref_slice %arg2[%select_n3A_30, %dma_wait3A_267, %dma_wait3A_268] : memref<8x2560x128xi32, #tpu.memory_space<hbm>> -> memref<1x2560x128xi32, #tpu.memory_space<hbm>>
        %dma_wait3A_270 = tpu.memref_squeeze %dma_wait3A_269 : memref<1x2560x128xi32, #tpu.memory_space<hbm>> -> memref<2560x128xi32, #tpu.memory_space<hbm>>
        %dma_wait3A_271 = arith.constant 0 : i32
        %dma_wait3A_272 = tpu.memref_slice %dma_wait3A_270[%add3A_107, %dma_wait3A_271] : memref<2560x128xi32, #tpu.memory_space<hbm>> -> memref<128x128xi32, #tpu.memory_space<hbm>>
        tpu.wait_dma2 semaphore(%run_scoped3A_250 : memref<!tpu.dma_semaphore, #tpu.memory_space<semaphore_mem>>) src(%dma_wait3A_272 : memref<128x128xi32, #tpu.memory_space<hbm>>) dst(%arg6 : memref<128x128xi32, #tpu.memory_space<vmem>>)
        tpu.yield
      }) : () -> ()
      %sub3A_108 = arith.constant 128 : i32
      %sub3A_109 = arith.subi %select_n3A_83, %sub3A_108 : i32
      %min3A_110 = arith.constant 128 : i32
      %min3A_111 = arith.minsi %sub3A_109, %min3A_110 : i32
      %while3A_112 = arith.constant 0 : i32
      %while3A_113 = arith.constant 0 : i32
      %while3A_114 = arith.subi %min3A_111, %while3A_113 : i32
      %while3A_115 = arith.addi %while3A_113, %while3A_114 : i32
      %while3A_116 = arith.constant 1 : i32
      %while3A_117 = arith.divsi %while3A_114, %while3A_116 : i32
      %while3A_118 = arith.muli %while3A_117, %while3A_116 : i32
      %while3A_119 = arith.addi %while3A_113, %while3A_118 : i32
      %while3A_120 = arith.constant 1 : i32
      scf.for %while3A_250 = %while3A_113 to %while3A_119 step %while3A_120  : i32 {
        %get3A = arith.index_cast %while3A_250 : i32 to index
        %get3A_251 = arith.constant 0 : index
        %get3A_252 = tpu.vector_load %arg6[%get3A, %get3A_251] {strides = array<i32>} : memref<128x128xi32, #tpu.memory_space<vmem>>, vector<16xi32>,
        tpu.vector_store_idx %arg5[%get3A_252], %broadcast_in_dim3A_76 {add = true} : memref<20000xf32, #tpu.memory_space<vmem>>[vector<16xi32>], vector<16xf32>,
        %get3A_253 = arith.index_cast %while3A_250 : i32 to index
        %get3A_254 = arith.constant 16 : index
        %get3A_255 = tpu.vector_load %arg6[%get3A_253, %get3A_254] {strides = array<i32>} : memref<128x128xi32, #tpu.memory_space<vmem>>, vector<16xi32>,
        tpu.vector_store_idx %arg5[%get3A_255], %broadcast_in_dim3A_76 {add = true} : memref<20000xf32, #tpu.memory_space<vmem>>[vector<16xi32>], vector<16xf32>,
        %get3A_256 = arith.index_cast %while3A_250 : i32 to index
        %get3A_257 = arith.constant 32 : index
        %get3A_258 = tpu.vector_load %arg6[%get3A_256, %get3A_257] {strides = array<i32>} : memref<128x128xi32, #tpu.memory_space<vmem>>, vector<16xi32>,
        tpu.vector_store_idx %arg5[%get3A_258], %broadcast_in_dim3A_76 {add = true} : memref<20000xf32, #tpu.memory_space<vmem>>[vector<16xi32>], vector<16xf32>,
        %get3A_259 = arith.index_cast %while3A_250 : i32 to index
        %get3A_260 = arith.constant 48 : index
        %get3A_261 = tpu.vector_load %arg6[%get3A_259, %get3A_260] {strides = array<i32>} : memref<128x128xi32, #tpu.memory_space<vmem>>, vector<16xi32>,
        tpu.vector_store_idx %arg5[%get3A_261], %broadcast_in_dim3A_76 {add = true} : memref<20000xf32, #tpu.memory_space<vmem>>[vector<16xi32>], vector<16xf32>,
        %get3A_262 = arith.index_cast %while3A_250 : i32 to index
        %get3A_263 = arith.constant 64 : index
        %get3A_264 = tpu.vector_load %arg6[%get3A_262, %get3A_263] {strides = array<i32>} : memref<128x128xi32, #tpu.memory_space<vmem>>, vector<16xi32>,
        tpu.vector_store_idx %arg5[%get3A_264], %broadcast_in_dim3A_76 {add = true} : memref<20000xf32, #tpu.memory_space<vmem>>[vector<16xi32>], vector<16xf32>,
        %get3A_265 = arith.index_cast %while3A_250 : i32 to index
        %get3A_266 = arith.constant 80 : index
        %get3A_267 = tpu.vector_load %arg6[%get3A_265, %get3A_266] {strides = array<i32>} : memref<128x128xi32, #tpu.memory_space<vmem>>, vector<16xi32>,
        tpu.vector_store_idx %arg5[%get3A_267], %broadcast_in_dim3A_76 {add = true} : memref<20000xf32, #tpu.memory_space<vmem>>[vector<16xi32>], vector<16xf32>,
        %get3A_268 = arith.index_cast %while3A_250 : i32 to index
        %get3A_269 = arith.constant 96 : index
        %get3A_270 = tpu.vector_load %arg6[%get3A_268, %get3A_269] {strides = array<i32>} : memref<128x128xi32, #tpu.memory_space<vmem>>, vector<16xi32>,
        tpu.vector_store_idx %arg5[%get3A_270], %broadcast_in_dim3A_76 {add = true} : memref<20000xf32, #tpu.memory_space<vmem>>[vector<16xi32>], vector<16xf32>,
        %get3A_271 = arith.index_cast %while3A_250 : i32 to index
        %get3A_272 = arith.constant 112 : index
        %get3A_273 = tpu.vector_load %arg6[%get3A_271, %get3A_272] {strides = array<i32>} : memref<128x128xi32, #tpu.memory_space<vmem>>, vector<16xi32>,
        tpu.vector_store_idx %arg5[%get3A_273], %broadcast_in_dim3A_76 {add = true} : memref<20000xf32, #tpu.memory_space<vmem>>[vector<16xi32>], vector<16xf32>,
      }
      %while3A_121 = arith.constant 1 : i32
      scf.for %while3A_250 = %while3A_119 to %while3A_115 step %while3A_121  : i32 {
        %get3A = arith.index_cast %while3A_250 : i32 to index
        %get3A_251 = arith.constant 0 : index
        %get3A_252 = tpu.vector_load %arg6[%get3A, %get3A_251] {strides = array<i32>} : memref<128x128xi32, #tpu.memory_space<vmem>>, vector<16xi32>,
        tpu.vector_store_idx %arg5[%get3A_252], %broadcast_in_dim3A_76 {add = true} : memref<20000xf32, #tpu.memory_space<vmem>>[vector<16xi32>], vector<16xf32>,
        %get3A_253 = arith.index_cast %while3A_250 : i32 to index
        %get3A_254 = arith.constant 16 : index
        %get3A_255 = tpu.vector_load %arg6[%get3A_253, %get3A_254] {strides = array<i32>} : memref<128x128xi32, #tpu.memory_space<vmem>>, vector<16xi32>,
        tpu.vector_store_idx %arg5[%get3A_255], %broadcast_in_dim3A_76 {add = true} : memref<20000xf32, #tpu.memory_space<vmem>>[vector<16xi32>], vector<16xf32>,
        %get3A_256 = arith.index_cast %while3A_250 : i32 to index
        %get3A_257 = arith.constant 32 : index
        %get3A_258 = tpu.vector_load %arg6[%get3A_256, %get3A_257] {strides = array<i32>} : memref<128x128xi32, #tpu.memory_space<vmem>>, vector<16xi32>,
        tpu.vector_store_idx %arg5[%get3A_258], %broadcast_in_dim3A_76 {add = true} : memref<20000xf32, #tpu.memory_space<vmem>>[vector<16xi32>], vector<16xf32>,
        %get3A_259 = arith.index_cast %while3A_250 : i32 to index
        %get3A_260 = arith.constant 48 : index
        %get3A_261 = tpu.vector_load %arg6[%get3A_259, %get3A_260] {strides = array<i32>} : memref<128x128xi32, #tpu.memory_space<vmem>>, vector<16xi32>,
        tpu.vector_store_idx %arg5[%get3A_261], %broadcast_in_dim3A_76 {add = true} : memref<20000xf32, #tpu.memory_space<vmem>>[vector<16xi32>], vector<16xf32>,
        %get3A_262 = arith.index_cast %while3A_250 : i32 to index
        %get3A_263 = arith.constant 64 : index
        %get3A_264 = tpu.vector_load %arg6[%get3A_262, %get3A_263] {strides = array<i32>} : memref<128x128xi32, #tpu.memory_space<vmem>>, vector<16xi32>,
        tpu.vector_store_idx %arg5[%get3A_264], %broadcast_in_dim3A_76 {add = true} : memref<20000xf32, #tpu.memory_space<vmem>>[vector<16xi32>], vector<16xf32>,
        %get3A_265 = arith.index_cast %while3A_250 : i32 to index
        %get3A_266 = arith.constant 80 : index
        %get3A_267 = tpu.vector_load %arg6[%get3A_265, %get3A_266] {strides = array<i32>} : memref<128x128xi32, #tpu.memory_space<vmem>>, vector<16xi32>,
        tpu.vector_store_idx %arg5[%get3A_267], %broadcast_in_dim3A_76 {add = true} : memref<20000xf32, #tpu.memory_space<vmem>>[vector<16xi32>], vector<16xf32>,
        %get3A_268 = arith.index_cast %while3A_250 : i32 to index
        %get3A_269 = arith.constant 96 : index
        %get3A_270 = tpu.vector_load %arg6[%get3A_268, %get3A_269] {strides = array<i32>} : memref<128x128xi32, #tpu.memory_space<vmem>>, vector<16xi32>,
        tpu.vector_store_idx %arg5[%get3A_270], %broadcast_in_dim3A_76 {add = true} : memref<20000xf32, #tpu.memory_space<vmem>>[vector<16xi32>], vector<16xf32>,
        %get3A_271 = arith.index_cast %while3A_250 : i32 to index
        %get3A_272 = arith.constant 112 : index
        %get3A_273 = tpu.vector_load %arg6[%get3A_271, %get3A_272] {strides = array<i32>} : memref<128x128xi32, #tpu.memory_space<vmem>>, vector<16xi32>,
        tpu.vector_store_idx %arg5[%get3A_273], %broadcast_in_dim3A_76 {add = true} : memref<20000xf32, #tpu.memory_space<vmem>>[vector<16xi32>], vector<16xf32>,
      }
      %add3A_122 = arith.constant 256 : i32
      %add3A_123 = arith.addi %mul3A_78, %add3A_122 : i32
      "tpu.region"() ({
        %run_scoped3A_250 = tpu.sem_alloc : memref<!tpu.dma_semaphore, #tpu.memory_space<semaphore_mem>>
        %dma_start3A = arith.constant 0 : i32
        %dma_start3A_251 = arith.constant 0 : i32
        %dma_start3A_252 = tpu.memref_slice %arg2[%select_n3A_30, %dma_start3A, %dma_start3A_251] : memref<8x2560x128xi32, #tpu.memory_space<hbm>> -> memref<1x2560x128xi32, #tpu.memory_space<hbm>>
        %dma_start3A_253 = tpu.memref_squeeze %dma_start3A_252 : memref<1x2560x128xi32, #tpu.memory_space<hbm>> -> memref<2560x128xi32, #tpu.memory_space<hbm>>
        %dma_start3A_254 = arith.constant 0 : i32
        %dma_start3A_255 = tpu.memref_slice %dma_start3A_253[%add3A_123, %dma_start3A_254] : memref<2560x128xi32, #tpu.memory_space<hbm>> -> memref<128x128xi32, #tpu.memory_space<hbm>>
        %dma_start3A_256 = arith.constant 0 : i32
        %dma_start3A_257 = arith.constant 0 : i32
        %dma_start3A_258 = tpu.memref_slice %arg2[%select_n3A_30, %dma_start3A_256, %dma_start3A_257] : memref<8x2560x128xi32, #tpu.memory_space<hbm>> -> memref<1x2560x128xi32, #tpu.memory_space<hbm>>
        %dma_start3A_259 = tpu.memref_squeeze %dma_start3A_258 : memref<1x2560x128xi32, #tpu.memory_space<hbm>> -> memref<2560x128xi32, #tpu.memory_space<hbm>>
        %dma_start3A_260 = arith.constant 0 : i32
        %dma_start3A_261 = tpu.memref_slice %dma_start3A_259[%add3A_123, %dma_start3A_260] : memref<2560x128xi32, #tpu.memory_space<hbm>> -> memref<128x128xi32, #tpu.memory_space<hbm>>
        tpu.enqueue_dma source(%dma_start3A_261 : memref<128x128xi32, #tpu.memory_space<hbm>>) target(%arg6 : memref<128x128xi32, #tpu.memory_space<vmem>>) target_semaphore(%run_scoped3A_250 : memref<!tpu.dma_semaphore, #tpu.memory_space<semaphore_mem>>)
        %dma_wait3A = arith.constant 0 : i32
        %dma_wait3A_262 = arith.constant 0 : i32
        %dma_wait3A_263 = tpu.memref_slice %arg2[%select_n3A_30, %dma_wait3A, %dma_wait3A_262] : memref<8x2560x128xi32, #tpu.memory_space<hbm>> -> memref<1x2560x128xi32, #tpu.memory_space<hbm>>
        %dma_wait3A_264 = tpu.memref_squeeze %dma_wait3A_263 : memref<1x2560x128xi32, #tpu.memory_space<hbm>> -> memref<2560x128xi32, #tpu.memory_space<hbm>>
        %dma_wait3A_265 = arith.constant 0 : i32
        %dma_wait3A_266 = tpu.memref_slice %dma_wait3A_264[%add3A_123, %dma_wait3A_265] : memref<2560x128xi32, #tpu.memory_space<hbm>> -> memref<128x128xi32, #tpu.memory_space<hbm>>
        %dma_wait3A_267 = arith.constant 0 : i32
        %dma_wait3A_268 = arith.constant 0 : i32
        %dma_wait3A_269 = tpu.memref_slice %arg2[%select_n3A_30, %dma_wait3A_267, %dma_wait3A_268] : memref<8x2560x128xi32, #tpu.memory_space<hbm>> -> memref<1x2560x128xi32, #tpu.memory_space<hbm>>
        %dma_wait3A_270 = tpu.memref_squeeze %dma_wait3A_269 : memref<1x2560x128xi32, #tpu.memory_space<hbm>> -> memref<2560x128xi32, #tpu.memory_space<hbm>>
        %dma_wait3A_271 = arith.constant 0 : i32
        %dma_wait3A_272 = tpu.memref_slice %dma_wait3A_270[%add3A_123, %dma_wait3A_271] : memref<2560x128xi32, #tpu.memory_space<hbm>> -> memref<128x128xi32, #tpu.memory_space<hbm>>
        tpu.wait_dma2 semaphore(%run_scoped3A_250 : memref<!tpu.dma_semaphore, #tpu.memory_space<semaphore_mem>>) src(%dma_wait3A_272 : memref<128x128xi32, #tpu.memory_space<hbm>>) dst(%arg6 : memref<128x128xi32, #tpu.memory_space<vmem>>)
        tpu.yield
      }) : () -> ()
      %sub3A_124 = arith.constant 256 : i32
      %sub3A_125 = arith.subi %select_n3A_83, %sub3A_124 : i32
      %min3A_126 = arith.constant 128 : i32
      %min3A_127 = arith.minsi %sub3A_125, %min3A_126 : i32
      %while3A_128 = arith.constant 0 : i32
      %while3A_129 = arith.constant 0 : i32
      %while3A_130 = arith.subi %min3A_127, %while3A_129 : i32
      %while3A_131 = arith.addi %while3A_129, %while3A_130 : i32
      %while3A_132 = arith.constant 1 : i32
      %while3A_133 = arith.divsi %while3A_130, %while3A_132 : i32
      %while3A_134 = arith.muli %while3A_133, %while3A_132 : i32
      %while3A_135 = arith.addi %while3A_129, %while3A_134 : i32
      %while3A_136 = arith.constant 1 : i32
      scf.for %while3A_250 = %while3A_129 to %while3A_135 step %while3A_136  : i32 {
        %get3A = arith.index_cast %while3A_250 : i32 to index
        %get3A_251 = arith.constant 0 : index
        %get3A_252 = tpu.vector_load %arg6[%get3A, %get3A_251] {strides = array<i32>} : memref<128x128xi32, #tpu.memory_space<vmem>>, vector<16xi32>,
        tpu.vector_store_idx %arg5[%get3A_252], %broadcast_in_dim3A_76 {add = true} : memref<20000xf32, #tpu.memory_space<vmem>>[vector<16xi32>], vector<16xf32>,
        %get3A_253 = arith.index_cast %while3A_250 : i32 to index
        %get3A_254 = arith.constant 16 : index
        %get3A_255 = tpu.vector_load %arg6[%get3A_253, %get3A_254] {strides = array<i32>} : memref<128x128xi32, #tpu.memory_space<vmem>>, vector<16xi32>,
        tpu.vector_store_idx %arg5[%get3A_255], %broadcast_in_dim3A_76 {add = true} : memref<20000xf32, #tpu.memory_space<vmem>>[vector<16xi32>], vector<16xf32>,
        %get3A_256 = arith.index_cast %while3A_250 : i32 to index
        %get3A_257 = arith.constant 32 : index
        %get3A_258 = tpu.vector_load %arg6[%get3A_256, %get3A_257] {strides = array<i32>} : memref<128x128xi32, #tpu.memory_space<vmem>>, vector<16xi32>,
        tpu.vector_store_idx %arg5[%get3A_258], %broadcast_in_dim3A_76 {add = true} : memref<20000xf32, #tpu.memory_space<vmem>>[vector<16xi32>], vector<16xf32>,
        %get3A_259 = arith.index_cast %while3A_250 : i32 to index
        %get3A_260 = arith.constant 48 : index
        %get3A_261 = tpu.vector_load %arg6[%get3A_259, %get3A_260] {strides = array<i32>} : memref<128x128xi32, #tpu.memory_space<vmem>>, vector<16xi32>,
        tpu.vector_store_idx %arg5[%get3A_261], %broadcast_in_dim3A_76 {add = true} : memref<20000xf32, #tpu.memory_space<vmem>>[vector<16xi32>], vector<16xf32>,
        %get3A_262 = arith.index_cast %while3A_250 : i32 to index
        %get3A_263 = arith.constant 64 : index
        %get3A_264 = tpu.vector_load %arg6[%get3A_262, %get3A_263] {strides = array<i32>} : memref<128x128xi32, #tpu.memory_space<vmem>>, vector<16xi32>,
        tpu.vector_store_idx %arg5[%get3A_264], %broadcast_in_dim3A_76 {add = true} : memref<20000xf32, #tpu.memory_space<vmem>>[vector<16xi32>], vector<16xf32>,
        %get3A_265 = arith.index_cast %while3A_250 : i32 to index
        %get3A_266 = arith.constant 80 : index
        %get3A_267 = tpu.vector_load %arg6[%get3A_265, %get3A_266] {strides = array<i32>} : memref<128x128xi32, #tpu.memory_space<vmem>>, vector<16xi32>,
        tpu.vector_store_idx %arg5[%get3A_267], %broadcast_in_dim3A_76 {add = true} : memref<20000xf32, #tpu.memory_space<vmem>>[vector<16xi32>], vector<16xf32>,
        %get3A_268 = arith.index_cast %while3A_250 : i32 to index
        %get3A_269 = arith.constant 96 : index
        %get3A_270 = tpu.vector_load %arg6[%get3A_268, %get3A_269] {strides = array<i32>} : memref<128x128xi32, #tpu.memory_space<vmem>>, vector<16xi32>,
        tpu.vector_store_idx %arg5[%get3A_270], %broadcast_in_dim3A_76 {add = true} : memref<20000xf32, #tpu.memory_space<vmem>>[vector<16xi32>], vector<16xf32>,
        %get3A_271 = arith.index_cast %while3A_250 : i32 to index
        %get3A_272 = arith.constant 112 : index
        %get3A_273 = tpu.vector_load %arg6[%get3A_271, %get3A_272] {strides = array<i32>} : memref<128x128xi32, #tpu.memory_space<vmem>>, vector<16xi32>,
        tpu.vector_store_idx %arg5[%get3A_273], %broadcast_in_dim3A_76 {add = true} : memref<20000xf32, #tpu.memory_space<vmem>>[vector<16xi32>], vector<16xf32>,
      }
      %while3A_137 = arith.constant 1 : i32
      scf.for %while3A_250 = %while3A_135 to %while3A_131 step %while3A_137  : i32 {
        %get3A = arith.index_cast %while3A_250 : i32 to index
        %get3A_251 = arith.constant 0 : index
        %get3A_252 = tpu.vector_load %arg6[%get3A, %get3A_251] {strides = array<i32>} : memref<128x128xi32, #tpu.memory_space<vmem>>, vector<16xi32>,
        tpu.vector_store_idx %arg5[%get3A_252], %broadcast_in_dim3A_76 {add = true} : memref<20000xf32, #tpu.memory_space<vmem>>[vector<16xi32>], vector<16xf32>,
        %get3A_253 = arith.index_cast %while3A_250 : i32 to index
        %get3A_254 = arith.constant 16 : index
        %get3A_255 = tpu.vector_load %arg6[%get3A_253, %get3A_254] {strides = array<i32>} : memref<128x128xi32, #tpu.memory_space<vmem>>, vector<16xi32>,
        tpu.vector_store_idx %arg5[%get3A_255], %broadcast_in_dim3A_76 {add = true} : memref<20000xf32, #tpu.memory_space<vmem>>[vector<16xi32>], vector<16xf32>,
        %get3A_256 = arith.index_cast %while3A_250 : i32 to index
        %get3A_257 = arith.constant 32 : index
        %get3A_258 = tpu.vector_load %arg6[%get3A_256, %get3A_257] {strides = array<i32>} : memref<128x128xi32, #tpu.memory_space<vmem>>, vector<16xi32>,
        tpu.vector_store_idx %arg5[%get3A_258], %broadcast_in_dim3A_76 {add = true} : memref<20000xf32, #tpu.memory_space<vmem>>[vector<16xi32>], vector<16xf32>,
        %get3A_259 = arith.index_cast %while3A_250 : i32 to index
        %get3A_260 = arith.constant 48 : index
        %get3A_261 = tpu.vector_load %arg6[%get3A_259, %get3A_260] {strides = array<i32>} : memref<128x128xi32, #tpu.memory_space<vmem>>, vector<16xi32>,
        tpu.vector_store_idx %arg5[%get3A_261], %broadcast_in_dim3A_76 {add = true} : memref<20000xf32, #tpu.memory_space<vmem>>[vector<16xi32>], vector<16xf32>,
        %get3A_262 = arith.index_cast %while3A_250 : i32 to index
        %get3A_263 = arith.constant 64 : index
        %get3A_264 = tpu.vector_load %arg6[%get3A_262, %get3A_263] {strides = array<i32>} : memref<128x128xi32, #tpu.memory_space<vmem>>, vector<16xi32>,
        tpu.vector_store_idx %arg5[%get3A_264], %broadcast_in_dim3A_76 {add = true} : memref<20000xf32, #tpu.memory_space<vmem>>[vector<16xi32>], vector<16xf32>,
        %get3A_265 = arith.index_cast %while3A_250 : i32 to index
        %get3A_266 = arith.constant 80 : index
        %get3A_267 = tpu.vector_load %arg6[%get3A_265, %get3A_266] {strides = array<i32>} : memref<128x128xi32, #tpu.memory_space<vmem>>, vector<16xi32>,
        tpu.vector_store_idx %arg5[%get3A_267], %broadcast_in_dim3A_76 {add = true} : memref<20000xf32, #tpu.memory_space<vmem>>[vector<16xi32>], vector<16xf32>,
        %get3A_268 = arith.index_cast %while3A_250 : i32 to index
        %get3A_269 = arith.constant 96 : index
        %get3A_270 = tpu.vector_load %arg6[%get3A_268, %get3A_269] {strides = array<i32>} : memref<128x128xi32, #tpu.memory_space<vmem>>, vector<16xi32>,
        tpu.vector_store_idx %arg5[%get3A_270], %broadcast_in_dim3A_76 {add = true} : memref<20000xf32, #tpu.memory_space<vmem>>[vector<16xi32>], vector<16xf32>,
        %get3A_271 = arith.index_cast %while3A_250 : i32 to index
        %get3A_272 = arith.constant 112 : index
        %get3A_273 = tpu.vector_load %arg6[%get3A_271, %get3A_272] {strides = array<i32>} : memref<128x128xi32, #tpu.memory_space<vmem>>, vector<16xi32>,
        tpu.vector_store_idx %arg5[%get3A_273], %broadcast_in_dim3A_76 {add = true} : memref<20000xf32, #tpu.memory_space<vmem>>[vector<16xi32>], vector<16xf32>,
      }
      %add3A_138 = arith.constant 384 : i32
      %add3A_139 = arith.addi %mul3A_78, %add3A_138 : i32
      "tpu.region"() ({
        %run_scoped3A_250 = tpu.sem_alloc : memref<!tpu.dma_semaphore, #tpu.memory_space<semaphore_mem>>
        %dma_start3A = arith.constant 0 : i32
        %dma_start3A_251 = arith.constant 0 : i32
        %dma_start3A_252 = tpu.memref_slice %arg2[%select_n3A_30, %dma_start3A, %dma_start3A_251] : memref<8x2560x128xi32, #tpu.memory_space<hbm>> -> memref<1x2560x128xi32, #tpu.memory_space<hbm>>
        %dma_start3A_253 = tpu.memref_squeeze %dma_start3A_252 : memref<1x2560x128xi32, #tpu.memory_space<hbm>> -> memref<2560x128xi32, #tpu.memory_space<hbm>>
        %dma_start3A_254 = arith.constant 0 : i32
        %dma_start3A_255 = tpu.memref_slice %dma_start3A_253[%add3A_139, %dma_start3A_254] : memref<2560x128xi32, #tpu.memory_space<hbm>> -> memref<128x128xi32, #tpu.memory_space<hbm>>
        %dma_start3A_256 = arith.constant 0 : i32
        %dma_start3A_257 = arith.constant 0 : i32
        %dma_start3A_258 = tpu.memref_slice %arg2[%select_n3A_30, %dma_start3A_256, %dma_start3A_257] : memref<8x2560x128xi32, #tpu.memory_space<hbm>> -> memref<1x2560x128xi32, #tpu.memory_space<hbm>>
        %dma_start3A_259 = tpu.memref_squeeze %dma_start3A_258 : memref<1x2560x128xi32, #tpu.memory_space<hbm>> -> memref<2560x128xi32, #tpu.memory_space<hbm>>
        %dma_start3A_260 = arith.constant 0 : i32
        %dma_start3A_261 = tpu.memref_slice %dma_start3A_259[%add3A_139, %dma_start3A_260] : memref<2560x128xi32, #tpu.memory_space<hbm>> -> memref<128x128xi32, #tpu.memory_space<hbm>>
        tpu.enqueue_dma source(%dma_start3A_261 : memref<128x128xi32, #tpu.memory_space<hbm>>) target(%arg6 : memref<128x128xi32, #tpu.memory_space<vmem>>) target_semaphore(%run_scoped3A_250 : memref<!tpu.dma_semaphore, #tpu.memory_space<semaphore_mem>>)
        %dma_wait3A = arith.constant 0 : i32
        %dma_wait3A_262 = arith.constant 0 : i32
        %dma_wait3A_263 = tpu.memref_slice %arg2[%select_n3A_30, %dma_wait3A, %dma_wait3A_262] : memref<8x2560x128xi32, #tpu.memory_space<hbm>> -> memref<1x2560x128xi32, #tpu.memory_space<hbm>>
        %dma_wait3A_264 = tpu.memref_squeeze %dma_wait3A_263 : memref<1x2560x128xi32, #tpu.memory_space<hbm>> -> memref<2560x128xi32, #tpu.memory_space<hbm>>
        %dma_wait3A_265 = arith.constant 0 : i32
        %dma_wait3A_266 = tpu.memref_slice %dma_wait3A_264[%add3A_139, %dma_wait3A_265] : memref<2560x128xi32, #tpu.memory_space<hbm>> -> memref<128x128xi32, #tpu.memory_space<hbm>>
        %dma_wait3A_267 = arith.constant 0 : i32
        %dma_wait3A_268 = arith.constant 0 : i32
        %dma_wait3A_269 = tpu.memref_slice %arg2[%select_n3A_30, %dma_wait3A_267, %dma_wait3A_268] : memref<8x2560x128xi32, #tpu.memory_space<hbm>> -> memref<1x2560x128xi32, #tpu.memory_space<hbm>>
        %dma_wait3A_270 = tpu.memref_squeeze %dma_wait3A_269 : memref<1x2560x128xi32, #tpu.memory_space<hbm>> -> memref<2560x128xi32, #tpu.memory_space<hbm>>
        %dma_wait3A_271 = arith.constant 0 : i32
        %dma_wait3A_272 = tpu.memref_slice %dma_wait3A_270[%add3A_139, %dma_wait3A_271] : memref<2560x128xi32, #tpu.memory_space<hbm>> -> memref<128x128xi32, #tpu.memory_space<hbm>>
        tpu.wait_dma2 semaphore(%run_scoped3A_250 : memref<!tpu.dma_semaphore, #tpu.memory_space<semaphore_mem>>) src(%dma_wait3A_272 : memref<128x128xi32, #tpu.memory_space<hbm>>) dst(%arg6 : memref<128x128xi32, #tpu.memory_space<vmem>>)
        tpu.yield
      }) : () -> ()
      %sub3A_140 = arith.constant 384 : i32
      %sub3A_141 = arith.subi %select_n3A_83, %sub3A_140 : i32
      %min3A_142 = arith.constant 128 : i32
      %min3A_143 = arith.minsi %sub3A_141, %min3A_142 : i32
      %while3A_144 = arith.constant 0 : i32
      %while3A_145 = arith.constant 0 : i32
      %while3A_146 = arith.subi %min3A_143, %while3A_145 : i32
      %while3A_147 = arith.addi %while3A_145, %while3A_146 : i32
      %while3A_148 = arith.constant 1 : i32
      %while3A_149 = arith.divsi %while3A_146, %while3A_148 : i32
      %while3A_150 = arith.muli %while3A_149, %while3A_148 : i32
      %while3A_151 = arith.addi %while3A_145, %while3A_150 : i32
      %while3A_152 = arith.constant 1 : i32
      scf.for %while3A_250 = %while3A_145 to %while3A_151 step %while3A_152  : i32 {
        %get3A = arith.index_cast %while3A_250 : i32 to index
        %get3A_251 = arith.constant 0 : index
        %get3A_252 = tpu.vector_load %arg6[%get3A, %get3A_251] {strides = array<i32>} : memref<128x128xi32, #tpu.memory_space<vmem>>, vector<16xi32>,
        tpu.vector_store_idx %arg5[%get3A_252], %broadcast_in_dim3A_76 {add = true} : memref<20000xf32, #tpu.memory_space<vmem>>[vector<16xi32>], vector<16xf32>,
        %get3A_253 = arith.index_cast %while3A_250 : i32 to index
        %get3A_254 = arith.constant 16 : index
        %get3A_255 = tpu.vector_load %arg6[%get3A_253, %get3A_254] {strides = array<i32>} : memref<128x128xi32, #tpu.memory_space<vmem>>, vector<16xi32>,
        tpu.vector_store_idx %arg5[%get3A_255], %broadcast_in_dim3A_76 {add = true} : memref<20000xf32, #tpu.memory_space<vmem>>[vector<16xi32>], vector<16xf32>,
        %get3A_256 = arith.index_cast %while3A_250 : i32 to index
        %get3A_257 = arith.constant 32 : index
        %get3A_258 = tpu.vector_load %arg6[%get3A_256, %get3A_257] {strides = array<i32>} : memref<128x128xi32, #tpu.memory_space<vmem>>, vector<16xi32>,
        tpu.vector_store_idx %arg5[%get3A_258], %broadcast_in_dim3A_76 {add = true} : memref<20000xf32, #tpu.memory_space<vmem>>[vector<16xi32>], vector<16xf32>,
        %get3A_259 = arith.index_cast %while3A_250 : i32 to index
        %get3A_260 = arith.constant 48 : index
        %get3A_261 = tpu.vector_load %arg6[%get3A_259, %get3A_260] {strides = array<i32>} : memref<128x128xi32, #tpu.memory_space<vmem>>, vector<16xi32>,
        tpu.vector_store_idx %arg5[%get3A_261], %broadcast_in_dim3A_76 {add = true} : memref<20000xf32, #tpu.memory_space<vmem>>[vector<16xi32>], vector<16xf32>,
        %get3A_262 = arith.index_cast %while3A_250 : i32 to index
        %get3A_263 = arith.constant 64 : index
        %get3A_264 = tpu.vector_load %arg6[%get3A_262, %get3A_263] {strides = array<i32>} : memref<128x128xi32, #tpu.memory_space<vmem>>, vector<16xi32>,
        tpu.vector_store_idx %arg5[%get3A_264], %broadcast_in_dim3A_76 {add = true} : memref<20000xf32, #tpu.memory_space<vmem>>[vector<16xi32>], vector<16xf32>,
        %get3A_265 = arith.index_cast %while3A_250 : i32 to index
        %get3A_266 = arith.constant 80 : index
        %get3A_267 = tpu.vector_load %arg6[%get3A_265, %get3A_266] {strides = array<i32>} : memref<128x128xi32, #tpu.memory_space<vmem>>, vector<16xi32>,
        tpu.vector_store_idx %arg5[%get3A_267], %broadcast_in_dim3A_76 {add = true} : memref<20000xf32, #tpu.memory_space<vmem>>[vector<16xi32>], vector<16xf32>,
        %get3A_268 = arith.index_cast %while3A_250 : i32 to index
        %get3A_269 = arith.constant 96 : index
        %get3A_270 = tpu.vector_load %arg6[%get3A_268, %get3A_269] {strides = array<i32>} : memref<128x128xi32, #tpu.memory_space<vmem>>, vector<16xi32>,
        tpu.vector_store_idx %arg5[%get3A_270], %broadcast_in_dim3A_76 {add = true} : memref<20000xf32, #tpu.memory_space<vmem>>[vector<16xi32>], vector<16xf32>,
        %get3A_271 = arith.index_cast %while3A_250 : i32 to index
        %get3A_272 = arith.constant 112 : index
        %get3A_273 = tpu.vector_load %arg6[%get3A_271, %get3A_272] {strides = array<i32>} : memref<128x128xi32, #tpu.memory_space<vmem>>, vector<16xi32>,
        tpu.vector_store_idx %arg5[%get3A_273], %broadcast_in_dim3A_76 {add = true} : memref<20000xf32, #tpu.memory_space<vmem>>[vector<16xi32>], vector<16xf32>,
      }
      %while3A_153 = arith.constant 1 : i32
      scf.for %while3A_250 = %while3A_151 to %while3A_147 step %while3A_153  : i32 {
        %get3A = arith.index_cast %while3A_250 : i32 to index
        %get3A_251 = arith.constant 0 : index
        %get3A_252 = tpu.vector_load %arg6[%get3A, %get3A_251] {strides = array<i32>} : memref<128x128xi32, #tpu.memory_space<vmem>>, vector<16xi32>,
        tpu.vector_store_idx %arg5[%get3A_252], %broadcast_in_dim3A_76 {add = true} : memref<20000xf32, #tpu.memory_space<vmem>>[vector<16xi32>], vector<16xf32>,
        %get3A_253 = arith.index_cast %while3A_250 : i32 to index
        %get3A_254 = arith.constant 16 : index
        %get3A_255 = tpu.vector_load %arg6[%get3A_253, %get3A_254] {strides = array<i32>} : memref<128x128xi32, #tpu.memory_space<vmem>>, vector<16xi32>,
        tpu.vector_store_idx %arg5[%get3A_255], %broadcast_in_dim3A_76 {add = true} : memref<20000xf32, #tpu.memory_space<vmem>>[vector<16xi32>], vector<16xf32>,
        %get3A_256 = arith.index_cast %while3A_250 : i32 to index
        %get3A_257 = arith.constant 32 : index
        %get3A_258 = tpu.vector_load %arg6[%get3A_256, %get3A_257] {strides = array<i32>} : memref<128x128xi32, #tpu.memory_space<vmem>>, vector<16xi32>,
        tpu.vector_store_idx %arg5[%get3A_258], %broadcast_in_dim3A_76 {add = true} : memref<20000xf32, #tpu.memory_space<vmem>>[vector<16xi32>], vector<16xf32>,
        %get3A_259 = arith.index_cast %while3A_250 : i32 to index
        %get3A_260 = arith.constant 48 : index
        %get3A_261 = tpu.vector_load %arg6[%get3A_259, %get3A_260] {strides = array<i32>} : memref<128x128xi32, #tpu.memory_space<vmem>>, vector<16xi32>,
        tpu.vector_store_idx %arg5[%get3A_261], %broadcast_in_dim3A_76 {add = true} : memref<20000xf32, #tpu.memory_space<vmem>>[vector<16xi32>], vector<16xf32>,
        %get3A_262 = arith.index_cast %while3A_250 : i32 to index
        %get3A_263 = arith.constant 64 : index
        %get3A_264 = tpu.vector_load %arg6[%get3A_262, %get3A_263] {strides = array<i32>} : memref<128x128xi32, #tpu.memory_space<vmem>>, vector<16xi32>,
        tpu.vector_store_idx %arg5[%get3A_264], %broadcast_in_dim3A_76 {add = true} : memref<20000xf32, #tpu.memory_space<vmem>>[vector<16xi32>], vector<16xf32>,
        %get3A_265 = arith.index_cast %while3A_250 : i32 to index
        %get3A_266 = arith.constant 80 : index
        %get3A_267 = tpu.vector_load %arg6[%get3A_265, %get3A_266] {strides = array<i32>} : memref<128x128xi32, #tpu.memory_space<vmem>>, vector<16xi32>,
        tpu.vector_store_idx %arg5[%get3A_267], %broadcast_in_dim3A_76 {add = true} : memref<20000xf32, #tpu.memory_space<vmem>>[vector<16xi32>], vector<16xf32>,
        %get3A_268 = arith.index_cast %while3A_250 : i32 to index
        %get3A_269 = arith.constant 96 : index
        %get3A_270 = tpu.vector_load %arg6[%get3A_268, %get3A_269] {strides = array<i32>} : memref<128x128xi32, #tpu.memory_space<vmem>>, vector<16xi32>,
        tpu.vector_store_idx %arg5[%get3A_270], %broadcast_in_dim3A_76 {add = true} : memref<20000xf32, #tpu.memory_space<vmem>>[vector<16xi32>], vector<16xf32>,
        %get3A_271 = arith.index_cast %while3A_250 : i32 to index
        %get3A_272 = arith.constant 112 : index
        %get3A_273 = tpu.vector_load %arg6[%get3A_271, %get3A_272] {strides = array<i32>} : memref<128x128xi32, #tpu.memory_space<vmem>>, vector<16xi32>,
        tpu.vector_store_idx %arg5[%get3A_273], %broadcast_in_dim3A_76 {add = true} : memref<20000xf32, #tpu.memory_space<vmem>>[vector<16xi32>], vector<16xf32>,
      }
      %add3A_154 = arith.constant 512 : i32
      %add3A_155 = arith.addi %mul3A_78, %add3A_154 : i32
      "tpu.region"() ({
        %run_scoped3A_250 = tpu.sem_alloc : memref<!tpu.dma_semaphore, #tpu.memory_space<semaphore_mem>>
        %dma_start3A = arith.constant 0 : i32
        %dma_start3A_251 = arith.constant 0 : i32
        %dma_start3A_252 = tpu.memref_slice %arg2[%select_n3A_30, %dma_start3A, %dma_start3A_251] : memref<8x2560x128xi32, #tpu.memory_space<hbm>> -> memref<1x2560x128xi32, #tpu.memory_space<hbm>>
        %dma_start3A_253 = tpu.memref_squeeze %dma_start3A_252 : memref<1x2560x128xi32, #tpu.memory_space<hbm>> -> memref<2560x128xi32, #tpu.memory_space<hbm>>
        %dma_start3A_254 = arith.constant 0 : i32
        %dma_start3A_255 = tpu.memref_slice %dma_start3A_253[%add3A_155, %dma_start3A_254] : memref<2560x128xi32, #tpu.memory_space<hbm>> -> memref<128x128xi32, #tpu.memory_space<hbm>>
        %dma_start3A_256 = arith.constant 0 : i32
        %dma_start3A_257 = arith.constant 0 : i32
        %dma_start3A_258 = tpu.memref_slice %arg2[%select_n3A_30, %dma_start3A_256, %dma_start3A_257] : memref<8x2560x128xi32, #tpu.memory_space<hbm>> -> memref<1x2560x128xi32, #tpu.memory_space<hbm>>
        %dma_start3A_259 = tpu.memref_squeeze %dma_start3A_258 : memref<1x2560x128xi32, #tpu.memory_space<hbm>> -> memref<2560x128xi32, #tpu.memory_space<hbm>>
        %dma_start3A_260 = arith.constant 0 : i32
        %dma_start3A_261 = tpu.memref_slice %dma_start3A_259[%add3A_155, %dma_start3A_260] : memref<2560x128xi32, #tpu.memory_space<hbm>> -> memref<128x128xi32, #tpu.memory_space<hbm>>
        tpu.enqueue_dma source(%dma_start3A_261 : memref<128x128xi32, #tpu.memory_space<hbm>>) target(%arg6 : memref<128x128xi32, #tpu.memory_space<vmem>>) target_semaphore(%run_scoped3A_250 : memref<!tpu.dma_semaphore, #tpu.memory_space<semaphore_mem>>)
        %dma_wait3A = arith.constant 0 : i32
        %dma_wait3A_262 = arith.constant 0 : i32
        %dma_wait3A_263 = tpu.memref_slice %arg2[%select_n3A_30, %dma_wait3A, %dma_wait3A_262] : memref<8x2560x128xi32, #tpu.memory_space<hbm>> -> memref<1x2560x128xi32, #tpu.memory_space<hbm>>
        %dma_wait3A_264 = tpu.memref_squeeze %dma_wait3A_263 : memref<1x2560x128xi32, #tpu.memory_space<hbm>> -> memref<2560x128xi32, #tpu.memory_space<hbm>>
        %dma_wait3A_265 = arith.constant 0 : i32
        %dma_wait3A_266 = tpu.memref_slice %dma_wait3A_264[%add3A_155, %dma_wait3A_265] : memref<2560x128xi32, #tpu.memory_space<hbm>> -> memref<128x128xi32, #tpu.memory_space<hbm>>
        %dma_wait3A_267 = arith.constant 0 : i32
        %dma_wait3A_268 = arith.constant 0 : i32
        %dma_wait3A_269 = tpu.memref_slice %arg2[%select_n3A_30, %dma_wait3A_267, %dma_wait3A_268] : memref<8x2560x128xi32, #tpu.memory_space<hbm>> -> memref<1x2560x128xi32, #tpu.memory_space<hbm>>
        %dma_wait3A_270 = tpu.memref_squeeze %dma_wait3A_269 : memref<1x2560x128xi32, #tpu.memory_space<hbm>> -> memref<2560x128xi32, #tpu.memory_space<hbm>>
        %dma_wait3A_271 = arith.constant 0 : i32
        %dma_wait3A_272 = tpu.memref_slice %dma_wait3A_270[%add3A_155, %dma_wait3A_271] : memref<2560x128xi32, #tpu.memory_space<hbm>> -> memref<128x128xi32, #tpu.memory_space<hbm>>
        tpu.wait_dma2 semaphore(%run_scoped3A_250 : memref<!tpu.dma_semaphore, #tpu.memory_space<semaphore_mem>>) src(%dma_wait3A_272 : memref<128x128xi32, #tpu.memory_space<hbm>>) dst(%arg6 : memref<128x128xi32, #tpu.memory_space<vmem>>)
        tpu.yield
      }) : () -> ()
      %sub3A_156 = arith.constant 512 : i32
      %sub3A_157 = arith.subi %select_n3A_83, %sub3A_156 : i32
      %min3A_158 = arith.constant 128 : i32
      %min3A_159 = arith.minsi %sub3A_157, %min3A_158 : i32
      %while3A_160 = arith.constant 0 : i32
      %while3A_161 = arith.constant 0 : i32
      %while3A_162 = arith.subi %min3A_159, %while3A_161 : i32
      %while3A_163 = arith.addi %while3A_161, %while3A_162 : i32
      %while3A_164 = arith.constant 1 : i32
      %while3A_165 = arith.divsi %while3A_162, %while3A_164 : i32
      %while3A_166 = arith.muli %while3A_165, %while3A_164 : i32
      %while3A_167 = arith.addi %while3A_161, %while3A_166 : i32
      %while3A_168 = arith.constant 1 : i32
      scf.for %while3A_250 = %while3A_161 to %while3A_167 step %while3A_168  : i32 {
        %get3A = arith.index_cast %while3A_250 : i32 to index
        %get3A_251 = arith.constant 0 : index
        %get3A_252 = tpu.vector_load %arg6[%get3A, %get3A_251] {strides = array<i32>} : memref<128x128xi32, #tpu.memory_space<vmem>>, vector<16xi32>,
        tpu.vector_store_idx %arg5[%get3A_252], %broadcast_in_dim3A_76 {add = true} : memref<20000xf32, #tpu.memory_space<vmem>>[vector<16xi32>], vector<16xf32>,
        %get3A_253 = arith.index_cast %while3A_250 : i32 to index
        %get3A_254 = arith.constant 16 : index
        %get3A_255 = tpu.vector_load %arg6[%get3A_253, %get3A_254] {strides = array<i32>} : memref<128x128xi32, #tpu.memory_space<vmem>>, vector<16xi32>,
        tpu.vector_store_idx %arg5[%get3A_255], %broadcast_in_dim3A_76 {add = true} : memref<20000xf32, #tpu.memory_space<vmem>>[vector<16xi32>], vector<16xf32>,
        %get3A_256 = arith.index_cast %while3A_250 : i32 to index
        %get3A_257 = arith.constant 32 : index
        %get3A_258 = tpu.vector_load %arg6[%get3A_256, %get3A_257] {strides = array<i32>} : memref<128x128xi32, #tpu.memory_space<vmem>>, vector<16xi32>,
        tpu.vector_store_idx %arg5[%get3A_258], %broadcast_in_dim3A_76 {add = true} : memref<20000xf32, #tpu.memory_space<vmem>>[vector<16xi32>], vector<16xf32>,
        %get3A_259 = arith.index_cast %while3A_250 : i32 to index
        %get3A_260 = arith.constant 48 : index
        %get3A_261 = tpu.vector_load %arg6[%get3A_259, %get3A_260] {strides = array<i32>} : memref<128x128xi32, #tpu.memory_space<vmem>>, vector<16xi32>,
        tpu.vector_store_idx %arg5[%get3A_261], %broadcast_in_dim3A_76 {add = true} : memref<20000xf32, #tpu.memory_space<vmem>>[vector<16xi32>], vector<16xf32>,
        %get3A_262 = arith.index_cast %while3A_250 : i32 to index
        %get3A_263 = arith.constant 64 : index
        %get3A_264 = tpu.vector_load %arg6[%get3A_262, %get3A_263] {strides = array<i32>} : memref<128x128xi32, #tpu.memory_space<vmem>>, vector<16xi32>,
        tpu.vector_store_idx %arg5[%get3A_264], %broadcast_in_dim3A_76 {add = true} : memref<20000xf32, #tpu.memory_space<vmem>>[vector<16xi32>], vector<16xf32>,
        %get3A_265 = arith.index_cast %while3A_250 : i32 to index
        %get3A_266 = arith.constant 80 : index
        %get3A_267 = tpu.vector_load %arg6[%get3A_265, %get3A_266] {strides = array<i32>} : memref<128x128xi32, #tpu.memory_space<vmem>>, vector<16xi32>,
        tpu.vector_store_idx %arg5[%get3A_267], %broadcast_in_dim3A_76 {add = true} : memref<20000xf32, #tpu.memory_space<vmem>>[vector<16xi32>], vector<16xf32>,
        %get3A_268 = arith.index_cast %while3A_250 : i32 to index
        %get3A_269 = arith.constant 96 : index
        %get3A_270 = tpu.vector_load %arg6[%get3A_268, %get3A_269] {strides = array<i32>} : memref<128x128xi32, #tpu.memory_space<vmem>>, vector<16xi32>,
        tpu.vector_store_idx %arg5[%get3A_270], %broadcast_in_dim3A_76 {add = true} : memref<20000xf32, #tpu.memory_space<vmem>>[vector<16xi32>], vector<16xf32>,
        %get3A_271 = arith.index_cast %while3A_250 : i32 to index
        %get3A_272 = arith.constant 112 : index
        %get3A_273 = tpu.vector_load %arg6[%get3A_271, %get3A_272] {strides = array<i32>} : memref<128x128xi32, #tpu.memory_space<vmem>>, vector<16xi32>,
        tpu.vector_store_idx %arg5[%get3A_273], %broadcast_in_dim3A_76 {add = true} : memref<20000xf32, #tpu.memory_space<vmem>>[vector<16xi32>], vector<16xf32>,
      }
      %while3A_169 = arith.constant 1 : i32
      scf.for %while3A_250 = %while3A_167 to %while3A_163 step %while3A_169  : i32 {
        %get3A = arith.index_cast %while3A_250 : i32 to index
        %get3A_251 = arith.constant 0 : index
        %get3A_252 = tpu.vector_load %arg6[%get3A, %get3A_251] {strides = array<i32>} : memref<128x128xi32, #tpu.memory_space<vmem>>, vector<16xi32>,
        tpu.vector_store_idx %arg5[%get3A_252], %broadcast_in_dim3A_76 {add = true} : memref<20000xf32, #tpu.memory_space<vmem>>[vector<16xi32>], vector<16xf32>,
        %get3A_253 = arith.index_cast %while3A_250 : i32 to index
        %get3A_254 = arith.constant 16 : index
        %get3A_255 = tpu.vector_load %arg6[%get3A_253, %get3A_254] {strides = array<i32>} : memref<128x128xi32, #tpu.memory_space<vmem>>, vector<16xi32>,
        tpu.vector_store_idx %arg5[%get3A_255], %broadcast_in_dim3A_76 {add = true} : memref<20000xf32, #tpu.memory_space<vmem>>[vector<16xi32>], vector<16xf32>,
        %get3A_256 = arith.index_cast %while3A_250 : i32 to index
        %get3A_257 = arith.constant 32 : index
        %get3A_258 = tpu.vector_load %arg6[%get3A_256, %get3A_257] {strides = array<i32>} : memref<128x128xi32, #tpu.memory_space<vmem>>, vector<16xi32>,
        tpu.vector_store_idx %arg5[%get3A_258], %broadcast_in_dim3A_76 {add = true} : memref<20000xf32, #tpu.memory_space<vmem>>[vector<16xi32>], vector<16xf32>,
        %get3A_259 = arith.index_cast %while3A_250 : i32 to index
        %get3A_260 = arith.constant 48 : index
        %get3A_261 = tpu.vector_load %arg6[%get3A_259, %get3A_260] {strides = array<i32>} : memref<128x128xi32, #tpu.memory_space<vmem>>, vector<16xi32>,
        tpu.vector_store_idx %arg5[%get3A_261], %broadcast_in_dim3A_76 {add = true} : memref<20000xf32, #tpu.memory_space<vmem>>[vector<16xi32>], vector<16xf32>,
        %get3A_262 = arith.index_cast %while3A_250 : i32 to index
        %get3A_263 = arith.constant 64 : index
        %get3A_264 = tpu.vector_load %arg6[%get3A_262, %get3A_263] {strides = array<i32>} : memref<128x128xi32, #tpu.memory_space<vmem>>, vector<16xi32>,
        tpu.vector_store_idx %arg5[%get3A_264], %broadcast_in_dim3A_76 {add = true} : memref<20000xf32, #tpu.memory_space<vmem>>[vector<16xi32>], vector<16xf32>,
        %get3A_265 = arith.index_cast %while3A_250 : i32 to index
        %get3A_266 = arith.constant 80 : index
        %get3A_267 = tpu.vector_load %arg6[%get3A_265, %get3A_266] {strides = array<i32>} : memref<128x128xi32, #tpu.memory_space<vmem>>, vector<16xi32>,
        tpu.vector_store_idx %arg5[%get3A_267], %broadcast_in_dim3A_76 {add = true} : memref<20000xf32, #tpu.memory_space<vmem>>[vector<16xi32>], vector<16xf32>,
        %get3A_268 = arith.index_cast %while3A_250 : i32 to index
        %get3A_269 = arith.constant 96 : index
        %get3A_270 = tpu.vector_load %arg6[%get3A_268, %get3A_269] {strides = array<i32>} : memref<128x128xi32, #tpu.memory_space<vmem>>, vector<16xi32>,
        tpu.vector_store_idx %arg5[%get3A_270], %broadcast_in_dim3A_76 {add = true} : memref<20000xf32, #tpu.memory_space<vmem>>[vector<16xi32>], vector<16xf32>,
        %get3A_271 = arith.index_cast %while3A_250 : i32 to index
        %get3A_272 = arith.constant 112 : index
        %get3A_273 = tpu.vector_load %arg6[%get3A_271, %get3A_272] {strides = array<i32>} : memref<128x128xi32, #tpu.memory_space<vmem>>, vector<16xi32>,
        tpu.vector_store_idx %arg5[%get3A_273], %broadcast_in_dim3A_76 {add = true} : memref<20000xf32, #tpu.memory_space<vmem>>[vector<16xi32>], vector<16xf32>,
      }
      %add3A_170 = arith.constant 640 : i32
      %add3A_171 = arith.addi %mul3A_78, %add3A_170 : i32
      "tpu.region"() ({
        %run_scoped3A_250 = tpu.sem_alloc : memref<!tpu.dma_semaphore, #tpu.memory_space<semaphore_mem>>
        %dma_start3A = arith.constant 0 : i32
        %dma_start3A_251 = arith.constant 0 : i32
        %dma_start3A_252 = tpu.memref_slice %arg2[%select_n3A_30, %dma_start3A, %dma_start3A_251] : memref<8x2560x128xi32, #tpu.memory_space<hbm>> -> memref<1x2560x128xi32, #tpu.memory_space<hbm>>
        %dma_start3A_253 = tpu.memref_squeeze %dma_start3A_252 : memref<1x2560x128xi32, #tpu.memory_space<hbm>> -> memref<2560x128xi32, #tpu.memory_space<hbm>>
        %dma_start3A_254 = arith.constant 0 : i32
        %dma_start3A_255 = tpu.memref_slice %dma_start3A_253[%add3A_171, %dma_start3A_254] : memref<2560x128xi32, #tpu.memory_space<hbm>> -> memref<128x128xi32, #tpu.memory_space<hbm>>
        %dma_start3A_256 = arith.constant 0 : i32
        %dma_start3A_257 = arith.constant 0 : i32
        %dma_start3A_258 = tpu.memref_slice %arg2[%select_n3A_30, %dma_start3A_256, %dma_start3A_257] : memref<8x2560x128xi32, #tpu.memory_space<hbm>> -> memref<1x2560x128xi32, #tpu.memory_space<hbm>>
        %dma_start3A_259 = tpu.memref_squeeze %dma_start3A_258 : memref<1x2560x128xi32, #tpu.memory_space<hbm>> -> memref<2560x128xi32, #tpu.memory_space<hbm>>
        %dma_start3A_260 = arith.constant 0 : i32
        %dma_start3A_261 = tpu.memref_slice %dma_start3A_259[%add3A_171, %dma_start3A_260] : memref<2560x128xi32, #tpu.memory_space<hbm>> -> memref<128x128xi32, #tpu.memory_space<hbm>>
        tpu.enqueue_dma source(%dma_start3A_261 : memref<128x128xi32, #tpu.memory_space<hbm>>) target(%arg6 : memref<128x128xi32, #tpu.memory_space<vmem>>) target_semaphore(%run_scoped3A_250 : memref<!tpu.dma_semaphore, #tpu.memory_space<semaphore_mem>>)
        %dma_wait3A = arith.constant 0 : i32
        %dma_wait3A_262 = arith.constant 0 : i32
        %dma_wait3A_263 = tpu.memref_slice %arg2[%select_n3A_30, %dma_wait3A, %dma_wait3A_262] : memref<8x2560x128xi32, #tpu.memory_space<hbm>> -> memref<1x2560x128xi32, #tpu.memory_space<hbm>>
        %dma_wait3A_264 = tpu.memref_squeeze %dma_wait3A_263 : memref<1x2560x128xi32, #tpu.memory_space<hbm>> -> memref<2560x128xi32, #tpu.memory_space<hbm>>
        %dma_wait3A_265 = arith.constant 0 : i32
        %dma_wait3A_266 = tpu.memref_slice %dma_wait3A_264[%add3A_171, %dma_wait3A_265] : memref<2560x128xi32, #tpu.memory_space<hbm>> -> memref<128x128xi32, #tpu.memory_space<hbm>>
        %dma_wait3A_267 = arith.constant 0 : i32
        %dma_wait3A_268 = arith.constant 0 : i32
        %dma_wait3A_269 = tpu.memref_slice %arg2[%select_n3A_30, %dma_wait3A_267, %dma_wait3A_268] : memref<8x2560x128xi32, #tpu.memory_space<hbm>> -> memref<1x2560x128xi32, #tpu.memory_space<hbm>>
        %dma_wait3A_270 = tpu.memref_squeeze %dma_wait3A_269 : memref<1x2560x128xi32, #tpu.memory_space<hbm>> -> memref<2560x128xi32, #tpu.memory_space<hbm>>
        %dma_wait3A_271 = arith.constant 0 : i32
        %dma_wait3A_272 = tpu.memref_slice %dma_wait3A_270[%add3A_171, %dma_wait3A_271] : memref<2560x128xi32, #tpu.memory_space<hbm>> -> memref<128x128xi32, #tpu.memory_space<hbm>>
        tpu.wait_dma2 semaphore(%run_scoped3A_250 : memref<!tpu.dma_semaphore, #tpu.memory_space<semaphore_mem>>) src(%dma_wait3A_272 : memref<128x128xi32, #tpu.memory_space<hbm>>) dst(%arg6 : memref<128x128xi32, #tpu.memory_space<vmem>>)
        tpu.yield
      }) : () -> ()
      %sub3A_172 = arith.constant 640 : i32
      %sub3A_173 = arith.subi %select_n3A_83, %sub3A_172 : i32
      %min3A_174 = arith.constant 128 : i32
      %min3A_175 = arith.minsi %sub3A_173, %min3A_174 : i32
      %while3A_176 = arith.constant 0 : i32
      %while3A_177 = arith.constant 0 : i32
      %while3A_178 = arith.subi %min3A_175, %while3A_177 : i32
      %while3A_179 = arith.addi %while3A_177, %while3A_178 : i32
      %while3A_180 = arith.constant 1 : i32
      %while3A_181 = arith.divsi %while3A_178, %while3A_180 : i32
      %while3A_182 = arith.muli %while3A_181, %while3A_180 : i32
      %while3A_183 = arith.addi %while3A_177, %while3A_182 : i32
      %while3A_184 = arith.constant 1 : i32
      scf.for %while3A_250 = %while3A_177 to %while3A_183 step %while3A_184  : i32 {
        %get3A = arith.index_cast %while3A_250 : i32 to index
        %get3A_251 = arith.constant 0 : index
        %get3A_252 = tpu.vector_load %arg6[%get3A, %get3A_251] {strides = array<i32>} : memref<128x128xi32, #tpu.memory_space<vmem>>, vector<16xi32>,
        tpu.vector_store_idx %arg5[%get3A_252], %broadcast_in_dim3A_76 {add = true} : memref<20000xf32, #tpu.memory_space<vmem>>[vector<16xi32>], vector<16xf32>,
        %get3A_253 = arith.index_cast %while3A_250 : i32 to index
        %get3A_254 = arith.constant 16 : index
        %get3A_255 = tpu.vector_load %arg6[%get3A_253, %get3A_254] {strides = array<i32>} : memref<128x128xi32, #tpu.memory_space<vmem>>, vector<16xi32>,
        tpu.vector_store_idx %arg5[%get3A_255], %broadcast_in_dim3A_76 {add = true} : memref<20000xf32, #tpu.memory_space<vmem>>[vector<16xi32>], vector<16xf32>,
        %get3A_256 = arith.index_cast %while3A_250 : i32 to index
        %get3A_257 = arith.constant 32 : index
        %get3A_258 = tpu.vector_load %arg6[%get3A_256, %get3A_257] {strides = array<i32>} : memref<128x128xi32, #tpu.memory_space<vmem>>, vector<16xi32>,
        tpu.vector_store_idx %arg5[%get3A_258], %broadcast_in_dim3A_76 {add = true} : memref<20000xf32, #tpu.memory_space<vmem>>[vector<16xi32>], vector<16xf32>,
        %get3A_259 = arith.index_cast %while3A_250 : i32 to index
        %get3A_260 = arith.constant 48 : index
        %get3A_261 = tpu.vector_load %arg6[%get3A_259, %get3A_260] {strides = array<i32>} : memref<128x128xi32, #tpu.memory_space<vmem>>, vector<16xi32>,
        tpu.vector_store_idx %arg5[%get3A_261], %broadcast_in_dim3A_76 {add = true} : memref<20000xf32, #tpu.memory_space<vmem>>[vector<16xi32>], vector<16xf32>,
        %get3A_262 = arith.index_cast %while3A_250 : i32 to index
        %get3A_263 = arith.constant 64 : index
        %get3A_264 = tpu.vector_load %arg6[%get3A_262, %get3A_263] {strides = array<i32>} : memref<128x128xi32, #tpu.memory_space<vmem>>, vector<16xi32>,
        tpu.vector_store_idx %arg5[%get3A_264], %broadcast_in_dim3A_76 {add = true} : memref<20000xf32, #tpu.memory_space<vmem>>[vector<16xi32>], vector<16xf32>,
        %get3A_265 = arith.index_cast %while3A_250 : i32 to index
        %get3A_266 = arith.constant 80 : index
        %get3A_267 = tpu.vector_load %arg6[%get3A_265, %get3A_266] {strides = array<i32>} : memref<128x128xi32, #tpu.memory_space<vmem>>, vector<16xi32>,
        tpu.vector_store_idx %arg5[%get3A_267], %broadcast_in_dim3A_76 {add = true} : memref<20000xf32, #tpu.memory_space<vmem>>[vector<16xi32>], vector<16xf32>,
        %get3A_268 = arith.index_cast %while3A_250 : i32 to index
        %get3A_269 = arith.constant 96 : index
        %get3A_270 = tpu.vector_load %arg6[%get3A_268, %get3A_269] {strides = array<i32>} : memref<128x128xi32, #tpu.memory_space<vmem>>, vector<16xi32>,
        tpu.vector_store_idx %arg5[%get3A_270], %broadcast_in_dim3A_76 {add = true} : memref<20000xf32, #tpu.memory_space<vmem>>[vector<16xi32>], vector<16xf32>,
        %get3A_271 = arith.index_cast %while3A_250 : i32 to index
        %get3A_272 = arith.constant 112 : index
        %get3A_273 = tpu.vector_load %arg6[%get3A_271, %get3A_272] {strides = array<i32>} : memref<128x128xi32, #tpu.memory_space<vmem>>, vector<16xi32>,
        tpu.vector_store_idx %arg5[%get3A_273], %broadcast_in_dim3A_76 {add = true} : memref<20000xf32, #tpu.memory_space<vmem>>[vector<16xi32>], vector<16xf32>,
      }
      %while3A_185 = arith.constant 1 : i32
      scf.for %while3A_250 = %while3A_183 to %while3A_179 step %while3A_185  : i32 {
        %get3A = arith.index_cast %while3A_250 : i32 to index
        %get3A_251 = arith.constant 0 : index
        %get3A_252 = tpu.vector_load %arg6[%get3A, %get3A_251] {strides = array<i32>} : memref<128x128xi32, #tpu.memory_space<vmem>>, vector<16xi32>,
        tpu.vector_store_idx %arg5[%get3A_252], %broadcast_in_dim3A_76 {add = true} : memref<20000xf32, #tpu.memory_space<vmem>>[vector<16xi32>], vector<16xf32>,
        %get3A_253 = arith.index_cast %while3A_250 : i32 to index
        %get3A_254 = arith.constant 16 : index
        %get3A_255 = tpu.vector_load %arg6[%get3A_253, %get3A_254] {strides = array<i32>} : memref<128x128xi32, #tpu.memory_space<vmem>>, vector<16xi32>,
        tpu.vector_store_idx %arg5[%get3A_255], %broadcast_in_dim3A_76 {add = true} : memref<20000xf32, #tpu.memory_space<vmem>>[vector<16xi32>], vector<16xf32>,
        %get3A_256 = arith.index_cast %while3A_250 : i32 to index
        %get3A_257 = arith.constant 32 : index
        %get3A_258 = tpu.vector_load %arg6[%get3A_256, %get3A_257] {strides = array<i32>} : memref<128x128xi32, #tpu.memory_space<vmem>>, vector<16xi32>,
        tpu.vector_store_idx %arg5[%get3A_258], %broadcast_in_dim3A_76 {add = true} : memref<20000xf32, #tpu.memory_space<vmem>>[vector<16xi32>], vector<16xf32>,
        %get3A_259 = arith.index_cast %while3A_250 : i32 to index
        %get3A_260 = arith.constant 48 : index
        %get3A_261 = tpu.vector_load %arg6[%get3A_259, %get3A_260] {strides = array<i32>} : memref<128x128xi32, #tpu.memory_space<vmem>>, vector<16xi32>,
        tpu.vector_store_idx %arg5[%get3A_261], %broadcast_in_dim3A_76 {add = true} : memref<20000xf32, #tpu.memory_space<vmem>>[vector<16xi32>], vector<16xf32>,
        %get3A_262 = arith.index_cast %while3A_250 : i32 to index
        %get3A_263 = arith.constant 64 : index
        %get3A_264 = tpu.vector_load %arg6[%get3A_262, %get3A_263] {strides = array<i32>} : memref<128x128xi32, #tpu.memory_space<vmem>>, vector<16xi32>,
        tpu.vector_store_idx %arg5[%get3A_264], %broadcast_in_dim3A_76 {add = true} : memref<20000xf32, #tpu.memory_space<vmem>>[vector<16xi32>], vector<16xf32>,
        %get3A_265 = arith.index_cast %while3A_250 : i32 to index
        %get3A_266 = arith.constant 80 : index
        %get3A_267 = tpu.vector_load %arg6[%get3A_265, %get3A_266] {strides = array<i32>} : memref<128x128xi32, #tpu.memory_space<vmem>>, vector<16xi32>,
        tpu.vector_store_idx %arg5[%get3A_267], %broadcast_in_dim3A_76 {add = true} : memref<20000xf32, #tpu.memory_space<vmem>>[vector<16xi32>], vector<16xf32>,
        %get3A_268 = arith.index_cast %while3A_250 : i32 to index
        %get3A_269 = arith.constant 96 : index
        %get3A_270 = tpu.vector_load %arg6[%get3A_268, %get3A_269] {strides = array<i32>} : memref<128x128xi32, #tpu.memory_space<vmem>>, vector<16xi32>,
        tpu.vector_store_idx %arg5[%get3A_270], %broadcast_in_dim3A_76 {add = true} : memref<20000xf32, #tpu.memory_space<vmem>>[vector<16xi32>], vector<16xf32>,
        %get3A_271 = arith.index_cast %while3A_250 : i32 to index
        %get3A_272 = arith.constant 112 : index
        %get3A_273 = tpu.vector_load %arg6[%get3A_271, %get3A_272] {strides = array<i32>} : memref<128x128xi32, #tpu.memory_space<vmem>>, vector<16xi32>,
        tpu.vector_store_idx %arg5[%get3A_273], %broadcast_in_dim3A_76 {add = true} : memref<20000xf32, #tpu.memory_space<vmem>>[vector<16xi32>], vector<16xf32>,
      }
      %add3A_186 = arith.constant 768 : i32
      %add3A_187 = arith.addi %mul3A_78, %add3A_186 : i32
      "tpu.region"() ({
        %run_scoped3A_250 = tpu.sem_alloc : memref<!tpu.dma_semaphore, #tpu.memory_space<semaphore_mem>>
        %dma_start3A = arith.constant 0 : i32
        %dma_start3A_251 = arith.constant 0 : i32
        %dma_start3A_252 = tpu.memref_slice %arg2[%select_n3A_30, %dma_start3A, %dma_start3A_251] : memref<8x2560x128xi32, #tpu.memory_space<hbm>> -> memref<1x2560x128xi32, #tpu.memory_space<hbm>>
        %dma_start3A_253 = tpu.memref_squeeze %dma_start3A_252 : memref<1x2560x128xi32, #tpu.memory_space<hbm>> -> memref<2560x128xi32, #tpu.memory_space<hbm>>
        %dma_start3A_254 = arith.constant 0 : i32
        %dma_start3A_255 = tpu.memref_slice %dma_start3A_253[%add3A_187, %dma_start3A_254] : memref<2560x128xi32, #tpu.memory_space<hbm>> -> memref<128x128xi32, #tpu.memory_space<hbm>>
        %dma_start3A_256 = arith.constant 0 : i32
        %dma_start3A_257 = arith.constant 0 : i32
        %dma_start3A_258 = tpu.memref_slice %arg2[%select_n3A_30, %dma_start3A_256, %dma_start3A_257] : memref<8x2560x128xi32, #tpu.memory_space<hbm>> -> memref<1x2560x128xi32, #tpu.memory_space<hbm>>
        %dma_start3A_259 = tpu.memref_squeeze %dma_start3A_258 : memref<1x2560x128xi32, #tpu.memory_space<hbm>> -> memref<2560x128xi32, #tpu.memory_space<hbm>>
        %dma_start3A_260 = arith.constant 0 : i32
        %dma_start3A_261 = tpu.memref_slice %dma_start3A_259[%add3A_187, %dma_start3A_260] : memref<2560x128xi32, #tpu.memory_space<hbm>> -> memref<128x128xi32, #tpu.memory_space<hbm>>
        tpu.enqueue_dma source(%dma_start3A_261 : memref<128x128xi32, #tpu.memory_space<hbm>>) target(%arg6 : memref<128x128xi32, #tpu.memory_space<vmem>>) target_semaphore(%run_scoped3A_250 : memref<!tpu.dma_semaphore, #tpu.memory_space<semaphore_mem>>)
        %dma_wait3A = arith.constant 0 : i32
        %dma_wait3A_262 = arith.constant 0 : i32
        %dma_wait3A_263 = tpu.memref_slice %arg2[%select_n3A_30, %dma_wait3A, %dma_wait3A_262] : memref<8x2560x128xi32, #tpu.memory_space<hbm>> -> memref<1x2560x128xi32, #tpu.memory_space<hbm>>
        %dma_wait3A_264 = tpu.memref_squeeze %dma_wait3A_263 : memref<1x2560x128xi32, #tpu.memory_space<hbm>> -> memref<2560x128xi32, #tpu.memory_space<hbm>>
        %dma_wait3A_265 = arith.constant 0 : i32
        %dma_wait3A_266 = tpu.memref_slice %dma_wait3A_264[%add3A_187, %dma_wait3A_265] : memref<2560x128xi32, #tpu.memory_space<hbm>> -> memref<128x128xi32, #tpu.memory_space<hbm>>
        %dma_wait3A_267 = arith.constant 0 : i32
        %dma_wait3A_268 = arith.constant 0 : i32
        %dma_wait3A_269 = tpu.memref_slice %arg2[%select_n3A_30, %dma_wait3A_267, %dma_wait3A_268] : memref<8x2560x128xi32, #tpu.memory_space<hbm>> -> memref<1x2560x128xi32, #tpu.memory_space<hbm>>
        %dma_wait3A_270 = tpu.memref_squeeze %dma_wait3A_269 : memref<1x2560x128xi32, #tpu.memory_space<hbm>> -> memref<2560x128xi32, #tpu.memory_space<hbm>>
        %dma_wait3A_271 = arith.constant 0 : i32
        %dma_wait3A_272 = tpu.memref_slice %dma_wait3A_270[%add3A_187, %dma_wait3A_271] : memref<2560x128xi32, #tpu.memory_space<hbm>> -> memref<128x128xi32, #tpu.memory_space<hbm>>
        tpu.wait_dma2 semaphore(%run_scoped3A_250 : memref<!tpu.dma_semaphore, #tpu.memory_space<semaphore_mem>>) src(%dma_wait3A_272 : memref<128x128xi32, #tpu.memory_space<hbm>>) dst(%arg6 : memref<128x128xi32, #tpu.memory_space<vmem>>)
        tpu.yield
      }) : () -> ()
      %sub3A_188 = arith.constant 768 : i32
      %sub3A_189 = arith.subi %select_n3A_83, %sub3A_188 : i32
      %min3A_190 = arith.constant 128 : i32
      %min3A_191 = arith.minsi %sub3A_189, %min3A_190 : i32
      %while3A_192 = arith.constant 0 : i32
      %while3A_193 = arith.constant 0 : i32
      %while3A_194 = arith.subi %min3A_191, %while3A_193 : i32
      %while3A_195 = arith.addi %while3A_193, %while3A_194 : i32
      %while3A_196 = arith.constant 1 : i32
      %while3A_197 = arith.divsi %while3A_194, %while3A_196 : i32
      %while3A_198 = arith.muli %while3A_197, %while3A_196 : i32
      %while3A_199 = arith.addi %while3A_193, %while3A_198 : i32
      %while3A_200 = arith.constant 1 : i32
      scf.for %while3A_250 = %while3A_193 to %while3A_199 step %while3A_200  : i32 {
        %get3A = arith.index_cast %while3A_250 : i32 to index
        %get3A_251 = arith.constant 0 : index
        %get3A_252 = tpu.vector_load %arg6[%get3A, %get3A_251] {strides = array<i32>} : memref<128x128xi32, #tpu.memory_space<vmem>>, vector<16xi32>,
        tpu.vector_store_idx %arg5[%get3A_252], %broadcast_in_dim3A_76 {add = true} : memref<20000xf32, #tpu.memory_space<vmem>>[vector<16xi32>], vector<16xf32>,
        %get3A_253 = arith.index_cast %while3A_250 : i32 to index
        %get3A_254 = arith.constant 16 : index
        %get3A_255 = tpu.vector_load %arg6[%get3A_253, %get3A_254] {strides = array<i32>} : memref<128x128xi32, #tpu.memory_space<vmem>>, vector<16xi32>,
        tpu.vector_store_idx %arg5[%get3A_255], %broadcast_in_dim3A_76 {add = true} : memref<20000xf32, #tpu.memory_space<vmem>>[vector<16xi32>], vector<16xf32>,
        %get3A_256 = arith.index_cast %while3A_250 : i32 to index
        %get3A_257 = arith.constant 32 : index
        %get3A_258 = tpu.vector_load %arg6[%get3A_256, %get3A_257] {strides = array<i32>} : memref<128x128xi32, #tpu.memory_space<vmem>>, vector<16xi32>,
        tpu.vector_store_idx %arg5[%get3A_258], %broadcast_in_dim3A_76 {add = true} : memref<20000xf32, #tpu.memory_space<vmem>>[vector<16xi32>], vector<16xf32>,
        %get3A_259 = arith.index_cast %while3A_250 : i32 to index
        %get3A_260 = arith.constant 48 : index
        %get3A_261 = tpu.vector_load %arg6[%get3A_259, %get3A_260] {strides = array<i32>} : memref<128x128xi32, #tpu.memory_space<vmem>>, vector<16xi32>,
        tpu.vector_store_idx %arg5[%get3A_261], %broadcast_in_dim3A_76 {add = true} : memref<20000xf32, #tpu.memory_space<vmem>>[vector<16xi32>], vector<16xf32>,
        %get3A_262 = arith.index_cast %while3A_250 : i32 to index
        %get3A_263 = arith.constant 64 : index
        %get3A_264 = tpu.vector_load %arg6[%get3A_262, %get3A_263] {strides = array<i32>} : memref<128x128xi32, #tpu.memory_space<vmem>>, vector<16xi32>,
        tpu.vector_store_idx %arg5[%get3A_264], %broadcast_in_dim3A_76 {add = true} : memref<20000xf32, #tpu.memory_space<vmem>>[vector<16xi32>], vector<16xf32>,
        %get3A_265 = arith.index_cast %while3A_250 : i32 to index
        %get3A_266 = arith.constant 80 : index
        %get3A_267 = tpu.vector_load %arg6[%get3A_265, %get3A_266] {strides = array<i32>} : memref<128x128xi32, #tpu.memory_space<vmem>>, vector<16xi32>,
        tpu.vector_store_idx %arg5[%get3A_267], %broadcast_in_dim3A_76 {add = true} : memref<20000xf32, #tpu.memory_space<vmem>>[vector<16xi32>], vector<16xf32>,
        %get3A_268 = arith.index_cast %while3A_250 : i32 to index
        %get3A_269 = arith.constant 96 : index
        %get3A_270 = tpu.vector_load %arg6[%get3A_268, %get3A_269] {strides = array<i32>} : memref<128x128xi32, #tpu.memory_space<vmem>>, vector<16xi32>,
        tpu.vector_store_idx %arg5[%get3A_270], %broadcast_in_dim3A_76 {add = true} : memref<20000xf32, #tpu.memory_space<vmem>>[vector<16xi32>], vector<16xf32>,
        %get3A_271 = arith.index_cast %while3A_250 : i32 to index
        %get3A_272 = arith.constant 112 : index
        %get3A_273 = tpu.vector_load %arg6[%get3A_271, %get3A_272] {strides = array<i32>} : memref<128x128xi32, #tpu.memory_space<vmem>>, vector<16xi32>,
        tpu.vector_store_idx %arg5[%get3A_273], %broadcast_in_dim3A_76 {add = true} : memref<20000xf32, #tpu.memory_space<vmem>>[vector<16xi32>], vector<16xf32>,
      }
      %while3A_201 = arith.constant 1 : i32
      scf.for %while3A_250 = %while3A_199 to %while3A_195 step %while3A_201  : i32 {
        %get3A = arith.index_cast %while3A_250 : i32 to index
        %get3A_251 = arith.constant 0 : index
        %get3A_252 = tpu.vector_load %arg6[%get3A, %get3A_251] {strides = array<i32>} : memref<128x128xi32, #tpu.memory_space<vmem>>, vector<16xi32>,
        tpu.vector_store_idx %arg5[%get3A_252], %broadcast_in_dim3A_76 {add = true} : memref<20000xf32, #tpu.memory_space<vmem>>[vector<16xi32>], vector<16xf32>,
        %get3A_253 = arith.index_cast %while3A_250 : i32 to index
        %get3A_254 = arith.constant 16 : index
        %get3A_255 = tpu.vector_load %arg6[%get3A_253, %get3A_254] {strides = array<i32>} : memref<128x128xi32, #tpu.memory_space<vmem>>, vector<16xi32>,
        tpu.vector_store_idx %arg5[%get3A_255], %broadcast_in_dim3A_76 {add = true} : memref<20000xf32, #tpu.memory_space<vmem>>[vector<16xi32>], vector<16xf32>,
        %get3A_256 = arith.index_cast %while3A_250 : i32 to index
        %get3A_257 = arith.constant 32 : index
        %get3A_258 = tpu.vector_load %arg6[%get3A_256, %get3A_257] {strides = array<i32>} : memref<128x128xi32, #tpu.memory_space<vmem>>, vector<16xi32>,
        tpu.vector_store_idx %arg5[%get3A_258], %broadcast_in_dim3A_76 {add = true} : memref<20000xf32, #tpu.memory_space<vmem>>[vector<16xi32>], vector<16xf32>,
        %get3A_259 = arith.index_cast %while3A_250 : i32 to index
        %get3A_260 = arith.constant 48 : index
        %get3A_261 = tpu.vector_load %arg6[%get3A_259, %get3A_260] {strides = array<i32>} : memref<128x128xi32, #tpu.memory_space<vmem>>, vector<16xi32>,
        tpu.vector_store_idx %arg5[%get3A_261], %broadcast_in_dim3A_76 {add = true} : memref<20000xf32, #tpu.memory_space<vmem>>[vector<16xi32>], vector<16xf32>,
        %get3A_262 = arith.index_cast %while3A_250 : i32 to index
        %get3A_263 = arith.constant 64 : index
        %get3A_264 = tpu.vector_load %arg6[%get3A_262, %get3A_263] {strides = array<i32>} : memref<128x128xi32, #tpu.memory_space<vmem>>, vector<16xi32>,
        tpu.vector_store_idx %arg5[%get3A_264], %broadcast_in_dim3A_76 {add = true} : memref<20000xf32, #tpu.memory_space<vmem>>[vector<16xi32>], vector<16xf32>,
        %get3A_265 = arith.index_cast %while3A_250 : i32 to index
        %get3A_266 = arith.constant 80 : index
        %get3A_267 = tpu.vector_load %arg6[%get3A_265, %get3A_266] {strides = array<i32>} : memref<128x128xi32, #tpu.memory_space<vmem>>, vector<16xi32>,
        tpu.vector_store_idx %arg5[%get3A_267], %broadcast_in_dim3A_76 {add = true} : memref<20000xf32, #tpu.memory_space<vmem>>[vector<16xi32>], vector<16xf32>,
        %get3A_268 = arith.index_cast %while3A_250 : i32 to index
        %get3A_269 = arith.constant 96 : index
        %get3A_270 = tpu.vector_load %arg6[%get3A_268, %get3A_269] {strides = array<i32>} : memref<128x128xi32, #tpu.memory_space<vmem>>, vector<16xi32>,
        tpu.vector_store_idx %arg5[%get3A_270], %broadcast_in_dim3A_76 {add = true} : memref<20000xf32, #tpu.memory_space<vmem>>[vector<16xi32>], vector<16xf32>,
        %get3A_271 = arith.index_cast %while3A_250 : i32 to index
        %get3A_272 = arith.constant 112 : index
        %get3A_273 = tpu.vector_load %arg6[%get3A_271, %get3A_272] {strides = array<i32>} : memref<128x128xi32, #tpu.memory_space<vmem>>, vector<16xi32>,
        tpu.vector_store_idx %arg5[%get3A_273], %broadcast_in_dim3A_76 {add = true} : memref<20000xf32, #tpu.memory_space<vmem>>[vector<16xi32>], vector<16xf32>,
      }
      %add3A_202 = arith.constant 896 : i32
      %add3A_203 = arith.addi %mul3A_78, %add3A_202 : i32
      "tpu.region"() ({
        %run_scoped3A_250 = tpu.sem_alloc : memref<!tpu.dma_semaphore, #tpu.memory_space<semaphore_mem>>
        %dma_start3A = arith.constant 0 : i32
        %dma_start3A_251 = arith.constant 0 : i32
        %dma_start3A_252 = tpu.memref_slice %arg2[%select_n3A_30, %dma_start3A, %dma_start3A_251] : memref<8x2560x128xi32, #tpu.memory_space<hbm>> -> memref<1x2560x128xi32, #tpu.memory_space<hbm>>
        %dma_start3A_253 = tpu.memref_squeeze %dma_start3A_252 : memref<1x2560x128xi32, #tpu.memory_space<hbm>> -> memref<2560x128xi32, #tpu.memory_space<hbm>>
        %dma_start3A_254 = arith.constant 0 : i32
        %dma_start3A_255 = tpu.memref_slice %dma_start3A_253[%add3A_203, %dma_start3A_254] : memref<2560x128xi32, #tpu.memory_space<hbm>> -> memref<128x128xi32, #tpu.memory_space<hbm>>
        %dma_start3A_256 = arith.constant 0 : i32
        %dma_start3A_257 = arith.constant 0 : i32
        %dma_start3A_258 = tpu.memref_slice %arg2[%select_n3A_30, %dma_start3A_256, %dma_start3A_257] : memref<8x2560x128xi32, #tpu.memory_space<hbm>> -> memref<1x2560x128xi32, #tpu.memory_space<hbm>>
        %dma_start3A_259 = tpu.memref_squeeze %dma_start3A_258 : memref<1x2560x128xi32, #tpu.memory_space<hbm>> -> memref<2560x128xi32, #tpu.memory_space<hbm>>
        %dma_start3A_260 = arith.constant 0 : i32
        %dma_start3A_261 = tpu.memref_slice %dma_start3A_259[%add3A_203, %dma_start3A_260] : memref<2560x128xi32, #tpu.memory_space<hbm>> -> memref<128x128xi32, #tpu.memory_space<hbm>>
        tpu.enqueue_dma source(%dma_start3A_261 : memref<128x128xi32, #tpu.memory_space<hbm>>) target(%arg6 : memref<128x128xi32, #tpu.memory_space<vmem>>) target_semaphore(%run_scoped3A_250 : memref<!tpu.dma_semaphore, #tpu.memory_space<semaphore_mem>>)
        %dma_wait3A = arith.constant 0 : i32
        %dma_wait3A_262 = arith.constant 0 : i32
        %dma_wait3A_263 = tpu.memref_slice %arg2[%select_n3A_30, %dma_wait3A, %dma_wait3A_262] : memref<8x2560x128xi32, #tpu.memory_space<hbm>> -> memref<1x2560x128xi32, #tpu.memory_space<hbm>>
        %dma_wait3A_264 = tpu.memref_squeeze %dma_wait3A_263 : memref<1x2560x128xi32, #tpu.memory_space<hbm>> -> memref<2560x128xi32, #tpu.memory_space<hbm>>
        %dma_wait3A_265 = arith.constant 0 : i32
        %dma_wait3A_266 = tpu.memref_slice %dma_wait3A_264[%add3A_203, %dma_wait3A_265] : memref<2560x128xi32, #tpu.memory_space<hbm>> -> memref<128x128xi32, #tpu.memory_space<hbm>>
        %dma_wait3A_267 = arith.constant 0 : i32
        %dma_wait3A_268 = arith.constant 0 : i32
        %dma_wait3A_269 = tpu.memref_slice %arg2[%select_n3A_30, %dma_wait3A_267, %dma_wait3A_268] : memref<8x2560x128xi32, #tpu.memory_space<hbm>> -> memref<1x2560x128xi32, #tpu.memory_space<hbm>>
        %dma_wait3A_270 = tpu.memref_squeeze %dma_wait3A_269 : memref<1x2560x128xi32, #tpu.memory_space<hbm>> -> memref<2560x128xi32, #tpu.memory_space<hbm>>
        %dma_wait3A_271 = arith.constant 0 : i32
        %dma_wait3A_272 = tpu.memref_slice %dma_wait3A_270[%add3A_203, %dma_wait3A_271] : memref<2560x128xi32, #tpu.memory_space<hbm>> -> memref<128x128xi32, #tpu.memory_space<hbm>>
        tpu.wait_dma2 semaphore(%run_scoped3A_250 : memref<!tpu.dma_semaphore, #tpu.memory_space<semaphore_mem>>) src(%dma_wait3A_272 : memref<128x128xi32, #tpu.memory_space<hbm>>) dst(%arg6 : memref<128x128xi32, #tpu.memory_space<vmem>>)
        tpu.yield
      }) : () -> ()
      %sub3A_204 = arith.constant 896 : i32
      %sub3A_205 = arith.subi %select_n3A_83, %sub3A_204 : i32
      %min3A_206 = arith.constant 128 : i32
      %min3A_207 = arith.minsi %sub3A_205, %min3A_206 : i32
      %while3A_208 = arith.constant 0 : i32
      %while3A_209 = arith.constant 0 : i32
      %while3A_210 = arith.subi %min3A_207, %while3A_209 : i32
      %while3A_211 = arith.addi %while3A_209, %while3A_210 : i32
      %while3A_212 = arith.constant 1 : i32
      %while3A_213 = arith.divsi %while3A_210, %while3A_212 : i32
      %while3A_214 = arith.muli %while3A_213, %while3A_212 : i32
      %while3A_215 = arith.addi %while3A_209, %while3A_214 : i32
      %while3A_216 = arith.constant 1 : i32
      scf.for %while3A_250 = %while3A_209 to %while3A_215 step %while3A_216  : i32 {
        %get3A = arith.index_cast %while3A_250 : i32 to index
        %get3A_251 = arith.constant 0 : index
        %get3A_252 = tpu.vector_load %arg6[%get3A, %get3A_251] {strides = array<i32>} : memref<128x128xi32, #tpu.memory_space<vmem>>, vector<16xi32>,
        tpu.vector_store_idx %arg5[%get3A_252], %broadcast_in_dim3A_76 {add = true} : memref<20000xf32, #tpu.memory_space<vmem>>[vector<16xi32>], vector<16xf32>,
        %get3A_253 = arith.index_cast %while3A_250 : i32 to index
        %get3A_254 = arith.constant 16 : index
        %get3A_255 = tpu.vector_load %arg6[%get3A_253, %get3A_254] {strides = array<i32>} : memref<128x128xi32, #tpu.memory_space<vmem>>, vector<16xi32>,
        tpu.vector_store_idx %arg5[%get3A_255], %broadcast_in_dim3A_76 {add = true} : memref<20000xf32, #tpu.memory_space<vmem>>[vector<16xi32>], vector<16xf32>,
        %get3A_256 = arith.index_cast %while3A_250 : i32 to index
        %get3A_257 = arith.constant 32 : index
        %get3A_258 = tpu.vector_load %arg6[%get3A_256, %get3A_257] {strides = array<i32>} : memref<128x128xi32, #tpu.memory_space<vmem>>, vector<16xi32>,
        tpu.vector_store_idx %arg5[%get3A_258], %broadcast_in_dim3A_76 {add = true} : memref<20000xf32, #tpu.memory_space<vmem>>[vector<16xi32>], vector<16xf32>,
        %get3A_259 = arith.index_cast %while3A_250 : i32 to index
        %get3A_260 = arith.constant 48 : index
        %get3A_261 = tpu.vector_load %arg6[%get3A_259, %get3A_260] {strides = array<i32>} : memref<128x128xi32, #tpu.memory_space<vmem>>, vector<16xi32>,
        tpu.vector_store_idx %arg5[%get3A_261], %broadcast_in_dim3A_76 {add = true} : memref<20000xf32, #tpu.memory_space<vmem>>[vector<16xi32>], vector<16xf32>,
        %get3A_262 = arith.index_cast %while3A_250 : i32 to index
        %get3A_263 = arith.constant 64 : index
        %get3A_264 = tpu.vector_load %arg6[%get3A_262, %get3A_263] {strides = array<i32>} : memref<128x128xi32, #tpu.memory_space<vmem>>, vector<16xi32>,
        tpu.vector_store_idx %arg5[%get3A_264], %broadcast_in_dim3A_76 {add = true} : memref<20000xf32, #tpu.memory_space<vmem>>[vector<16xi32>], vector<16xf32>,
        %get3A_265 = arith.index_cast %while3A_250 : i32 to index
        %get3A_266 = arith.constant 80 : index
        %get3A_267 = tpu.vector_load %arg6[%get3A_265, %get3A_266] {strides = array<i32>} : memref<128x128xi32, #tpu.memory_space<vmem>>, vector<16xi32>,
        tpu.vector_store_idx %arg5[%get3A_267], %broadcast_in_dim3A_76 {add = true} : memref<20000xf32, #tpu.memory_space<vmem>>[vector<16xi32>], vector<16xf32>,
        %get3A_268 = arith.index_cast %while3A_250 : i32 to index
        %get3A_269 = arith.constant 96 : index
        %get3A_270 = tpu.vector_load %arg6[%get3A_268, %get3A_269] {strides = array<i32>} : memref<128x128xi32, #tpu.memory_space<vmem>>, vector<16xi32>,
        tpu.vector_store_idx %arg5[%get3A_270], %broadcast_in_dim3A_76 {add = true} : memref<20000xf32, #tpu.memory_space<vmem>>[vector<16xi32>], vector<16xf32>,
        %get3A_271 = arith.index_cast %while3A_250 : i32 to index
        %get3A_272 = arith.constant 112 : index
        %get3A_273 = tpu.vector_load %arg6[%get3A_271, %get3A_272] {strides = array<i32>} : memref<128x128xi32, #tpu.memory_space<vmem>>, vector<16xi32>,
        tpu.vector_store_idx %arg5[%get3A_273], %broadcast_in_dim3A_76 {add = true} : memref<20000xf32, #tpu.memory_space<vmem>>[vector<16xi32>], vector<16xf32>,
      }
      %while3A_217 = arith.constant 1 : i32
      scf.for %while3A_250 = %while3A_215 to %while3A_211 step %while3A_217  : i32 {
        %get3A = arith.index_cast %while3A_250 : i32 to index
        %get3A_251 = arith.constant 0 : index
        %get3A_252 = tpu.vector_load %arg6[%get3A, %get3A_251] {strides = array<i32>} : memref<128x128xi32, #tpu.memory_space<vmem>>, vector<16xi32>,
        tpu.vector_store_idx %arg5[%get3A_252], %broadcast_in_dim3A_76 {add = true} : memref<20000xf32, #tpu.memory_space<vmem>>[vector<16xi32>], vector<16xf32>,
        %get3A_253 = arith.index_cast %while3A_250 : i32 to index
        %get3A_254 = arith.constant 16 : index
        %get3A_255 = tpu.vector_load %arg6[%get3A_253, %get3A_254] {strides = array<i32>} : memref<128x128xi32, #tpu.memory_space<vmem>>, vector<16xi32>,
        tpu.vector_store_idx %arg5[%get3A_255], %broadcast_in_dim3A_76 {add = true} : memref<20000xf32, #tpu.memory_space<vmem>>[vector<16xi32>], vector<16xf32>,
        %get3A_256 = arith.index_cast %while3A_250 : i32 to index
        %get3A_257 = arith.constant 32 : index
        %get3A_258 = tpu.vector_load %arg6[%get3A_256, %get3A_257] {strides = array<i32>} : memref<128x128xi32, #tpu.memory_space<vmem>>, vector<16xi32>,
        tpu.vector_store_idx %arg5[%get3A_258], %broadcast_in_dim3A_76 {add = true} : memref<20000xf32, #tpu.memory_space<vmem>>[vector<16xi32>], vector<16xf32>,
        %get3A_259 = arith.index_cast %while3A_250 : i32 to index
        %get3A_260 = arith.constant 48 : index
        %get3A_261 = tpu.vector_load %arg6[%get3A_259, %get3A_260] {strides = array<i32>} : memref<128x128xi32, #tpu.memory_space<vmem>>, vector<16xi32>,
        tpu.vector_store_idx %arg5[%get3A_261], %broadcast_in_dim3A_76 {add = true} : memref<20000xf32, #tpu.memory_space<vmem>>[vector<16xi32>], vector<16xf32>,
        %get3A_262 = arith.index_cast %while3A_250 : i32 to index
        %get3A_263 = arith.constant 64 : index
        %get3A_264 = tpu.vector_load %arg6[%get3A_262, %get3A_263] {strides = array<i32>} : memref<128x128xi32, #tpu.memory_space<vmem>>, vector<16xi32>,
        tpu.vector_store_idx %arg5[%get3A_264], %broadcast_in_dim3A_76 {add = true} : memref<20000xf32, #tpu.memory_space<vmem>>[vector<16xi32>], vector<16xf32>,
        %get3A_265 = arith.index_cast %while3A_250 : i32 to index
        %get3A_266 = arith.constant 80 : index
        %get3A_267 = tpu.vector_load %arg6[%get3A_265, %get3A_266] {strides = array<i32>} : memref<128x128xi32, #tpu.memory_space<vmem>>, vector<16xi32>,
        tpu.vector_store_idx %arg5[%get3A_267], %broadcast_in_dim3A_76 {add = true} : memref<20000xf32, #tpu.memory_space<vmem>>[vector<16xi32>], vector<16xf32>,
        %get3A_268 = arith.index_cast %while3A_250 : i32 to index
        %get3A_269 = arith.constant 96 : index
        %get3A_270 = tpu.vector_load %arg6[%get3A_268, %get3A_269] {strides = array<i32>} : memref<128x128xi32, #tpu.memory_space<vmem>>, vector<16xi32>,
        tpu.vector_store_idx %arg5[%get3A_270], %broadcast_in_dim3A_76 {add = true} : memref<20000xf32, #tpu.memory_space<vmem>>[vector<16xi32>], vector<16xf32>,
        %get3A_271 = arith.index_cast %while3A_250 : i32 to index
        %get3A_272 = arith.constant 112 : index
        %get3A_273 = tpu.vector_load %arg6[%get3A_271, %get3A_272] {strides = array<i32>} : memref<128x128xi32, #tpu.memory_space<vmem>>, vector<16xi32>,
        tpu.vector_store_idx %arg5[%get3A_273], %broadcast_in_dim3A_76 {add = true} : memref<20000xf32, #tpu.memory_space<vmem>>[vector<16xi32>], vector<16xf32>,
      }
      %add3A_218 = arith.constant 1024 : i32
      %add3A_219 = arith.addi %mul3A_78, %add3A_218 : i32
      "tpu.region"() ({
        %run_scoped3A_250 = tpu.sem_alloc : memref<!tpu.dma_semaphore, #tpu.memory_space<semaphore_mem>>
        %dma_start3A = arith.constant 0 : i32
        %dma_start3A_251 = arith.constant 0 : i32
        %dma_start3A_252 = tpu.memref_slice %arg2[%select_n3A_30, %dma_start3A, %dma_start3A_251] : memref<8x2560x128xi32, #tpu.memory_space<hbm>> -> memref<1x2560x128xi32, #tpu.memory_space<hbm>>
        %dma_start3A_253 = tpu.memref_squeeze %dma_start3A_252 : memref<1x2560x128xi32, #tpu.memory_space<hbm>> -> memref<2560x128xi32, #tpu.memory_space<hbm>>
        %dma_start3A_254 = arith.constant 0 : i32
        %dma_start3A_255 = tpu.memref_slice %dma_start3A_253[%add3A_219, %dma_start3A_254] : memref<2560x128xi32, #tpu.memory_space<hbm>> -> memref<128x128xi32, #tpu.memory_space<hbm>>
        %dma_start3A_256 = arith.constant 0 : i32
        %dma_start3A_257 = arith.constant 0 : i32
        %dma_start3A_258 = tpu.memref_slice %arg2[%select_n3A_30, %dma_start3A_256, %dma_start3A_257] : memref<8x2560x128xi32, #tpu.memory_space<hbm>> -> memref<1x2560x128xi32, #tpu.memory_space<hbm>>
        %dma_start3A_259 = tpu.memref_squeeze %dma_start3A_258 : memref<1x2560x128xi32, #tpu.memory_space<hbm>> -> memref<2560x128xi32, #tpu.memory_space<hbm>>
        %dma_start3A_260 = arith.constant 0 : i32
        %dma_start3A_261 = tpu.memref_slice %dma_start3A_259[%add3A_219, %dma_start3A_260] : memref<2560x128xi32, #tpu.memory_space<hbm>> -> memref<128x128xi32, #tpu.memory_space<hbm>>
        tpu.enqueue_dma source(%dma_start3A_261 : memref<128x128xi32, #tpu.memory_space<hbm>>) target(%arg6 : memref<128x128xi32, #tpu.memory_space<vmem>>) target_semaphore(%run_scoped3A_250 : memref<!tpu.dma_semaphore, #tpu.memory_space<semaphore_mem>>)
        %dma_wait3A = arith.constant 0 : i32
        %dma_wait3A_262 = arith.constant 0 : i32
        %dma_wait3A_263 = tpu.memref_slice %arg2[%select_n3A_30, %dma_wait3A, %dma_wait3A_262] : memref<8x2560x128xi32, #tpu.memory_space<hbm>> -> memref<1x2560x128xi32, #tpu.memory_space<hbm>>
        %dma_wait3A_264 = tpu.memref_squeeze %dma_wait3A_263 : memref<1x2560x128xi32, #tpu.memory_space<hbm>> -> memref<2560x128xi32, #tpu.memory_space<hbm>>
        %dma_wait3A_265 = arith.constant 0 : i32
        %dma_wait3A_266 = tpu.memref_slice %dma_wait3A_264[%add3A_219, %dma_wait3A_265] : memref<2560x128xi32, #tpu.memory_space<hbm>> -> memref<128x128xi32, #tpu.memory_space<hbm>>
        %dma_wait3A_267 = arith.constant 0 : i32
        %dma_wait3A_268 = arith.constant 0 : i32
        %dma_wait3A_269 = tpu.memref_slice %arg2[%select_n3A_30, %dma_wait3A_267, %dma_wait3A_268] : memref<8x2560x128xi32, #tpu.memory_space<hbm>> -> memref<1x2560x128xi32, #tpu.memory_space<hbm>>
        %dma_wait3A_270 = tpu.memref_squeeze %dma_wait3A_269 : memref<1x2560x128xi32, #tpu.memory_space<hbm>> -> memref<2560x128xi32, #tpu.memory_space<hbm>>
        %dma_wait3A_271 = arith.constant 0 : i32
        %dma_wait3A_272 = tpu.memref_slice %dma_wait3A_270[%add3A_219, %dma_wait3A_271] : memref<2560x128xi32, #tpu.memory_space<hbm>> -> memref<128x128xi32, #tpu.memory_space<hbm>>
        tpu.wait_dma2 semaphore(%run_scoped3A_250 : memref<!tpu.dma_semaphore, #tpu.memory_space<semaphore_mem>>) src(%dma_wait3A_272 : memref<128x128xi32, #tpu.memory_space<hbm>>) dst(%arg6 : memref<128x128xi32, #tpu.memory_space<vmem>>)
        tpu.yield
      }) : () -> ()
      %sub3A_220 = arith.constant 1024 : i32
      %sub3A_221 = arith.subi %select_n3A_83, %sub3A_220 : i32
      %min3A_222 = arith.constant 128 : i32
      %min3A_223 = arith.minsi %sub3A_221, %min3A_222 : i32
      %while3A_224 = arith.constant 0 : i32
      %while3A_225 = arith.constant 0 : i32
      %while3A_226 = arith.subi %min3A_223, %while3A_225 : i32
      %while3A_227 = arith.addi %while3A_225, %while3A_226 : i32
      %while3A_228 = arith.constant 1 : i32
      %while3A_229 = arith.divsi %while3A_226, %while3A_228 : i32
      %while3A_230 = arith.muli %while3A_229, %while3A_228 : i32
      %while3A_231 = arith.addi %while3A_225, %while3A_230 : i32
      %while3A_232 = arith.constant 1 : i32
      scf.for %while3A_250 = %while3A_225 to %while3A_231 step %while3A_232  : i32 {
        %get3A = arith.index_cast %while3A_250 : i32 to index
        %get3A_251 = arith.constant 0 : index
        %get3A_252 = tpu.vector_load %arg6[%get3A, %get3A_251] {strides = array<i32>} : memref<128x128xi32, #tpu.memory_space<vmem>>, vector<16xi32>,
        tpu.vector_store_idx %arg5[%get3A_252], %broadcast_in_dim3A_76 {add = true} : memref<20000xf32, #tpu.memory_space<vmem>>[vector<16xi32>], vector<16xf32>,
        %get3A_253 = arith.index_cast %while3A_250 : i32 to index
        %get3A_254 = arith.constant 16 : index
        %get3A_255 = tpu.vector_load %arg6[%get3A_253, %get3A_254] {strides = array<i32>} : memref<128x128xi32, #tpu.memory_space<vmem>>, vector<16xi32>,
        tpu.vector_store_idx %arg5[%get3A_255], %broadcast_in_dim3A_76 {add = true} : memref<20000xf32, #tpu.memory_space<vmem>>[vector<16xi32>], vector<16xf32>,
        %get3A_256 = arith.index_cast %while3A_250 : i32 to index
        %get3A_257 = arith.constant 32 : index
        %get3A_258 = tpu.vector_load %arg6[%get3A_256, %get3A_257] {strides = array<i32>} : memref<128x128xi32, #tpu.memory_space<vmem>>, vector<16xi32>,
        tpu.vector_store_idx %arg5[%get3A_258], %broadcast_in_dim3A_76 {add = true} : memref<20000xf32, #tpu.memory_space<vmem>>[vector<16xi32>], vector<16xf32>,
        %get3A_259 = arith.index_cast %while3A_250 : i32 to index
        %get3A_260 = arith.constant 48 : index
        %get3A_261 = tpu.vector_load %arg6[%get3A_259, %get3A_260] {strides = array<i32>} : memref<128x128xi32, #tpu.memory_space<vmem>>, vector<16xi32>,
        tpu.vector_store_idx %arg5[%get3A_261], %broadcast_in_dim3A_76 {add = true} : memref<20000xf32, #tpu.memory_space<vmem>>[vector<16xi32>], vector<16xf32>,
        %get3A_262 = arith.index_cast %while3A_250 : i32 to index
        %get3A_263 = arith.constant 64 : index
        %get3A_264 = tpu.vector_load %arg6[%get3A_262, %get3A_263] {strides = array<i32>} : memref<128x128xi32, #tpu.memory_space<vmem>>, vector<16xi32>,
        tpu.vector_store_idx %arg5[%get3A_264], %broadcast_in_dim3A_76 {add = true} : memref<20000xf32, #tpu.memory_space<vmem>>[vector<16xi32>], vector<16xf32>,
        %get3A_265 = arith.index_cast %while3A_250 : i32 to index
        %get3A_266 = arith.constant 80 : index
        %get3A_267 = tpu.vector_load %arg6[%get3A_265, %get3A_266] {strides = array<i32>} : memref<128x128xi32, #tpu.memory_space<vmem>>, vector<16xi32>,
        tpu.vector_store_idx %arg5[%get3A_267], %broadcast_in_dim3A_76 {add = true} : memref<20000xf32, #tpu.memory_space<vmem>>[vector<16xi32>], vector<16xf32>,
        %get3A_268 = arith.index_cast %while3A_250 : i32 to index
        %get3A_269 = arith.constant 96 : index
        %get3A_270 = tpu.vector_load %arg6[%get3A_268, %get3A_269] {strides = array<i32>} : memref<128x128xi32, #tpu.memory_space<vmem>>, vector<16xi32>,
        tpu.vector_store_idx %arg5[%get3A_270], %broadcast_in_dim3A_76 {add = true} : memref<20000xf32, #tpu.memory_space<vmem>>[vector<16xi32>], vector<16xf32>,
        %get3A_271 = arith.index_cast %while3A_250 : i32 to index
        %get3A_272 = arith.constant 112 : index
        %get3A_273 = tpu.vector_load %arg6[%get3A_271, %get3A_272] {strides = array<i32>} : memref<128x128xi32, #tpu.memory_space<vmem>>, vector<16xi32>,
        tpu.vector_store_idx %arg5[%get3A_273], %broadcast_in_dim3A_76 {add = true} : memref<20000xf32, #tpu.memory_space<vmem>>[vector<16xi32>], vector<16xf32>,
      }
      %while3A_233 = arith.constant 1 : i32
      scf.for %while3A_250 = %while3A_231 to %while3A_227 step %while3A_233  : i32 {
        %get3A = arith.index_cast %while3A_250 : i32 to index
        %get3A_251 = arith.constant 0 : index
        %get3A_252 = tpu.vector_load %arg6[%get3A, %get3A_251] {strides = array<i32>} : memref<128x128xi32, #tpu.memory_space<vmem>>, vector<16xi32>,
        tpu.vector_store_idx %arg5[%get3A_252], %broadcast_in_dim3A_76 {add = true} : memref<20000xf32, #tpu.memory_space<vmem>>[vector<16xi32>], vector<16xf32>,
        %get3A_253 = arith.index_cast %while3A_250 : i32 to index
        %get3A_254 = arith.constant 16 : index
        %get3A_255 = tpu.vector_load %arg6[%get3A_253, %get3A_254] {strides = array<i32>} : memref<128x128xi32, #tpu.memory_space<vmem>>, vector<16xi32>,
        tpu.vector_store_idx %arg5[%get3A_255], %broadcast_in_dim3A_76 {add = true} : memref<20000xf32, #tpu.memory_space<vmem>>[vector<16xi32>], vector<16xf32>,
        %get3A_256 = arith.index_cast %while3A_250 : i32 to index
        %get3A_257 = arith.constant 32 : index
        %get3A_258 = tpu.vector_load %arg6[%get3A_256, %get3A_257] {strides = array<i32>} : memref<128x128xi32, #tpu.memory_space<vmem>>, vector<16xi32>,
        tpu.vector_store_idx %arg5[%get3A_258], %broadcast_in_dim3A_76 {add = true} : memref<20000xf32, #tpu.memory_space<vmem>>[vector<16xi32>], vector<16xf32>,
        %get3A_259 = arith.index_cast %while3A_250 : i32 to index
        %get3A_260 = arith.constant 48 : index
        %get3A_261 = tpu.vector_load %arg6[%get3A_259, %get3A_260] {strides = array<i32>} : memref<128x128xi32, #tpu.memory_space<vmem>>, vector<16xi32>,
        tpu.vector_store_idx %arg5[%get3A_261], %broadcast_in_dim3A_76 {add = true} : memref<20000xf32, #tpu.memory_space<vmem>>[vector<16xi32>], vector<16xf32>,
        %get3A_262 = arith.index_cast %while3A_250 : i32 to index
        %get3A_263 = arith.constant 64 : index
        %get3A_264 = tpu.vector_load %arg6[%get3A_262, %get3A_263] {strides = array<i32>} : memref<128x128xi32, #tpu.memory_space<vmem>>, vector<16xi32>,
        tpu.vector_store_idx %arg5[%get3A_264], %broadcast_in_dim3A_76 {add = true} : memref<20000xf32, #tpu.memory_space<vmem>>[vector<16xi32>], vector<16xf32>,
        %get3A_265 = arith.index_cast %while3A_250 : i32 to index
        %get3A_266 = arith.constant 80 : index
        %get3A_267 = tpu.vector_load %arg6[%get3A_265, %get3A_266] {strides = array<i32>} : memref<128x128xi32, #tpu.memory_space<vmem>>, vector<16xi32>,
        tpu.vector_store_idx %arg5[%get3A_267], %broadcast_in_dim3A_76 {add = true} : memref<20000xf32, #tpu.memory_space<vmem>>[vector<16xi32>], vector<16xf32>,
        %get3A_268 = arith.index_cast %while3A_250 : i32 to index
        %get3A_269 = arith.constant 96 : index
        %get3A_270 = tpu.vector_load %arg6[%get3A_268, %get3A_269] {strides = array<i32>} : memref<128x128xi32, #tpu.memory_space<vmem>>, vector<16xi32>,
        tpu.vector_store_idx %arg5[%get3A_270], %broadcast_in_dim3A_76 {add = true} : memref<20000xf32, #tpu.memory_space<vmem>>[vector<16xi32>], vector<16xf32>,
        %get3A_271 = arith.index_cast %while3A_250 : i32 to index
        %get3A_272 = arith.constant 112 : index
        %get3A_273 = tpu.vector_load %arg6[%get3A_271, %get3A_272] {strides = array<i32>} : memref<128x128xi32, #tpu.memory_space<vmem>>, vector<16xi32>,
        tpu.vector_store_idx %arg5[%get3A_273], %broadcast_in_dim3A_76 {add = true} : memref<20000xf32, #tpu.memory_space<vmem>>[vector<16xi32>], vector<16xf32>,
      }
      %add3A_234 = arith.constant 1152 : i32
      %add3A_235 = arith.addi %mul3A_78, %add3A_234 : i32
      "tpu.region"() ({
        %run_scoped3A_250 = tpu.sem_alloc : memref<!tpu.dma_semaphore, #tpu.memory_space<semaphore_mem>>
        %dma_start3A = arith.constant 0 : i32
        %dma_start3A_251 = arith.constant 0 : i32
        %dma_start3A_252 = tpu.memref_slice %arg2[%select_n3A_30, %dma_start3A, %dma_start3A_251] : memref<8x2560x128xi32, #tpu.memory_space<hbm>> -> memref<1x2560x128xi32, #tpu.memory_space<hbm>>
        %dma_start3A_253 = tpu.memref_squeeze %dma_start3A_252 : memref<1x2560x128xi32, #tpu.memory_space<hbm>> -> memref<2560x128xi32, #tpu.memory_space<hbm>>
        %dma_start3A_254 = arith.constant 0 : i32
        %dma_start3A_255 = tpu.memref_slice %dma_start3A_253[%add3A_235, %dma_start3A_254] : memref<2560x128xi32, #tpu.memory_space<hbm>> -> memref<128x128xi32, #tpu.memory_space<hbm>>
        %dma_start3A_256 = arith.constant 0 : i32
        %dma_start3A_257 = arith.constant 0 : i32
        %dma_start3A_258 = tpu.memref_slice %arg2[%select_n3A_30, %dma_start3A_256, %dma_start3A_257] : memref<8x2560x128xi32, #tpu.memory_space<hbm>> -> memref<1x2560x128xi32, #tpu.memory_space<hbm>>
        %dma_start3A_259 = tpu.memref_squeeze %dma_start3A_258 : memref<1x2560x128xi32, #tpu.memory_space<hbm>> -> memref<2560x128xi32, #tpu.memory_space<hbm>>
        %dma_start3A_260 = arith.constant 0 : i32
        %dma_start3A_261 = tpu.memref_slice %dma_start3A_259[%add3A_235, %dma_start3A_260] : memref<2560x128xi32, #tpu.memory_space<hbm>> -> memref<128x128xi32, #tpu.memory_space<hbm>>
        tpu.enqueue_dma source(%dma_start3A_261 : memref<128x128xi32, #tpu.memory_space<hbm>>) target(%arg6 : memref<128x128xi32, #tpu.memory_space<vmem>>) target_semaphore(%run_scoped3A_250 : memref<!tpu.dma_semaphore, #tpu.memory_space<semaphore_mem>>)
        %dma_wait3A = arith.constant 0 : i32
        %dma_wait3A_262 = arith.constant 0 : i32
        %dma_wait3A_263 = tpu.memref_slice %arg2[%select_n3A_30, %dma_wait3A, %dma_wait3A_262] : memref<8x2560x128xi32, #tpu.memory_space<hbm>> -> memref<1x2560x128xi32, #tpu.memory_space<hbm>>
        %dma_wait3A_264 = tpu.memref_squeeze %dma_wait3A_263 : memref<1x2560x128xi32, #tpu.memory_space<hbm>> -> memref<2560x128xi32, #tpu.memory_space<hbm>>
        %dma_wait3A_265 = arith.constant 0 : i32
        %dma_wait3A_266 = tpu.memref_slice %dma_wait3A_264[%add3A_235, %dma_wait3A_265] : memref<2560x128xi32, #tpu.memory_space<hbm>> -> memref<128x128xi32, #tpu.memory_space<hbm>>
        %dma_wait3A_267 = arith.constant 0 : i32
        %dma_wait3A_268 = arith.constant 0 : i32
        %dma_wait3A_269 = tpu.memref_slice %arg2[%select_n3A_30, %dma_wait3A_267, %dma_wait3A_268] : memref<8x2560x128xi32, #tpu.memory_space<hbm>> -> memref<1x2560x128xi32, #tpu.memory_space<hbm>>
        %dma_wait3A_270 = tpu.memref_squeeze %dma_wait3A_269 : memref<1x2560x128xi32, #tpu.memory_space<hbm>> -> memref<2560x128xi32, #tpu.memory_space<hbm>>
        %dma_wait3A_271 = arith.constant 0 : i32
        %dma_wait3A_272 = tpu.memref_slice %dma_wait3A_270[%add3A_235, %dma_wait3A_271] : memref<2560x128xi32, #tpu.memory_space<hbm>> -> memref<128x128xi32, #tpu.memory_space<hbm>>
        tpu.wait_dma2 semaphore(%run_scoped3A_250 : memref<!tpu.dma_semaphore, #tpu.memory_space<semaphore_mem>>) src(%dma_wait3A_272 : memref<128x128xi32, #tpu.memory_space<hbm>>) dst(%arg6 : memref<128x128xi32, #tpu.memory_space<vmem>>)
        tpu.yield
      }) : () -> ()
      %sub3A_236 = arith.constant 1152 : i32
      %sub3A_237 = arith.subi %select_n3A_83, %sub3A_236 : i32
      %min3A_238 = arith.constant 128 : i32
      %min3A_239 = arith.minsi %sub3A_237, %min3A_238 : i32
      %while3A_240 = arith.constant 0 : i32
      %while3A_241 = arith.constant 0 : i32
      %while3A_242 = arith.subi %min3A_239, %while3A_241 : i32
      %while3A_243 = arith.addi %while3A_241, %while3A_242 : i32
      %while3A_244 = arith.constant 1 : i32
      %while3A_245 = arith.divsi %while3A_242, %while3A_244 : i32
      %while3A_246 = arith.muli %while3A_245, %while3A_244 : i32
      %while3A_247 = arith.addi %while3A_241, %while3A_246 : i32
      %while3A_248 = arith.constant 1 : i32
      scf.for %while3A_250 = %while3A_241 to %while3A_247 step %while3A_248  : i32 {
        %get3A = arith.index_cast %while3A_250 : i32 to index
        %get3A_251 = arith.constant 0 : index
        %get3A_252 = tpu.vector_load %arg6[%get3A, %get3A_251] {strides = array<i32>} : memref<128x128xi32, #tpu.memory_space<vmem>>, vector<16xi32>,
        tpu.vector_store_idx %arg5[%get3A_252], %broadcast_in_dim3A_76 {add = true} : memref<20000xf32, #tpu.memory_space<vmem>>[vector<16xi32>], vector<16xf32>,
        %get3A_253 = arith.index_cast %while3A_250 : i32 to index
        %get3A_254 = arith.constant 16 : index
        %get3A_255 = tpu.vector_load %arg6[%get3A_253, %get3A_254] {strides = array<i32>} : memref<128x128xi32, #tpu.memory_space<vmem>>, vector<16xi32>,
        tpu.vector_store_idx %arg5[%get3A_255], %broadcast_in_dim3A_76 {add = true} : memref<20000xf32, #tpu.memory_space<vmem>>[vector<16xi32>], vector<16xf32>,
        %get3A_256 = arith.index_cast %while3A_250 : i32 to index
        %get3A_257 = arith.constant 32 : index
        %get3A_258 = tpu.vector_load %arg6[%get3A_256, %get3A_257] {strides = array<i32>} : memref<128x128xi32, #tpu.memory_space<vmem>>, vector<16xi32>,
        tpu.vector_store_idx %arg5[%get3A_258], %broadcast_in_dim3A_76 {add = true} : memref<20000xf32, #tpu.memory_space<vmem>>[vector<16xi32>], vector<16xf32>,
        %get3A_259 = arith.index_cast %while3A_250 : i32 to index
        %get3A_260 = arith.constant 48 : index
        %get3A_261 = tpu.vector_load %arg6[%get3A_259, %get3A_260] {strides = array<i32>} : memref<128x128xi32, #tpu.memory_space<vmem>>, vector<16xi32>,
        tpu.vector_store_idx %arg5[%get3A_261], %broadcast_in_dim3A_76 {add = true} : memref<20000xf32, #tpu.memory_space<vmem>>[vector<16xi32>], vector<16xf32>,
        %get3A_262 = arith.index_cast %while3A_250 : i32 to index
        %get3A_263 = arith.constant 64 : index
        %get3A_264 = tpu.vector_load %arg6[%get3A_262, %get3A_263] {strides = array<i32>} : memref<128x128xi32, #tpu.memory_space<vmem>>, vector<16xi32>,
        tpu.vector_store_idx %arg5[%get3A_264], %broadcast_in_dim3A_76 {add = true} : memref<20000xf32, #tpu.memory_space<vmem>>[vector<16xi32>], vector<16xf32>,
        %get3A_265 = arith.index_cast %while3A_250 : i32 to index
        %get3A_266 = arith.constant 80 : index
        %get3A_267 = tpu.vector_load %arg6[%get3A_265, %get3A_266] {strides = array<i32>} : memref<128x128xi32, #tpu.memory_space<vmem>>, vector<16xi32>,
        tpu.vector_store_idx %arg5[%get3A_267], %broadcast_in_dim3A_76 {add = true} : memref<20000xf32, #tpu.memory_space<vmem>>[vector<16xi32>], vector<16xf32>,
        %get3A_268 = arith.index_cast %while3A_250 : i32 to index
        %get3A_269 = arith.constant 96 : index
        %get3A_270 = tpu.vector_load %arg6[%get3A_268, %get3A_269] {strides = array<i32>} : memref<128x128xi32, #tpu.memory_space<vmem>>, vector<16xi32>,
        tpu.vector_store_idx %arg5[%get3A_270], %broadcast_in_dim3A_76 {add = true} : memref<20000xf32, #tpu.memory_space<vmem>>[vector<16xi32>], vector<16xf32>,
        %get3A_271 = arith.index_cast %while3A_250 : i32 to index
        %get3A_272 = arith.constant 112 : index
        %get3A_273 = tpu.vector_load %arg6[%get3A_271, %get3A_272] {strides = array<i32>} : memref<128x128xi32, #tpu.memory_space<vmem>>, vector<16xi32>,
        tpu.vector_store_idx %arg5[%get3A_273], %broadcast_in_dim3A_76 {add = true} : memref<20000xf32, #tpu.memory_space<vmem>>[vector<16xi32>], vector<16xf32>,
      }
      %while3A_249 = arith.constant 1 : i32
      scf.for %while3A_250 = %while3A_247 to %while3A_243 step %while3A_249  : i32 {
        %get3A = arith.index_cast %while3A_250 : i32 to index
        %get3A_251 = arith.constant 0 : index
        %get3A_252 = tpu.vector_load %arg6[%get3A, %get3A_251] {strides = array<i32>} : memref<128x128xi32, #tpu.memory_space<vmem>>, vector<16xi32>,
        tpu.vector_store_idx %arg5[%get3A_252], %broadcast_in_dim3A_76 {add = true} : memref<20000xf32, #tpu.memory_space<vmem>>[vector<16xi32>], vector<16xf32>,
        %get3A_253 = arith.index_cast %while3A_250 : i32 to index
        %get3A_254 = arith.constant 16 : index
        %get3A_255 = tpu.vector_load %arg6[%get3A_253, %get3A_254] {strides = array<i32>} : memref<128x128xi32, #tpu.memory_space<vmem>>, vector<16xi32>,
        tpu.vector_store_idx %arg5[%get3A_255], %broadcast_in_dim3A_76 {add = true} : memref<20000xf32, #tpu.memory_space<vmem>>[vector<16xi32>], vector<16xf32>,
        %get3A_256 = arith.index_cast %while3A_250 : i32 to index
        %get3A_257 = arith.constant 32 : index
        %get3A_258 = tpu.vector_load %arg6[%get3A_256, %get3A_257] {strides = array<i32>} : memref<128x128xi32, #tpu.memory_space<vmem>>, vector<16xi32>,
        tpu.vector_store_idx %arg5[%get3A_258], %broadcast_in_dim3A_76 {add = true} : memref<20000xf32, #tpu.memory_space<vmem>>[vector<16xi32>], vector<16xf32>,
        %get3A_259 = arith.index_cast %while3A_250 : i32 to index
        %get3A_260 = arith.constant 48 : index
        %get3A_261 = tpu.vector_load %arg6[%get3A_259, %get3A_260] {strides = array<i32>} : memref<128x128xi32, #tpu.memory_space<vmem>>, vector<16xi32>,
        tpu.vector_store_idx %arg5[%get3A_261], %broadcast_in_dim3A_76 {add = true} : memref<20000xf32, #tpu.memory_space<vmem>>[vector<16xi32>], vector<16xf32>,
        %get3A_262 = arith.index_cast %while3A_250 : i32 to index
        %get3A_263 = arith.constant 64 : index
        %get3A_264 = tpu.vector_load %arg6[%get3A_262, %get3A_263] {strides = array<i32>} : memref<128x128xi32, #tpu.memory_space<vmem>>, vector<16xi32>,
        tpu.vector_store_idx %arg5[%get3A_264], %broadcast_in_dim3A_76 {add = true} : memref<20000xf32, #tpu.memory_space<vmem>>[vector<16xi32>], vector<16xf32>,
        %get3A_265 = arith.index_cast %while3A_250 : i32 to index
        %get3A_266 = arith.constant 80 : index
        %get3A_267 = tpu.vector_load %arg6[%get3A_265, %get3A_266] {strides = array<i32>} : memref<128x128xi32, #tpu.memory_space<vmem>>, vector<16xi32>,
        tpu.vector_store_idx %arg5[%get3A_267], %broadcast_in_dim3A_76 {add = true} : memref<20000xf32, #tpu.memory_space<vmem>>[vector<16xi32>], vector<16xf32>,
        %get3A_268 = arith.index_cast %while3A_250 : i32 to index
        %get3A_269 = arith.constant 96 : index
        %get3A_270 = tpu.vector_load %arg6[%get3A_268, %get3A_269] {strides = array<i32>} : memref<128x128xi32, #tpu.memory_space<vmem>>, vector<16xi32>,
        tpu.vector_store_idx %arg5[%get3A_270], %broadcast_in_dim3A_76 {add = true} : memref<20000xf32, #tpu.memory_space<vmem>>[vector<16xi32>], vector<16xf32>,
        %get3A_271 = arith.index_cast %while3A_250 : i32 to index
        %get3A_272 = arith.constant 112 : index
        %get3A_273 = tpu.vector_load %arg6[%get3A_271, %get3A_272] {strides = array<i32>} : memref<128x128xi32, #tpu.memory_space<vmem>>, vector<16xi32>,
        tpu.vector_store_idx %arg5[%get3A_273], %broadcast_in_dim3A_76 {add = true} : memref<20000xf32, #tpu.memory_space<vmem>>[vector<16xi32>], vector<16xf32>,
      }
    } else {
    }
    %eq3A_87 = arith.constant 1 : i32
    %eq3A_88 = arith.cmpi eq, %select_n3A_46, %eq3A_87 : i32
    %convert_element_type3A_89 = arith.extui %eq3A_88 : i1 to i32
    %cond3A_90 = arith.constant 0 : i32
    %cond3A_91 = arith.cmpi ne, %convert_element_type3A_89, %cond3A_90 : i32
    scf.if %cond3A_91 {
      %add3A_92 = arith.constant 0 : i32
      %add3A_93 = arith.addi %mul3A_78, %add3A_92 : i32
      "tpu.region"() ({
        %run_scoped3A_250 = tpu.sem_alloc : memref<!tpu.dma_semaphore, #tpu.memory_space<semaphore_mem>>
        %dma_start3A = arith.constant 0 : i32
        %dma_start3A_251 = arith.constant 0 : i32
        %dma_start3A_252 = tpu.memref_slice %arg3[%select_n3A_30, %dma_start3A, %dma_start3A_251] : memref<8x2560x128xi32, #tpu.memory_space<hbm>> -> memref<1x2560x128xi32, #tpu.memory_space<hbm>>
        %dma_start3A_253 = tpu.memref_squeeze %dma_start3A_252 : memref<1x2560x128xi32, #tpu.memory_space<hbm>> -> memref<2560x128xi32, #tpu.memory_space<hbm>>
        %dma_start3A_254 = arith.constant 0 : i32
        %dma_start3A_255 = tpu.memref_slice %dma_start3A_253[%add3A_93, %dma_start3A_254] : memref<2560x128xi32, #tpu.memory_space<hbm>> -> memref<128x128xi32, #tpu.memory_space<hbm>>
        %dma_start3A_256 = arith.constant 0 : i32
        %dma_start3A_257 = arith.constant 0 : i32
        %dma_start3A_258 = tpu.memref_slice %arg3[%select_n3A_30, %dma_start3A_256, %dma_start3A_257] : memref<8x2560x128xi32, #tpu.memory_space<hbm>> -> memref<1x2560x128xi32, #tpu.memory_space<hbm>>
        %dma_start3A_259 = tpu.memref_squeeze %dma_start3A_258 : memref<1x2560x128xi32, #tpu.memory_space<hbm>> -> memref<2560x128xi32, #tpu.memory_space<hbm>>
        %dma_start3A_260 = arith.constant 0 : i32
        %dma_start3A_261 = tpu.memref_slice %dma_start3A_259[%add3A_93, %dma_start3A_260] : memref<2560x128xi32, #tpu.memory_space<hbm>> -> memref<128x128xi32, #tpu.memory_space<hbm>>
        tpu.enqueue_dma source(%dma_start3A_261 : memref<128x128xi32, #tpu.memory_space<hbm>>) target(%arg6 : memref<128x128xi32, #tpu.memory_space<vmem>>) target_semaphore(%run_scoped3A_250 : memref<!tpu.dma_semaphore, #tpu.memory_space<semaphore_mem>>)
        %dma_wait3A = arith.constant 0 : i32
        %dma_wait3A_262 = arith.constant 0 : i32
        %dma_wait3A_263 = tpu.memref_slice %arg3[%select_n3A_30, %dma_wait3A, %dma_wait3A_262] : memref<8x2560x128xi32, #tpu.memory_space<hbm>> -> memref<1x2560x128xi32, #tpu.memory_space<hbm>>
        %dma_wait3A_264 = tpu.memref_squeeze %dma_wait3A_263 : memref<1x2560x128xi32, #tpu.memory_space<hbm>> -> memref<2560x128xi32, #tpu.memory_space<hbm>>
        %dma_wait3A_265 = arith.constant 0 : i32
        %dma_wait3A_266 = tpu.memref_slice %dma_wait3A_264[%add3A_93, %dma_wait3A_265] : memref<2560x128xi32, #tpu.memory_space<hbm>> -> memref<128x128xi32, #tpu.memory_space<hbm>>
        %dma_wait3A_267 = arith.constant 0 : i32
        %dma_wait3A_268 = arith.constant 0 : i32
        %dma_wait3A_269 = tpu.memref_slice %arg3[%select_n3A_30, %dma_wait3A_267, %dma_wait3A_268] : memref<8x2560x128xi32, #tpu.memory_space<hbm>> -> memref<1x2560x128xi32, #tpu.memory_space<hbm>>
        %dma_wait3A_270 = tpu.memref_squeeze %dma_wait3A_269 : memref<1x2560x128xi32, #tpu.memory_space<hbm>> -> memref<2560x128xi32, #tpu.memory_space<hbm>>
        %dma_wait3A_271 = arith.constant 0 : i32
        %dma_wait3A_272 = tpu.memref_slice %dma_wait3A_270[%add3A_93, %dma_wait3A_271] : memref<2560x128xi32, #tpu.memory_space<hbm>> -> memref<128x128xi32, #tpu.memory_space<hbm>>
        tpu.wait_dma2 semaphore(%run_scoped3A_250 : memref<!tpu.dma_semaphore, #tpu.memory_space<semaphore_mem>>) src(%dma_wait3A_272 : memref<128x128xi32, #tpu.memory_space<hbm>>) dst(%arg6 : memref<128x128xi32, #tpu.memory_space<vmem>>)
        tpu.yield
      }) : () -> ()
      %sub3A_94 = arith.constant 0 : i32
      %sub3A_95 = arith.subi %select_n3A_83, %sub3A_94 : i32
      %min3A = arith.constant 128 : i32
      %min3A_96 = arith.minsi %sub3A_95, %min3A : i32
      %while3A = arith.constant 0 : i32
      %while3A_97 = arith.constant 0 : i32
      %while3A_98 = arith.subi %min3A_96, %while3A_97 : i32
      %while3A_99 = arith.addi %while3A_97, %while3A_98 : i32
      %while3A_100 = arith.constant 1 : i32
      %while3A_101 = arith.divsi %while3A_98, %while3A_100 : i32
      %while3A_102 = arith.muli %while3A_101, %while3A_100 : i32
      %while3A_103 = arith.addi %while3A_97, %while3A_102 : i32
      %while3A_104 = arith.constant 1 : i32
      scf.for %while3A_250 = %while3A_97 to %while3A_103 step %while3A_104  : i32 {
        %get3A = arith.index_cast %while3A_250 : i32 to index
        %get3A_251 = arith.constant 0 : index
        %get3A_252 = tpu.vector_load %arg6[%get3A, %get3A_251] {strides = array<i32>} : memref<128x128xi32, #tpu.memory_space<vmem>>, vector<16xi32>,
        tpu.vector_store_idx %arg5[%get3A_252], %broadcast_in_dim3A_76 {add = true} : memref<20000xf32, #tpu.memory_space<vmem>>[vector<16xi32>], vector<16xf32>,
        %get3A_253 = arith.index_cast %while3A_250 : i32 to index
        %get3A_254 = arith.constant 16 : index
        %get3A_255 = tpu.vector_load %arg6[%get3A_253, %get3A_254] {strides = array<i32>} : memref<128x128xi32, #tpu.memory_space<vmem>>, vector<16xi32>,
        tpu.vector_store_idx %arg5[%get3A_255], %broadcast_in_dim3A_76 {add = true} : memref<20000xf32, #tpu.memory_space<vmem>>[vector<16xi32>], vector<16xf32>,
        %get3A_256 = arith.index_cast %while3A_250 : i32 to index
        %get3A_257 = arith.constant 32 : index
        %get3A_258 = tpu.vector_load %arg6[%get3A_256, %get3A_257] {strides = array<i32>} : memref<128x128xi32, #tpu.memory_space<vmem>>, vector<16xi32>,
        tpu.vector_store_idx %arg5[%get3A_258], %broadcast_in_dim3A_76 {add = true} : memref<20000xf32, #tpu.memory_space<vmem>>[vector<16xi32>], vector<16xf32>,
        %get3A_259 = arith.index_cast %while3A_250 : i32 to index
        %get3A_260 = arith.constant 48 : index
        %get3A_261 = tpu.vector_load %arg6[%get3A_259, %get3A_260] {strides = array<i32>} : memref<128x128xi32, #tpu.memory_space<vmem>>, vector<16xi32>,
        tpu.vector_store_idx %arg5[%get3A_261], %broadcast_in_dim3A_76 {add = true} : memref<20000xf32, #tpu.memory_space<vmem>>[vector<16xi32>], vector<16xf32>,
        %get3A_262 = arith.index_cast %while3A_250 : i32 to index
        %get3A_263 = arith.constant 64 : index
        %get3A_264 = tpu.vector_load %arg6[%get3A_262, %get3A_263] {strides = array<i32>} : memref<128x128xi32, #tpu.memory_space<vmem>>, vector<16xi32>,
        tpu.vector_store_idx %arg5[%get3A_264], %broadcast_in_dim3A_76 {add = true} : memref<20000xf32, #tpu.memory_space<vmem>>[vector<16xi32>], vector<16xf32>,
        %get3A_265 = arith.index_cast %while3A_250 : i32 to index
        %get3A_266 = arith.constant 80 : index
        %get3A_267 = tpu.vector_load %arg6[%get3A_265, %get3A_266] {strides = array<i32>} : memref<128x128xi32, #tpu.memory_space<vmem>>, vector<16xi32>,
        tpu.vector_store_idx %arg5[%get3A_267], %broadcast_in_dim3A_76 {add = true} : memref<20000xf32, #tpu.memory_space<vmem>>[vector<16xi32>], vector<16xf32>,
        %get3A_268 = arith.index_cast %while3A_250 : i32 to index
        %get3A_269 = arith.constant 96 : index
        %get3A_270 = tpu.vector_load %arg6[%get3A_268, %get3A_269] {strides = array<i32>} : memref<128x128xi32, #tpu.memory_space<vmem>>, vector<16xi32>,
        tpu.vector_store_idx %arg5[%get3A_270], %broadcast_in_dim3A_76 {add = true} : memref<20000xf32, #tpu.memory_space<vmem>>[vector<16xi32>], vector<16xf32>,
        %get3A_271 = arith.index_cast %while3A_250 : i32 to index
        %get3A_272 = arith.constant 112 : index
        %get3A_273 = tpu.vector_load %arg6[%get3A_271, %get3A_272] {strides = array<i32>} : memref<128x128xi32, #tpu.memory_space<vmem>>, vector<16xi32>,
        tpu.vector_store_idx %arg5[%get3A_273], %broadcast_in_dim3A_76 {add = true} : memref<20000xf32, #tpu.memory_space<vmem>>[vector<16xi32>], vector<16xf32>,
      }
      %while3A_105 = arith.constant 1 : i32
      scf.for %while3A_250 = %while3A_103 to %while3A_99 step %while3A_105  : i32 {
        %get3A = arith.index_cast %while3A_250 : i32 to index
        %get3A_251 = arith.constant 0 : index
        %get3A_252 = tpu.vector_load %arg6[%get3A, %get3A_251] {strides = array<i32>} : memref<128x128xi32, #tpu.memory_space<vmem>>, vector<16xi32>,
        tpu.vector_store_idx %arg5[%get3A_252], %broadcast_in_dim3A_76 {add = true} : memref<20000xf32, #tpu.memory_space<vmem>>[vector<16xi32>], vector<16xf32>,
        %get3A_253 = arith.index_cast %while3A_250 : i32 to index
        %get3A_254 = arith.constant 16 : index
        %get3A_255 = tpu.vector_load %arg6[%get3A_253, %get3A_254] {strides = array<i32>} : memref<128x128xi32, #tpu.memory_space<vmem>>, vector<16xi32>,
        tpu.vector_store_idx %arg5[%get3A_255], %broadcast_in_dim3A_76 {add = true} : memref<20000xf32, #tpu.memory_space<vmem>>[vector<16xi32>], vector<16xf32>,
        %get3A_256 = arith.index_cast %while3A_250 : i32 to index
        %get3A_257 = arith.constant 32 : index
        %get3A_258 = tpu.vector_load %arg6[%get3A_256, %get3A_257] {strides = array<i32>} : memref<128x128xi32, #tpu.memory_space<vmem>>, vector<16xi32>,
        tpu.vector_store_idx %arg5[%get3A_258], %broadcast_in_dim3A_76 {add = true} : memref<20000xf32, #tpu.memory_space<vmem>>[vector<16xi32>], vector<16xf32>,
        %get3A_259 = arith.index_cast %while3A_250 : i32 to index
        %get3A_260 = arith.constant 48 : index
        %get3A_261 = tpu.vector_load %arg6[%get3A_259, %get3A_260] {strides = array<i32>} : memref<128x128xi32, #tpu.memory_space<vmem>>, vector<16xi32>,
        tpu.vector_store_idx %arg5[%get3A_261], %broadcast_in_dim3A_76 {add = true} : memref<20000xf32, #tpu.memory_space<vmem>>[vector<16xi32>], vector<16xf32>,
        %get3A_262 = arith.index_cast %while3A_250 : i32 to index
        %get3A_263 = arith.constant 64 : index
        %get3A_264 = tpu.vector_load %arg6[%get3A_262, %get3A_263] {strides = array<i32>} : memref<128x128xi32, #tpu.memory_space<vmem>>, vector<16xi32>,
        tpu.vector_store_idx %arg5[%get3A_264], %broadcast_in_dim3A_76 {add = true} : memref<20000xf32, #tpu.memory_space<vmem>>[vector<16xi32>], vector<16xf32>,
        %get3A_265 = arith.index_cast %while3A_250 : i32 to index
        %get3A_266 = arith.constant 80 : index
        %get3A_267 = tpu.vector_load %arg6[%get3A_265, %get3A_266] {strides = array<i32>} : memref<128x128xi32, #tpu.memory_space<vmem>>, vector<16xi32>,
        tpu.vector_store_idx %arg5[%get3A_267], %broadcast_in_dim3A_76 {add = true} : memref<20000xf32, #tpu.memory_space<vmem>>[vector<16xi32>], vector<16xf32>,
        %get3A_268 = arith.index_cast %while3A_250 : i32 to index
        %get3A_269 = arith.constant 96 : index
        %get3A_270 = tpu.vector_load %arg6[%get3A_268, %get3A_269] {strides = array<i32>} : memref<128x128xi32, #tpu.memory_space<vmem>>, vector<16xi32>,
        tpu.vector_store_idx %arg5[%get3A_270], %broadcast_in_dim3A_76 {add = true} : memref<20000xf32, #tpu.memory_space<vmem>>[vector<16xi32>], vector<16xf32>,
        %get3A_271 = arith.index_cast %while3A_250 : i32 to index
        %get3A_272 = arith.constant 112 : index
        %get3A_273 = tpu.vector_load %arg6[%get3A_271, %get3A_272] {strides = array<i32>} : memref<128x128xi32, #tpu.memory_space<vmem>>, vector<16xi32>,
        tpu.vector_store_idx %arg5[%get3A_273], %broadcast_in_dim3A_76 {add = true} : memref<20000xf32, #tpu.memory_space<vmem>>[vector<16xi32>], vector<16xf32>,
      }
      %add3A_106 = arith.constant 128 : i32
      %add3A_107 = arith.addi %mul3A_78, %add3A_106 : i32
      "tpu.region"() ({
        %run_scoped3A_250 = tpu.sem_alloc : memref<!tpu.dma_semaphore, #tpu.memory_space<semaphore_mem>>
        %dma_start3A = arith.constant 0 : i32
        %dma_start3A_251 = arith.constant 0 : i32
        %dma_start3A_252 = tpu.memref_slice %arg3[%select_n3A_30, %dma_start3A, %dma_start3A_251] : memref<8x2560x128xi32, #tpu.memory_space<hbm>> -> memref<1x2560x128xi32, #tpu.memory_space<hbm>>
        %dma_start3A_253 = tpu.memref_squeeze %dma_start3A_252 : memref<1x2560x128xi32, #tpu.memory_space<hbm>> -> memref<2560x128xi32, #tpu.memory_space<hbm>>
        %dma_start3A_254 = arith.constant 0 : i32
        %dma_start3A_255 = tpu.memref_slice %dma_start3A_253[%add3A_107, %dma_start3A_254] : memref<2560x128xi32, #tpu.memory_space<hbm>> -> memref<128x128xi32, #tpu.memory_space<hbm>>
        %dma_start3A_256 = arith.constant 0 : i32
        %dma_start3A_257 = arith.constant 0 : i32
        %dma_start3A_258 = tpu.memref_slice %arg3[%select_n3A_30, %dma_start3A_256, %dma_start3A_257] : memref<8x2560x128xi32, #tpu.memory_space<hbm>> -> memref<1x2560x128xi32, #tpu.memory_space<hbm>>
        %dma_start3A_259 = tpu.memref_squeeze %dma_start3A_258 : memref<1x2560x128xi32, #tpu.memory_space<hbm>> -> memref<2560x128xi32, #tpu.memory_space<hbm>>
        %dma_start3A_260 = arith.constant 0 : i32
        %dma_start3A_261 = tpu.memref_slice %dma_start3A_259[%add3A_107, %dma_start3A_260] : memref<2560x128xi32, #tpu.memory_space<hbm>> -> memref<128x128xi32, #tpu.memory_space<hbm>>
        tpu.enqueue_dma source(%dma_start3A_261 : memref<128x128xi32, #tpu.memory_space<hbm>>) target(%arg6 : memref<128x128xi32, #tpu.memory_space<vmem>>) target_semaphore(%run_scoped3A_250 : memref<!tpu.dma_semaphore, #tpu.memory_space<semaphore_mem>>)
        %dma_wait3A = arith.constant 0 : i32
        %dma_wait3A_262 = arith.constant 0 : i32
        %dma_wait3A_263 = tpu.memref_slice %arg3[%select_n3A_30, %dma_wait3A, %dma_wait3A_262] : memref<8x2560x128xi32, #tpu.memory_space<hbm>> -> memref<1x2560x128xi32, #tpu.memory_space<hbm>>
        %dma_wait3A_264 = tpu.memref_squeeze %dma_wait3A_263 : memref<1x2560x128xi32, #tpu.memory_space<hbm>> -> memref<2560x128xi32, #tpu.memory_space<hbm>>
        %dma_wait3A_265 = arith.constant 0 : i32
        %dma_wait3A_266 = tpu.memref_slice %dma_wait3A_264[%add3A_107, %dma_wait3A_265] : memref<2560x128xi32, #tpu.memory_space<hbm>> -> memref<128x128xi32, #tpu.memory_space<hbm>>
        %dma_wait3A_267 = arith.constant 0 : i32
        %dma_wait3A_268 = arith.constant 0 : i32
        %dma_wait3A_269 = tpu.memref_slice %arg3[%select_n3A_30, %dma_wait3A_267, %dma_wait3A_268] : memref<8x2560x128xi32, #tpu.memory_space<hbm>> -> memref<1x2560x128xi32, #tpu.memory_space<hbm>>
        %dma_wait3A_270 = tpu.memref_squeeze %dma_wait3A_269 : memref<1x2560x128xi32, #tpu.memory_space<hbm>> -> memref<2560x128xi32, #tpu.memory_space<hbm>>
        %dma_wait3A_271 = arith.constant 0 : i32
        %dma_wait3A_272 = tpu.memref_slice %dma_wait3A_270[%add3A_107, %dma_wait3A_271] : memref<2560x128xi32, #tpu.memory_space<hbm>> -> memref<128x128xi32, #tpu.memory_space<hbm>>
        tpu.wait_dma2 semaphore(%run_scoped3A_250 : memref<!tpu.dma_semaphore, #tpu.memory_space<semaphore_mem>>) src(%dma_wait3A_272 : memref<128x128xi32, #tpu.memory_space<hbm>>) dst(%arg6 : memref<128x128xi32, #tpu.memory_space<vmem>>)
        tpu.yield
      }) : () -> ()
      %sub3A_108 = arith.constant 128 : i32
      %sub3A_109 = arith.subi %select_n3A_83, %sub3A_108 : i32
      %min3A_110 = arith.constant 128 : i32
      %min3A_111 = arith.minsi %sub3A_109, %min3A_110 : i32
      %while3A_112 = arith.constant 0 : i32
      %while3A_113 = arith.constant 0 : i32
      %while3A_114 = arith.subi %min3A_111, %while3A_113 : i32
      %while3A_115 = arith.addi %while3A_113, %while3A_114 : i32
      %while3A_116 = arith.constant 1 : i32
      %while3A_117 = arith.divsi %while3A_114, %while3A_116 : i32
      %while3A_118 = arith.muli %while3A_117, %while3A_116 : i32
      %while3A_119 = arith.addi %while3A_113, %while3A_118 : i32
      %while3A_120 = arith.constant 1 : i32
      scf.for %while3A_250 = %while3A_113 to %while3A_119 step %while3A_120  : i32 {
        %get3A = arith.index_cast %while3A_250 : i32 to index
        %get3A_251 = arith.constant 0 : index
        %get3A_252 = tpu.vector_load %arg6[%get3A, %get3A_251] {strides = array<i32>} : memref<128x128xi32, #tpu.memory_space<vmem>>, vector<16xi32>,
        tpu.vector_store_idx %arg5[%get3A_252], %broadcast_in_dim3A_76 {add = true} : memref<20000xf32, #tpu.memory_space<vmem>>[vector<16xi32>], vector<16xf32>,
        %get3A_253 = arith.index_cast %while3A_250 : i32 to index
        %get3A_254 = arith.constant 16 : index
        %get3A_255 = tpu.vector_load %arg6[%get3A_253, %get3A_254] {strides = array<i32>} : memref<128x128xi32, #tpu.memory_space<vmem>>, vector<16xi32>,
        tpu.vector_store_idx %arg5[%get3A_255], %broadcast_in_dim3A_76 {add = true} : memref<20000xf32, #tpu.memory_space<vmem>>[vector<16xi32>], vector<16xf32>,
        %get3A_256 = arith.index_cast %while3A_250 : i32 to index
        %get3A_257 = arith.constant 32 : index
        %get3A_258 = tpu.vector_load %arg6[%get3A_256, %get3A_257] {strides = array<i32>} : memref<128x128xi32, #tpu.memory_space<vmem>>, vector<16xi32>,
        tpu.vector_store_idx %arg5[%get3A_258], %broadcast_in_dim3A_76 {add = true} : memref<20000xf32, #tpu.memory_space<vmem>>[vector<16xi32>], vector<16xf32>,
        %get3A_259 = arith.index_cast %while3A_250 : i32 to index
        %get3A_260 = arith.constant 48 : index
        %get3A_261 = tpu.vector_load %arg6[%get3A_259, %get3A_260] {strides = array<i32>} : memref<128x128xi32, #tpu.memory_space<vmem>>, vector<16xi32>,
        tpu.vector_store_idx %arg5[%get3A_261], %broadcast_in_dim3A_76 {add = true} : memref<20000xf32, #tpu.memory_space<vmem>>[vector<16xi32>], vector<16xf32>,
        %get3A_262 = arith.index_cast %while3A_250 : i32 to index
        %get3A_263 = arith.constant 64 : index
        %get3A_264 = tpu.vector_load %arg6[%get3A_262, %get3A_263] {strides = array<i32>} : memref<128x128xi32, #tpu.memory_space<vmem>>, vector<16xi32>,
        tpu.vector_store_idx %arg5[%get3A_264], %broadcast_in_dim3A_76 {add = true} : memref<20000xf32, #tpu.memory_space<vmem>>[vector<16xi32>], vector<16xf32>,
        %get3A_265 = arith.index_cast %while3A_250 : i32 to index
        %get3A_266 = arith.constant 80 : index
        %get3A_267 = tpu.vector_load %arg6[%get3A_265, %get3A_266] {strides = array<i32>} : memref<128x128xi32, #tpu.memory_space<vmem>>, vector<16xi32>,
        tpu.vector_store_idx %arg5[%get3A_267], %broadcast_in_dim3A_76 {add = true} : memref<20000xf32, #tpu.memory_space<vmem>>[vector<16xi32>], vector<16xf32>,
        %get3A_268 = arith.index_cast %while3A_250 : i32 to index
        %get3A_269 = arith.constant 96 : index
        %get3A_270 = tpu.vector_load %arg6[%get3A_268, %get3A_269] {strides = array<i32>} : memref<128x128xi32, #tpu.memory_space<vmem>>, vector<16xi32>,
        tpu.vector_store_idx %arg5[%get3A_270], %broadcast_in_dim3A_76 {add = true} : memref<20000xf32, #tpu.memory_space<vmem>>[vector<16xi32>], vector<16xf32>,
        %get3A_271 = arith.index_cast %while3A_250 : i32 to index
        %get3A_272 = arith.constant 112 : index
        %get3A_273 = tpu.vector_load %arg6[%get3A_271, %get3A_272] {strides = array<i32>} : memref<128x128xi32, #tpu.memory_space<vmem>>, vector<16xi32>,
        tpu.vector_store_idx %arg5[%get3A_273], %broadcast_in_dim3A_76 {add = true} : memref<20000xf32, #tpu.memory_space<vmem>>[vector<16xi32>], vector<16xf32>,
      }
      %while3A_121 = arith.constant 1 : i32
      scf.for %while3A_250 = %while3A_119 to %while3A_115 step %while3A_121  : i32 {
        %get3A = arith.index_cast %while3A_250 : i32 to index
        %get3A_251 = arith.constant 0 : index
        %get3A_252 = tpu.vector_load %arg6[%get3A, %get3A_251] {strides = array<i32>} : memref<128x128xi32, #tpu.memory_space<vmem>>, vector<16xi32>,
        tpu.vector_store_idx %arg5[%get3A_252], %broadcast_in_dim3A_76 {add = true} : memref<20000xf32, #tpu.memory_space<vmem>>[vector<16xi32>], vector<16xf32>,
        %get3A_253 = arith.index_cast %while3A_250 : i32 to index
        %get3A_254 = arith.constant 16 : index
        %get3A_255 = tpu.vector_load %arg6[%get3A_253, %get3A_254] {strides = array<i32>} : memref<128x128xi32, #tpu.memory_space<vmem>>, vector<16xi32>,
        tpu.vector_store_idx %arg5[%get3A_255], %broadcast_in_dim3A_76 {add = true} : memref<20000xf32, #tpu.memory_space<vmem>>[vector<16xi32>], vector<16xf32>,
        %get3A_256 = arith.index_cast %while3A_250 : i32 to index
        %get3A_257 = arith.constant 32 : index
        %get3A_258 = tpu.vector_load %arg6[%get3A_256, %get3A_257] {strides = array<i32>} : memref<128x128xi32, #tpu.memory_space<vmem>>, vector<16xi32>,
        tpu.vector_store_idx %arg5[%get3A_258], %broadcast_in_dim3A_76 {add = true} : memref<20000xf32, #tpu.memory_space<vmem>>[vector<16xi32>], vector<16xf32>,
        %get3A_259 = arith.index_cast %while3A_250 : i32 to index
        %get3A_260 = arith.constant 48 : index
        %get3A_261 = tpu.vector_load %arg6[%get3A_259, %get3A_260] {strides = array<i32>} : memref<128x128xi32, #tpu.memory_space<vmem>>, vector<16xi32>,
        tpu.vector_store_idx %arg5[%get3A_261], %broadcast_in_dim3A_76 {add = true} : memref<20000xf32, #tpu.memory_space<vmem>>[vector<16xi32>], vector<16xf32>,
        %get3A_262 = arith.index_cast %while3A_250 : i32 to index
        %get3A_263 = arith.constant 64 : index
        %get3A_264 = tpu.vector_load %arg6[%get3A_262, %get3A_263] {strides = array<i32>} : memref<128x128xi32, #tpu.memory_space<vmem>>, vector<16xi32>,
        tpu.vector_store_idx %arg5[%get3A_264], %broadcast_in_dim3A_76 {add = true} : memref<20000xf32, #tpu.memory_space<vmem>>[vector<16xi32>], vector<16xf32>,
        %get3A_265 = arith.index_cast %while3A_250 : i32 to index
        %get3A_266 = arith.constant 80 : index
        %get3A_267 = tpu.vector_load %arg6[%get3A_265, %get3A_266] {strides = array<i32>} : memref<128x128xi32, #tpu.memory_space<vmem>>, vector<16xi32>,
        tpu.vector_store_idx %arg5[%get3A_267], %broadcast_in_dim3A_76 {add = true} : memref<20000xf32, #tpu.memory_space<vmem>>[vector<16xi32>], vector<16xf32>,
        %get3A_268 = arith.index_cast %while3A_250 : i32 to index
        %get3A_269 = arith.constant 96 : index
        %get3A_270 = tpu.vector_load %arg6[%get3A_268, %get3A_269] {strides = array<i32>} : memref<128x128xi32, #tpu.memory_space<vmem>>, vector<16xi32>,
        tpu.vector_store_idx %arg5[%get3A_270], %broadcast_in_dim3A_76 {add = true} : memref<20000xf32, #tpu.memory_space<vmem>>[vector<16xi32>], vector<16xf32>,
        %get3A_271 = arith.index_cast %while3A_250 : i32 to index
        %get3A_272 = arith.constant 112 : index
        %get3A_273 = tpu.vector_load %arg6[%get3A_271, %get3A_272] {strides = array<i32>} : memref<128x128xi32, #tpu.memory_space<vmem>>, vector<16xi32>,
        tpu.vector_store_idx %arg5[%get3A_273], %broadcast_in_dim3A_76 {add = true} : memref<20000xf32, #tpu.memory_space<vmem>>[vector<16xi32>], vector<16xf32>,
      }
      %add3A_122 = arith.constant 256 : i32
      %add3A_123 = arith.addi %mul3A_78, %add3A_122 : i32
      "tpu.region"() ({
        %run_scoped3A_250 = tpu.sem_alloc : memref<!tpu.dma_semaphore, #tpu.memory_space<semaphore_mem>>
        %dma_start3A = arith.constant 0 : i32
        %dma_start3A_251 = arith.constant 0 : i32
        %dma_start3A_252 = tpu.memref_slice %arg3[%select_n3A_30, %dma_start3A, %dma_start3A_251] : memref<8x2560x128xi32, #tpu.memory_space<hbm>> -> memref<1x2560x128xi32, #tpu.memory_space<hbm>>
        %dma_start3A_253 = tpu.memref_squeeze %dma_start3A_252 : memref<1x2560x128xi32, #tpu.memory_space<hbm>> -> memref<2560x128xi32, #tpu.memory_space<hbm>>
        %dma_start3A_254 = arith.constant 0 : i32
        %dma_start3A_255 = tpu.memref_slice %dma_start3A_253[%add3A_123, %dma_start3A_254] : memref<2560x128xi32, #tpu.memory_space<hbm>> -> memref<128x128xi32, #tpu.memory_space<hbm>>
        %dma_start3A_256 = arith.constant 0 : i32
        %dma_start3A_257 = arith.constant 0 : i32
        %dma_start3A_258 = tpu.memref_slice %arg3[%select_n3A_30, %dma_start3A_256, %dma_start3A_257] : memref<8x2560x128xi32, #tpu.memory_space<hbm>> -> memref<1x2560x128xi32, #tpu.memory_space<hbm>>
        %dma_start3A_259 = tpu.memref_squeeze %dma_start3A_258 : memref<1x2560x128xi32, #tpu.memory_space<hbm>> -> memref<2560x128xi32, #tpu.memory_space<hbm>>
        %dma_start3A_260 = arith.constant 0 : i32
        %dma_start3A_261 = tpu.memref_slice %dma_start3A_259[%add3A_123, %dma_start3A_260] : memref<2560x128xi32, #tpu.memory_space<hbm>> -> memref<128x128xi32, #tpu.memory_space<hbm>>
        tpu.enqueue_dma source(%dma_start3A_261 : memref<128x128xi32, #tpu.memory_space<hbm>>) target(%arg6 : memref<128x128xi32, #tpu.memory_space<vmem>>) target_semaphore(%run_scoped3A_250 : memref<!tpu.dma_semaphore, #tpu.memory_space<semaphore_mem>>)
        %dma_wait3A = arith.constant 0 : i32
        %dma_wait3A_262 = arith.constant 0 : i32
        %dma_wait3A_263 = tpu.memref_slice %arg3[%select_n3A_30, %dma_wait3A, %dma_wait3A_262] : memref<8x2560x128xi32, #tpu.memory_space<hbm>> -> memref<1x2560x128xi32, #tpu.memory_space<hbm>>
        %dma_wait3A_264 = tpu.memref_squeeze %dma_wait3A_263 : memref<1x2560x128xi32, #tpu.memory_space<hbm>> -> memref<2560x128xi32, #tpu.memory_space<hbm>>
        %dma_wait3A_265 = arith.constant 0 : i32
        %dma_wait3A_266 = tpu.memref_slice %dma_wait3A_264[%add3A_123, %dma_wait3A_265] : memref<2560x128xi32, #tpu.memory_space<hbm>> -> memref<128x128xi32, #tpu.memory_space<hbm>>
        %dma_wait3A_267 = arith.constant 0 : i32
        %dma_wait3A_268 = arith.constant 0 : i32
        %dma_wait3A_269 = tpu.memref_slice %arg3[%select_n3A_30, %dma_wait3A_267, %dma_wait3A_268] : memref<8x2560x128xi32, #tpu.memory_space<hbm>> -> memref<1x2560x128xi32, #tpu.memory_space<hbm>>
        %dma_wait3A_270 = tpu.memref_squeeze %dma_wait3A_269 : memref<1x2560x128xi32, #tpu.memory_space<hbm>> -> memref<2560x128xi32, #tpu.memory_space<hbm>>
        %dma_wait3A_271 = arith.constant 0 : i32
        %dma_wait3A_272 = tpu.memref_slice %dma_wait3A_270[%add3A_123, %dma_wait3A_271] : memref<2560x128xi32, #tpu.memory_space<hbm>> -> memref<128x128xi32, #tpu.memory_space<hbm>>
        tpu.wait_dma2 semaphore(%run_scoped3A_250 : memref<!tpu.dma_semaphore, #tpu.memory_space<semaphore_mem>>) src(%dma_wait3A_272 : memref<128x128xi32, #tpu.memory_space<hbm>>) dst(%arg6 : memref<128x128xi32, #tpu.memory_space<vmem>>)
        tpu.yield
      }) : () -> ()
      %sub3A_124 = arith.constant 256 : i32
      %sub3A_125 = arith.subi %select_n3A_83, %sub3A_124 : i32
      %min3A_126 = arith.constant 128 : i32
      %min3A_127 = arith.minsi %sub3A_125, %min3A_126 : i32
      %while3A_128 = arith.constant 0 : i32
      %while3A_129 = arith.constant 0 : i32
      %while3A_130 = arith.subi %min3A_127, %while3A_129 : i32
      %while3A_131 = arith.addi %while3A_129, %while3A_130 : i32
      %while3A_132 = arith.constant 1 : i32
      %while3A_133 = arith.divsi %while3A_130, %while3A_132 : i32
      %while3A_134 = arith.muli %while3A_133, %while3A_132 : i32
      %while3A_135 = arith.addi %while3A_129, %while3A_134 : i32
      %while3A_136 = arith.constant 1 : i32
      scf.for %while3A_250 = %while3A_129 to %while3A_135 step %while3A_136  : i32 {
        %get3A = arith.index_cast %while3A_250 : i32 to index
        %get3A_251 = arith.constant 0 : index
        %get3A_252 = tpu.vector_load %arg6[%get3A, %get3A_251] {strides = array<i32>} : memref<128x128xi32, #tpu.memory_space<vmem>>, vector<16xi32>,
        tpu.vector_store_idx %arg5[%get3A_252], %broadcast_in_dim3A_76 {add = true} : memref<20000xf32, #tpu.memory_space<vmem>>[vector<16xi32>], vector<16xf32>,
        %get3A_253 = arith.index_cast %while3A_250 : i32 to index
        %get3A_254 = arith.constant 16 : index
        %get3A_255 = tpu.vector_load %arg6[%get3A_253, %get3A_254] {strides = array<i32>} : memref<128x128xi32, #tpu.memory_space<vmem>>, vector<16xi32>,
        tpu.vector_store_idx %arg5[%get3A_255], %broadcast_in_dim3A_76 {add = true} : memref<20000xf32, #tpu.memory_space<vmem>>[vector<16xi32>], vector<16xf32>,
        %get3A_256 = arith.index_cast %while3A_250 : i32 to index
        %get3A_257 = arith.constant 32 : index
        %get3A_258 = tpu.vector_load %arg6[%get3A_256, %get3A_257] {strides = array<i32>} : memref<128x128xi32, #tpu.memory_space<vmem>>, vector<16xi32>,
        tpu.vector_store_idx %arg5[%get3A_258], %broadcast_in_dim3A_76 {add = true} : memref<20000xf32, #tpu.memory_space<vmem>>[vector<16xi32>], vector<16xf32>,
        %get3A_259 = arith.index_cast %while3A_250 : i32 to index
        %get3A_260 = arith.constant 48 : index
        %get3A_261 = tpu.vector_load %arg6[%get3A_259, %get3A_260] {strides = array<i32>} : memref<128x128xi32, #tpu.memory_space<vmem>>, vector<16xi32>,
        tpu.vector_store_idx %arg5[%get3A_261], %broadcast_in_dim3A_76 {add = true} : memref<20000xf32, #tpu.memory_space<vmem>>[vector<16xi32>], vector<16xf32>,
        %get3A_262 = arith.index_cast %while3A_250 : i32 to index
        %get3A_263 = arith.constant 64 : index
        %get3A_264 = tpu.vector_load %arg6[%get3A_262, %get3A_263] {strides = array<i32>} : memref<128x128xi32, #tpu.memory_space<vmem>>, vector<16xi32>,
        tpu.vector_store_idx %arg5[%get3A_264], %broadcast_in_dim3A_76 {add = true} : memref<20000xf32, #tpu.memory_space<vmem>>[vector<16xi32>], vector<16xf32>,
        %get3A_265 = arith.index_cast %while3A_250 : i32 to index
        %get3A_266 = arith.constant 80 : index
        %get3A_267 = tpu.vector_load %arg6[%get3A_265, %get3A_266] {strides = array<i32>} : memref<128x128xi32, #tpu.memory_space<vmem>>, vector<16xi32>,
        tpu.vector_store_idx %arg5[%get3A_267], %broadcast_in_dim3A_76 {add = true} : memref<20000xf32, #tpu.memory_space<vmem>>[vector<16xi32>], vector<16xf32>,
        %get3A_268 = arith.index_cast %while3A_250 : i32 to index
        %get3A_269 = arith.constant 96 : index
        %get3A_270 = tpu.vector_load %arg6[%get3A_268, %get3A_269] {strides = array<i32>} : memref<128x128xi32, #tpu.memory_space<vmem>>, vector<16xi32>,
        tpu.vector_store_idx %arg5[%get3A_270], %broadcast_in_dim3A_76 {add = true} : memref<20000xf32, #tpu.memory_space<vmem>>[vector<16xi32>], vector<16xf32>,
        %get3A_271 = arith.index_cast %while3A_250 : i32 to index
        %get3A_272 = arith.constant 112 : index
        %get3A_273 = tpu.vector_load %arg6[%get3A_271, %get3A_272] {strides = array<i32>} : memref<128x128xi32, #tpu.memory_space<vmem>>, vector<16xi32>,
        tpu.vector_store_idx %arg5[%get3A_273], %broadcast_in_dim3A_76 {add = true} : memref<20000xf32, #tpu.memory_space<vmem>>[vector<16xi32>], vector<16xf32>,
      }
      %while3A_137 = arith.constant 1 : i32
      scf.for %while3A_250 = %while3A_135 to %while3A_131 step %while3A_137  : i32 {
        %get3A = arith.index_cast %while3A_250 : i32 to index
        %get3A_251 = arith.constant 0 : index
        %get3A_252 = tpu.vector_load %arg6[%get3A, %get3A_251] {strides = array<i32>} : memref<128x128xi32, #tpu.memory_space<vmem>>, vector<16xi32>,
        tpu.vector_store_idx %arg5[%get3A_252], %broadcast_in_dim3A_76 {add = true} : memref<20000xf32, #tpu.memory_space<vmem>>[vector<16xi32>], vector<16xf32>,
        %get3A_253 = arith.index_cast %while3A_250 : i32 to index
        %get3A_254 = arith.constant 16 : index
        %get3A_255 = tpu.vector_load %arg6[%get3A_253, %get3A_254] {strides = array<i32>} : memref<128x128xi32, #tpu.memory_space<vmem>>, vector<16xi32>,
        tpu.vector_store_idx %arg5[%get3A_255], %broadcast_in_dim3A_76 {add = true} : memref<20000xf32, #tpu.memory_space<vmem>>[vector<16xi32>], vector<16xf32>,
        %get3A_256 = arith.index_cast %while3A_250 : i32 to index
        %get3A_257 = arith.constant 32 : index
        %get3A_258 = tpu.vector_load %arg6[%get3A_256, %get3A_257] {strides = array<i32>} : memref<128x128xi32, #tpu.memory_space<vmem>>, vector<16xi32>,
        tpu.vector_store_idx %arg5[%get3A_258], %broadcast_in_dim3A_76 {add = true} : memref<20000xf32, #tpu.memory_space<vmem>>[vector<16xi32>], vector<16xf32>,
        %get3A_259 = arith.index_cast %while3A_250 : i32 to index
        %get3A_260 = arith.constant 48 : index
        %get3A_261 = tpu.vector_load %arg6[%get3A_259, %get3A_260] {strides = array<i32>} : memref<128x128xi32, #tpu.memory_space<vmem>>, vector<16xi32>,
        tpu.vector_store_idx %arg5[%get3A_261], %broadcast_in_dim3A_76 {add = true} : memref<20000xf32, #tpu.memory_space<vmem>>[vector<16xi32>], vector<16xf32>,
        %get3A_262 = arith.index_cast %while3A_250 : i32 to index
        %get3A_263 = arith.constant 64 : index
        %get3A_264 = tpu.vector_load %arg6[%get3A_262, %get3A_263] {strides = array<i32>} : memref<128x128xi32, #tpu.memory_space<vmem>>, vector<16xi32>,
        tpu.vector_store_idx %arg5[%get3A_264], %broadcast_in_dim3A_76 {add = true} : memref<20000xf32, #tpu.memory_space<vmem>>[vector<16xi32>], vector<16xf32>,
        %get3A_265 = arith.index_cast %while3A_250 : i32 to index
        %get3A_266 = arith.constant 80 : index
        %get3A_267 = tpu.vector_load %arg6[%get3A_265, %get3A_266] {strides = array<i32>} : memref<128x128xi32, #tpu.memory_space<vmem>>, vector<16xi32>,
        tpu.vector_store_idx %arg5[%get3A_267], %broadcast_in_dim3A_76 {add = true} : memref<20000xf32, #tpu.memory_space<vmem>>[vector<16xi32>], vector<16xf32>,
        %get3A_268 = arith.index_cast %while3A_250 : i32 to index
        %get3A_269 = arith.constant 96 : index
        %get3A_270 = tpu.vector_load %arg6[%get3A_268, %get3A_269] {strides = array<i32>} : memref<128x128xi32, #tpu.memory_space<vmem>>, vector<16xi32>,
        tpu.vector_store_idx %arg5[%get3A_270], %broadcast_in_dim3A_76 {add = true} : memref<20000xf32, #tpu.memory_space<vmem>>[vector<16xi32>], vector<16xf32>,
        %get3A_271 = arith.index_cast %while3A_250 : i32 to index
        %get3A_272 = arith.constant 112 : index
        %get3A_273 = tpu.vector_load %arg6[%get3A_271, %get3A_272] {strides = array<i32>} : memref<128x128xi32, #tpu.memory_space<vmem>>, vector<16xi32>,
        tpu.vector_store_idx %arg5[%get3A_273], %broadcast_in_dim3A_76 {add = true} : memref<20000xf32, #tpu.memory_space<vmem>>[vector<16xi32>], vector<16xf32>,
      }
      %add3A_138 = arith.constant 384 : i32
      %add3A_139 = arith.addi %mul3A_78, %add3A_138 : i32
      "tpu.region"() ({
        %run_scoped3A_250 = tpu.sem_alloc : memref<!tpu.dma_semaphore, #tpu.memory_space<semaphore_mem>>
        %dma_start3A = arith.constant 0 : i32
        %dma_start3A_251 = arith.constant 0 : i32
        %dma_start3A_252 = tpu.memref_slice %arg3[%select_n3A_30, %dma_start3A, %dma_start3A_251] : memref<8x2560x128xi32, #tpu.memory_space<hbm>> -> memref<1x2560x128xi32, #tpu.memory_space<hbm>>
        %dma_start3A_253 = tpu.memref_squeeze %dma_start3A_252 : memref<1x2560x128xi32, #tpu.memory_space<hbm>> -> memref<2560x128xi32, #tpu.memory_space<hbm>>
        %dma_start3A_254 = arith.constant 0 : i32
        %dma_start3A_255 = tpu.memref_slice %dma_start3A_253[%add3A_139, %dma_start3A_254] : memref<2560x128xi32, #tpu.memory_space<hbm>> -> memref<128x128xi32, #tpu.memory_space<hbm>>
        %dma_start3A_256 = arith.constant 0 : i32
        %dma_start3A_257 = arith.constant 0 : i32
        %dma_start3A_258 = tpu.memref_slice %arg3[%select_n3A_30, %dma_start3A_256, %dma_start3A_257] : memref<8x2560x128xi32, #tpu.memory_space<hbm>> -> memref<1x2560x128xi32, #tpu.memory_space<hbm>>
        %dma_start3A_259 = tpu.memref_squeeze %dma_start3A_258 : memref<1x2560x128xi32, #tpu.memory_space<hbm>> -> memref<2560x128xi32, #tpu.memory_space<hbm>>
        %dma_start3A_260 = arith.constant 0 : i32
        %dma_start3A_261 = tpu.memref_slice %dma_start3A_259[%add3A_139, %dma_start3A_260] : memref<2560x128xi32, #tpu.memory_space<hbm>> -> memref<128x128xi32, #tpu.memory_space<hbm>>
        tpu.enqueue_dma source(%dma_start3A_261 : memref<128x128xi32, #tpu.memory_space<hbm>>) target(%arg6 : memref<128x128xi32, #tpu.memory_space<vmem>>) target_semaphore(%run_scoped3A_250 : memref<!tpu.dma_semaphore, #tpu.memory_space<semaphore_mem>>)
        %dma_wait3A = arith.constant 0 : i32
        %dma_wait3A_262 = arith.constant 0 : i32
        %dma_wait3A_263 = tpu.memref_slice %arg3[%select_n3A_30, %dma_wait3A, %dma_wait3A_262] : memref<8x2560x128xi32, #tpu.memory_space<hbm>> -> memref<1x2560x128xi32, #tpu.memory_space<hbm>>
        %dma_wait3A_264 = tpu.memref_squeeze %dma_wait3A_263 : memref<1x2560x128xi32, #tpu.memory_space<hbm>> -> memref<2560x128xi32, #tpu.memory_space<hbm>>
        %dma_wait3A_265 = arith.constant 0 : i32
        %dma_wait3A_266 = tpu.memref_slice %dma_wait3A_264[%add3A_139, %dma_wait3A_265] : memref<2560x128xi32, #tpu.memory_space<hbm>> -> memref<128x128xi32, #tpu.memory_space<hbm>>
        %dma_wait3A_267 = arith.constant 0 : i32
        %dma_wait3A_268 = arith.constant 0 : i32
        %dma_wait3A_269 = tpu.memref_slice %arg3[%select_n3A_30, %dma_wait3A_267, %dma_wait3A_268] : memref<8x2560x128xi32, #tpu.memory_space<hbm>> -> memref<1x2560x128xi32, #tpu.memory_space<hbm>>
        %dma_wait3A_270 = tpu.memref_squeeze %dma_wait3A_269 : memref<1x2560x128xi32, #tpu.memory_space<hbm>> -> memref<2560x128xi32, #tpu.memory_space<hbm>>
        %dma_wait3A_271 = arith.constant 0 : i32
        %dma_wait3A_272 = tpu.memref_slice %dma_wait3A_270[%add3A_139, %dma_wait3A_271] : memref<2560x128xi32, #tpu.memory_space<hbm>> -> memref<128x128xi32, #tpu.memory_space<hbm>>
        tpu.wait_dma2 semaphore(%run_scoped3A_250 : memref<!tpu.dma_semaphore, #tpu.memory_space<semaphore_mem>>) src(%dma_wait3A_272 : memref<128x128xi32, #tpu.memory_space<hbm>>) dst(%arg6 : memref<128x128xi32, #tpu.memory_space<vmem>>)
        tpu.yield
      }) : () -> ()
      %sub3A_140 = arith.constant 384 : i32
      %sub3A_141 = arith.subi %select_n3A_83, %sub3A_140 : i32
      %min3A_142 = arith.constant 128 : i32
      %min3A_143 = arith.minsi %sub3A_141, %min3A_142 : i32
      %while3A_144 = arith.constant 0 : i32
      %while3A_145 = arith.constant 0 : i32
      %while3A_146 = arith.subi %min3A_143, %while3A_145 : i32
      %while3A_147 = arith.addi %while3A_145, %while3A_146 : i32
      %while3A_148 = arith.constant 1 : i32
      %while3A_149 = arith.divsi %while3A_146, %while3A_148 : i32
      %while3A_150 = arith.muli %while3A_149, %while3A_148 : i32
      %while3A_151 = arith.addi %while3A_145, %while3A_150 : i32
      %while3A_152 = arith.constant 1 : i32
      scf.for %while3A_250 = %while3A_145 to %while3A_151 step %while3A_152  : i32 {
        %get3A = arith.index_cast %while3A_250 : i32 to index
        %get3A_251 = arith.constant 0 : index
        %get3A_252 = tpu.vector_load %arg6[%get3A, %get3A_251] {strides = array<i32>} : memref<128x128xi32, #tpu.memory_space<vmem>>, vector<16xi32>,
        tpu.vector_store_idx %arg5[%get3A_252], %broadcast_in_dim3A_76 {add = true} : memref<20000xf32, #tpu.memory_space<vmem>>[vector<16xi32>], vector<16xf32>,
        %get3A_253 = arith.index_cast %while3A_250 : i32 to index
        %get3A_254 = arith.constant 16 : index
        %get3A_255 = tpu.vector_load %arg6[%get3A_253, %get3A_254] {strides = array<i32>} : memref<128x128xi32, #tpu.memory_space<vmem>>, vector<16xi32>,
        tpu.vector_store_idx %arg5[%get3A_255], %broadcast_in_dim3A_76 {add = true} : memref<20000xf32, #tpu.memory_space<vmem>>[vector<16xi32>], vector<16xf32>,
        %get3A_256 = arith.index_cast %while3A_250 : i32 to index
        %get3A_257 = arith.constant 32 : index
        %get3A_258 = tpu.vector_load %arg6[%get3A_256, %get3A_257] {strides = array<i32>} : memref<128x128xi32, #tpu.memory_space<vmem>>, vector<16xi32>,
        tpu.vector_store_idx %arg5[%get3A_258], %broadcast_in_dim3A_76 {add = true} : memref<20000xf32, #tpu.memory_space<vmem>>[vector<16xi32>], vector<16xf32>,
        %get3A_259 = arith.index_cast %while3A_250 : i32 to index
        %get3A_260 = arith.constant 48 : index
        %get3A_261 = tpu.vector_load %arg6[%get3A_259, %get3A_260] {strides = array<i32>} : memref<128x128xi32, #tpu.memory_space<vmem>>, vector<16xi32>,
        tpu.vector_store_idx %arg5[%get3A_261], %broadcast_in_dim3A_76 {add = true} : memref<20000xf32, #tpu.memory_space<vmem>>[vector<16xi32>], vector<16xf32>,
        %get3A_262 = arith.index_cast %while3A_250 : i32 to index
        %get3A_263 = arith.constant 64 : index
        %get3A_264 = tpu.vector_load %arg6[%get3A_262, %get3A_263] {strides = array<i32>} : memref<128x128xi32, #tpu.memory_space<vmem>>, vector<16xi32>,
        tpu.vector_store_idx %arg5[%get3A_264], %broadcast_in_dim3A_76 {add = true} : memref<20000xf32, #tpu.memory_space<vmem>>[vector<16xi32>], vector<16xf32>,
        %get3A_265 = arith.index_cast %while3A_250 : i32 to index
        %get3A_266 = arith.constant 80 : index
        %get3A_267 = tpu.vector_load %arg6[%get3A_265, %get3A_266] {strides = array<i32>} : memref<128x128xi32, #tpu.memory_space<vmem>>, vector<16xi32>,
        tpu.vector_store_idx %arg5[%get3A_267], %broadcast_in_dim3A_76 {add = true} : memref<20000xf32, #tpu.memory_space<vmem>>[vector<16xi32>], vector<16xf32>,
        %get3A_268 = arith.index_cast %while3A_250 : i32 to index
        %get3A_269 = arith.constant 96 : index
        %get3A_270 = tpu.vector_load %arg6[%get3A_268, %get3A_269] {strides = array<i32>} : memref<128x128xi32, #tpu.memory_space<vmem>>, vector<16xi32>,
        tpu.vector_store_idx %arg5[%get3A_270], %broadcast_in_dim3A_76 {add = true} : memref<20000xf32, #tpu.memory_space<vmem>>[vector<16xi32>], vector<16xf32>,
        %get3A_271 = arith.index_cast %while3A_250 : i32 to index
        %get3A_272 = arith.constant 112 : index
        %get3A_273 = tpu.vector_load %arg6[%get3A_271, %get3A_272] {strides = array<i32>} : memref<128x128xi32, #tpu.memory_space<vmem>>, vector<16xi32>,
        tpu.vector_store_idx %arg5[%get3A_273], %broadcast_in_dim3A_76 {add = true} : memref<20000xf32, #tpu.memory_space<vmem>>[vector<16xi32>], vector<16xf32>,
      }
      %while3A_153 = arith.constant 1 : i32
      scf.for %while3A_250 = %while3A_151 to %while3A_147 step %while3A_153  : i32 {
        %get3A = arith.index_cast %while3A_250 : i32 to index
        %get3A_251 = arith.constant 0 : index
        %get3A_252 = tpu.vector_load %arg6[%get3A, %get3A_251] {strides = array<i32>} : memref<128x128xi32, #tpu.memory_space<vmem>>, vector<16xi32>,
        tpu.vector_store_idx %arg5[%get3A_252], %broadcast_in_dim3A_76 {add = true} : memref<20000xf32, #tpu.memory_space<vmem>>[vector<16xi32>], vector<16xf32>,
        %get3A_253 = arith.index_cast %while3A_250 : i32 to index
        %get3A_254 = arith.constant 16 : index
        %get3A_255 = tpu.vector_load %arg6[%get3A_253, %get3A_254] {strides = array<i32>} : memref<128x128xi32, #tpu.memory_space<vmem>>, vector<16xi32>,
        tpu.vector_store_idx %arg5[%get3A_255], %broadcast_in_dim3A_76 {add = true} : memref<20000xf32, #tpu.memory_space<vmem>>[vector<16xi32>], vector<16xf32>,
        %get3A_256 = arith.index_cast %while3A_250 : i32 to index
        %get3A_257 = arith.constant 32 : index
        %get3A_258 = tpu.vector_load %arg6[%get3A_256, %get3A_257] {strides = array<i32>} : memref<128x128xi32, #tpu.memory_space<vmem>>, vector<16xi32>,
        tpu.vector_store_idx %arg5[%get3A_258], %broadcast_in_dim3A_76 {add = true} : memref<20000xf32, #tpu.memory_space<vmem>>[vector<16xi32>], vector<16xf32>,
        %get3A_259 = arith.index_cast %while3A_250 : i32 to index
        %get3A_260 = arith.constant 48 : index
        %get3A_261 = tpu.vector_load %arg6[%get3A_259, %get3A_260] {strides = array<i32>} : memref<128x128xi32, #tpu.memory_space<vmem>>, vector<16xi32>,
        tpu.vector_store_idx %arg5[%get3A_261], %broadcast_in_dim3A_76 {add = true} : memref<20000xf32, #tpu.memory_space<vmem>>[vector<16xi32>], vector<16xf32>,
        %get3A_262 = arith.index_cast %while3A_250 : i32 to index
        %get3A_263 = arith.constant 64 : index
        %get3A_264 = tpu.vector_load %arg6[%get3A_262, %get3A_263] {strides = array<i32>} : memref<128x128xi32, #tpu.memory_space<vmem>>, vector<16xi32>,
        tpu.vector_store_idx %arg5[%get3A_264], %broadcast_in_dim3A_76 {add = true} : memref<20000xf32, #tpu.memory_space<vmem>>[vector<16xi32>], vector<16xf32>,
        %get3A_265 = arith.index_cast %while3A_250 : i32 to index
        %get3A_266 = arith.constant 80 : index
        %get3A_267 = tpu.vector_load %arg6[%get3A_265, %get3A_266] {strides = array<i32>} : memref<128x128xi32, #tpu.memory_space<vmem>>, vector<16xi32>,
        tpu.vector_store_idx %arg5[%get3A_267], %broadcast_in_dim3A_76 {add = true} : memref<20000xf32, #tpu.memory_space<vmem>>[vector<16xi32>], vector<16xf32>,
        %get3A_268 = arith.index_cast %while3A_250 : i32 to index
        %get3A_269 = arith.constant 96 : index
        %get3A_270 = tpu.vector_load %arg6[%get3A_268, %get3A_269] {strides = array<i32>} : memref<128x128xi32, #tpu.memory_space<vmem>>, vector<16xi32>,
        tpu.vector_store_idx %arg5[%get3A_270], %broadcast_in_dim3A_76 {add = true} : memref<20000xf32, #tpu.memory_space<vmem>>[vector<16xi32>], vector<16xf32>,
        %get3A_271 = arith.index_cast %while3A_250 : i32 to index
        %get3A_272 = arith.constant 112 : index
        %get3A_273 = tpu.vector_load %arg6[%get3A_271, %get3A_272] {strides = array<i32>} : memref<128x128xi32, #tpu.memory_space<vmem>>, vector<16xi32>,
        tpu.vector_store_idx %arg5[%get3A_273], %broadcast_in_dim3A_76 {add = true} : memref<20000xf32, #tpu.memory_space<vmem>>[vector<16xi32>], vector<16xf32>,
      }
      %add3A_154 = arith.constant 512 : i32
      %add3A_155 = arith.addi %mul3A_78, %add3A_154 : i32
      "tpu.region"() ({
        %run_scoped3A_250 = tpu.sem_alloc : memref<!tpu.dma_semaphore, #tpu.memory_space<semaphore_mem>>
        %dma_start3A = arith.constant 0 : i32
        %dma_start3A_251 = arith.constant 0 : i32
        %dma_start3A_252 = tpu.memref_slice %arg3[%select_n3A_30, %dma_start3A, %dma_start3A_251] : memref<8x2560x128xi32, #tpu.memory_space<hbm>> -> memref<1x2560x128xi32, #tpu.memory_space<hbm>>
        %dma_start3A_253 = tpu.memref_squeeze %dma_start3A_252 : memref<1x2560x128xi32, #tpu.memory_space<hbm>> -> memref<2560x128xi32, #tpu.memory_space<hbm>>
        %dma_start3A_254 = arith.constant 0 : i32
        %dma_start3A_255 = tpu.memref_slice %dma_start3A_253[%add3A_155, %dma_start3A_254] : memref<2560x128xi32, #tpu.memory_space<hbm>> -> memref<128x128xi32, #tpu.memory_space<hbm>>
        %dma_start3A_256 = arith.constant 0 : i32
        %dma_start3A_257 = arith.constant 0 : i32
        %dma_start3A_258 = tpu.memref_slice %arg3[%select_n3A_30, %dma_start3A_256, %dma_start3A_257] : memref<8x2560x128xi32, #tpu.memory_space<hbm>> -> memref<1x2560x128xi32, #tpu.memory_space<hbm>>
        %dma_start3A_259 = tpu.memref_squeeze %dma_start3A_258 : memref<1x2560x128xi32, #tpu.memory_space<hbm>> -> memref<2560x128xi32, #tpu.memory_space<hbm>>
        %dma_start3A_260 = arith.constant 0 : i32
        %dma_start3A_261 = tpu.memref_slice %dma_start3A_259[%add3A_155, %dma_start3A_260] : memref<2560x128xi32, #tpu.memory_space<hbm>> -> memref<128x128xi32, #tpu.memory_space<hbm>>
        tpu.enqueue_dma source(%dma_start3A_261 : memref<128x128xi32, #tpu.memory_space<hbm>>) target(%arg6 : memref<128x128xi32, #tpu.memory_space<vmem>>) target_semaphore(%run_scoped3A_250 : memref<!tpu.dma_semaphore, #tpu.memory_space<semaphore_mem>>)
        %dma_wait3A = arith.constant 0 : i32
        %dma_wait3A_262 = arith.constant 0 : i32
        %dma_wait3A_263 = tpu.memref_slice %arg3[%select_n3A_30, %dma_wait3A, %dma_wait3A_262] : memref<8x2560x128xi32, #tpu.memory_space<hbm>> -> memref<1x2560x128xi32, #tpu.memory_space<hbm>>
        %dma_wait3A_264 = tpu.memref_squeeze %dma_wait3A_263 : memref<1x2560x128xi32, #tpu.memory_space<hbm>> -> memref<2560x128xi32, #tpu.memory_space<hbm>>
        %dma_wait3A_265 = arith.constant 0 : i32
        %dma_wait3A_266 = tpu.memref_slice %dma_wait3A_264[%add3A_155, %dma_wait3A_265] : memref<2560x128xi32, #tpu.memory_space<hbm>> -> memref<128x128xi32, #tpu.memory_space<hbm>>
        %dma_wait3A_267 = arith.constant 0 : i32
        %dma_wait3A_268 = arith.constant 0 : i32
        %dma_wait3A_269 = tpu.memref_slice %arg3[%select_n3A_30, %dma_wait3A_267, %dma_wait3A_268] : memref<8x2560x128xi32, #tpu.memory_space<hbm>> -> memref<1x2560x128xi32, #tpu.memory_space<hbm>>
        %dma_wait3A_270 = tpu.memref_squeeze %dma_wait3A_269 : memref<1x2560x128xi32, #tpu.memory_space<hbm>> -> memref<2560x128xi32, #tpu.memory_space<hbm>>
        %dma_wait3A_271 = arith.constant 0 : i32
        %dma_wait3A_272 = tpu.memref_slice %dma_wait3A_270[%add3A_155, %dma_wait3A_271] : memref<2560x128xi32, #tpu.memory_space<hbm>> -> memref<128x128xi32, #tpu.memory_space<hbm>>
        tpu.wait_dma2 semaphore(%run_scoped3A_250 : memref<!tpu.dma_semaphore, #tpu.memory_space<semaphore_mem>>) src(%dma_wait3A_272 : memref<128x128xi32, #tpu.memory_space<hbm>>) dst(%arg6 : memref<128x128xi32, #tpu.memory_space<vmem>>)
        tpu.yield
      }) : () -> ()
      %sub3A_156 = arith.constant 512 : i32
      %sub3A_157 = arith.subi %select_n3A_83, %sub3A_156 : i32
      %min3A_158 = arith.constant 128 : i32
      %min3A_159 = arith.minsi %sub3A_157, %min3A_158 : i32
      %while3A_160 = arith.constant 0 : i32
      %while3A_161 = arith.constant 0 : i32
      %while3A_162 = arith.subi %min3A_159, %while3A_161 : i32
      %while3A_163 = arith.addi %while3A_161, %while3A_162 : i32
      %while3A_164 = arith.constant 1 : i32
      %while3A_165 = arith.divsi %while3A_162, %while3A_164 : i32
      %while3A_166 = arith.muli %while3A_165, %while3A_164 : i32
      %while3A_167 = arith.addi %while3A_161, %while3A_166 : i32
      %while3A_168 = arith.constant 1 : i32
      scf.for %while3A_250 = %while3A_161 to %while3A_167 step %while3A_168  : i32 {
        %get3A = arith.index_cast %while3A_250 : i32 to index
        %get3A_251 = arith.constant 0 : index
        %get3A_252 = tpu.vector_load %arg6[%get3A, %get3A_251] {strides = array<i32>} : memref<128x128xi32, #tpu.memory_space<vmem>>, vector<16xi32>,
        tpu.vector_store_idx %arg5[%get3A_252], %broadcast_in_dim3A_76 {add = true} : memref<20000xf32, #tpu.memory_space<vmem>>[vector<16xi32>], vector<16xf32>,
        %get3A_253 = arith.index_cast %while3A_250 : i32 to index
        %get3A_254 = arith.constant 16 : index
        %get3A_255 = tpu.vector_load %arg6[%get3A_253, %get3A_254] {strides = array<i32>} : memref<128x128xi32, #tpu.memory_space<vmem>>, vector<16xi32>,
        tpu.vector_store_idx %arg5[%get3A_255], %broadcast_in_dim3A_76 {add = true} : memref<20000xf32, #tpu.memory_space<vmem>>[vector<16xi32>], vector<16xf32>,
        %get3A_256 = arith.index_cast %while3A_250 : i32 to index
        %get3A_257 = arith.constant 32 : index
        %get3A_258 = tpu.vector_load %arg6[%get3A_256, %get3A_257] {strides = array<i32>} : memref<128x128xi32, #tpu.memory_space<vmem>>, vector<16xi32>,
        tpu.vector_store_idx %arg5[%get3A_258], %broadcast_in_dim3A_76 {add = true} : memref<20000xf32, #tpu.memory_space<vmem>>[vector<16xi32>], vector<16xf32>,
        %get3A_259 = arith.index_cast %while3A_250 : i32 to index
        %get3A_260 = arith.constant 48 : index
        %get3A_261 = tpu.vector_load %arg6[%get3A_259, %get3A_260] {strides = array<i32>} : memref<128x128xi32, #tpu.memory_space<vmem>>, vector<16xi32>,
        tpu.vector_store_idx %arg5[%get3A_261], %broadcast_in_dim3A_76 {add = true} : memref<20000xf32, #tpu.memory_space<vmem>>[vector<16xi32>], vector<16xf32>,
        %get3A_262 = arith.index_cast %while3A_250 : i32 to index
        %get3A_263 = arith.constant 64 : index
        %get3A_264 = tpu.vector_load %arg6[%get3A_262, %get3A_263] {strides = array<i32>} : memref<128x128xi32, #tpu.memory_space<vmem>>, vector<16xi32>,
        tpu.vector_store_idx %arg5[%get3A_264], %broadcast_in_dim3A_76 {add = true} : memref<20000xf32, #tpu.memory_space<vmem>>[vector<16xi32>], vector<16xf32>,
        %get3A_265 = arith.index_cast %while3A_250 : i32 to index
        %get3A_266 = arith.constant 80 : index
        %get3A_267 = tpu.vector_load %arg6[%get3A_265, %get3A_266] {strides = array<i32>} : memref<128x128xi32, #tpu.memory_space<vmem>>, vector<16xi32>,
        tpu.vector_store_idx %arg5[%get3A_267], %broadcast_in_dim3A_76 {add = true} : memref<20000xf32, #tpu.memory_space<vmem>>[vector<16xi32>], vector<16xf32>,
        %get3A_268 = arith.index_cast %while3A_250 : i32 to index
        %get3A_269 = arith.constant 96 : index
        %get3A_270 = tpu.vector_load %arg6[%get3A_268, %get3A_269] {strides = array<i32>} : memref<128x128xi32, #tpu.memory_space<vmem>>, vector<16xi32>,
        tpu.vector_store_idx %arg5[%get3A_270], %broadcast_in_dim3A_76 {add = true} : memref<20000xf32, #tpu.memory_space<vmem>>[vector<16xi32>], vector<16xf32>,
        %get3A_271 = arith.index_cast %while3A_250 : i32 to index
        %get3A_272 = arith.constant 112 : index
        %get3A_273 = tpu.vector_load %arg6[%get3A_271, %get3A_272] {strides = array<i32>} : memref<128x128xi32, #tpu.memory_space<vmem>>, vector<16xi32>,
        tpu.vector_store_idx %arg5[%get3A_273], %broadcast_in_dim3A_76 {add = true} : memref<20000xf32, #tpu.memory_space<vmem>>[vector<16xi32>], vector<16xf32>,
      }
      %while3A_169 = arith.constant 1 : i32
      scf.for %while3A_250 = %while3A_167 to %while3A_163 step %while3A_169  : i32 {
        %get3A = arith.index_cast %while3A_250 : i32 to index
        %get3A_251 = arith.constant 0 : index
        %get3A_252 = tpu.vector_load %arg6[%get3A, %get3A_251] {strides = array<i32>} : memref<128x128xi32, #tpu.memory_space<vmem>>, vector<16xi32>,
        tpu.vector_store_idx %arg5[%get3A_252], %broadcast_in_dim3A_76 {add = true} : memref<20000xf32, #tpu.memory_space<vmem>>[vector<16xi32>], vector<16xf32>,
        %get3A_253 = arith.index_cast %while3A_250 : i32 to index
        %get3A_254 = arith.constant 16 : index
        %get3A_255 = tpu.vector_load %arg6[%get3A_253, %get3A_254] {strides = array<i32>} : memref<128x128xi32, #tpu.memory_space<vmem>>, vector<16xi32>,
        tpu.vector_store_idx %arg5[%get3A_255], %broadcast_in_dim3A_76 {add = true} : memref<20000xf32, #tpu.memory_space<vmem>>[vector<16xi32>], vector<16xf32>,
        %get3A_256 = arith.index_cast %while3A_250 : i32 to index
        %get3A_257 = arith.constant 32 : index
        %get3A_258 = tpu.vector_load %arg6[%get3A_256, %get3A_257] {strides = array<i32>} : memref<128x128xi32, #tpu.memory_space<vmem>>, vector<16xi32>,
        tpu.vector_store_idx %arg5[%get3A_258], %broadcast_in_dim3A_76 {add = true} : memref<20000xf32, #tpu.memory_space<vmem>>[vector<16xi32>], vector<16xf32>,
        %get3A_259 = arith.index_cast %while3A_250 : i32 to index
        %get3A_260 = arith.constant 48 : index
        %get3A_261 = tpu.vector_load %arg6[%get3A_259, %get3A_260] {strides = array<i32>} : memref<128x128xi32, #tpu.memory_space<vmem>>, vector<16xi32>,
        tpu.vector_store_idx %arg5[%get3A_261], %broadcast_in_dim3A_76 {add = true} : memref<20000xf32, #tpu.memory_space<vmem>>[vector<16xi32>], vector<16xf32>,
        %get3A_262 = arith.index_cast %while3A_250 : i32 to index
        %get3A_263 = arith.constant 64 : index
        %get3A_264 = tpu.vector_load %arg6[%get3A_262, %get3A_263] {strides = array<i32>} : memref<128x128xi32, #tpu.memory_space<vmem>>, vector<16xi32>,
        tpu.vector_store_idx %arg5[%get3A_264], %broadcast_in_dim3A_76 {add = true} : memref<20000xf32, #tpu.memory_space<vmem>>[vector<16xi32>], vector<16xf32>,
        %get3A_265 = arith.index_cast %while3A_250 : i32 to index
        %get3A_266 = arith.constant 80 : index
        %get3A_267 = tpu.vector_load %arg6[%get3A_265, %get3A_266] {strides = array<i32>} : memref<128x128xi32, #tpu.memory_space<vmem>>, vector<16xi32>,
        tpu.vector_store_idx %arg5[%get3A_267], %broadcast_in_dim3A_76 {add = true} : memref<20000xf32, #tpu.memory_space<vmem>>[vector<16xi32>], vector<16xf32>,
        %get3A_268 = arith.index_cast %while3A_250 : i32 to index
        %get3A_269 = arith.constant 96 : index
        %get3A_270 = tpu.vector_load %arg6[%get3A_268, %get3A_269] {strides = array<i32>} : memref<128x128xi32, #tpu.memory_space<vmem>>, vector<16xi32>,
        tpu.vector_store_idx %arg5[%get3A_270], %broadcast_in_dim3A_76 {add = true} : memref<20000xf32, #tpu.memory_space<vmem>>[vector<16xi32>], vector<16xf32>,
        %get3A_271 = arith.index_cast %while3A_250 : i32 to index
        %get3A_272 = arith.constant 112 : index
        %get3A_273 = tpu.vector_load %arg6[%get3A_271, %get3A_272] {strides = array<i32>} : memref<128x128xi32, #tpu.memory_space<vmem>>, vector<16xi32>,
        tpu.vector_store_idx %arg5[%get3A_273], %broadcast_in_dim3A_76 {add = true} : memref<20000xf32, #tpu.memory_space<vmem>>[vector<16xi32>], vector<16xf32>,
      }
      %add3A_170 = arith.constant 640 : i32
      %add3A_171 = arith.addi %mul3A_78, %add3A_170 : i32
      "tpu.region"() ({
        %run_scoped3A_250 = tpu.sem_alloc : memref<!tpu.dma_semaphore, #tpu.memory_space<semaphore_mem>>
        %dma_start3A = arith.constant 0 : i32
        %dma_start3A_251 = arith.constant 0 : i32
        %dma_start3A_252 = tpu.memref_slice %arg3[%select_n3A_30, %dma_start3A, %dma_start3A_251] : memref<8x2560x128xi32, #tpu.memory_space<hbm>> -> memref<1x2560x128xi32, #tpu.memory_space<hbm>>
        %dma_start3A_253 = tpu.memref_squeeze %dma_start3A_252 : memref<1x2560x128xi32, #tpu.memory_space<hbm>> -> memref<2560x128xi32, #tpu.memory_space<hbm>>
        %dma_start3A_254 = arith.constant 0 : i32
        %dma_start3A_255 = tpu.memref_slice %dma_start3A_253[%add3A_171, %dma_start3A_254] : memref<2560x128xi32, #tpu.memory_space<hbm>> -> memref<128x128xi32, #tpu.memory_space<hbm>>
        %dma_start3A_256 = arith.constant 0 : i32
        %dma_start3A_257 = arith.constant 0 : i32
        %dma_start3A_258 = tpu.memref_slice %arg3[%select_n3A_30, %dma_start3A_256, %dma_start3A_257] : memref<8x2560x128xi32, #tpu.memory_space<hbm>> -> memref<1x2560x128xi32, #tpu.memory_space<hbm>>
        %dma_start3A_259 = tpu.memref_squeeze %dma_start3A_258 : memref<1x2560x128xi32, #tpu.memory_space<hbm>> -> memref<2560x128xi32, #tpu.memory_space<hbm>>
        %dma_start3A_260 = arith.constant 0 : i32
        %dma_start3A_261 = tpu.memref_slice %dma_start3A_259[%add3A_171, %dma_start3A_260] : memref<2560x128xi32, #tpu.memory_space<hbm>> -> memref<128x128xi32, #tpu.memory_space<hbm>>
        tpu.enqueue_dma source(%dma_start3A_261 : memref<128x128xi32, #tpu.memory_space<hbm>>) target(%arg6 : memref<128x128xi32, #tpu.memory_space<vmem>>) target_semaphore(%run_scoped3A_250 : memref<!tpu.dma_semaphore, #tpu.memory_space<semaphore_mem>>)
        %dma_wait3A = arith.constant 0 : i32
        %dma_wait3A_262 = arith.constant 0 : i32
        %dma_wait3A_263 = tpu.memref_slice %arg3[%select_n3A_30, %dma_wait3A, %dma_wait3A_262] : memref<8x2560x128xi32, #tpu.memory_space<hbm>> -> memref<1x2560x128xi32, #tpu.memory_space<hbm>>
        %dma_wait3A_264 = tpu.memref_squeeze %dma_wait3A_263 : memref<1x2560x128xi32, #tpu.memory_space<hbm>> -> memref<2560x128xi32, #tpu.memory_space<hbm>>
        %dma_wait3A_265 = arith.constant 0 : i32
        %dma_wait3A_266 = tpu.memref_slice %dma_wait3A_264[%add3A_171, %dma_wait3A_265] : memref<2560x128xi32, #tpu.memory_space<hbm>> -> memref<128x128xi32, #tpu.memory_space<hbm>>
        %dma_wait3A_267 = arith.constant 0 : i32
        %dma_wait3A_268 = arith.constant 0 : i32
        %dma_wait3A_269 = tpu.memref_slice %arg3[%select_n3A_30, %dma_wait3A_267, %dma_wait3A_268] : memref<8x2560x128xi32, #tpu.memory_space<hbm>> -> memref<1x2560x128xi32, #tpu.memory_space<hbm>>
        %dma_wait3A_270 = tpu.memref_squeeze %dma_wait3A_269 : memref<1x2560x128xi32, #tpu.memory_space<hbm>> -> memref<2560x128xi32, #tpu.memory_space<hbm>>
        %dma_wait3A_271 = arith.constant 0 : i32
        %dma_wait3A_272 = tpu.memref_slice %dma_wait3A_270[%add3A_171, %dma_wait3A_271] : memref<2560x128xi32, #tpu.memory_space<hbm>> -> memref<128x128xi32, #tpu.memory_space<hbm>>
        tpu.wait_dma2 semaphore(%run_scoped3A_250 : memref<!tpu.dma_semaphore, #tpu.memory_space<semaphore_mem>>) src(%dma_wait3A_272 : memref<128x128xi32, #tpu.memory_space<hbm>>) dst(%arg6 : memref<128x128xi32, #tpu.memory_space<vmem>>)
        tpu.yield
      }) : () -> ()
      %sub3A_172 = arith.constant 640 : i32
      %sub3A_173 = arith.subi %select_n3A_83, %sub3A_172 : i32
      %min3A_174 = arith.constant 128 : i32
      %min3A_175 = arith.minsi %sub3A_173, %min3A_174 : i32
      %while3A_176 = arith.constant 0 : i32
      %while3A_177 = arith.constant 0 : i32
      %while3A_178 = arith.subi %min3A_175, %while3A_177 : i32
      %while3A_179 = arith.addi %while3A_177, %while3A_178 : i32
      %while3A_180 = arith.constant 1 : i32
      %while3A_181 = arith.divsi %while3A_178, %while3A_180 : i32
      %while3A_182 = arith.muli %while3A_181, %while3A_180 : i32
      %while3A_183 = arith.addi %while3A_177, %while3A_182 : i32
      %while3A_184 = arith.constant 1 : i32
      scf.for %while3A_250 = %while3A_177 to %while3A_183 step %while3A_184  : i32 {
        %get3A = arith.index_cast %while3A_250 : i32 to index
        %get3A_251 = arith.constant 0 : index
        %get3A_252 = tpu.vector_load %arg6[%get3A, %get3A_251] {strides = array<i32>} : memref<128x128xi32, #tpu.memory_space<vmem>>, vector<16xi32>,
        tpu.vector_store_idx %arg5[%get3A_252], %broadcast_in_dim3A_76 {add = true} : memref<20000xf32, #tpu.memory_space<vmem>>[vector<16xi32>], vector<16xf32>,
        %get3A_253 = arith.index_cast %while3A_250 : i32 to index
        %get3A_254 = arith.constant 16 : index
        %get3A_255 = tpu.vector_load %arg6[%get3A_253, %get3A_254] {strides = array<i32>} : memref<128x128xi32, #tpu.memory_space<vmem>>, vector<16xi32>,
        tpu.vector_store_idx %arg5[%get3A_255], %broadcast_in_dim3A_76 {add = true} : memref<20000xf32, #tpu.memory_space<vmem>>[vector<16xi32>], vector<16xf32>,
        %get3A_256 = arith.index_cast %while3A_250 : i32 to index
        %get3A_257 = arith.constant 32 : index
        %get3A_258 = tpu.vector_load %arg6[%get3A_256, %get3A_257] {strides = array<i32>} : memref<128x128xi32, #tpu.memory_space<vmem>>, vector<16xi32>,
        tpu.vector_store_idx %arg5[%get3A_258], %broadcast_in_dim3A_76 {add = true} : memref<20000xf32, #tpu.memory_space<vmem>>[vector<16xi32>], vector<16xf32>,
        %get3A_259 = arith.index_cast %while3A_250 : i32 to index
        %get3A_260 = arith.constant 48 : index
        %get3A_261 = tpu.vector_load %arg6[%get3A_259, %get3A_260] {strides = array<i32>} : memref<128x128xi32, #tpu.memory_space<vmem>>, vector<16xi32>,
        tpu.vector_store_idx %arg5[%get3A_261], %broadcast_in_dim3A_76 {add = true} : memref<20000xf32, #tpu.memory_space<vmem>>[vector<16xi32>], vector<16xf32>,
        %get3A_262 = arith.index_cast %while3A_250 : i32 to index
        %get3A_263 = arith.constant 64 : index
        %get3A_264 = tpu.vector_load %arg6[%get3A_262, %get3A_263] {strides = array<i32>} : memref<128x128xi32, #tpu.memory_space<vmem>>, vector<16xi32>,
        tpu.vector_store_idx %arg5[%get3A_264], %broadcast_in_dim3A_76 {add = true} : memref<20000xf32, #tpu.memory_space<vmem>>[vector<16xi32>], vector<16xf32>,
        %get3A_265 = arith.index_cast %while3A_250 : i32 to index
        %get3A_266 = arith.constant 80 : index
        %get3A_267 = tpu.vector_load %arg6[%get3A_265, %get3A_266] {strides = array<i32>} : memref<128x128xi32, #tpu.memory_space<vmem>>, vector<16xi32>,
        tpu.vector_store_idx %arg5[%get3A_267], %broadcast_in_dim3A_76 {add = true} : memref<20000xf32, #tpu.memory_space<vmem>>[vector<16xi32>], vector<16xf32>,
        %get3A_268 = arith.index_cast %while3A_250 : i32 to index
        %get3A_269 = arith.constant 96 : index
        %get3A_270 = tpu.vector_load %arg6[%get3A_268, %get3A_269] {strides = array<i32>} : memref<128x128xi32, #tpu.memory_space<vmem>>, vector<16xi32>,
        tpu.vector_store_idx %arg5[%get3A_270], %broadcast_in_dim3A_76 {add = true} : memref<20000xf32, #tpu.memory_space<vmem>>[vector<16xi32>], vector<16xf32>,
        %get3A_271 = arith.index_cast %while3A_250 : i32 to index
        %get3A_272 = arith.constant 112 : index
        %get3A_273 = tpu.vector_load %arg6[%get3A_271, %get3A_272] {strides = array<i32>} : memref<128x128xi32, #tpu.memory_space<vmem>>, vector<16xi32>,
        tpu.vector_store_idx %arg5[%get3A_273], %broadcast_in_dim3A_76 {add = true} : memref<20000xf32, #tpu.memory_space<vmem>>[vector<16xi32>], vector<16xf32>,
      }
      %while3A_185 = arith.constant 1 : i32
      scf.for %while3A_250 = %while3A_183 to %while3A_179 step %while3A_185  : i32 {
        %get3A = arith.index_cast %while3A_250 : i32 to index
        %get3A_251 = arith.constant 0 : index
        %get3A_252 = tpu.vector_load %arg6[%get3A, %get3A_251] {strides = array<i32>} : memref<128x128xi32, #tpu.memory_space<vmem>>, vector<16xi32>,
        tpu.vector_store_idx %arg5[%get3A_252], %broadcast_in_dim3A_76 {add = true} : memref<20000xf32, #tpu.memory_space<vmem>>[vector<16xi32>], vector<16xf32>,
        %get3A_253 = arith.index_cast %while3A_250 : i32 to index
        %get3A_254 = arith.constant 16 : index
        %get3A_255 = tpu.vector_load %arg6[%get3A_253, %get3A_254] {strides = array<i32>} : memref<128x128xi32, #tpu.memory_space<vmem>>, vector<16xi32>,
        tpu.vector_store_idx %arg5[%get3A_255], %broadcast_in_dim3A_76 {add = true} : memref<20000xf32, #tpu.memory_space<vmem>>[vector<16xi32>], vector<16xf32>,
        %get3A_256 = arith.index_cast %while3A_250 : i32 to index
        %get3A_257 = arith.constant 32 : index
        %get3A_258 = tpu.vector_load %arg6[%get3A_256, %get3A_257] {strides = array<i32>} : memref<128x128xi32, #tpu.memory_space<vmem>>, vector<16xi32>,
        tpu.vector_store_idx %arg5[%get3A_258], %broadcast_in_dim3A_76 {add = true} : memref<20000xf32, #tpu.memory_space<vmem>>[vector<16xi32>], vector<16xf32>,
        %get3A_259 = arith.index_cast %while3A_250 : i32 to index
        %get3A_260 = arith.constant 48 : index
        %get3A_261 = tpu.vector_load %arg6[%get3A_259, %get3A_260] {strides = array<i32>} : memref<128x128xi32, #tpu.memory_space<vmem>>, vector<16xi32>,
        tpu.vector_store_idx %arg5[%get3A_261], %broadcast_in_dim3A_76 {add = true} : memref<20000xf32, #tpu.memory_space<vmem>>[vector<16xi32>], vector<16xf32>,
        %get3A_262 = arith.index_cast %while3A_250 : i32 to index
        %get3A_263 = arith.constant 64 : index
        %get3A_264 = tpu.vector_load %arg6[%get3A_262, %get3A_263] {strides = array<i32>} : memref<128x128xi32, #tpu.memory_space<vmem>>, vector<16xi32>,
        tpu.vector_store_idx %arg5[%get3A_264], %broadcast_in_dim3A_76 {add = true} : memref<20000xf32, #tpu.memory_space<vmem>>[vector<16xi32>], vector<16xf32>,
        %get3A_265 = arith.index_cast %while3A_250 : i32 to index
        %get3A_266 = arith.constant 80 : index
        %get3A_267 = tpu.vector_load %arg6[%get3A_265, %get3A_266] {strides = array<i32>} : memref<128x128xi32, #tpu.memory_space<vmem>>, vector<16xi32>,
        tpu.vector_store_idx %arg5[%get3A_267], %broadcast_in_dim3A_76 {add = true} : memref<20000xf32, #tpu.memory_space<vmem>>[vector<16xi32>], vector<16xf32>,
        %get3A_268 = arith.index_cast %while3A_250 : i32 to index
        %get3A_269 = arith.constant 96 : index
        %get3A_270 = tpu.vector_load %arg6[%get3A_268, %get3A_269] {strides = array<i32>} : memref<128x128xi32, #tpu.memory_space<vmem>>, vector<16xi32>,
        tpu.vector_store_idx %arg5[%get3A_270], %broadcast_in_dim3A_76 {add = true} : memref<20000xf32, #tpu.memory_space<vmem>>[vector<16xi32>], vector<16xf32>,
        %get3A_271 = arith.index_cast %while3A_250 : i32 to index
        %get3A_272 = arith.constant 112 : index
        %get3A_273 = tpu.vector_load %arg6[%get3A_271, %get3A_272] {strides = array<i32>} : memref<128x128xi32, #tpu.memory_space<vmem>>, vector<16xi32>,
        tpu.vector_store_idx %arg5[%get3A_273], %broadcast_in_dim3A_76 {add = true} : memref<20000xf32, #tpu.memory_space<vmem>>[vector<16xi32>], vector<16xf32>,
      }
      %add3A_186 = arith.constant 768 : i32
      %add3A_187 = arith.addi %mul3A_78, %add3A_186 : i32
      "tpu.region"() ({
        %run_scoped3A_250 = tpu.sem_alloc : memref<!tpu.dma_semaphore, #tpu.memory_space<semaphore_mem>>
        %dma_start3A = arith.constant 0 : i32
        %dma_start3A_251 = arith.constant 0 : i32
        %dma_start3A_252 = tpu.memref_slice %arg3[%select_n3A_30, %dma_start3A, %dma_start3A_251] : memref<8x2560x128xi32, #tpu.memory_space<hbm>> -> memref<1x2560x128xi32, #tpu.memory_space<hbm>>
        %dma_start3A_253 = tpu.memref_squeeze %dma_start3A_252 : memref<1x2560x128xi32, #tpu.memory_space<hbm>> -> memref<2560x128xi32, #tpu.memory_space<hbm>>
        %dma_start3A_254 = arith.constant 0 : i32
        %dma_start3A_255 = tpu.memref_slice %dma_start3A_253[%add3A_187, %dma_start3A_254] : memref<2560x128xi32, #tpu.memory_space<hbm>> -> memref<128x128xi32, #tpu.memory_space<hbm>>
        %dma_start3A_256 = arith.constant 0 : i32
        %dma_start3A_257 = arith.constant 0 : i32
        %dma_start3A_258 = tpu.memref_slice %arg3[%select_n3A_30, %dma_start3A_256, %dma_start3A_257] : memref<8x2560x128xi32, #tpu.memory_space<hbm>> -> memref<1x2560x128xi32, #tpu.memory_space<hbm>>
        %dma_start3A_259 = tpu.memref_squeeze %dma_start3A_258 : memref<1x2560x128xi32, #tpu.memory_space<hbm>> -> memref<2560x128xi32, #tpu.memory_space<hbm>>
        %dma_start3A_260 = arith.constant 0 : i32
        %dma_start3A_261 = tpu.memref_slice %dma_start3A_259[%add3A_187, %dma_start3A_260] : memref<2560x128xi32, #tpu.memory_space<hbm>> -> memref<128x128xi32, #tpu.memory_space<hbm>>
        tpu.enqueue_dma source(%dma_start3A_261 : memref<128x128xi32, #tpu.memory_space<hbm>>) target(%arg6 : memref<128x128xi32, #tpu.memory_space<vmem>>) target_semaphore(%run_scoped3A_250 : memref<!tpu.dma_semaphore, #tpu.memory_space<semaphore_mem>>)
        %dma_wait3A = arith.constant 0 : i32
        %dma_wait3A_262 = arith.constant 0 : i32
        %dma_wait3A_263 = tpu.memref_slice %arg3[%select_n3A_30, %dma_wait3A, %dma_wait3A_262] : memref<8x2560x128xi32, #tpu.memory_space<hbm>> -> memref<1x2560x128xi32, #tpu.memory_space<hbm>>
        %dma_wait3A_264 = tpu.memref_squeeze %dma_wait3A_263 : memref<1x2560x128xi32, #tpu.memory_space<hbm>> -> memref<2560x128xi32, #tpu.memory_space<hbm>>
        %dma_wait3A_265 = arith.constant 0 : i32
        %dma_wait3A_266 = tpu.memref_slice %dma_wait3A_264[%add3A_187, %dma_wait3A_265] : memref<2560x128xi32, #tpu.memory_space<hbm>> -> memref<128x128xi32, #tpu.memory_space<hbm>>
        %dma_wait3A_267 = arith.constant 0 : i32
        %dma_wait3A_268 = arith.constant 0 : i32
        %dma_wait3A_269 = tpu.memref_slice %arg3[%select_n3A_30, %dma_wait3A_267, %dma_wait3A_268] : memref<8x2560x128xi32, #tpu.memory_space<hbm>> -> memref<1x2560x128xi32, #tpu.memory_space<hbm>>
        %dma_wait3A_270 = tpu.memref_squeeze %dma_wait3A_269 : memref<1x2560x128xi32, #tpu.memory_space<hbm>> -> memref<2560x128xi32, #tpu.memory_space<hbm>>
        %dma_wait3A_271 = arith.constant 0 : i32
        %dma_wait3A_272 = tpu.memref_slice %dma_wait3A_270[%add3A_187, %dma_wait3A_271] : memref<2560x128xi32, #tpu.memory_space<hbm>> -> memref<128x128xi32, #tpu.memory_space<hbm>>
        tpu.wait_dma2 semaphore(%run_scoped3A_250 : memref<!tpu.dma_semaphore, #tpu.memory_space<semaphore_mem>>) src(%dma_wait3A_272 : memref<128x128xi32, #tpu.memory_space<hbm>>) dst(%arg6 : memref<128x128xi32, #tpu.memory_space<vmem>>)
        tpu.yield
      }) : () -> ()
      %sub3A_188 = arith.constant 768 : i32
      %sub3A_189 = arith.subi %select_n3A_83, %sub3A_188 : i32
      %min3A_190 = arith.constant 128 : i32
      %min3A_191 = arith.minsi %sub3A_189, %min3A_190 : i32
      %while3A_192 = arith.constant 0 : i32
      %while3A_193 = arith.constant 0 : i32
      %while3A_194 = arith.subi %min3A_191, %while3A_193 : i32
      %while3A_195 = arith.addi %while3A_193, %while3A_194 : i32
      %while3A_196 = arith.constant 1 : i32
      %while3A_197 = arith.divsi %while3A_194, %while3A_196 : i32
      %while3A_198 = arith.muli %while3A_197, %while3A_196 : i32
      %while3A_199 = arith.addi %while3A_193, %while3A_198 : i32
      %while3A_200 = arith.constant 1 : i32
      scf.for %while3A_250 = %while3A_193 to %while3A_199 step %while3A_200  : i32 {
        %get3A = arith.index_cast %while3A_250 : i32 to index
        %get3A_251 = arith.constant 0 : index
        %get3A_252 = tpu.vector_load %arg6[%get3A, %get3A_251] {strides = array<i32>} : memref<128x128xi32, #tpu.memory_space<vmem>>, vector<16xi32>,
        tpu.vector_store_idx %arg5[%get3A_252], %broadcast_in_dim3A_76 {add = true} : memref<20000xf32, #tpu.memory_space<vmem>>[vector<16xi32>], vector<16xf32>,
        %get3A_253 = arith.index_cast %while3A_250 : i32 to index
        %get3A_254 = arith.constant 16 : index
        %get3A_255 = tpu.vector_load %arg6[%get3A_253, %get3A_254] {strides = array<i32>} : memref<128x128xi32, #tpu.memory_space<vmem>>, vector<16xi32>,
        tpu.vector_store_idx %arg5[%get3A_255], %broadcast_in_dim3A_76 {add = true} : memref<20000xf32, #tpu.memory_space<vmem>>[vector<16xi32>], vector<16xf32>,
        %get3A_256 = arith.index_cast %while3A_250 : i32 to index
        %get3A_257 = arith.constant 32 : index
        %get3A_258 = tpu.vector_load %arg6[%get3A_256, %get3A_257] {strides = array<i32>} : memref<128x128xi32, #tpu.memory_space<vmem>>, vector<16xi32>,
        tpu.vector_store_idx %arg5[%get3A_258], %broadcast_in_dim3A_76 {add = true} : memref<20000xf32, #tpu.memory_space<vmem>>[vector<16xi32>], vector<16xf32>,
        %get3A_259 = arith.index_cast %while3A_250 : i32 to index
        %get3A_260 = arith.constant 48 : index
        %get3A_261 = tpu.vector_load %arg6[%get3A_259, %get3A_260] {strides = array<i32>} : memref<128x128xi32, #tpu.memory_space<vmem>>, vector<16xi32>,
        tpu.vector_store_idx %arg5[%get3A_261], %broadcast_in_dim3A_76 {add = true} : memref<20000xf32, #tpu.memory_space<vmem>>[vector<16xi32>], vector<16xf32>,
        %get3A_262 = arith.index_cast %while3A_250 : i32 to index
        %get3A_263 = arith.constant 64 : index
        %get3A_264 = tpu.vector_load %arg6[%get3A_262, %get3A_263] {strides = array<i32>} : memref<128x128xi32, #tpu.memory_space<vmem>>, vector<16xi32>,
        tpu.vector_store_idx %arg5[%get3A_264], %broadcast_in_dim3A_76 {add = true} : memref<20000xf32, #tpu.memory_space<vmem>>[vector<16xi32>], vector<16xf32>,
        %get3A_265 = arith.index_cast %while3A_250 : i32 to index
        %get3A_266 = arith.constant 80 : index
        %get3A_267 = tpu.vector_load %arg6[%get3A_265, %get3A_266] {strides = array<i32>} : memref<128x128xi32, #tpu.memory_space<vmem>>, vector<16xi32>,
        tpu.vector_store_idx %arg5[%get3A_267], %broadcast_in_dim3A_76 {add = true} : memref<20000xf32, #tpu.memory_space<vmem>>[vector<16xi32>], vector<16xf32>,
        %get3A_268 = arith.index_cast %while3A_250 : i32 to index
        %get3A_269 = arith.constant 96 : index
        %get3A_270 = tpu.vector_load %arg6[%get3A_268, %get3A_269] {strides = array<i32>} : memref<128x128xi32, #tpu.memory_space<vmem>>, vector<16xi32>,
        tpu.vector_store_idx %arg5[%get3A_270], %broadcast_in_dim3A_76 {add = true} : memref<20000xf32, #tpu.memory_space<vmem>>[vector<16xi32>], vector<16xf32>,
        %get3A_271 = arith.index_cast %while3A_250 : i32 to index
        %get3A_272 = arith.constant 112 : index
        %get3A_273 = tpu.vector_load %arg6[%get3A_271, %get3A_272] {strides = array<i32>} : memref<128x128xi32, #tpu.memory_space<vmem>>, vector<16xi32>,
        tpu.vector_store_idx %arg5[%get3A_273], %broadcast_in_dim3A_76 {add = true} : memref<20000xf32, #tpu.memory_space<vmem>>[vector<16xi32>], vector<16xf32>,
      }
      %while3A_201 = arith.constant 1 : i32
      scf.for %while3A_250 = %while3A_199 to %while3A_195 step %while3A_201  : i32 {
        %get3A = arith.index_cast %while3A_250 : i32 to index
        %get3A_251 = arith.constant 0 : index
        %get3A_252 = tpu.vector_load %arg6[%get3A, %get3A_251] {strides = array<i32>} : memref<128x128xi32, #tpu.memory_space<vmem>>, vector<16xi32>,
        tpu.vector_store_idx %arg5[%get3A_252], %broadcast_in_dim3A_76 {add = true} : memref<20000xf32, #tpu.memory_space<vmem>>[vector<16xi32>], vector<16xf32>,
        %get3A_253 = arith.index_cast %while3A_250 : i32 to index
        %get3A_254 = arith.constant 16 : index
        %get3A_255 = tpu.vector_load %arg6[%get3A_253, %get3A_254] {strides = array<i32>} : memref<128x128xi32, #tpu.memory_space<vmem>>, vector<16xi32>,
        tpu.vector_store_idx %arg5[%get3A_255], %broadcast_in_dim3A_76 {add = true} : memref<20000xf32, #tpu.memory_space<vmem>>[vector<16xi32>], vector<16xf32>,
        %get3A_256 = arith.index_cast %while3A_250 : i32 to index
        %get3A_257 = arith.constant 32 : index
        %get3A_258 = tpu.vector_load %arg6[%get3A_256, %get3A_257] {strides = array<i32>} : memref<128x128xi32, #tpu.memory_space<vmem>>, vector<16xi32>,
        tpu.vector_store_idx %arg5[%get3A_258], %broadcast_in_dim3A_76 {add = true} : memref<20000xf32, #tpu.memory_space<vmem>>[vector<16xi32>], vector<16xf32>,
        %get3A_259 = arith.index_cast %while3A_250 : i32 to index
        %get3A_260 = arith.constant 48 : index
        %get3A_261 = tpu.vector_load %arg6[%get3A_259, %get3A_260] {strides = array<i32>} : memref<128x128xi32, #tpu.memory_space<vmem>>, vector<16xi32>,
        tpu.vector_store_idx %arg5[%get3A_261], %broadcast_in_dim3A_76 {add = true} : memref<20000xf32, #tpu.memory_space<vmem>>[vector<16xi32>], vector<16xf32>,
        %get3A_262 = arith.index_cast %while3A_250 : i32 to index
        %get3A_263 = arith.constant 64 : index
        %get3A_264 = tpu.vector_load %arg6[%get3A_262, %get3A_263] {strides = array<i32>} : memref<128x128xi32, #tpu.memory_space<vmem>>, vector<16xi32>,
        tpu.vector_store_idx %arg5[%get3A_264], %broadcast_in_dim3A_76 {add = true} : memref<20000xf32, #tpu.memory_space<vmem>>[vector<16xi32>], vector<16xf32>,
        %get3A_265 = arith.index_cast %while3A_250 : i32 to index
        %get3A_266 = arith.constant 80 : index
        %get3A_267 = tpu.vector_load %arg6[%get3A_265, %get3A_266] {strides = array<i32>} : memref<128x128xi32, #tpu.memory_space<vmem>>, vector<16xi32>,
        tpu.vector_store_idx %arg5[%get3A_267], %broadcast_in_dim3A_76 {add = true} : memref<20000xf32, #tpu.memory_space<vmem>>[vector<16xi32>], vector<16xf32>,
        %get3A_268 = arith.index_cast %while3A_250 : i32 to index
        %get3A_269 = arith.constant 96 : index
        %get3A_270 = tpu.vector_load %arg6[%get3A_268, %get3A_269] {strides = array<i32>} : memref<128x128xi32, #tpu.memory_space<vmem>>, vector<16xi32>,
        tpu.vector_store_idx %arg5[%get3A_270], %broadcast_in_dim3A_76 {add = true} : memref<20000xf32, #tpu.memory_space<vmem>>[vector<16xi32>], vector<16xf32>,
        %get3A_271 = arith.index_cast %while3A_250 : i32 to index
        %get3A_272 = arith.constant 112 : index
        %get3A_273 = tpu.vector_load %arg6[%get3A_271, %get3A_272] {strides = array<i32>} : memref<128x128xi32, #tpu.memory_space<vmem>>, vector<16xi32>,
        tpu.vector_store_idx %arg5[%get3A_273], %broadcast_in_dim3A_76 {add = true} : memref<20000xf32, #tpu.memory_space<vmem>>[vector<16xi32>], vector<16xf32>,
      }
      %add3A_202 = arith.constant 896 : i32
      %add3A_203 = arith.addi %mul3A_78, %add3A_202 : i32
      "tpu.region"() ({
        %run_scoped3A_250 = tpu.sem_alloc : memref<!tpu.dma_semaphore, #tpu.memory_space<semaphore_mem>>
        %dma_start3A = arith.constant 0 : i32
        %dma_start3A_251 = arith.constant 0 : i32
        %dma_start3A_252 = tpu.memref_slice %arg3[%select_n3A_30, %dma_start3A, %dma_start3A_251] : memref<8x2560x128xi32, #tpu.memory_space<hbm>> -> memref<1x2560x128xi32, #tpu.memory_space<hbm>>
        %dma_start3A_253 = tpu.memref_squeeze %dma_start3A_252 : memref<1x2560x128xi32, #tpu.memory_space<hbm>> -> memref<2560x128xi32, #tpu.memory_space<hbm>>
        %dma_start3A_254 = arith.constant 0 : i32
        %dma_start3A_255 = tpu.memref_slice %dma_start3A_253[%add3A_203, %dma_start3A_254] : memref<2560x128xi32, #tpu.memory_space<hbm>> -> memref<128x128xi32, #tpu.memory_space<hbm>>
        %dma_start3A_256 = arith.constant 0 : i32
        %dma_start3A_257 = arith.constant 0 : i32
        %dma_start3A_258 = tpu.memref_slice %arg3[%select_n3A_30, %dma_start3A_256, %dma_start3A_257] : memref<8x2560x128xi32, #tpu.memory_space<hbm>> -> memref<1x2560x128xi32, #tpu.memory_space<hbm>>
        %dma_start3A_259 = tpu.memref_squeeze %dma_start3A_258 : memref<1x2560x128xi32, #tpu.memory_space<hbm>> -> memref<2560x128xi32, #tpu.memory_space<hbm>>
        %dma_start3A_260 = arith.constant 0 : i32
        %dma_start3A_261 = tpu.memref_slice %dma_start3A_259[%add3A_203, %dma_start3A_260] : memref<2560x128xi32, #tpu.memory_space<hbm>> -> memref<128x128xi32, #tpu.memory_space<hbm>>
        tpu.enqueue_dma source(%dma_start3A_261 : memref<128x128xi32, #tpu.memory_space<hbm>>) target(%arg6 : memref<128x128xi32, #tpu.memory_space<vmem>>) target_semaphore(%run_scoped3A_250 : memref<!tpu.dma_semaphore, #tpu.memory_space<semaphore_mem>>)
        %dma_wait3A = arith.constant 0 : i32
        %dma_wait3A_262 = arith.constant 0 : i32
        %dma_wait3A_263 = tpu.memref_slice %arg3[%select_n3A_30, %dma_wait3A, %dma_wait3A_262] : memref<8x2560x128xi32, #tpu.memory_space<hbm>> -> memref<1x2560x128xi32, #tpu.memory_space<hbm>>
        %dma_wait3A_264 = tpu.memref_squeeze %dma_wait3A_263 : memref<1x2560x128xi32, #tpu.memory_space<hbm>> -> memref<2560x128xi32, #tpu.memory_space<hbm>>
        %dma_wait3A_265 = arith.constant 0 : i32
        %dma_wait3A_266 = tpu.memref_slice %dma_wait3A_264[%add3A_203, %dma_wait3A_265] : memref<2560x128xi32, #tpu.memory_space<hbm>> -> memref<128x128xi32, #tpu.memory_space<hbm>>
        %dma_wait3A_267 = arith.constant 0 : i32
        %dma_wait3A_268 = arith.constant 0 : i32
        %dma_wait3A_269 = tpu.memref_slice %arg3[%select_n3A_30, %dma_wait3A_267, %dma_wait3A_268] : memref<8x2560x128xi32, #tpu.memory_space<hbm>> -> memref<1x2560x128xi32, #tpu.memory_space<hbm>>
        %dma_wait3A_270 = tpu.memref_squeeze %dma_wait3A_269 : memref<1x2560x128xi32, #tpu.memory_space<hbm>> -> memref<2560x128xi32, #tpu.memory_space<hbm>>
        %dma_wait3A_271 = arith.constant 0 : i32
        %dma_wait3A_272 = tpu.memref_slice %dma_wait3A_270[%add3A_203, %dma_wait3A_271] : memref<2560x128xi32, #tpu.memory_space<hbm>> -> memref<128x128xi32, #tpu.memory_space<hbm>>
        tpu.wait_dma2 semaphore(%run_scoped3A_250 : memref<!tpu.dma_semaphore, #tpu.memory_space<semaphore_mem>>) src(%dma_wait3A_272 : memref<128x128xi32, #tpu.memory_space<hbm>>) dst(%arg6 : memref<128x128xi32, #tpu.memory_space<vmem>>)
        tpu.yield
      }) : () -> ()
      %sub3A_204 = arith.constant 896 : i32
      %sub3A_205 = arith.subi %select_n3A_83, %sub3A_204 : i32
      %min3A_206 = arith.constant 128 : i32
      %min3A_207 = arith.minsi %sub3A_205, %min3A_206 : i32
      %while3A_208 = arith.constant 0 : i32
      %while3A_209 = arith.constant 0 : i32
      %while3A_210 = arith.subi %min3A_207, %while3A_209 : i32
      %while3A_211 = arith.addi %while3A_209, %while3A_210 : i32
      %while3A_212 = arith.constant 1 : i32
      %while3A_213 = arith.divsi %while3A_210, %while3A_212 : i32
      %while3A_214 = arith.muli %while3A_213, %while3A_212 : i32
      %while3A_215 = arith.addi %while3A_209, %while3A_214 : i32
      %while3A_216 = arith.constant 1 : i32
      scf.for %while3A_250 = %while3A_209 to %while3A_215 step %while3A_216  : i32 {
        %get3A = arith.index_cast %while3A_250 : i32 to index
        %get3A_251 = arith.constant 0 : index
        %get3A_252 = tpu.vector_load %arg6[%get3A, %get3A_251] {strides = array<i32>} : memref<128x128xi32, #tpu.memory_space<vmem>>, vector<16xi32>,
        tpu.vector_store_idx %arg5[%get3A_252], %broadcast_in_dim3A_76 {add = true} : memref<20000xf32, #tpu.memory_space<vmem>>[vector<16xi32>], vector<16xf32>,
        %get3A_253 = arith.index_cast %while3A_250 : i32 to index
        %get3A_254 = arith.constant 16 : index
        %get3A_255 = tpu.vector_load %arg6[%get3A_253, %get3A_254] {strides = array<i32>} : memref<128x128xi32, #tpu.memory_space<vmem>>, vector<16xi32>,
        tpu.vector_store_idx %arg5[%get3A_255], %broadcast_in_dim3A_76 {add = true} : memref<20000xf32, #tpu.memory_space<vmem>>[vector<16xi32>], vector<16xf32>,
        %get3A_256 = arith.index_cast %while3A_250 : i32 to index
        %get3A_257 = arith.constant 32 : index
        %get3A_258 = tpu.vector_load %arg6[%get3A_256, %get3A_257] {strides = array<i32>} : memref<128x128xi32, #tpu.memory_space<vmem>>, vector<16xi32>,
        tpu.vector_store_idx %arg5[%get3A_258], %broadcast_in_dim3A_76 {add = true} : memref<20000xf32, #tpu.memory_space<vmem>>[vector<16xi32>], vector<16xf32>,
        %get3A_259 = arith.index_cast %while3A_250 : i32 to index
        %get3A_260 = arith.constant 48 : index
        %get3A_261 = tpu.vector_load %arg6[%get3A_259, %get3A_260] {strides = array<i32>} : memref<128x128xi32, #tpu.memory_space<vmem>>, vector<16xi32>,
        tpu.vector_store_idx %arg5[%get3A_261], %broadcast_in_dim3A_76 {add = true} : memref<20000xf32, #tpu.memory_space<vmem>>[vector<16xi32>], vector<16xf32>,
        %get3A_262 = arith.index_cast %while3A_250 : i32 to index
        %get3A_263 = arith.constant 64 : index
        %get3A_264 = tpu.vector_load %arg6[%get3A_262, %get3A_263] {strides = array<i32>} : memref<128x128xi32, #tpu.memory_space<vmem>>, vector<16xi32>,
        tpu.vector_store_idx %arg5[%get3A_264], %broadcast_in_dim3A_76 {add = true} : memref<20000xf32, #tpu.memory_space<vmem>>[vector<16xi32>], vector<16xf32>,
        %get3A_265 = arith.index_cast %while3A_250 : i32 to index
        %get3A_266 = arith.constant 80 : index
        %get3A_267 = tpu.vector_load %arg6[%get3A_265, %get3A_266] {strides = array<i32>} : memref<128x128xi32, #tpu.memory_space<vmem>>, vector<16xi32>,
        tpu.vector_store_idx %arg5[%get3A_267], %broadcast_in_dim3A_76 {add = true} : memref<20000xf32, #tpu.memory_space<vmem>>[vector<16xi32>], vector<16xf32>,
        %get3A_268 = arith.index_cast %while3A_250 : i32 to index
        %get3A_269 = arith.constant 96 : index
        %get3A_270 = tpu.vector_load %arg6[%get3A_268, %get3A_269] {strides = array<i32>} : memref<128x128xi32, #tpu.memory_space<vmem>>, vector<16xi32>,
        tpu.vector_store_idx %arg5[%get3A_270], %broadcast_in_dim3A_76 {add = true} : memref<20000xf32, #tpu.memory_space<vmem>>[vector<16xi32>], vector<16xf32>,
        %get3A_271 = arith.index_cast %while3A_250 : i32 to index
        %get3A_272 = arith.constant 112 : index
        %get3A_273 = tpu.vector_load %arg6[%get3A_271, %get3A_272] {strides = array<i32>} : memref<128x128xi32, #tpu.memory_space<vmem>>, vector<16xi32>,
        tpu.vector_store_idx %arg5[%get3A_273], %broadcast_in_dim3A_76 {add = true} : memref<20000xf32, #tpu.memory_space<vmem>>[vector<16xi32>], vector<16xf32>,
      }
      %while3A_217 = arith.constant 1 : i32
      scf.for %while3A_250 = %while3A_215 to %while3A_211 step %while3A_217  : i32 {
        %get3A = arith.index_cast %while3A_250 : i32 to index
        %get3A_251 = arith.constant 0 : index
        %get3A_252 = tpu.vector_load %arg6[%get3A, %get3A_251] {strides = array<i32>} : memref<128x128xi32, #tpu.memory_space<vmem>>, vector<16xi32>,
        tpu.vector_store_idx %arg5[%get3A_252], %broadcast_in_dim3A_76 {add = true} : memref<20000xf32, #tpu.memory_space<vmem>>[vector<16xi32>], vector<16xf32>,
        %get3A_253 = arith.index_cast %while3A_250 : i32 to index
        %get3A_254 = arith.constant 16 : index
        %get3A_255 = tpu.vector_load %arg6[%get3A_253, %get3A_254] {strides = array<i32>} : memref<128x128xi32, #tpu.memory_space<vmem>>, vector<16xi32>,
        tpu.vector_store_idx %arg5[%get3A_255], %broadcast_in_dim3A_76 {add = true} : memref<20000xf32, #tpu.memory_space<vmem>>[vector<16xi32>], vector<16xf32>,
        %get3A_256 = arith.index_cast %while3A_250 : i32 to index
        %get3A_257 = arith.constant 32 : index
        %get3A_258 = tpu.vector_load %arg6[%get3A_256, %get3A_257] {strides = array<i32>} : memref<128x128xi32, #tpu.memory_space<vmem>>, vector<16xi32>,
        tpu.vector_store_idx %arg5[%get3A_258], %broadcast_in_dim3A_76 {add = true} : memref<20000xf32, #tpu.memory_space<vmem>>[vector<16xi32>], vector<16xf32>,
        %get3A_259 = arith.index_cast %while3A_250 : i32 to index
        %get3A_260 = arith.constant 48 : index
        %get3A_261 = tpu.vector_load %arg6[%get3A_259, %get3A_260] {strides = array<i32>} : memref<128x128xi32, #tpu.memory_space<vmem>>, vector<16xi32>,
        tpu.vector_store_idx %arg5[%get3A_261], %broadcast_in_dim3A_76 {add = true} : memref<20000xf32, #tpu.memory_space<vmem>>[vector<16xi32>], vector<16xf32>,
        %get3A_262 = arith.index_cast %while3A_250 : i32 to index
        %get3A_263 = arith.constant 64 : index
        %get3A_264 = tpu.vector_load %arg6[%get3A_262, %get3A_263] {strides = array<i32>} : memref<128x128xi32, #tpu.memory_space<vmem>>, vector<16xi32>,
        tpu.vector_store_idx %arg5[%get3A_264], %broadcast_in_dim3A_76 {add = true} : memref<20000xf32, #tpu.memory_space<vmem>>[vector<16xi32>], vector<16xf32>,
        %get3A_265 = arith.index_cast %while3A_250 : i32 to index
        %get3A_266 = arith.constant 80 : index
        %get3A_267 = tpu.vector_load %arg6[%get3A_265, %get3A_266] {strides = array<i32>} : memref<128x128xi32, #tpu.memory_space<vmem>>, vector<16xi32>,
        tpu.vector_store_idx %arg5[%get3A_267], %broadcast_in_dim3A_76 {add = true} : memref<20000xf32, #tpu.memory_space<vmem>>[vector<16xi32>], vector<16xf32>,
        %get3A_268 = arith.index_cast %while3A_250 : i32 to index
        %get3A_269 = arith.constant 96 : index
        %get3A_270 = tpu.vector_load %arg6[%get3A_268, %get3A_269] {strides = array<i32>} : memref<128x128xi32, #tpu.memory_space<vmem>>, vector<16xi32>,
        tpu.vector_store_idx %arg5[%get3A_270], %broadcast_in_dim3A_76 {add = true} : memref<20000xf32, #tpu.memory_space<vmem>>[vector<16xi32>], vector<16xf32>,
        %get3A_271 = arith.index_cast %while3A_250 : i32 to index
        %get3A_272 = arith.constant 112 : index
        %get3A_273 = tpu.vector_load %arg6[%get3A_271, %get3A_272] {strides = array<i32>} : memref<128x128xi32, #tpu.memory_space<vmem>>, vector<16xi32>,
        tpu.vector_store_idx %arg5[%get3A_273], %broadcast_in_dim3A_76 {add = true} : memref<20000xf32, #tpu.memory_space<vmem>>[vector<16xi32>], vector<16xf32>,
      }
      %add3A_218 = arith.constant 1024 : i32
      %add3A_219 = arith.addi %mul3A_78, %add3A_218 : i32
      "tpu.region"() ({
        %run_scoped3A_250 = tpu.sem_alloc : memref<!tpu.dma_semaphore, #tpu.memory_space<semaphore_mem>>
        %dma_start3A = arith.constant 0 : i32
        %dma_start3A_251 = arith.constant 0 : i32
        %dma_start3A_252 = tpu.memref_slice %arg3[%select_n3A_30, %dma_start3A, %dma_start3A_251] : memref<8x2560x128xi32, #tpu.memory_space<hbm>> -> memref<1x2560x128xi32, #tpu.memory_space<hbm>>
        %dma_start3A_253 = tpu.memref_squeeze %dma_start3A_252 : memref<1x2560x128xi32, #tpu.memory_space<hbm>> -> memref<2560x128xi32, #tpu.memory_space<hbm>>
        %dma_start3A_254 = arith.constant 0 : i32
        %dma_start3A_255 = tpu.memref_slice %dma_start3A_253[%add3A_219, %dma_start3A_254] : memref<2560x128xi32, #tpu.memory_space<hbm>> -> memref<128x128xi32, #tpu.memory_space<hbm>>
        %dma_start3A_256 = arith.constant 0 : i32
        %dma_start3A_257 = arith.constant 0 : i32
        %dma_start3A_258 = tpu.memref_slice %arg3[%select_n3A_30, %dma_start3A_256, %dma_start3A_257] : memref<8x2560x128xi32, #tpu.memory_space<hbm>> -> memref<1x2560x128xi32, #tpu.memory_space<hbm>>
        %dma_start3A_259 = tpu.memref_squeeze %dma_start3A_258 : memref<1x2560x128xi32, #tpu.memory_space<hbm>> -> memref<2560x128xi32, #tpu.memory_space<hbm>>
        %dma_start3A_260 = arith.constant 0 : i32
        %dma_start3A_261 = tpu.memref_slice %dma_start3A_259[%add3A_219, %dma_start3A_260] : memref<2560x128xi32, #tpu.memory_space<hbm>> -> memref<128x128xi32, #tpu.memory_space<hbm>>
        tpu.enqueue_dma source(%dma_start3A_261 : memref<128x128xi32, #tpu.memory_space<hbm>>) target(%arg6 : memref<128x128xi32, #tpu.memory_space<vmem>>) target_semaphore(%run_scoped3A_250 : memref<!tpu.dma_semaphore, #tpu.memory_space<semaphore_mem>>)
        %dma_wait3A = arith.constant 0 : i32
        %dma_wait3A_262 = arith.constant 0 : i32
        %dma_wait3A_263 = tpu.memref_slice %arg3[%select_n3A_30, %dma_wait3A, %dma_wait3A_262] : memref<8x2560x128xi32, #tpu.memory_space<hbm>> -> memref<1x2560x128xi32, #tpu.memory_space<hbm>>
        %dma_wait3A_264 = tpu.memref_squeeze %dma_wait3A_263 : memref<1x2560x128xi32, #tpu.memory_space<hbm>> -> memref<2560x128xi32, #tpu.memory_space<hbm>>
        %dma_wait3A_265 = arith.constant 0 : i32
        %dma_wait3A_266 = tpu.memref_slice %dma_wait3A_264[%add3A_219, %dma_wait3A_265] : memref<2560x128xi32, #tpu.memory_space<hbm>> -> memref<128x128xi32, #tpu.memory_space<hbm>>
        %dma_wait3A_267 = arith.constant 0 : i32
        %dma_wait3A_268 = arith.constant 0 : i32
        %dma_wait3A_269 = tpu.memref_slice %arg3[%select_n3A_30, %dma_wait3A_267, %dma_wait3A_268] : memref<8x2560x128xi32, #tpu.memory_space<hbm>> -> memref<1x2560x128xi32, #tpu.memory_space<hbm>>
        %dma_wait3A_270 = tpu.memref_squeeze %dma_wait3A_269 : memref<1x2560x128xi32, #tpu.memory_space<hbm>> -> memref<2560x128xi32, #tpu.memory_space<hbm>>
        %dma_wait3A_271 = arith.constant 0 : i32
        %dma_wait3A_272 = tpu.memref_slice %dma_wait3A_270[%add3A_219, %dma_wait3A_271] : memref<2560x128xi32, #tpu.memory_space<hbm>> -> memref<128x128xi32, #tpu.memory_space<hbm>>
        tpu.wait_dma2 semaphore(%run_scoped3A_250 : memref<!tpu.dma_semaphore, #tpu.memory_space<semaphore_mem>>) src(%dma_wait3A_272 : memref<128x128xi32, #tpu.memory_space<hbm>>) dst(%arg6 : memref<128x128xi32, #tpu.memory_space<vmem>>)
        tpu.yield
      }) : () -> ()
      %sub3A_220 = arith.constant 1024 : i32
      %sub3A_221 = arith.subi %select_n3A_83, %sub3A_220 : i32
      %min3A_222 = arith.constant 128 : i32
      %min3A_223 = arith.minsi %sub3A_221, %min3A_222 : i32
      %while3A_224 = arith.constant 0 : i32
      %while3A_225 = arith.constant 0 : i32
      %while3A_226 = arith.subi %min3A_223, %while3A_225 : i32
      %while3A_227 = arith.addi %while3A_225, %while3A_226 : i32
      %while3A_228 = arith.constant 1 : i32
      %while3A_229 = arith.divsi %while3A_226, %while3A_228 : i32
      %while3A_230 = arith.muli %while3A_229, %while3A_228 : i32
      %while3A_231 = arith.addi %while3A_225, %while3A_230 : i32
      %while3A_232 = arith.constant 1 : i32
      scf.for %while3A_250 = %while3A_225 to %while3A_231 step %while3A_232  : i32 {
        %get3A = arith.index_cast %while3A_250 : i32 to index
        %get3A_251 = arith.constant 0 : index
        %get3A_252 = tpu.vector_load %arg6[%get3A, %get3A_251] {strides = array<i32>} : memref<128x128xi32, #tpu.memory_space<vmem>>, vector<16xi32>,
        tpu.vector_store_idx %arg5[%get3A_252], %broadcast_in_dim3A_76 {add = true} : memref<20000xf32, #tpu.memory_space<vmem>>[vector<16xi32>], vector<16xf32>,
        %get3A_253 = arith.index_cast %while3A_250 : i32 to index
        %get3A_254 = arith.constant 16 : index
        %get3A_255 = tpu.vector_load %arg6[%get3A_253, %get3A_254] {strides = array<i32>} : memref<128x128xi32, #tpu.memory_space<vmem>>, vector<16xi32>,
        tpu.vector_store_idx %arg5[%get3A_255], %broadcast_in_dim3A_76 {add = true} : memref<20000xf32, #tpu.memory_space<vmem>>[vector<16xi32>], vector<16xf32>,
        %get3A_256 = arith.index_cast %while3A_250 : i32 to index
        %get3A_257 = arith.constant 32 : index
        %get3A_258 = tpu.vector_load %arg6[%get3A_256, %get3A_257] {strides = array<i32>} : memref<128x128xi32, #tpu.memory_space<vmem>>, vector<16xi32>,
        tpu.vector_store_idx %arg5[%get3A_258], %broadcast_in_dim3A_76 {add = true} : memref<20000xf32, #tpu.memory_space<vmem>>[vector<16xi32>], vector<16xf32>,
        %get3A_259 = arith.index_cast %while3A_250 : i32 to index
        %get3A_260 = arith.constant 48 : index
        %get3A_261 = tpu.vector_load %arg6[%get3A_259, %get3A_260] {strides = array<i32>} : memref<128x128xi32, #tpu.memory_space<vmem>>, vector<16xi32>,
        tpu.vector_store_idx %arg5[%get3A_261], %broadcast_in_dim3A_76 {add = true} : memref<20000xf32, #tpu.memory_space<vmem>>[vector<16xi32>], vector<16xf32>,
        %get3A_262 = arith.index_cast %while3A_250 : i32 to index
        %get3A_263 = arith.constant 64 : index
        %get3A_264 = tpu.vector_load %arg6[%get3A_262, %get3A_263] {strides = array<i32>} : memref<128x128xi32, #tpu.memory_space<vmem>>, vector<16xi32>,
        tpu.vector_store_idx %arg5[%get3A_264], %broadcast_in_dim3A_76 {add = true} : memref<20000xf32, #tpu.memory_space<vmem>>[vector<16xi32>], vector<16xf32>,
        %get3A_265 = arith.index_cast %while3A_250 : i32 to index
        %get3A_266 = arith.constant 80 : index
        %get3A_267 = tpu.vector_load %arg6[%get3A_265, %get3A_266] {strides = array<i32>} : memref<128x128xi32, #tpu.memory_space<vmem>>, vector<16xi32>,
        tpu.vector_store_idx %arg5[%get3A_267], %broadcast_in_dim3A_76 {add = true} : memref<20000xf32, #tpu.memory_space<vmem>>[vector<16xi32>], vector<16xf32>,
        %get3A_268 = arith.index_cast %while3A_250 : i32 to index
        %get3A_269 = arith.constant 96 : index
        %get3A_270 = tpu.vector_load %arg6[%get3A_268, %get3A_269] {strides = array<i32>} : memref<128x128xi32, #tpu.memory_space<vmem>>, vector<16xi32>,
        tpu.vector_store_idx %arg5[%get3A_270], %broadcast_in_dim3A_76 {add = true} : memref<20000xf32, #tpu.memory_space<vmem>>[vector<16xi32>], vector<16xf32>,
        %get3A_271 = arith.index_cast %while3A_250 : i32 to index
        %get3A_272 = arith.constant 112 : index
        %get3A_273 = tpu.vector_load %arg6[%get3A_271, %get3A_272] {strides = array<i32>} : memref<128x128xi32, #tpu.memory_space<vmem>>, vector<16xi32>,
        tpu.vector_store_idx %arg5[%get3A_273], %broadcast_in_dim3A_76 {add = true} : memref<20000xf32, #tpu.memory_space<vmem>>[vector<16xi32>], vector<16xf32>,
      }
      %while3A_233 = arith.constant 1 : i32
      scf.for %while3A_250 = %while3A_231 to %while3A_227 step %while3A_233  : i32 {
        %get3A = arith.index_cast %while3A_250 : i32 to index
        %get3A_251 = arith.constant 0 : index
        %get3A_252 = tpu.vector_load %arg6[%get3A, %get3A_251] {strides = array<i32>} : memref<128x128xi32, #tpu.memory_space<vmem>>, vector<16xi32>,
        tpu.vector_store_idx %arg5[%get3A_252], %broadcast_in_dim3A_76 {add = true} : memref<20000xf32, #tpu.memory_space<vmem>>[vector<16xi32>], vector<16xf32>,
        %get3A_253 = arith.index_cast %while3A_250 : i32 to index
        %get3A_254 = arith.constant 16 : index
        %get3A_255 = tpu.vector_load %arg6[%get3A_253, %get3A_254] {strides = array<i32>} : memref<128x128xi32, #tpu.memory_space<vmem>>, vector<16xi32>,
        tpu.vector_store_idx %arg5[%get3A_255], %broadcast_in_dim3A_76 {add = true} : memref<20000xf32, #tpu.memory_space<vmem>>[vector<16xi32>], vector<16xf32>,
        %get3A_256 = arith.index_cast %while3A_250 : i32 to index
        %get3A_257 = arith.constant 32 : index
        %get3A_258 = tpu.vector_load %arg6[%get3A_256, %get3A_257] {strides = array<i32>} : memref<128x128xi32, #tpu.memory_space<vmem>>, vector<16xi32>,
        tpu.vector_store_idx %arg5[%get3A_258], %broadcast_in_dim3A_76 {add = true} : memref<20000xf32, #tpu.memory_space<vmem>>[vector<16xi32>], vector<16xf32>,
        %get3A_259 = arith.index_cast %while3A_250 : i32 to index
        %get3A_260 = arith.constant 48 : index
        %get3A_261 = tpu.vector_load %arg6[%get3A_259, %get3A_260] {strides = array<i32>} : memref<128x128xi32, #tpu.memory_space<vmem>>, vector<16xi32>,
        tpu.vector_store_idx %arg5[%get3A_261], %broadcast_in_dim3A_76 {add = true} : memref<20000xf32, #tpu.memory_space<vmem>>[vector<16xi32>], vector<16xf32>,
        %get3A_262 = arith.index_cast %while3A_250 : i32 to index
        %get3A_263 = arith.constant 64 : index
        %get3A_264 = tpu.vector_load %arg6[%get3A_262, %get3A_263] {strides = array<i32>} : memref<128x128xi32, #tpu.memory_space<vmem>>, vector<16xi32>,
        tpu.vector_store_idx %arg5[%get3A_264], %broadcast_in_dim3A_76 {add = true} : memref<20000xf32, #tpu.memory_space<vmem>>[vector<16xi32>], vector<16xf32>,
        %get3A_265 = arith.index_cast %while3A_250 : i32 to index
        %get3A_266 = arith.constant 80 : index
        %get3A_267 = tpu.vector_load %arg6[%get3A_265, %get3A_266] {strides = array<i32>} : memref<128x128xi32, #tpu.memory_space<vmem>>, vector<16xi32>,
        tpu.vector_store_idx %arg5[%get3A_267], %broadcast_in_dim3A_76 {add = true} : memref<20000xf32, #tpu.memory_space<vmem>>[vector<16xi32>], vector<16xf32>,
        %get3A_268 = arith.index_cast %while3A_250 : i32 to index
        %get3A_269 = arith.constant 96 : index
        %get3A_270 = tpu.vector_load %arg6[%get3A_268, %get3A_269] {strides = array<i32>} : memref<128x128xi32, #tpu.memory_space<vmem>>, vector<16xi32>,
        tpu.vector_store_idx %arg5[%get3A_270], %broadcast_in_dim3A_76 {add = true} : memref<20000xf32, #tpu.memory_space<vmem>>[vector<16xi32>], vector<16xf32>,
        %get3A_271 = arith.index_cast %while3A_250 : i32 to index
        %get3A_272 = arith.constant 112 : index
        %get3A_273 = tpu.vector_load %arg6[%get3A_271, %get3A_272] {strides = array<i32>} : memref<128x128xi32, #tpu.memory_space<vmem>>, vector<16xi32>,
        tpu.vector_store_idx %arg5[%get3A_273], %broadcast_in_dim3A_76 {add = true} : memref<20000xf32, #tpu.memory_space<vmem>>[vector<16xi32>], vector<16xf32>,
      }
      %add3A_234 = arith.constant 1152 : i32
      %add3A_235 = arith.addi %mul3A_78, %add3A_234 : i32
      "tpu.region"() ({
        %run_scoped3A_250 = tpu.sem_alloc : memref<!tpu.dma_semaphore, #tpu.memory_space<semaphore_mem>>
        %dma_start3A = arith.constant 0 : i32
        %dma_start3A_251 = arith.constant 0 : i32
        %dma_start3A_252 = tpu.memref_slice %arg3[%select_n3A_30, %dma_start3A, %dma_start3A_251] : memref<8x2560x128xi32, #tpu.memory_space<hbm>> -> memref<1x2560x128xi32, #tpu.memory_space<hbm>>
        %dma_start3A_253 = tpu.memref_squeeze %dma_start3A_252 : memref<1x2560x128xi32, #tpu.memory_space<hbm>> -> memref<2560x128xi32, #tpu.memory_space<hbm>>
        %dma_start3A_254 = arith.constant 0 : i32
        %dma_start3A_255 = tpu.memref_slice %dma_start3A_253[%add3A_235, %dma_start3A_254] : memref<2560x128xi32, #tpu.memory_space<hbm>> -> memref<128x128xi32, #tpu.memory_space<hbm>>
        %dma_start3A_256 = arith.constant 0 : i32
        %dma_start3A_257 = arith.constant 0 : i32
        %dma_start3A_258 = tpu.memref_slice %arg3[%select_n3A_30, %dma_start3A_256, %dma_start3A_257] : memref<8x2560x128xi32, #tpu.memory_space<hbm>> -> memref<1x2560x128xi32, #tpu.memory_space<hbm>>
        %dma_start3A_259 = tpu.memref_squeeze %dma_start3A_258 : memref<1x2560x128xi32, #tpu.memory_space<hbm>> -> memref<2560x128xi32, #tpu.memory_space<hbm>>
        %dma_start3A_260 = arith.constant 0 : i32
        %dma_start3A_261 = tpu.memref_slice %dma_start3A_259[%add3A_235, %dma_start3A_260] : memref<2560x128xi32, #tpu.memory_space<hbm>> -> memref<128x128xi32, #tpu.memory_space<hbm>>
        tpu.enqueue_dma source(%dma_start3A_261 : memref<128x128xi32, #tpu.memory_space<hbm>>) target(%arg6 : memref<128x128xi32, #tpu.memory_space<vmem>>) target_semaphore(%run_scoped3A_250 : memref<!tpu.dma_semaphore, #tpu.memory_space<semaphore_mem>>)
        %dma_wait3A = arith.constant 0 : i32
        %dma_wait3A_262 = arith.constant 0 : i32
        %dma_wait3A_263 = tpu.memref_slice %arg3[%select_n3A_30, %dma_wait3A, %dma_wait3A_262] : memref<8x2560x128xi32, #tpu.memory_space<hbm>> -> memref<1x2560x128xi32, #tpu.memory_space<hbm>>
        %dma_wait3A_264 = tpu.memref_squeeze %dma_wait3A_263 : memref<1x2560x128xi32, #tpu.memory_space<hbm>> -> memref<2560x128xi32, #tpu.memory_space<hbm>>
        %dma_wait3A_265 = arith.constant 0 : i32
        %dma_wait3A_266 = tpu.memref_slice %dma_wait3A_264[%add3A_235, %dma_wait3A_265] : memref<2560x128xi32, #tpu.memory_space<hbm>> -> memref<128x128xi32, #tpu.memory_space<hbm>>
        %dma_wait3A_267 = arith.constant 0 : i32
        %dma_wait3A_268 = arith.constant 0 : i32
        %dma_wait3A_269 = tpu.memref_slice %arg3[%select_n3A_30, %dma_wait3A_267, %dma_wait3A_268] : memref<8x2560x128xi32, #tpu.memory_space<hbm>> -> memref<1x2560x128xi32, #tpu.memory_space<hbm>>
        %dma_wait3A_270 = tpu.memref_squeeze %dma_wait3A_269 : memref<1x2560x128xi32, #tpu.memory_space<hbm>> -> memref<2560x128xi32, #tpu.memory_space<hbm>>
        %dma_wait3A_271 = arith.constant 0 : i32
        %dma_wait3A_272 = tpu.memref_slice %dma_wait3A_270[%add3A_235, %dma_wait3A_271] : memref<2560x128xi32, #tpu.memory_space<hbm>> -> memref<128x128xi32, #tpu.memory_space<hbm>>
        tpu.wait_dma2 semaphore(%run_scoped3A_250 : memref<!tpu.dma_semaphore, #tpu.memory_space<semaphore_mem>>) src(%dma_wait3A_272 : memref<128x128xi32, #tpu.memory_space<hbm>>) dst(%arg6 : memref<128x128xi32, #tpu.memory_space<vmem>>)
        tpu.yield
      }) : () -> ()
      %sub3A_236 = arith.constant 1152 : i32
      %sub3A_237 = arith.subi %select_n3A_83, %sub3A_236 : i32
      %min3A_238 = arith.constant 128 : i32
      %min3A_239 = arith.minsi %sub3A_237, %min3A_238 : i32
      %while3A_240 = arith.constant 0 : i32
      %while3A_241 = arith.constant 0 : i32
      %while3A_242 = arith.subi %min3A_239, %while3A_241 : i32
      %while3A_243 = arith.addi %while3A_241, %while3A_242 : i32
      %while3A_244 = arith.constant 1 : i32
      %while3A_245 = arith.divsi %while3A_242, %while3A_244 : i32
      %while3A_246 = arith.muli %while3A_245, %while3A_244 : i32
      %while3A_247 = arith.addi %while3A_241, %while3A_246 : i32
      %while3A_248 = arith.constant 1 : i32
      scf.for %while3A_250 = %while3A_241 to %while3A_247 step %while3A_248  : i32 {
        %get3A = arith.index_cast %while3A_250 : i32 to index
        %get3A_251 = arith.constant 0 : index
        %get3A_252 = tpu.vector_load %arg6[%get3A, %get3A_251] {strides = array<i32>} : memref<128x128xi32, #tpu.memory_space<vmem>>, vector<16xi32>,
        tpu.vector_store_idx %arg5[%get3A_252], %broadcast_in_dim3A_76 {add = true} : memref<20000xf32, #tpu.memory_space<vmem>>[vector<16xi32>], vector<16xf32>,
        %get3A_253 = arith.index_cast %while3A_250 : i32 to index
        %get3A_254 = arith.constant 16 : index
        %get3A_255 = tpu.vector_load %arg6[%get3A_253, %get3A_254] {strides = array<i32>} : memref<128x128xi32, #tpu.memory_space<vmem>>, vector<16xi32>,
        tpu.vector_store_idx %arg5[%get3A_255], %broadcast_in_dim3A_76 {add = true} : memref<20000xf32, #tpu.memory_space<vmem>>[vector<16xi32>], vector<16xf32>,
        %get3A_256 = arith.index_cast %while3A_250 : i32 to index
        %get3A_257 = arith.constant 32 : index
        %get3A_258 = tpu.vector_load %arg6[%get3A_256, %get3A_257] {strides = array<i32>} : memref<128x128xi32, #tpu.memory_space<vmem>>, vector<16xi32>,
        tpu.vector_store_idx %arg5[%get3A_258], %broadcast_in_dim3A_76 {add = true} : memref<20000xf32, #tpu.memory_space<vmem>>[vector<16xi32>], vector<16xf32>,
        %get3A_259 = arith.index_cast %while3A_250 : i32 to index
        %get3A_260 = arith.constant 48 : index
        %get3A_261 = tpu.vector_load %arg6[%get3A_259, %get3A_260] {strides = array<i32>} : memref<128x128xi32, #tpu.memory_space<vmem>>, vector<16xi32>,
        tpu.vector_store_idx %arg5[%get3A_261], %broadcast_in_dim3A_76 {add = true} : memref<20000xf32, #tpu.memory_space<vmem>>[vector<16xi32>], vector<16xf32>,
        %get3A_262 = arith.index_cast %while3A_250 : i32 to index
        %get3A_263 = arith.constant 64 : index
        %get3A_264 = tpu.vector_load %arg6[%get3A_262, %get3A_263] {strides = array<i32>} : memref<128x128xi32, #tpu.memory_space<vmem>>, vector<16xi32>,
        tpu.vector_store_idx %arg5[%get3A_264], %broadcast_in_dim3A_76 {add = true} : memref<20000xf32, #tpu.memory_space<vmem>>[vector<16xi32>], vector<16xf32>,
        %get3A_265 = arith.index_cast %while3A_250 : i32 to index
        %get3A_266 = arith.constant 80 : index
        %get3A_267 = tpu.vector_load %arg6[%get3A_265, %get3A_266] {strides = array<i32>} : memref<128x128xi32, #tpu.memory_space<vmem>>, vector<16xi32>,
        tpu.vector_store_idx %arg5[%get3A_267], %broadcast_in_dim3A_76 {add = true} : memref<20000xf32, #tpu.memory_space<vmem>>[vector<16xi32>], vector<16xf32>,
        %get3A_268 = arith.index_cast %while3A_250 : i32 to index
        %get3A_269 = arith.constant 96 : index
        %get3A_270 = tpu.vector_load %arg6[%get3A_268, %get3A_269] {strides = array<i32>} : memref<128x128xi32, #tpu.memory_space<vmem>>, vector<16xi32>,
        tpu.vector_store_idx %arg5[%get3A_270], %broadcast_in_dim3A_76 {add = true} : memref<20000xf32, #tpu.memory_space<vmem>>[vector<16xi32>], vector<16xf32>,
        %get3A_271 = arith.index_cast %while3A_250 : i32 to index
        %get3A_272 = arith.constant 112 : index
        %get3A_273 = tpu.vector_load %arg6[%get3A_271, %get3A_272] {strides = array<i32>} : memref<128x128xi32, #tpu.memory_space<vmem>>, vector<16xi32>,
        tpu.vector_store_idx %arg5[%get3A_273], %broadcast_in_dim3A_76 {add = true} : memref<20000xf32, #tpu.memory_space<vmem>>[vector<16xi32>], vector<16xf32>,
      }
      %while3A_249 = arith.constant 1 : i32
      scf.for %while3A_250 = %while3A_247 to %while3A_243 step %while3A_249  : i32 {
        %get3A = arith.index_cast %while3A_250 : i32 to index
        %get3A_251 = arith.constant 0 : index
        %get3A_252 = tpu.vector_load %arg6[%get3A, %get3A_251] {strides = array<i32>} : memref<128x128xi32, #tpu.memory_space<vmem>>, vector<16xi32>,
        tpu.vector_store_idx %arg5[%get3A_252], %broadcast_in_dim3A_76 {add = true} : memref<20000xf32, #tpu.memory_space<vmem>>[vector<16xi32>], vector<16xf32>,
        %get3A_253 = arith.index_cast %while3A_250 : i32 to index
        %get3A_254 = arith.constant 16 : index
        %get3A_255 = tpu.vector_load %arg6[%get3A_253, %get3A_254] {strides = array<i32>} : memref<128x128xi32, #tpu.memory_space<vmem>>, vector<16xi32>,
        tpu.vector_store_idx %arg5[%get3A_255], %broadcast_in_dim3A_76 {add = true} : memref<20000xf32, #tpu.memory_space<vmem>>[vector<16xi32>], vector<16xf32>,
        %get3A_256 = arith.index_cast %while3A_250 : i32 to index
        %get3A_257 = arith.constant 32 : index
        %get3A_258 = tpu.vector_load %arg6[%get3A_256, %get3A_257] {strides = array<i32>} : memref<128x128xi32, #tpu.memory_space<vmem>>, vector<16xi32>,
        tpu.vector_store_idx %arg5[%get3A_258], %broadcast_in_dim3A_76 {add = true} : memref<20000xf32, #tpu.memory_space<vmem>>[vector<16xi32>], vector<16xf32>,
        %get3A_259 = arith.index_cast %while3A_250 : i32 to index
        %get3A_260 = arith.constant 48 : index
        %get3A_261 = tpu.vector_load %arg6[%get3A_259, %get3A_260] {strides = array<i32>} : memref<128x128xi32, #tpu.memory_space<vmem>>, vector<16xi32>,
        tpu.vector_store_idx %arg5[%get3A_261], %broadcast_in_dim3A_76 {add = true} : memref<20000xf32, #tpu.memory_space<vmem>>[vector<16xi32>], vector<16xf32>,
        %get3A_262 = arith.index_cast %while3A_250 : i32 to index
        %get3A_263 = arith.constant 64 : index
        %get3A_264 = tpu.vector_load %arg6[%get3A_262, %get3A_263] {strides = array<i32>} : memref<128x128xi32, #tpu.memory_space<vmem>>, vector<16xi32>,
        tpu.vector_store_idx %arg5[%get3A_264], %broadcast_in_dim3A_76 {add = true} : memref<20000xf32, #tpu.memory_space<vmem>>[vector<16xi32>], vector<16xf32>,
        %get3A_265 = arith.index_cast %while3A_250 : i32 to index
        %get3A_266 = arith.constant 80 : index
        %get3A_267 = tpu.vector_load %arg6[%get3A_265, %get3A_266] {strides = array<i32>} : memref<128x128xi32, #tpu.memory_space<vmem>>, vector<16xi32>,
        tpu.vector_store_idx %arg5[%get3A_267], %broadcast_in_dim3A_76 {add = true} : memref<20000xf32, #tpu.memory_space<vmem>>[vector<16xi32>], vector<16xf32>,
        %get3A_268 = arith.index_cast %while3A_250 : i32 to index
        %get3A_269 = arith.constant 96 : index
        %get3A_270 = tpu.vector_load %arg6[%get3A_268, %get3A_269] {strides = array<i32>} : memref<128x128xi32, #tpu.memory_space<vmem>>, vector<16xi32>,
        tpu.vector_store_idx %arg5[%get3A_270], %broadcast_in_dim3A_76 {add = true} : memref<20000xf32, #tpu.memory_space<vmem>>[vector<16xi32>], vector<16xf32>,
        %get3A_271 = arith.index_cast %while3A_250 : i32 to index
        %get3A_272 = arith.constant 112 : index
        %get3A_273 = tpu.vector_load %arg6[%get3A_271, %get3A_272] {strides = array<i32>} : memref<128x128xi32, #tpu.memory_space<vmem>>, vector<16xi32>,
        tpu.vector_store_idx %arg5[%get3A_273], %broadcast_in_dim3A_76 {add = true} : memref<20000xf32, #tpu.memory_space<vmem>>[vector<16xi32>], vector<16xf32>,
      }
    } else {
    }
    %run_scoped3A = arith.constant 0 : i32
    "tpu.region"() ({
      %run_scoped3A_92 = tpu.sem_alloc : memref<!tpu.dma_semaphore, #tpu.memory_space<semaphore_mem>>
      %dma_start3A = arith.constant 0 : i32
      %dma_start3A_93 = tpu.memref_slice %arg4[%add3A, %run_scoped3A, %dma_start3A] : memref<32x1x20000xf32, #tpu.memory_space<hbm>> -> memref<1x1x20000xf32, #tpu.memory_space<hbm>>
      %dma_start3A_94 = tpu.memref_squeeze %dma_start3A_93 : memref<1x1x20000xf32, #tpu.memory_space<hbm>> -> memref<20000xf32, #tpu.memory_space<hbm>>
      %dma_start3A_95 = arith.constant 0 : i32
      %dma_start3A_96 = tpu.memref_slice %arg4[%add3A, %run_scoped3A, %dma_start3A_95] : memref<32x1x20000xf32, #tpu.memory_space<hbm>> -> memref<1x1x20000xf32, #tpu.memory_space<hbm>>
      %dma_start3A_97 = tpu.memref_squeeze %dma_start3A_96 : memref<1x1x20000xf32, #tpu.memory_space<hbm>> -> memref<20000xf32, #tpu.memory_space<hbm>>
      tpu.enqueue_dma source(%arg5 : memref<20000xf32, #tpu.memory_space<vmem>>) target(%dma_start3A_97 : memref<20000xf32, #tpu.memory_space<hbm>>) target_semaphore(%run_scoped3A_92 : memref<!tpu.dma_semaphore, #tpu.memory_space<semaphore_mem>>)
      %dma_wait3A = arith.constant 0 : i32
      %dma_wait3A_98 = tpu.memref_slice %arg4[%add3A, %run_scoped3A, %dma_wait3A] : memref<32x1x20000xf32, #tpu.memory_space<hbm>> -> memref<1x1x20000xf32, #tpu.memory_space<hbm>>
      %dma_wait3A_99 = tpu.memref_squeeze %dma_wait3A_98 : memref<1x1x20000xf32, #tpu.memory_space<hbm>> -> memref<20000xf32, #tpu.memory_space<hbm>>
      %dma_wait3A_100 = arith.constant 0 : i32
      %dma_wait3A_101 = tpu.memref_slice %arg4[%add3A, %run_scoped3A, %dma_wait3A_100] : memref<32x1x20000xf32, #tpu.memory_space<hbm>> -> memref<1x1x20000xf32, #tpu.memory_space<hbm>>
      %dma_wait3A_102 = tpu.memref_squeeze %dma_wait3A_101 : memref<1x1x20000xf32, #tpu.memory_space<hbm>> -> memref<20000xf32, #tpu.memory_space<hbm>>
      tpu.wait_dma2 semaphore(%run_scoped3A_92 : memref<!tpu.dma_semaphore, #tpu.memory_space<semaphore_mem>>) src(%arg5 : memref<20000xf32, #tpu.memory_space<vmem>>) dst(%dma_wait3A_102 : memref<20000xf32, #tpu.memory_space<hbm>>)
      tpu.yield
    }) : () -> ()
    return
  }
}

#map = affine_map<(d0, d1) -> (0, 0, 0)>
#map1 = affine_map<(d0, d1) -> (0, 0)>
module attributes {stable_mosaic.version = 14 : i64} {
  func.func @_sc_main_body(%arg0: i32, %arg1: i32, %arg2: memref<8x20000x128xf32, #tpu.memory_space<hbm>>, %arg3: memref<8x2560x128xi32, #tpu.memory_space<hbm>>, %arg4: memref<8x2560x128xi32, #tpu.memory_space<hbm>>, %arg5: memref<632x128xf32, #tpu.memory_space<hbm>>, %arg6: memref<8x20000x128xf32, #tpu.memory_space<hbm>>, %arg7: memref<10112x128xf32, #tpu.memory_space<vmem_shared>>, %arg8: memref<2x16x128xi32, #tpu.memory_space<vmem>>, %arg9: memref<2x16x128xi32, #tpu.memory_space<vmem>>, %arg10: memref<2176xi32, #tpu.memory_space<vmem>>, %arg11: memref<2176xi32, #tpu.memory_space<vmem>>, %arg12: memref<4x64xi32, #tpu.memory_space<vmem>>, %arg13: memref<4x64x128xf32, #tpu.memory_space<vmem>>, %arg14: memref<4x!tpu.dma_semaphore, #tpu.memory_space<semaphore_mem>>, %arg15: memref<4x!tpu.dma_semaphore, #tpu.memory_space<semaphore_mem>>, %arg16: memref<2x!tpu.dma_semaphore, #tpu.memory_space<semaphore_mem>>) attributes {dimension_semantics = [#tpu.dimension_semantics<core_parallel>, #tpu.dimension_semantics<subcore_parallel>], iteration_bounds = array<i64: 2, 16>, scalar_prefetch = 0 : i64, scratch_operands = 10 : i64, tpu.core_type = #tpu.core_type<sc_vector_subcore>, window_params = [{transform_indices = #map}, {transform_indices = #map}, {transform_indices = #map}, {transform_indices = #map1}, {transform_indices = #map}]} {
    %mul3A = arith.constant 10000 : i32
    %mul3A_0 = arith.muli %arg0, %mul3A : i32
    %lt3A = arith.constant 8 : i32
    %lt3A_1 = arith.cmpi slt, %arg1, %lt3A : i32
    %mul3A_2 = arith.constant 160 : i32
    %mul3A_3 = arith.muli %arg1, %mul3A_2 : i32
    %sub3A = arith.constant 8 : i32
    %sub3A_4 = arith.subi %arg1, %sub3A : i32
    %mul3A_5 = arith.constant 152 : i32
    %mul3A_6 = arith.muli %sub3A_4, %mul3A_5 : i32
    %add3A = arith.constant 1280 : i32
    %add3A_7 = arith.addi %add3A, %mul3A_6 : i32
    %select_n3A = arith.select %lt3A_1, %mul3A_3, %add3A_7 : i32
    %lt3A_8 = arith.constant 8 : i32
    %lt3A_9 = arith.cmpi slt, %arg1, %lt3A_8 : i32
    %lt3A_10 = arith.constant 15 : i32
    %lt3A_11 = arith.cmpi slt, %arg1, %lt3A_10 : i32
    %jit3A = arith.constant 152 : i32
    %jit3A_12 = arith.constant 156 : i32
    %select_n3A_13 = arith.select %lt3A_11, %jit3A, %jit3A_12 : i32
    %jit3A_14 = arith.constant 160 : i32
    %select_n3A_15 = arith.select %lt3A_9, %jit3A_14, %select_n3A_13 : i32
    %lt3A_16 = arith.constant 2 : i32
    %lt3A_17 = arith.cmpi slt, %arg1, %lt3A_16 : i32
    %mul3A_18 = arith.constant 632 : i32
    %mul3A_19 = arith.muli %arg1, %mul3A_18 : i32
    %sub3A_20 = arith.constant 2 : i32
    %sub3A_21 = arith.subi %arg1, %sub3A_20 : i32
    %mul3A_22 = arith.constant 624 : i32
    %mul3A_23 = arith.muli %sub3A_21, %mul3A_22 : i32
    %add3A_24 = arith.constant 1264 : i32
    %add3A_25 = arith.addi %add3A_24, %mul3A_23 : i32
    %select_n3A_26 = arith.select %lt3A_17, %mul3A_19, %add3A_25 : i32
    "tpu.region"() ({
      %run_scoped3A = tpu.sem_alloc : memref<!tpu.dma_semaphore, #tpu.memory_space<semaphore_mem>>
      %dma_start3A = arith.constant 0 : i32
      %dma_start3A_35 = tpu.memref_slice %arg7[%select_n3A_26, %dma_start3A] : memref<10112x128xf32, #tpu.memory_space<vmem_shared>> -> memref<624x128xf32, #tpu.memory_space<vmem_shared>>
      %dma_start3A_36 = arith.constant 0 : i32
      %dma_start3A_37 = arith.constant 0 : i32
      %dma_start3A_38 = tpu.memref_slice %arg5[%dma_start3A_36, %dma_start3A_37] : memref<632x128xf32, #tpu.memory_space<hbm>> -> memref<624x128xf32, #tpu.memory_space<hbm>>
      tpu.enqueue_dma source(%dma_start3A_38 : memref<624x128xf32, #tpu.memory_space<hbm>>) target(%dma_start3A_35 : memref<624x128xf32, #tpu.memory_space<vmem_shared>>) target_semaphore(%run_scoped3A : memref<!tpu.dma_semaphore, #tpu.memory_space<semaphore_mem>>)
      %dma_wait3A = arith.constant 0 : i32
      %dma_wait3A_39 = tpu.memref_slice %arg7[%select_n3A_26, %dma_wait3A] : memref<10112x128xf32, #tpu.memory_space<vmem_shared>> -> memref<624x128xf32, #tpu.memory_space<vmem_shared>>
      %dma_wait3A_40 = arith.constant 0 : i32
      %dma_wait3A_41 = arith.constant 0 : i32
      %dma_wait3A_42 = tpu.memref_slice %arg5[%dma_wait3A_40, %dma_wait3A_41] : memref<632x128xf32, #tpu.memory_space<hbm>> -> memref<624x128xf32, #tpu.memory_space<hbm>>
      tpu.wait_dma2 semaphore(%run_scoped3A : memref<!tpu.dma_semaphore, #tpu.memory_space<semaphore_mem>>) src(%dma_wait3A_42 : memref<624x128xf32, #tpu.memory_space<hbm>>) dst(%dma_wait3A_39 : memref<624x128xf32, #tpu.memory_space<vmem_shared>>)
      tpu.yield
    }) : () -> ()
    %lt3A_27 = arith.constant 2 : i32
    %lt3A_28 = arith.cmpi slt, %arg1, %lt3A_27 : i32
    %convert_element_type3A = arith.extui %lt3A_28 : i1 to i32
    %cond3A = arith.constant 0 : i32
    %cond3A_29 = arith.cmpi ne, %convert_element_type3A, %cond3A : i32
    scf.if %cond3A_29 {
      %add3A_35 = arith.constant 624 : i32
      %add3A_36 = arith.addi %select_n3A_26, %add3A_35 : i32
      "tpu.region"() ({
        %run_scoped3A = tpu.sem_alloc : memref<!tpu.dma_semaphore, #tpu.memory_space<semaphore_mem>>
        %dma_start3A = arith.constant 0 : i32
        %dma_start3A_37 = tpu.memref_slice %arg7[%add3A_36, %dma_start3A] : memref<10112x128xf32, #tpu.memory_space<vmem_shared>> -> memref<8x128xf32, #tpu.memory_space<vmem_shared>>
        %dma_start3A_38 = arith.constant 624 : i32
        %dma_start3A_39 = arith.constant 0 : i32
        %dma_start3A_40 = tpu.memref_slice %arg5[%dma_start3A_38, %dma_start3A_39] : memref<632x128xf32, #tpu.memory_space<hbm>> -> memref<8x128xf32, #tpu.memory_space<hbm>>
        tpu.enqueue_dma source(%dma_start3A_40 : memref<8x128xf32, #tpu.memory_space<hbm>>) target(%dma_start3A_37 : memref<8x128xf32, #tpu.memory_space<vmem_shared>>) target_semaphore(%run_scoped3A : memref<!tpu.dma_semaphore, #tpu.memory_space<semaphore_mem>>)
        %dma_wait3A = arith.constant 0 : i32
        %dma_wait3A_41 = tpu.memref_slice %arg7[%add3A_36, %dma_wait3A] : memref<10112x128xf32, #tpu.memory_space<vmem_shared>> -> memref<8x128xf32, #tpu.memory_space<vmem_shared>>
        %dma_wait3A_42 = arith.constant 624 : i32
        %dma_wait3A_43 = arith.constant 0 : i32
        %dma_wait3A_44 = tpu.memref_slice %arg5[%dma_wait3A_42, %dma_wait3A_43] : memref<632x128xf32, #tpu.memory_space<hbm>> -> memref<8x128xf32, #tpu.memory_space<hbm>>
        tpu.wait_dma2 semaphore(%run_scoped3A : memref<!tpu.dma_semaphore, #tpu.memory_space<semaphore_mem>>) src(%dma_wait3A_44 : memref<8x128xf32, #tpu.memory_space<hbm>>) dst(%dma_wait3A_41 : memref<8x128xf32, #tpu.memory_space<vmem_shared>>)
        tpu.yield
      }) : () -> ()
    } else {
    }
    %barrier3A = arith.constant 0 : index
    tpu.barrier barrier_id(%barrier3A)
    %scan3A = arith.constant 0 : i32
    %scan3A_30 = arith.constant 0 : i32
    %scan3A_31 = arith.constant 8 : i32
    %scan3A_32 = arith.addi %scan3A_30, %scan3A_31 : i32
    %scan3A_33 = arith.constant 1 : i32
    scf.for %scan3A_35 = %scan3A_30 to %scan3A_32 step %scan3A_33  : i32 {
      %add3A_36 = arith.constant 0 : i32
      %add3A_37 = arith.addi %select_n3A, %add3A_36 : i32
      %dma_start3A = arith.constant 0 : i32
      %dma_start3A_38 = arith.constant 0 : i32
      %dma_start3A_39 = arith.constant 0 : i32
      %dma_start3A_40 = arith.constant 0 : i32
      %dma_start3A_41 = tpu.memref_slice %arg8[%dma_start3A, %dma_start3A_39, %dma_start3A_40] : memref<2x16x128xi32, #tpu.memory_space<vmem>> -> memref<1x16x128xi32, #tpu.memory_space<vmem>>
      %dma_start3A_42 = tpu.memref_squeeze %dma_start3A_41 : memref<1x16x128xi32, #tpu.memory_space<vmem>> -> memref<16x128xi32, #tpu.memory_space<vmem>>
      %dma_start3A_43 = arith.constant 0 : i32
      %dma_start3A_44 = tpu.memref_slice %arg3[%scan3A_35, %add3A_37, %dma_start3A_43] : memref<8x2560x128xi32, #tpu.memory_space<hbm>> -> memref<1x16x128xi32, #tpu.memory_space<hbm>>
      %dma_start3A_45 = tpu.memref_squeeze %dma_start3A_44 : memref<1x16x128xi32, #tpu.memory_space<hbm>> -> memref<16x128xi32, #tpu.memory_space<hbm>>
      %dma_start3A_46 = tpu.memref_slice %arg16[%dma_start3A_38] : memref<2x!tpu.dma_semaphore, #tpu.memory_space<semaphore_mem>> -> memref<1x!tpu.dma_semaphore, #tpu.memory_space<semaphore_mem>>
      %dma_start3A_47 = tpu.memref_squeeze %dma_start3A_46 : memref<1x!tpu.dma_semaphore, #tpu.memory_space<semaphore_mem>> -> memref<!tpu.dma_semaphore, #tpu.memory_space<semaphore_mem>>
      %dma_start3A_48 = arith.constant 0 : i32
      %dma_start3A_49 = arith.constant 0 : i32
      %dma_start3A_50 = tpu.memref_slice %arg8[%dma_start3A, %dma_start3A_48, %dma_start3A_49] : memref<2x16x128xi32, #tpu.memory_space<vmem>> -> memref<1x16x128xi32, #tpu.memory_space<vmem>>
      %dma_start3A_51 = tpu.memref_squeeze %dma_start3A_50 : memref<1x16x128xi32, #tpu.memory_space<vmem>> -> memref<16x128xi32, #tpu.memory_space<vmem>>
      %dma_start3A_52 = arith.constant 0 : i32
      %dma_start3A_53 = tpu.memref_slice %arg3[%scan3A_35, %add3A_37, %dma_start3A_52] : memref<8x2560x128xi32, #tpu.memory_space<hbm>> -> memref<1x16x128xi32, #tpu.memory_space<hbm>>
      %dma_start3A_54 = tpu.memref_squeeze %dma_start3A_53 : memref<1x16x128xi32, #tpu.memory_space<hbm>> -> memref<16x128xi32, #tpu.memory_space<hbm>>
      tpu.enqueue_dma source(%dma_start3A_54 : memref<16x128xi32, #tpu.memory_space<hbm>>) target(%dma_start3A_51 : memref<16x128xi32, #tpu.memory_space<vmem>>) target_semaphore(%dma_start3A_47 : memref<!tpu.dma_semaphore, #tpu.memory_space<semaphore_mem>>)
      %add3A_55 = arith.constant 0 : i32
      %add3A_56 = arith.addi %select_n3A, %add3A_55 : i32
      %dma_start3A_57 = arith.constant 0 : i32
      %dma_start3A_58 = arith.constant 0 : i32
      %dma_start3A_59 = arith.constant 0 : i32
      %dma_start3A_60 = arith.constant 0 : i32
      %dma_start3A_61 = tpu.memref_slice %arg9[%dma_start3A_57, %dma_start3A_59, %dma_start3A_60] : memref<2x16x128xi32, #tpu.memory_space<vmem>> -> memref<1x16x128xi32, #tpu.memory_space<vmem>>
      %dma_start3A_62 = tpu.memref_squeeze %dma_start3A_61 : memref<1x16x128xi32, #tpu.memory_space<vmem>> -> memref<16x128xi32, #tpu.memory_space<vmem>>
      %dma_start3A_63 = arith.constant 0 : i32
      %dma_start3A_64 = tpu.memref_slice %arg4[%scan3A_35, %add3A_56, %dma_start3A_63] : memref<8x2560x128xi32, #tpu.memory_space<hbm>> -> memref<1x16x128xi32, #tpu.memory_space<hbm>>
      %dma_start3A_65 = tpu.memref_squeeze %dma_start3A_64 : memref<1x16x128xi32, #tpu.memory_space<hbm>> -> memref<16x128xi32, #tpu.memory_space<hbm>>
      %dma_start3A_66 = tpu.memref_slice %arg16[%dma_start3A_58] : memref<2x!tpu.dma_semaphore, #tpu.memory_space<semaphore_mem>> -> memref<1x!tpu.dma_semaphore, #tpu.memory_space<semaphore_mem>>
      %dma_start3A_67 = tpu.memref_squeeze %dma_start3A_66 : memref<1x!tpu.dma_semaphore, #tpu.memory_space<semaphore_mem>> -> memref<!tpu.dma_semaphore, #tpu.memory_space<semaphore_mem>>
      %dma_start3A_68 = arith.constant 0 : i32
      %dma_start3A_69 = arith.constant 0 : i32
      %dma_start3A_70 = tpu.memref_slice %arg9[%dma_start3A_57, %dma_start3A_68, %dma_start3A_69] : memref<2x16x128xi32, #tpu.memory_space<vmem>> -> memref<1x16x128xi32, #tpu.memory_space<vmem>>
      %dma_start3A_71 = tpu.memref_squeeze %dma_start3A_70 : memref<1x16x128xi32, #tpu.memory_space<vmem>> -> memref<16x128xi32, #tpu.memory_space<vmem>>
      %dma_start3A_72 = arith.constant 0 : i32
      %dma_start3A_73 = tpu.memref_slice %arg4[%scan3A_35, %add3A_56, %dma_start3A_72] : memref<8x2560x128xi32, #tpu.memory_space<hbm>> -> memref<1x16x128xi32, #tpu.memory_space<hbm>>
      %dma_start3A_74 = tpu.memref_squeeze %dma_start3A_73 : memref<1x16x128xi32, #tpu.memory_space<hbm>> -> memref<16x128xi32, #tpu.memory_space<hbm>>
      tpu.enqueue_dma source(%dma_start3A_74 : memref<16x128xi32, #tpu.memory_space<hbm>>) target(%dma_start3A_71 : memref<16x128xi32, #tpu.memory_space<vmem>>) target_semaphore(%dma_start3A_67 : memref<!tpu.dma_semaphore, #tpu.memory_space<semaphore_mem>>)
      %scan3A_75 = arith.constant 0 : i32
      %scan3A_76 = arith.constant 0 : i32
      %scan3A_77 = arith.constant 10 : i32
      %scan3A_78 = arith.addi %scan3A_76, %scan3A_77 : i32
      %scan3A_79 = arith.constant 1 : i32
      %scan3A_80 = scf.for %scan3A_147 = %scan3A_76 to %scan3A_78 step %scan3A_79 iter_args(%scan3A_148 = %scan3A_75) -> (i32)  : i32 {
        %rem3A = arith.constant 2 : i32
        %rem3A_149 = arith.remsi %scan3A_147, %rem3A : i32
        %add3A_150 = arith.constant 1 : i32
        %add3A_151 = arith.addi %scan3A_147, %add3A_150 : i32
        %lt3A_152 = arith.constant 10 : i32
        %lt3A_153 = arith.cmpi slt, %add3A_151, %lt3A_152 : i32
        %convert_element_type3A_154 = arith.extui %lt3A_153 : i1 to i32
        %cond3A_155 = arith.constant 0 : i32
        %cond3A_156 = arith.cmpi ne, %convert_element_type3A_154, %cond3A_155 : i32
        scf.if %cond3A_156 {
          %add3A_300 = arith.constant 1 : i32
          %add3A_301 = arith.addi %scan3A_147, %add3A_300 : i32
          %add3A_302 = arith.constant 1 : i32
          %add3A_303 = arith.addi %scan3A_147, %add3A_302 : i32
          %rem3A_304 = arith.constant 2 : i32
          %rem3A_305 = arith.remsi %add3A_303, %rem3A_304 : i32
          %mul3A_306 = arith.constant 16 : i32
          %mul3A_307 = arith.muli %add3A_301, %mul3A_306 : i32
          %add3A_308 = arith.addi %select_n3A, %mul3A_307 : i32
          %dma_start3A_309 = arith.constant 0 : i32
          %dma_start3A_310 = arith.constant 0 : i32
          %dma_start3A_311 = tpu.memref_slice %arg8[%rem3A_305, %dma_start3A_309, %dma_start3A_310] : memref<2x16x128xi32, #tpu.memory_space<vmem>> -> memref<1x16x128xi32, #tpu.memory_space<vmem>>
          %dma_start3A_312 = tpu.memref_squeeze %dma_start3A_311 : memref<1x16x128xi32, #tpu.memory_space<vmem>> -> memref<16x128xi32, #tpu.memory_space<vmem>>
          %dma_start3A_313 = arith.constant 0 : i32
          %dma_start3A_314 = tpu.memref_slice %arg3[%scan3A_35, %add3A_308, %dma_start3A_313] : memref<8x2560x128xi32, #tpu.memory_space<hbm>> -> memref<1x16x128xi32, #tpu.memory_space<hbm>>
          %dma_start3A_315 = tpu.memref_squeeze %dma_start3A_314 : memref<1x16x128xi32, #tpu.memory_space<hbm>> -> memref<16x128xi32, #tpu.memory_space<hbm>>
          %dma_start3A_316 = tpu.memref_slice %arg16[%rem3A_305] : memref<2x!tpu.dma_semaphore, #tpu.memory_space<semaphore_mem>> -> memref<1x!tpu.dma_semaphore, #tpu.memory_space<semaphore_mem>>
          %dma_start3A_317 = tpu.memref_squeeze %dma_start3A_316 : memref<1x!tpu.dma_semaphore, #tpu.memory_space<semaphore_mem>> -> memref<!tpu.dma_semaphore, #tpu.memory_space<semaphore_mem>>
          %dma_start3A_318 = arith.constant 0 : i32
          %dma_start3A_319 = arith.constant 0 : i32
          %dma_start3A_320 = tpu.memref_slice %arg8[%rem3A_305, %dma_start3A_318, %dma_start3A_319] : memref<2x16x128xi32, #tpu.memory_space<vmem>> -> memref<1x16x128xi32, #tpu.memory_space<vmem>>
          %dma_start3A_321 = tpu.memref_squeeze %dma_start3A_320 : memref<1x16x128xi32, #tpu.memory_space<vmem>> -> memref<16x128xi32, #tpu.memory_space<vmem>>
          %dma_start3A_322 = arith.constant 0 : i32
          %dma_start3A_323 = tpu.memref_slice %arg3[%scan3A_35, %add3A_308, %dma_start3A_322] : memref<8x2560x128xi32, #tpu.memory_space<hbm>> -> memref<1x16x128xi32, #tpu.memory_space<hbm>>
          %dma_start3A_324 = tpu.memref_squeeze %dma_start3A_323 : memref<1x16x128xi32, #tpu.memory_space<hbm>> -> memref<16x128xi32, #tpu.memory_space<hbm>>
          tpu.enqueue_dma source(%dma_start3A_324 : memref<16x128xi32, #tpu.memory_space<hbm>>) target(%dma_start3A_321 : memref<16x128xi32, #tpu.memory_space<vmem>>) target_semaphore(%dma_start3A_317 : memref<!tpu.dma_semaphore, #tpu.memory_space<semaphore_mem>>)
          %mul3A_325 = arith.constant 16 : i32
          %mul3A_326 = arith.muli %add3A_301, %mul3A_325 : i32
          %add3A_327 = arith.addi %select_n3A, %mul3A_326 : i32
          %dma_start3A_328 = arith.constant 0 : i32
          %dma_start3A_329 = arith.constant 0 : i32
          %dma_start3A_330 = tpu.memref_slice %arg9[%rem3A_305, %dma_start3A_328, %dma_start3A_329] : memref<2x16x128xi32, #tpu.memory_space<vmem>> -> memref<1x16x128xi32, #tpu.memory_space<vmem>>
          %dma_start3A_331 = tpu.memref_squeeze %dma_start3A_330 : memref<1x16x128xi32, #tpu.memory_space<vmem>> -> memref<16x128xi32, #tpu.memory_space<vmem>>
          %dma_start3A_332 = arith.constant 0 : i32
          %dma_start3A_333 = tpu.memref_slice %arg4[%scan3A_35, %add3A_327, %dma_start3A_332] : memref<8x2560x128xi32, #tpu.memory_space<hbm>> -> memref<1x16x128xi32, #tpu.memory_space<hbm>>
          %dma_start3A_334 = tpu.memref_squeeze %dma_start3A_333 : memref<1x16x128xi32, #tpu.memory_space<hbm>> -> memref<16x128xi32, #tpu.memory_space<hbm>>
          %dma_start3A_335 = tpu.memref_slice %arg16[%rem3A_305] : memref<2x!tpu.dma_semaphore, #tpu.memory_space<semaphore_mem>> -> memref<1x!tpu.dma_semaphore, #tpu.memory_space<semaphore_mem>>
          %dma_start3A_336 = tpu.memref_squeeze %dma_start3A_335 : memref<1x!tpu.dma_semaphore, #tpu.memory_space<semaphore_mem>> -> memref<!tpu.dma_semaphore, #tpu.memory_space<semaphore_mem>>
          %dma_start3A_337 = arith.constant 0 : i32
          %dma_start3A_338 = arith.constant 0 : i32
          %dma_start3A_339 = tpu.memref_slice %arg9[%rem3A_305, %dma_start3A_337, %dma_start3A_338] : memref<2x16x128xi32, #tpu.memory_space<vmem>> -> memref<1x16x128xi32, #tpu.memory_space<vmem>>
          %dma_start3A_340 = tpu.memref_squeeze %dma_start3A_339 : memref<1x16x128xi32, #tpu.memory_space<vmem>> -> memref<16x128xi32, #tpu.memory_space<vmem>>
          %dma_start3A_341 = arith.constant 0 : i32
          %dma_start3A_342 = tpu.memref_slice %arg4[%scan3A_35, %add3A_327, %dma_start3A_341] : memref<8x2560x128xi32, #tpu.memory_space<hbm>> -> memref<1x16x128xi32, #tpu.memory_space<hbm>>
          %dma_start3A_343 = tpu.memref_squeeze %dma_start3A_342 : memref<1x16x128xi32, #tpu.memory_space<hbm>> -> memref<16x128xi32, #tpu.memory_space<hbm>>
          tpu.enqueue_dma source(%dma_start3A_343 : memref<16x128xi32, #tpu.memory_space<hbm>>) target(%dma_start3A_340 : memref<16x128xi32, #tpu.memory_space<vmem>>) target_semaphore(%dma_start3A_336 : memref<!tpu.dma_semaphore, #tpu.memory_space<semaphore_mem>>)
        } else {
        }
        %mul3A_157 = arith.constant 16 : i32
        %mul3A_158 = arith.muli %scan3A_147, %mul3A_157 : i32
        %add3A_159 = arith.addi %select_n3A, %mul3A_158 : i32
        %dma_wait3A = arith.constant 0 : i32
        %dma_wait3A_160 = arith.constant 0 : i32
        %dma_wait3A_161 = tpu.memref_slice %arg8[%rem3A_149, %dma_wait3A, %dma_wait3A_160] : memref<2x16x128xi32, #tpu.memory_space<vmem>> -> memref<1x16x128xi32, #tpu.memory_space<vmem>>
        %dma_wait3A_162 = tpu.memref_squeeze %dma_wait3A_161 : memref<1x16x128xi32, #tpu.memory_space<vmem>> -> memref<16x128xi32, #tpu.memory_space<vmem>>
        %dma_wait3A_163 = arith.constant 0 : i32
        %dma_wait3A_164 = tpu.memref_slice %arg3[%scan3A_35, %add3A_159, %dma_wait3A_163] : memref<8x2560x128xi32, #tpu.memory_space<hbm>> -> memref<1x16x128xi32, #tpu.memory_space<hbm>>
        %dma_wait3A_165 = tpu.memref_squeeze %dma_wait3A_164 : memref<1x16x128xi32, #tpu.memory_space<hbm>> -> memref<16x128xi32, #tpu.memory_space<hbm>>
        %dma_wait3A_166 = tpu.memref_slice %arg16[%rem3A_149] : memref<2x!tpu.dma_semaphore, #tpu.memory_space<semaphore_mem>> -> memref<1x!tpu.dma_semaphore, #tpu.memory_space<semaphore_mem>>
        %dma_wait3A_167 = tpu.memref_squeeze %dma_wait3A_166 : memref<1x!tpu.dma_semaphore, #tpu.memory_space<semaphore_mem>> -> memref<!tpu.dma_semaphore, #tpu.memory_space<semaphore_mem>>
        %dma_wait3A_168 = arith.constant 0 : i32
        %dma_wait3A_169 = arith.constant 0 : i32
        %dma_wait3A_170 = tpu.memref_slice %arg8[%rem3A_149, %dma_wait3A_168, %dma_wait3A_169] : memref<2x16x128xi32, #tpu.memory_space<vmem>> -> memref<1x16x128xi32, #tpu.memory_space<vmem>>
        %dma_wait3A_171 = tpu.memref_squeeze %dma_wait3A_170 : memref<1x16x128xi32, #tpu.memory_space<vmem>> -> memref<16x128xi32, #tpu.memory_space<vmem>>
        %dma_wait3A_172 = arith.constant 0 : i32
        %dma_wait3A_173 = tpu.memref_slice %arg3[%scan3A_35, %add3A_159, %dma_wait3A_172] : memref<8x2560x128xi32, #tpu.memory_space<hbm>> -> memref<1x16x128xi32, #tpu.memory_space<hbm>>
        %dma_wait3A_174 = tpu.memref_squeeze %dma_wait3A_173 : memref<1x16x128xi32, #tpu.memory_space<hbm>> -> memref<16x128xi32, #tpu.memory_space<hbm>>
        tpu.wait_dma2 semaphore(%dma_wait3A_167 : memref<!tpu.dma_semaphore, #tpu.memory_space<semaphore_mem>>) src(%dma_wait3A_174 : memref<16x128xi32, #tpu.memory_space<hbm>>) dst(%dma_wait3A_171 : memref<16x128xi32, #tpu.memory_space<vmem>>)
        %mul3A_175 = arith.constant 16 : i32
        %mul3A_176 = arith.muli %scan3A_147, %mul3A_175 : i32
        %add3A_177 = arith.addi %select_n3A, %mul3A_176 : i32
        %dma_wait3A_178 = arith.constant 0 : i32
        %dma_wait3A_179 = arith.constant 0 : i32
        %dma_wait3A_180 = tpu.memref_slice %arg9[%rem3A_149, %dma_wait3A_178, %dma_wait3A_179] : memref<2x16x128xi32, #tpu.memory_space<vmem>> -> memref<1x16x128xi32, #tpu.memory_space<vmem>>
        %dma_wait3A_181 = tpu.memref_squeeze %dma_wait3A_180 : memref<1x16x128xi32, #tpu.memory_space<vmem>> -> memref<16x128xi32, #tpu.memory_space<vmem>>
        %dma_wait3A_182 = arith.constant 0 : i32
        %dma_wait3A_183 = tpu.memref_slice %arg4[%scan3A_35, %add3A_177, %dma_wait3A_182] : memref<8x2560x128xi32, #tpu.memory_space<hbm>> -> memref<1x16x128xi32, #tpu.memory_space<hbm>>
        %dma_wait3A_184 = tpu.memref_squeeze %dma_wait3A_183 : memref<1x16x128xi32, #tpu.memory_space<hbm>> -> memref<16x128xi32, #tpu.memory_space<hbm>>
        %dma_wait3A_185 = tpu.memref_slice %arg16[%rem3A_149] : memref<2x!tpu.dma_semaphore, #tpu.memory_space<semaphore_mem>> -> memref<1x!tpu.dma_semaphore, #tpu.memory_space<semaphore_mem>>
        %dma_wait3A_186 = tpu.memref_squeeze %dma_wait3A_185 : memref<1x!tpu.dma_semaphore, #tpu.memory_space<semaphore_mem>> -> memref<!tpu.dma_semaphore, #tpu.memory_space<semaphore_mem>>
        %dma_wait3A_187 = arith.constant 0 : i32
        %dma_wait3A_188 = arith.constant 0 : i32
        %dma_wait3A_189 = tpu.memref_slice %arg9[%rem3A_149, %dma_wait3A_187, %dma_wait3A_188] : memref<2x16x128xi32, #tpu.memory_space<vmem>> -> memref<1x16x128xi32, #tpu.memory_space<vmem>>
        %dma_wait3A_190 = tpu.memref_squeeze %dma_wait3A_189 : memref<1x16x128xi32, #tpu.memory_space<vmem>> -> memref<16x128xi32, #tpu.memory_space<vmem>>
        %dma_wait3A_191 = arith.constant 0 : i32
        %dma_wait3A_192 = tpu.memref_slice %arg4[%scan3A_35, %add3A_177, %dma_wait3A_191] : memref<8x2560x128xi32, #tpu.memory_space<hbm>> -> memref<1x16x128xi32, #tpu.memory_space<hbm>>
        %dma_wait3A_193 = tpu.memref_squeeze %dma_wait3A_192 : memref<1x16x128xi32, #tpu.memory_space<hbm>> -> memref<16x128xi32, #tpu.memory_space<hbm>>
        tpu.wait_dma2 semaphore(%dma_wait3A_186 : memref<!tpu.dma_semaphore, #tpu.memory_space<semaphore_mem>>) src(%dma_wait3A_193 : memref<16x128xi32, #tpu.memory_space<hbm>>) dst(%dma_wait3A_190 : memref<16x128xi32, #tpu.memory_space<vmem>>)
        %mul3A_194 = arith.constant 16 : i32
        %mul3A_195 = arith.muli %scan3A_147, %mul3A_194 : i32
        %sub3A_196 = arith.subi %select_n3A_15, %mul3A_195 : i32
        %jit3A_197 = arith.constant 0 : i32
        %jit3A_198 = arith.constant 16 : i32
        %max3A = arith.maxsi %jit3A_197, %sub3A_196 : i32
        %min3A = arith.minsi %jit3A_198, %max3A : i32
        %while3A = arith.constant 0 : i32
        %while3A_199 = arith.subi %min3A, %while3A : i32
        %while3A_200 = arith.addi %while3A, %while3A_199 : i32
        %while3A_201 = arith.constant 1 : i32
        %while3A_202 = arith.divsi %while3A_199, %while3A_201 : i32
        %while3A_203 = arith.muli %while3A_202, %while3A_201 : i32
        %while3A_204 = arith.addi %while3A, %while3A_203 : i32
        %while3A_205 = arith.constant 1 : i32
        %while3A_206 = scf.for %while3A_300 = %while3A to %while3A_204 step %while3A_205 iter_args(%while3A_301 = %scan3A_148) -> (i32)  : i32 {
          %get3A_302 = arith.index_cast %rem3A_149 : i32 to index
          %get3A_303 = arith.index_cast %while3A_300 : i32 to index
          %get3A_304 = arith.constant 0 : index
          %get3A_305 = tpu.vector_load %arg8[%get3A_302, %get3A_303, %get3A_304] {strides = array<i32>} : memref<2x16x128xi32, #tpu.memory_space<vmem>>, vector<16xi32>,
          %get3A_306 = arith.index_cast %rem3A_149 : i32 to index
          %get3A_307 = arith.index_cast %while3A_300 : i32 to index
          %get3A_308 = arith.constant 0 : index
          %get3A_309 = tpu.vector_load %arg9[%get3A_306, %get3A_307, %get3A_308] {strides = array<i32>} : memref<2x16x128xi32, #tpu.memory_space<vmem>>, vector<16xi32>,
          %sub3A_310 = vector.broadcast %mul3A_0 : i32 to vector<16xi32>
          %sub3A_311 = arith.subi %get3A_309, %sub3A_310 : vector<16xi32>
          %ge3A = arith.constant 0 : i32
          %ge3A_312 = vector.broadcast %ge3A : i32 to vector<16xi32>
          %ge3A_313 = arith.cmpi sge, %sub3A_311, %ge3A_312 : vector<16xi32>
          %lt3A_314 = arith.constant 10000 : i32
          %lt3A_315 = vector.broadcast %lt3A_314 : i32 to vector<16xi32>
          %lt3A_316 = arith.cmpi slt, %sub3A_311, %lt3A_315 : vector<16xi32>
          %and3A_317 = arith.andi %ge3A_313, %lt3A_316 : vector<16xi1>
          %swap3A_318 = arith.index_cast %while3A_301 : i32 to index
          %swap3A_319 = tpu.vector_load %arg10[%swap3A_318] masked %and3A_317 {strides = array<i32>} : memref<2176xi32, #tpu.memory_space<vmem>>, vector<16xi32>, vector<16xi1>
          tpu.vector_store %arg10[%swap3A_318], %get3A_305 masked %and3A_317 {strides = array<i32>} : memref<2176xi32, #tpu.memory_space<vmem>>, vector<16xi32>, vector<16xi1>
          %swap3A_320 = arith.index_cast %while3A_301 : i32 to index
          %swap3A_321 = tpu.vector_load %arg11[%swap3A_320] masked %and3A_317 {strides = array<i32>} : memref<2176xi32, #tpu.memory_space<vmem>>, vector<16xi32>, vector<16xi1>
          tpu.vector_store %arg11[%swap3A_320], %sub3A_311 masked %and3A_317 {strides = array<i32>} : memref<2176xi32, #tpu.memory_space<vmem>>, vector<16xi32>, vector<16xi1>
          %convert_element_type3A_322 = arith.extui %and3A_317 : vector<16xi1> to vector<16xi32>
          %reduce_sum3A = arith.constant true
          %reduce_sum3A_323 = vector.broadcast %reduce_sum3A : i1 to vector<16xi1>
          %reduce_sum3A_324 = tpu.scan <sum>, %convert_element_type3A_322 masked %reduce_sum3A_323 : vector<16xi32>, vector<16xi1> -> vector<16xi32>
          %reduce_sum3A_325 = vector.extract %reduce_sum3A_324[15] : i32 from vector<16xi32>
          %add3A_326 = arith.addi %while3A_301, %reduce_sum3A_325 : i32
          %get3A_327 = arith.index_cast %rem3A_149 : i32 to index
          %get3A_328 = arith.index_cast %while3A_300 : i32 to index
          %get3A_329 = arith.constant 16 : index
          %get3A_330 = tpu.vector_load %arg8[%get3A_327, %get3A_328, %get3A_329] {strides = array<i32>} : memref<2x16x128xi32, #tpu.memory_space<vmem>>, vector<16xi32>,
          %get3A_331 = arith.index_cast %rem3A_149 : i32 to index
          %get3A_332 = arith.index_cast %while3A_300 : i32 to index
          %get3A_333 = arith.constant 16 : index
          %get3A_334 = tpu.vector_load %arg9[%get3A_331, %get3A_332, %get3A_333] {strides = array<i32>} : memref<2x16x128xi32, #tpu.memory_space<vmem>>, vector<16xi32>,
          %sub3A_335 = vector.broadcast %mul3A_0 : i32 to vector<16xi32>
          %sub3A_336 = arith.subi %get3A_334, %sub3A_335 : vector<16xi32>
          %ge3A_337 = arith.constant 0 : i32
          %ge3A_338 = vector.broadcast %ge3A_337 : i32 to vector<16xi32>
          %ge3A_339 = arith.cmpi sge, %sub3A_336, %ge3A_338 : vector<16xi32>
          %lt3A_340 = arith.constant 10000 : i32
          %lt3A_341 = vector.broadcast %lt3A_340 : i32 to vector<16xi32>
          %lt3A_342 = arith.cmpi slt, %sub3A_336, %lt3A_341 : vector<16xi32>
          %and3A_343 = arith.andi %ge3A_339, %lt3A_342 : vector<16xi1>
          %swap3A_344 = arith.index_cast %add3A_326 : i32 to index
          %swap3A_345 = tpu.vector_load %arg10[%swap3A_344] masked %and3A_343 {strides = array<i32>} : memref<2176xi32, #tpu.memory_space<vmem>>, vector<16xi32>, vector<16xi1>
          tpu.vector_store %arg10[%swap3A_344], %get3A_330 masked %and3A_343 {strides = array<i32>} : memref<2176xi32, #tpu.memory_space<vmem>>, vector<16xi32>, vector<16xi1>
          %swap3A_346 = arith.index_cast %add3A_326 : i32 to index
          %swap3A_347 = tpu.vector_load %arg11[%swap3A_346] masked %and3A_343 {strides = array<i32>} : memref<2176xi32, #tpu.memory_space<vmem>>, vector<16xi32>, vector<16xi1>
          tpu.vector_store %arg11[%swap3A_346], %sub3A_336 masked %and3A_343 {strides = array<i32>} : memref<2176xi32, #tpu.memory_space<vmem>>, vector<16xi32>, vector<16xi1>
          %convert_element_type3A_348 = arith.extui %and3A_343 : vector<16xi1> to vector<16xi32>
          %reduce_sum3A_349 = arith.constant true
          %reduce_sum3A_350 = vector.broadcast %reduce_sum3A_349 : i1 to vector<16xi1>
          %reduce_sum3A_351 = tpu.scan <sum>, %convert_element_type3A_348 masked %reduce_sum3A_350 : vector<16xi32>, vector<16xi1> -> vector<16xi32>
          %reduce_sum3A_352 = vector.extract %reduce_sum3A_351[15] : i32 from vector<16xi32>
          %add3A_353 = arith.addi %add3A_326, %reduce_sum3A_352 : i32
          %get3A_354 = arith.index_cast %rem3A_149 : i32 to index
          %get3A_355 = arith.index_cast %while3A_300 : i32 to index
          %get3A_356 = arith.constant 32 : index
          %get3A_357 = tpu.vector_load %arg8[%get3A_354, %get3A_355, %get3A_356] {strides = array<i32>} : memref<2x16x128xi32, #tpu.memory_space<vmem>>, vector<16xi32>,
          %get3A_358 = arith.index_cast %rem3A_149 : i32 to index
          %get3A_359 = arith.index_cast %while3A_300 : i32 to index
          %get3A_360 = arith.constant 32 : index
          %get3A_361 = tpu.vector_load %arg9[%get3A_358, %get3A_359, %get3A_360] {strides = array<i32>} : memref<2x16x128xi32, #tpu.memory_space<vmem>>, vector<16xi32>,
          %sub3A_362 = vector.broadcast %mul3A_0 : i32 to vector<16xi32>
          %sub3A_363 = arith.subi %get3A_361, %sub3A_362 : vector<16xi32>
          %ge3A_364 = arith.constant 0 : i32
          %ge3A_365 = vector.broadcast %ge3A_364 : i32 to vector<16xi32>
          %ge3A_366 = arith.cmpi sge, %sub3A_363, %ge3A_365 : vector<16xi32>
          %lt3A_367 = arith.constant 10000 : i32
          %lt3A_368 = vector.broadcast %lt3A_367 : i32 to vector<16xi32>
          %lt3A_369 = arith.cmpi slt, %sub3A_363, %lt3A_368 : vector<16xi32>
          %and3A_370 = arith.andi %ge3A_366, %lt3A_369 : vector<16xi1>
          %swap3A_371 = arith.index_cast %add3A_353 : i32 to index
          %swap3A_372 = tpu.vector_load %arg10[%swap3A_371] masked %and3A_370 {strides = array<i32>} : memref<2176xi32, #tpu.memory_space<vmem>>, vector<16xi32>, vector<16xi1>
          tpu.vector_store %arg10[%swap3A_371], %get3A_357 masked %and3A_370 {strides = array<i32>} : memref<2176xi32, #tpu.memory_space<vmem>>, vector<16xi32>, vector<16xi1>
          %swap3A_373 = arith.index_cast %add3A_353 : i32 to index
          %swap3A_374 = tpu.vector_load %arg11[%swap3A_373] masked %and3A_370 {strides = array<i32>} : memref<2176xi32, #tpu.memory_space<vmem>>, vector<16xi32>, vector<16xi1>
          tpu.vector_store %arg11[%swap3A_373], %sub3A_363 masked %and3A_370 {strides = array<i32>} : memref<2176xi32, #tpu.memory_space<vmem>>, vector<16xi32>, vector<16xi1>
          %convert_element_type3A_375 = arith.extui %and3A_370 : vector<16xi1> to vector<16xi32>
          %reduce_sum3A_376 = arith.constant true
          %reduce_sum3A_377 = vector.broadcast %reduce_sum3A_376 : i1 to vector<16xi1>
          %reduce_sum3A_378 = tpu.scan <sum>, %convert_element_type3A_375 masked %reduce_sum3A_377 : vector<16xi32>, vector<16xi1> -> vector<16xi32>
          %reduce_sum3A_379 = vector.extract %reduce_sum3A_378[15] : i32 from vector<16xi32>
          %add3A_380 = arith.addi %add3A_353, %reduce_sum3A_379 : i32
          %get3A_381 = arith.index_cast %rem3A_149 : i32 to index
          %get3A_382 = arith.index_cast %while3A_300 : i32 to index
          %get3A_383 = arith.constant 48 : index
          %get3A_384 = tpu.vector_load %arg8[%get3A_381, %get3A_382, %get3A_383] {strides = array<i32>} : memref<2x16x128xi32, #tpu.memory_space<vmem>>, vector<16xi32>,
          %get3A_385 = arith.index_cast %rem3A_149 : i32 to index
          %get3A_386 = arith.index_cast %while3A_300 : i32 to index
          %get3A_387 = arith.constant 48 : index
          %get3A_388 = tpu.vector_load %arg9[%get3A_385, %get3A_386, %get3A_387] {strides = array<i32>} : memref<2x16x128xi32, #tpu.memory_space<vmem>>, vector<16xi32>,
          %sub3A_389 = vector.broadcast %mul3A_0 : i32 to vector<16xi32>
          %sub3A_390 = arith.subi %get3A_388, %sub3A_389 : vector<16xi32>
          %ge3A_391 = arith.constant 0 : i32
          %ge3A_392 = vector.broadcast %ge3A_391 : i32 to vector<16xi32>
          %ge3A_393 = arith.cmpi sge, %sub3A_390, %ge3A_392 : vector<16xi32>
          %lt3A_394 = arith.constant 10000 : i32
          %lt3A_395 = vector.broadcast %lt3A_394 : i32 to vector<16xi32>
          %lt3A_396 = arith.cmpi slt, %sub3A_390, %lt3A_395 : vector<16xi32>
          %and3A_397 = arith.andi %ge3A_393, %lt3A_396 : vector<16xi1>
          %swap3A_398 = arith.index_cast %add3A_380 : i32 to index
          %swap3A_399 = tpu.vector_load %arg10[%swap3A_398] masked %and3A_397 {strides = array<i32>} : memref<2176xi32, #tpu.memory_space<vmem>>, vector<16xi32>, vector<16xi1>
          tpu.vector_store %arg10[%swap3A_398], %get3A_384 masked %and3A_397 {strides = array<i32>} : memref<2176xi32, #tpu.memory_space<vmem>>, vector<16xi32>, vector<16xi1>
          %swap3A_400 = arith.index_cast %add3A_380 : i32 to index
          %swap3A_401 = tpu.vector_load %arg11[%swap3A_400] masked %and3A_397 {strides = array<i32>} : memref<2176xi32, #tpu.memory_space<vmem>>, vector<16xi32>, vector<16xi1>
          tpu.vector_store %arg11[%swap3A_400], %sub3A_390 masked %and3A_397 {strides = array<i32>} : memref<2176xi32, #tpu.memory_space<vmem>>, vector<16xi32>, vector<16xi1>
          %convert_element_type3A_402 = arith.extui %and3A_397 : vector<16xi1> to vector<16xi32>
          %reduce_sum3A_403 = arith.constant true
          %reduce_sum3A_404 = vector.broadcast %reduce_sum3A_403 : i1 to vector<16xi1>
          %reduce_sum3A_405 = tpu.scan <sum>, %convert_element_type3A_402 masked %reduce_sum3A_404 : vector<16xi32>, vector<16xi1> -> vector<16xi32>
          %reduce_sum3A_406 = vector.extract %reduce_sum3A_405[15] : i32 from vector<16xi32>
          %add3A_407 = arith.addi %add3A_380, %reduce_sum3A_406 : i32
          %get3A_408 = arith.index_cast %rem3A_149 : i32 to index
          %get3A_409 = arith.index_cast %while3A_300 : i32 to index
          %get3A_410 = arith.constant 64 : index
          %get3A_411 = tpu.vector_load %arg8[%get3A_408, %get3A_409, %get3A_410] {strides = array<i32>} : memref<2x16x128xi32, #tpu.memory_space<vmem>>, vector<16xi32>,
          %get3A_412 = arith.index_cast %rem3A_149 : i32 to index
          %get3A_413 = arith.index_cast %while3A_300 : i32 to index
          %get3A_414 = arith.constant 64 : index
          %get3A_415 = tpu.vector_load %arg9[%get3A_412, %get3A_413, %get3A_414] {strides = array<i32>} : memref<2x16x128xi32, #tpu.memory_space<vmem>>, vector<16xi32>,
          %sub3A_416 = vector.broadcast %mul3A_0 : i32 to vector<16xi32>
          %sub3A_417 = arith.subi %get3A_415, %sub3A_416 : vector<16xi32>
          %ge3A_418 = arith.constant 0 : i32
          %ge3A_419 = vector.broadcast %ge3A_418 : i32 to vector<16xi32>
          %ge3A_420 = arith.cmpi sge, %sub3A_417, %ge3A_419 : vector<16xi32>
          %lt3A_421 = arith.constant 10000 : i32
          %lt3A_422 = vector.broadcast %lt3A_421 : i32 to vector<16xi32>
          %lt3A_423 = arith.cmpi slt, %sub3A_417, %lt3A_422 : vector<16xi32>
          %and3A_424 = arith.andi %ge3A_420, %lt3A_423 : vector<16xi1>
          %swap3A_425 = arith.index_cast %add3A_407 : i32 to index
          %swap3A_426 = tpu.vector_load %arg10[%swap3A_425] masked %and3A_424 {strides = array<i32>} : memref<2176xi32, #tpu.memory_space<vmem>>, vector<16xi32>, vector<16xi1>
          tpu.vector_store %arg10[%swap3A_425], %get3A_411 masked %and3A_424 {strides = array<i32>} : memref<2176xi32, #tpu.memory_space<vmem>>, vector<16xi32>, vector<16xi1>
          %swap3A_427 = arith.index_cast %add3A_407 : i32 to index
          %swap3A_428 = tpu.vector_load %arg11[%swap3A_427] masked %and3A_424 {strides = array<i32>} : memref<2176xi32, #tpu.memory_space<vmem>>, vector<16xi32>, vector<16xi1>
          tpu.vector_store %arg11[%swap3A_427], %sub3A_417 masked %and3A_424 {strides = array<i32>} : memref<2176xi32, #tpu.memory_space<vmem>>, vector<16xi32>, vector<16xi1>
          %convert_element_type3A_429 = arith.extui %and3A_424 : vector<16xi1> to vector<16xi32>
          %reduce_sum3A_430 = arith.constant true
          %reduce_sum3A_431 = vector.broadcast %reduce_sum3A_430 : i1 to vector<16xi1>
          %reduce_sum3A_432 = tpu.scan <sum>, %convert_element_type3A_429 masked %reduce_sum3A_431 : vector<16xi32>, vector<16xi1> -> vector<16xi32>
          %reduce_sum3A_433 = vector.extract %reduce_sum3A_432[15] : i32 from vector<16xi32>
          %add3A_434 = arith.addi %add3A_407, %reduce_sum3A_433 : i32
          %get3A_435 = arith.index_cast %rem3A_149 : i32 to index
          %get3A_436 = arith.index_cast %while3A_300 : i32 to index
          %get3A_437 = arith.constant 80 : index
          %get3A_438 = tpu.vector_load %arg8[%get3A_435, %get3A_436, %get3A_437] {strides = array<i32>} : memref<2x16x128xi32, #tpu.memory_space<vmem>>, vector<16xi32>,
          %get3A_439 = arith.index_cast %rem3A_149 : i32 to index
          %get3A_440 = arith.index_cast %while3A_300 : i32 to index
          %get3A_441 = arith.constant 80 : index
          %get3A_442 = tpu.vector_load %arg9[%get3A_439, %get3A_440, %get3A_441] {strides = array<i32>} : memref<2x16x128xi32, #tpu.memory_space<vmem>>, vector<16xi32>,
          %sub3A_443 = vector.broadcast %mul3A_0 : i32 to vector<16xi32>
          %sub3A_444 = arith.subi %get3A_442, %sub3A_443 : vector<16xi32>
          %ge3A_445 = arith.constant 0 : i32
          %ge3A_446 = vector.broadcast %ge3A_445 : i32 to vector<16xi32>
          %ge3A_447 = arith.cmpi sge, %sub3A_444, %ge3A_446 : vector<16xi32>
          %lt3A_448 = arith.constant 10000 : i32
          %lt3A_449 = vector.broadcast %lt3A_448 : i32 to vector<16xi32>
          %lt3A_450 = arith.cmpi slt, %sub3A_444, %lt3A_449 : vector<16xi32>
          %and3A_451 = arith.andi %ge3A_447, %lt3A_450 : vector<16xi1>
          %swap3A_452 = arith.index_cast %add3A_434 : i32 to index
          %swap3A_453 = tpu.vector_load %arg10[%swap3A_452] masked %and3A_451 {strides = array<i32>} : memref<2176xi32, #tpu.memory_space<vmem>>, vector<16xi32>, vector<16xi1>
          tpu.vector_store %arg10[%swap3A_452], %get3A_438 masked %and3A_451 {strides = array<i32>} : memref<2176xi32, #tpu.memory_space<vmem>>, vector<16xi32>, vector<16xi1>
          %swap3A_454 = arith.index_cast %add3A_434 : i32 to index
          %swap3A_455 = tpu.vector_load %arg11[%swap3A_454] masked %and3A_451 {strides = array<i32>} : memref<2176xi32, #tpu.memory_space<vmem>>, vector<16xi32>, vector<16xi1>
          tpu.vector_store %arg11[%swap3A_454], %sub3A_444 masked %and3A_451 {strides = array<i32>} : memref<2176xi32, #tpu.memory_space<vmem>>, vector<16xi32>, vector<16xi1>
          %convert_element_type3A_456 = arith.extui %and3A_451 : vector<16xi1> to vector<16xi32>
          %reduce_sum3A_457 = arith.constant true
          %reduce_sum3A_458 = vector.broadcast %reduce_sum3A_457 : i1 to vector<16xi1>
          %reduce_sum3A_459 = tpu.scan <sum>, %convert_element_type3A_456 masked %reduce_sum3A_458 : vector<16xi32>, vector<16xi1> -> vector<16xi32>
          %reduce_sum3A_460 = vector.extract %reduce_sum3A_459[15] : i32 from vector<16xi32>
          %add3A_461 = arith.addi %add3A_434, %reduce_sum3A_460 : i32
          %get3A_462 = arith.index_cast %rem3A_149 : i32 to index
          %get3A_463 = arith.index_cast %while3A_300 : i32 to index
          %get3A_464 = arith.constant 96 : index
          %get3A_465 = tpu.vector_load %arg8[%get3A_462, %get3A_463, %get3A_464] {strides = array<i32>} : memref<2x16x128xi32, #tpu.memory_space<vmem>>, vector<16xi32>,
          %get3A_466 = arith.index_cast %rem3A_149 : i32 to index
          %get3A_467 = arith.index_cast %while3A_300 : i32 to index
          %get3A_468 = arith.constant 96 : index
          %get3A_469 = tpu.vector_load %arg9[%get3A_466, %get3A_467, %get3A_468] {strides = array<i32>} : memref<2x16x128xi32, #tpu.memory_space<vmem>>, vector<16xi32>,
          %sub3A_470 = vector.broadcast %mul3A_0 : i32 to vector<16xi32>
          %sub3A_471 = arith.subi %get3A_469, %sub3A_470 : vector<16xi32>
          %ge3A_472 = arith.constant 0 : i32
          %ge3A_473 = vector.broadcast %ge3A_472 : i32 to vector<16xi32>
          %ge3A_474 = arith.cmpi sge, %sub3A_471, %ge3A_473 : vector<16xi32>
          %lt3A_475 = arith.constant 10000 : i32
          %lt3A_476 = vector.broadcast %lt3A_475 : i32 to vector<16xi32>
          %lt3A_477 = arith.cmpi slt, %sub3A_471, %lt3A_476 : vector<16xi32>
          %and3A_478 = arith.andi %ge3A_474, %lt3A_477 : vector<16xi1>
          %swap3A_479 = arith.index_cast %add3A_461 : i32 to index
          %swap3A_480 = tpu.vector_load %arg10[%swap3A_479] masked %and3A_478 {strides = array<i32>} : memref<2176xi32, #tpu.memory_space<vmem>>, vector<16xi32>, vector<16xi1>
          tpu.vector_store %arg10[%swap3A_479], %get3A_465 masked %and3A_478 {strides = array<i32>} : memref<2176xi32, #tpu.memory_space<vmem>>, vector<16xi32>, vector<16xi1>
          %swap3A_481 = arith.index_cast %add3A_461 : i32 to index
          %swap3A_482 = tpu.vector_load %arg11[%swap3A_481] masked %and3A_478 {strides = array<i32>} : memref<2176xi32, #tpu.memory_space<vmem>>, vector<16xi32>, vector<16xi1>
          tpu.vector_store %arg11[%swap3A_481], %sub3A_471 masked %and3A_478 {strides = array<i32>} : memref<2176xi32, #tpu.memory_space<vmem>>, vector<16xi32>, vector<16xi1>
          %convert_element_type3A_483 = arith.extui %and3A_478 : vector<16xi1> to vector<16xi32>
          %reduce_sum3A_484 = arith.constant true
          %reduce_sum3A_485 = vector.broadcast %reduce_sum3A_484 : i1 to vector<16xi1>
          %reduce_sum3A_486 = tpu.scan <sum>, %convert_element_type3A_483 masked %reduce_sum3A_485 : vector<16xi32>, vector<16xi1> -> vector<16xi32>
          %reduce_sum3A_487 = vector.extract %reduce_sum3A_486[15] : i32 from vector<16xi32>
          %add3A_488 = arith.addi %add3A_461, %reduce_sum3A_487 : i32
          %get3A_489 = arith.index_cast %rem3A_149 : i32 to index
          %get3A_490 = arith.index_cast %while3A_300 : i32 to index
          %get3A_491 = arith.constant 112 : index
          %get3A_492 = tpu.vector_load %arg8[%get3A_489, %get3A_490, %get3A_491] {strides = array<i32>} : memref<2x16x128xi32, #tpu.memory_space<vmem>>, vector<16xi32>,
          %get3A_493 = arith.index_cast %rem3A_149 : i32 to index
          %get3A_494 = arith.index_cast %while3A_300 : i32 to index
          %get3A_495 = arith.constant 112 : index
          %get3A_496 = tpu.vector_load %arg9[%get3A_493, %get3A_494, %get3A_495] {strides = array<i32>} : memref<2x16x128xi32, #tpu.memory_space<vmem>>, vector<16xi32>,
          %sub3A_497 = vector.broadcast %mul3A_0 : i32 to vector<16xi32>
          %sub3A_498 = arith.subi %get3A_496, %sub3A_497 : vector<16xi32>
          %ge3A_499 = arith.constant 0 : i32
          %ge3A_500 = vector.broadcast %ge3A_499 : i32 to vector<16xi32>
          %ge3A_501 = arith.cmpi sge, %sub3A_498, %ge3A_500 : vector<16xi32>
          %lt3A_502 = arith.constant 10000 : i32
          %lt3A_503 = vector.broadcast %lt3A_502 : i32 to vector<16xi32>
          %lt3A_504 = arith.cmpi slt, %sub3A_498, %lt3A_503 : vector<16xi32>
          %and3A_505 = arith.andi %ge3A_501, %lt3A_504 : vector<16xi1>
          %swap3A_506 = arith.index_cast %add3A_488 : i32 to index
          %swap3A_507 = tpu.vector_load %arg10[%swap3A_506] masked %and3A_505 {strides = array<i32>} : memref<2176xi32, #tpu.memory_space<vmem>>, vector<16xi32>, vector<16xi1>
          tpu.vector_store %arg10[%swap3A_506], %get3A_492 masked %and3A_505 {strides = array<i32>} : memref<2176xi32, #tpu.memory_space<vmem>>, vector<16xi32>, vector<16xi1>
          %swap3A_508 = arith.index_cast %add3A_488 : i32 to index
          %swap3A_509 = tpu.vector_load %arg11[%swap3A_508] masked %and3A_505 {strides = array<i32>} : memref<2176xi32, #tpu.memory_space<vmem>>, vector<16xi32>, vector<16xi1>
          tpu.vector_store %arg11[%swap3A_508], %sub3A_498 masked %and3A_505 {strides = array<i32>} : memref<2176xi32, #tpu.memory_space<vmem>>, vector<16xi32>, vector<16xi1>
          %convert_element_type3A_510 = arith.extui %and3A_505 : vector<16xi1> to vector<16xi32>
          %reduce_sum3A_511 = arith.constant true
          %reduce_sum3A_512 = vector.broadcast %reduce_sum3A_511 : i1 to vector<16xi1>
          %reduce_sum3A_513 = tpu.scan <sum>, %convert_element_type3A_510 masked %reduce_sum3A_512 : vector<16xi32>, vector<16xi1> -> vector<16xi32>
          %reduce_sum3A_514 = vector.extract %reduce_sum3A_513[15] : i32 from vector<16xi32>
          %add3A_515 = arith.addi %add3A_488, %reduce_sum3A_514 : i32
          scf.yield %add3A_515 : i32
        }
        %while3A_207 = arith.constant 1 : i32
        %while3A_208 = scf.for %while3A_300 = %while3A_204 to %while3A_200 step %while3A_207 iter_args(%while3A_301 = %while3A_206) -> (i32)  : i32 {
          %get3A_302 = arith.index_cast %rem3A_149 : i32 to index
          %get3A_303 = arith.index_cast %while3A_300 : i32 to index
          %get3A_304 = arith.constant 0 : index
          %get3A_305 = tpu.vector_load %arg8[%get3A_302, %get3A_303, %get3A_304] {strides = array<i32>} : memref<2x16x128xi32, #tpu.memory_space<vmem>>, vector<16xi32>,
          %get3A_306 = arith.index_cast %rem3A_149 : i32 to index
          %get3A_307 = arith.index_cast %while3A_300 : i32 to index
          %get3A_308 = arith.constant 0 : index
          %get3A_309 = tpu.vector_load %arg9[%get3A_306, %get3A_307, %get3A_308] {strides = array<i32>} : memref<2x16x128xi32, #tpu.memory_space<vmem>>, vector<16xi32>,
          %sub3A_310 = vector.broadcast %mul3A_0 : i32 to vector<16xi32>
          %sub3A_311 = arith.subi %get3A_309, %sub3A_310 : vector<16xi32>
          %ge3A = arith.constant 0 : i32
          %ge3A_312 = vector.broadcast %ge3A : i32 to vector<16xi32>
          %ge3A_313 = arith.cmpi sge, %sub3A_311, %ge3A_312 : vector<16xi32>
          %lt3A_314 = arith.constant 10000 : i32
          %lt3A_315 = vector.broadcast %lt3A_314 : i32 to vector<16xi32>
          %lt3A_316 = arith.cmpi slt, %sub3A_311, %lt3A_315 : vector<16xi32>
          %and3A_317 = arith.andi %ge3A_313, %lt3A_316 : vector<16xi1>
          %swap3A_318 = arith.index_cast %while3A_301 : i32 to index
          %swap3A_319 = tpu.vector_load %arg10[%swap3A_318] masked %and3A_317 {strides = array<i32>} : memref<2176xi32, #tpu.memory_space<vmem>>, vector<16xi32>, vector<16xi1>
          tpu.vector_store %arg10[%swap3A_318], %get3A_305 masked %and3A_317 {strides = array<i32>} : memref<2176xi32, #tpu.memory_space<vmem>>, vector<16xi32>, vector<16xi1>
          %swap3A_320 = arith.index_cast %while3A_301 : i32 to index
          %swap3A_321 = tpu.vector_load %arg11[%swap3A_320] masked %and3A_317 {strides = array<i32>} : memref<2176xi32, #tpu.memory_space<vmem>>, vector<16xi32>, vector<16xi1>
          tpu.vector_store %arg11[%swap3A_320], %sub3A_311 masked %and3A_317 {strides = array<i32>} : memref<2176xi32, #tpu.memory_space<vmem>>, vector<16xi32>, vector<16xi1>
          %convert_element_type3A_322 = arith.extui %and3A_317 : vector<16xi1> to vector<16xi32>
          %reduce_sum3A = arith.constant true
          %reduce_sum3A_323 = vector.broadcast %reduce_sum3A : i1 to vector<16xi1>
          %reduce_sum3A_324 = tpu.scan <sum>, %convert_element_type3A_322 masked %reduce_sum3A_323 : vector<16xi32>, vector<16xi1> -> vector<16xi32>
          %reduce_sum3A_325 = vector.extract %reduce_sum3A_324[15] : i32 from vector<16xi32>
          %add3A_326 = arith.addi %while3A_301, %reduce_sum3A_325 : i32
          %get3A_327 = arith.index_cast %rem3A_149 : i32 to index
          %get3A_328 = arith.index_cast %while3A_300 : i32 to index
          %get3A_329 = arith.constant 16 : index
          %get3A_330 = tpu.vector_load %arg8[%get3A_327, %get3A_328, %get3A_329] {strides = array<i32>} : memref<2x16x128xi32, #tpu.memory_space<vmem>>, vector<16xi32>,
          %get3A_331 = arith.index_cast %rem3A_149 : i32 to index
          %get3A_332 = arith.index_cast %while3A_300 : i32 to index
          %get3A_333 = arith.constant 16 : index
          %get3A_334 = tpu.vector_load %arg9[%get3A_331, %get3A_332, %get3A_333] {strides = array<i32>} : memref<2x16x128xi32, #tpu.memory_space<vmem>>, vector<16xi32>,
          %sub3A_335 = vector.broadcast %mul3A_0 : i32 to vector<16xi32>
          %sub3A_336 = arith.subi %get3A_334, %sub3A_335 : vector<16xi32>
          %ge3A_337 = arith.constant 0 : i32
          %ge3A_338 = vector.broadcast %ge3A_337 : i32 to vector<16xi32>
          %ge3A_339 = arith.cmpi sge, %sub3A_336, %ge3A_338 : vector<16xi32>
          %lt3A_340 = arith.constant 10000 : i32
          %lt3A_341 = vector.broadcast %lt3A_340 : i32 to vector<16xi32>
          %lt3A_342 = arith.cmpi slt, %sub3A_336, %lt3A_341 : vector<16xi32>
          %and3A_343 = arith.andi %ge3A_339, %lt3A_342 : vector<16xi1>
          %swap3A_344 = arith.index_cast %add3A_326 : i32 to index
          %swap3A_345 = tpu.vector_load %arg10[%swap3A_344] masked %and3A_343 {strides = array<i32>} : memref<2176xi32, #tpu.memory_space<vmem>>, vector<16xi32>, vector<16xi1>
          tpu.vector_store %arg10[%swap3A_344], %get3A_330 masked %and3A_343 {strides = array<i32>} : memref<2176xi32, #tpu.memory_space<vmem>>, vector<16xi32>, vector<16xi1>
          %swap3A_346 = arith.index_cast %add3A_326 : i32 to index
          %swap3A_347 = tpu.vector_load %arg11[%swap3A_346] masked %and3A_343 {strides = array<i32>} : memref<2176xi32, #tpu.memory_space<vmem>>, vector<16xi32>, vector<16xi1>
          tpu.vector_store %arg11[%swap3A_346], %sub3A_336 masked %and3A_343 {strides = array<i32>} : memref<2176xi32, #tpu.memory_space<vmem>>, vector<16xi32>, vector<16xi1>
          %convert_element_type3A_348 = arith.extui %and3A_343 : vector<16xi1> to vector<16xi32>
          %reduce_sum3A_349 = arith.constant true
          %reduce_sum3A_350 = vector.broadcast %reduce_sum3A_349 : i1 to vector<16xi1>
          %reduce_sum3A_351 = tpu.scan <sum>, %convert_element_type3A_348 masked %reduce_sum3A_350 : vector<16xi32>, vector<16xi1> -> vector<16xi32>
          %reduce_sum3A_352 = vector.extract %reduce_sum3A_351[15] : i32 from vector<16xi32>
          %add3A_353 = arith.addi %add3A_326, %reduce_sum3A_352 : i32
          %get3A_354 = arith.index_cast %rem3A_149 : i32 to index
          %get3A_355 = arith.index_cast %while3A_300 : i32 to index
          %get3A_356 = arith.constant 32 : index
          %get3A_357 = tpu.vector_load %arg8[%get3A_354, %get3A_355, %get3A_356] {strides = array<i32>} : memref<2x16x128xi32, #tpu.memory_space<vmem>>, vector<16xi32>,
          %get3A_358 = arith.index_cast %rem3A_149 : i32 to index
          %get3A_359 = arith.index_cast %while3A_300 : i32 to index
          %get3A_360 = arith.constant 32 : index
          %get3A_361 = tpu.vector_load %arg9[%get3A_358, %get3A_359, %get3A_360] {strides = array<i32>} : memref<2x16x128xi32, #tpu.memory_space<vmem>>, vector<16xi32>,
          %sub3A_362 = vector.broadcast %mul3A_0 : i32 to vector<16xi32>
          %sub3A_363 = arith.subi %get3A_361, %sub3A_362 : vector<16xi32>
          %ge3A_364 = arith.constant 0 : i32
          %ge3A_365 = vector.broadcast %ge3A_364 : i32 to vector<16xi32>
          %ge3A_366 = arith.cmpi sge, %sub3A_363, %ge3A_365 : vector<16xi32>
          %lt3A_367 = arith.constant 10000 : i32
          %lt3A_368 = vector.broadcast %lt3A_367 : i32 to vector<16xi32>
          %lt3A_369 = arith.cmpi slt, %sub3A_363, %lt3A_368 : vector<16xi32>
          %and3A_370 = arith.andi %ge3A_366, %lt3A_369 : vector<16xi1>
          %swap3A_371 = arith.index_cast %add3A_353 : i32 to index
          %swap3A_372 = tpu.vector_load %arg10[%swap3A_371] masked %and3A_370 {strides = array<i32>} : memref<2176xi32, #tpu.memory_space<vmem>>, vector<16xi32>, vector<16xi1>
          tpu.vector_store %arg10[%swap3A_371], %get3A_357 masked %and3A_370 {strides = array<i32>} : memref<2176xi32, #tpu.memory_space<vmem>>, vector<16xi32>, vector<16xi1>
          %swap3A_373 = arith.index_cast %add3A_353 : i32 to index
          %swap3A_374 = tpu.vector_load %arg11[%swap3A_373] masked %and3A_370 {strides = array<i32>} : memref<2176xi32, #tpu.memory_space<vmem>>, vector<16xi32>, vector<16xi1>
          tpu.vector_store %arg11[%swap3A_373], %sub3A_363 masked %and3A_370 {strides = array<i32>} : memref<2176xi32, #tpu.memory_space<vmem>>, vector<16xi32>, vector<16xi1>
          %convert_element_type3A_375 = arith.extui %and3A_370 : vector<16xi1> to vector<16xi32>
          %reduce_sum3A_376 = arith.constant true
          %reduce_sum3A_377 = vector.broadcast %reduce_sum3A_376 : i1 to vector<16xi1>
          %reduce_sum3A_378 = tpu.scan <sum>, %convert_element_type3A_375 masked %reduce_sum3A_377 : vector<16xi32>, vector<16xi1> -> vector<16xi32>
          %reduce_sum3A_379 = vector.extract %reduce_sum3A_378[15] : i32 from vector<16xi32>
          %add3A_380 = arith.addi %add3A_353, %reduce_sum3A_379 : i32
          %get3A_381 = arith.index_cast %rem3A_149 : i32 to index
          %get3A_382 = arith.index_cast %while3A_300 : i32 to index
          %get3A_383 = arith.constant 48 : index
          %get3A_384 = tpu.vector_load %arg8[%get3A_381, %get3A_382, %get3A_383] {strides = array<i32>} : memref<2x16x128xi32, #tpu.memory_space<vmem>>, vector<16xi32>,
          %get3A_385 = arith.index_cast %rem3A_149 : i32 to index
          %get3A_386 = arith.index_cast %while3A_300 : i32 to index
          %get3A_387 = arith.constant 48 : index
          %get3A_388 = tpu.vector_load %arg9[%get3A_385, %get3A_386, %get3A_387] {strides = array<i32>} : memref<2x16x128xi32, #tpu.memory_space<vmem>>, vector<16xi32>,
          %sub3A_389 = vector.broadcast %mul3A_0 : i32 to vector<16xi32>
          %sub3A_390 = arith.subi %get3A_388, %sub3A_389 : vector<16xi32>
          %ge3A_391 = arith.constant 0 : i32
          %ge3A_392 = vector.broadcast %ge3A_391 : i32 to vector<16xi32>
          %ge3A_393 = arith.cmpi sge, %sub3A_390, %ge3A_392 : vector<16xi32>
          %lt3A_394 = arith.constant 10000 : i32
          %lt3A_395 = vector.broadcast %lt3A_394 : i32 to vector<16xi32>
          %lt3A_396 = arith.cmpi slt, %sub3A_390, %lt3A_395 : vector<16xi32>
          %and3A_397 = arith.andi %ge3A_393, %lt3A_396 : vector<16xi1>
          %swap3A_398 = arith.index_cast %add3A_380 : i32 to index
          %swap3A_399 = tpu.vector_load %arg10[%swap3A_398] masked %and3A_397 {strides = array<i32>} : memref<2176xi32, #tpu.memory_space<vmem>>, vector<16xi32>, vector<16xi1>
          tpu.vector_store %arg10[%swap3A_398], %get3A_384 masked %and3A_397 {strides = array<i32>} : memref<2176xi32, #tpu.memory_space<vmem>>, vector<16xi32>, vector<16xi1>
          %swap3A_400 = arith.index_cast %add3A_380 : i32 to index
          %swap3A_401 = tpu.vector_load %arg11[%swap3A_400] masked %and3A_397 {strides = array<i32>} : memref<2176xi32, #tpu.memory_space<vmem>>, vector<16xi32>, vector<16xi1>
          tpu.vector_store %arg11[%swap3A_400], %sub3A_390 masked %and3A_397 {strides = array<i32>} : memref<2176xi32, #tpu.memory_space<vmem>>, vector<16xi32>, vector<16xi1>
          %convert_element_type3A_402 = arith.extui %and3A_397 : vector<16xi1> to vector<16xi32>
          %reduce_sum3A_403 = arith.constant true
          %reduce_sum3A_404 = vector.broadcast %reduce_sum3A_403 : i1 to vector<16xi1>
          %reduce_sum3A_405 = tpu.scan <sum>, %convert_element_type3A_402 masked %reduce_sum3A_404 : vector<16xi32>, vector<16xi1> -> vector<16xi32>
          %reduce_sum3A_406 = vector.extract %reduce_sum3A_405[15] : i32 from vector<16xi32>
          %add3A_407 = arith.addi %add3A_380, %reduce_sum3A_406 : i32
          %get3A_408 = arith.index_cast %rem3A_149 : i32 to index
          %get3A_409 = arith.index_cast %while3A_300 : i32 to index
          %get3A_410 = arith.constant 64 : index
          %get3A_411 = tpu.vector_load %arg8[%get3A_408, %get3A_409, %get3A_410] {strides = array<i32>} : memref<2x16x128xi32, #tpu.memory_space<vmem>>, vector<16xi32>,
          %get3A_412 = arith.index_cast %rem3A_149 : i32 to index
          %get3A_413 = arith.index_cast %while3A_300 : i32 to index
          %get3A_414 = arith.constant 64 : index
          %get3A_415 = tpu.vector_load %arg9[%get3A_412, %get3A_413, %get3A_414] {strides = array<i32>} : memref<2x16x128xi32, #tpu.memory_space<vmem>>, vector<16xi32>,
          %sub3A_416 = vector.broadcast %mul3A_0 : i32 to vector<16xi32>
          %sub3A_417 = arith.subi %get3A_415, %sub3A_416 : vector<16xi32>
          %ge3A_418 = arith.constant 0 : i32
          %ge3A_419 = vector.broadcast %ge3A_418 : i32 to vector<16xi32>
          %ge3A_420 = arith.cmpi sge, %sub3A_417, %ge3A_419 : vector<16xi32>
          %lt3A_421 = arith.constant 10000 : i32
          %lt3A_422 = vector.broadcast %lt3A_421 : i32 to vector<16xi32>
          %lt3A_423 = arith.cmpi slt, %sub3A_417, %lt3A_422 : vector<16xi32>
          %and3A_424 = arith.andi %ge3A_420, %lt3A_423 : vector<16xi1>
          %swap3A_425 = arith.index_cast %add3A_407 : i32 to index
          %swap3A_426 = tpu.vector_load %arg10[%swap3A_425] masked %and3A_424 {strides = array<i32>} : memref<2176xi32, #tpu.memory_space<vmem>>, vector<16xi32>, vector<16xi1>
          tpu.vector_store %arg10[%swap3A_425], %get3A_411 masked %and3A_424 {strides = array<i32>} : memref<2176xi32, #tpu.memory_space<vmem>>, vector<16xi32>, vector<16xi1>
          %swap3A_427 = arith.index_cast %add3A_407 : i32 to index
          %swap3A_428 = tpu.vector_load %arg11[%swap3A_427] masked %and3A_424 {strides = array<i32>} : memref<2176xi32, #tpu.memory_space<vmem>>, vector<16xi32>, vector<16xi1>
          tpu.vector_store %arg11[%swap3A_427], %sub3A_417 masked %and3A_424 {strides = array<i32>} : memref<2176xi32, #tpu.memory_space<vmem>>, vector<16xi32>, vector<16xi1>
          %convert_element_type3A_429 = arith.extui %and3A_424 : vector<16xi1> to vector<16xi32>
          %reduce_sum3A_430 = arith.constant true
          %reduce_sum3A_431 = vector.broadcast %reduce_sum3A_430 : i1 to vector<16xi1>
          %reduce_sum3A_432 = tpu.scan <sum>, %convert_element_type3A_429 masked %reduce_sum3A_431 : vector<16xi32>, vector<16xi1> -> vector<16xi32>
          %reduce_sum3A_433 = vector.extract %reduce_sum3A_432[15] : i32 from vector<16xi32>
          %add3A_434 = arith.addi %add3A_407, %reduce_sum3A_433 : i32
          %get3A_435 = arith.index_cast %rem3A_149 : i32 to index
          %get3A_436 = arith.index_cast %while3A_300 : i32 to index
          %get3A_437 = arith.constant 80 : index
          %get3A_438 = tpu.vector_load %arg8[%get3A_435, %get3A_436, %get3A_437] {strides = array<i32>} : memref<2x16x128xi32, #tpu.memory_space<vmem>>, vector<16xi32>,
          %get3A_439 = arith.index_cast %rem3A_149 : i32 to index
          %get3A_440 = arith.index_cast %while3A_300 : i32 to index
          %get3A_441 = arith.constant 80 : index
          %get3A_442 = tpu.vector_load %arg9[%get3A_439, %get3A_440, %get3A_441] {strides = array<i32>} : memref<2x16x128xi32, #tpu.memory_space<vmem>>, vector<16xi32>,
          %sub3A_443 = vector.broadcast %mul3A_0 : i32 to vector<16xi32>
          %sub3A_444 = arith.subi %get3A_442, %sub3A_443 : vector<16xi32>
          %ge3A_445 = arith.constant 0 : i32
          %ge3A_446 = vector.broadcast %ge3A_445 : i32 to vector<16xi32>
          %ge3A_447 = arith.cmpi sge, %sub3A_444, %ge3A_446 : vector<16xi32>
          %lt3A_448 = arith.constant 10000 : i32
          %lt3A_449 = vector.broadcast %lt3A_448 : i32 to vector<16xi32>
          %lt3A_450 = arith.cmpi slt, %sub3A_444, %lt3A_449 : vector<16xi32>
          %and3A_451 = arith.andi %ge3A_447, %lt3A_450 : vector<16xi1>
          %swap3A_452 = arith.index_cast %add3A_434 : i32 to index
          %swap3A_453 = tpu.vector_load %arg10[%swap3A_452] masked %and3A_451 {strides = array<i32>} : memref<2176xi32, #tpu.memory_space<vmem>>, vector<16xi32>, vector<16xi1>
          tpu.vector_store %arg10[%swap3A_452], %get3A_438 masked %and3A_451 {strides = array<i32>} : memref<2176xi32, #tpu.memory_space<vmem>>, vector<16xi32>, vector<16xi1>
          %swap3A_454 = arith.index_cast %add3A_434 : i32 to index
          %swap3A_455 = tpu.vector_load %arg11[%swap3A_454] masked %and3A_451 {strides = array<i32>} : memref<2176xi32, #tpu.memory_space<vmem>>, vector<16xi32>, vector<16xi1>
          tpu.vector_store %arg11[%swap3A_454], %sub3A_444 masked %and3A_451 {strides = array<i32>} : memref<2176xi32, #tpu.memory_space<vmem>>, vector<16xi32>, vector<16xi1>
          %convert_element_type3A_456 = arith.extui %and3A_451 : vector<16xi1> to vector<16xi32>
          %reduce_sum3A_457 = arith.constant true
          %reduce_sum3A_458 = vector.broadcast %reduce_sum3A_457 : i1 to vector<16xi1>
          %reduce_sum3A_459 = tpu.scan <sum>, %convert_element_type3A_456 masked %reduce_sum3A_458 : vector<16xi32>, vector<16xi1> -> vector<16xi32>
          %reduce_sum3A_460 = vector.extract %reduce_sum3A_459[15] : i32 from vector<16xi32>
          %add3A_461 = arith.addi %add3A_434, %reduce_sum3A_460 : i32
          %get3A_462 = arith.index_cast %rem3A_149 : i32 to index
          %get3A_463 = arith.index_cast %while3A_300 : i32 to index
          %get3A_464 = arith.constant 96 : index
          %get3A_465 = tpu.vector_load %arg8[%get3A_462, %get3A_463, %get3A_464] {strides = array<i32>} : memref<2x16x128xi32, #tpu.memory_space<vmem>>, vector<16xi32>,
          %get3A_466 = arith.index_cast %rem3A_149 : i32 to index
          %get3A_467 = arith.index_cast %while3A_300 : i32 to index
          %get3A_468 = arith.constant 96 : index
          %get3A_469 = tpu.vector_load %arg9[%get3A_466, %get3A_467, %get3A_468] {strides = array<i32>} : memref<2x16x128xi32, #tpu.memory_space<vmem>>, vector<16xi32>,
          %sub3A_470 = vector.broadcast %mul3A_0 : i32 to vector<16xi32>
          %sub3A_471 = arith.subi %get3A_469, %sub3A_470 : vector<16xi32>
          %ge3A_472 = arith.constant 0 : i32
          %ge3A_473 = vector.broadcast %ge3A_472 : i32 to vector<16xi32>
          %ge3A_474 = arith.cmpi sge, %sub3A_471, %ge3A_473 : vector<16xi32>
          %lt3A_475 = arith.constant 10000 : i32
          %lt3A_476 = vector.broadcast %lt3A_475 : i32 to vector<16xi32>
          %lt3A_477 = arith.cmpi slt, %sub3A_471, %lt3A_476 : vector<16xi32>
          %and3A_478 = arith.andi %ge3A_474, %lt3A_477 : vector<16xi1>
          %swap3A_479 = arith.index_cast %add3A_461 : i32 to index
          %swap3A_480 = tpu.vector_load %arg10[%swap3A_479] masked %and3A_478 {strides = array<i32>} : memref<2176xi32, #tpu.memory_space<vmem>>, vector<16xi32>, vector<16xi1>
          tpu.vector_store %arg10[%swap3A_479], %get3A_465 masked %and3A_478 {strides = array<i32>} : memref<2176xi32, #tpu.memory_space<vmem>>, vector<16xi32>, vector<16xi1>
          %swap3A_481 = arith.index_cast %add3A_461 : i32 to index
          %swap3A_482 = tpu.vector_load %arg11[%swap3A_481] masked %and3A_478 {strides = array<i32>} : memref<2176xi32, #tpu.memory_space<vmem>>, vector<16xi32>, vector<16xi1>
          tpu.vector_store %arg11[%swap3A_481], %sub3A_471 masked %and3A_478 {strides = array<i32>} : memref<2176xi32, #tpu.memory_space<vmem>>, vector<16xi32>, vector<16xi1>
          %convert_element_type3A_483 = arith.extui %and3A_478 : vector<16xi1> to vector<16xi32>
          %reduce_sum3A_484 = arith.constant true
          %reduce_sum3A_485 = vector.broadcast %reduce_sum3A_484 : i1 to vector<16xi1>
          %reduce_sum3A_486 = tpu.scan <sum>, %convert_element_type3A_483 masked %reduce_sum3A_485 : vector<16xi32>, vector<16xi1> -> vector<16xi32>
          %reduce_sum3A_487 = vector.extract %reduce_sum3A_486[15] : i32 from vector<16xi32>
          %add3A_488 = arith.addi %add3A_461, %reduce_sum3A_487 : i32
          %get3A_489 = arith.index_cast %rem3A_149 : i32 to index
          %get3A_490 = arith.index_cast %while3A_300 : i32 to index
          %get3A_491 = arith.constant 112 : index
          %get3A_492 = tpu.vector_load %arg8[%get3A_489, %get3A_490, %get3A_491] {strides = array<i32>} : memref<2x16x128xi32, #tpu.memory_space<vmem>>, vector<16xi32>,
          %get3A_493 = arith.index_cast %rem3A_149 : i32 to index
          %get3A_494 = arith.index_cast %while3A_300 : i32 to index
          %get3A_495 = arith.constant 112 : index
          %get3A_496 = tpu.vector_load %arg9[%get3A_493, %get3A_494, %get3A_495] {strides = array<i32>} : memref<2x16x128xi32, #tpu.memory_space<vmem>>, vector<16xi32>,
          %sub3A_497 = vector.broadcast %mul3A_0 : i32 to vector<16xi32>
          %sub3A_498 = arith.subi %get3A_496, %sub3A_497 : vector<16xi32>
          %ge3A_499 = arith.constant 0 : i32
          %ge3A_500 = vector.broadcast %ge3A_499 : i32 to vector<16xi32>
          %ge3A_501 = arith.cmpi sge, %sub3A_498, %ge3A_500 : vector<16xi32>
          %lt3A_502 = arith.constant 10000 : i32
          %lt3A_503 = vector.broadcast %lt3A_502 : i32 to vector<16xi32>
          %lt3A_504 = arith.cmpi slt, %sub3A_498, %lt3A_503 : vector<16xi32>
          %and3A_505 = arith.andi %ge3A_501, %lt3A_504 : vector<16xi1>
          %swap3A_506 = arith.index_cast %add3A_488 : i32 to index
          %swap3A_507 = tpu.vector_load %arg10[%swap3A_506] masked %and3A_505 {strides = array<i32>} : memref<2176xi32, #tpu.memory_space<vmem>>, vector<16xi32>, vector<16xi1>
          tpu.vector_store %arg10[%swap3A_506], %get3A_492 masked %and3A_505 {strides = array<i32>} : memref<2176xi32, #tpu.memory_space<vmem>>, vector<16xi32>, vector<16xi1>
          %swap3A_508 = arith.index_cast %add3A_488 : i32 to index
          %swap3A_509 = tpu.vector_load %arg11[%swap3A_508] masked %and3A_505 {strides = array<i32>} : memref<2176xi32, #tpu.memory_space<vmem>>, vector<16xi32>, vector<16xi1>
          tpu.vector_store %arg11[%swap3A_508], %sub3A_498 masked %and3A_505 {strides = array<i32>} : memref<2176xi32, #tpu.memory_space<vmem>>, vector<16xi32>, vector<16xi1>
          %convert_element_type3A_510 = arith.extui %and3A_505 : vector<16xi1> to vector<16xi32>
          %reduce_sum3A_511 = arith.constant true
          %reduce_sum3A_512 = vector.broadcast %reduce_sum3A_511 : i1 to vector<16xi1>
          %reduce_sum3A_513 = tpu.scan <sum>, %convert_element_type3A_510 masked %reduce_sum3A_512 : vector<16xi32>, vector<16xi1> -> vector<16xi32>
          %reduce_sum3A_514 = vector.extract %reduce_sum3A_513[15] : i32 from vector<16xi32>
          %add3A_515 = arith.addi %add3A_488, %reduce_sum3A_514 : i32
          scf.yield %add3A_515 : i32
        }
        %jit3A_209 = arith.constant 64 : i32
        %div3A = arith.divsi %while3A_208, %jit3A_209 : i32
        %sign3A = arith.constant 0 : i32
        %sign3A_210 = arith.cmpi sgt, %while3A_208, %sign3A : i32
        %sign3A_211 = arith.extui %sign3A_210 : i1 to i32
        %sign3A_212 = arith.constant 0 : i32
        %sign3A_213 = arith.cmpi slt, %while3A_208, %sign3A_212 : i32
        %sign3A_214 = arith.extui %sign3A_213 : i1 to i32
        %sign3A_215 = arith.subi %sign3A_211, %sign3A_214 : i32
        %sign3A_216 = arith.constant 0 : i32
        %sign3A_217 = arith.cmpi sgt, %jit3A_209, %sign3A_216 : i32
        %sign3A_218 = arith.extui %sign3A_217 : i1 to i32
        %sign3A_219 = arith.constant 0 : i32
        %sign3A_220 = arith.cmpi slt, %jit3A_209, %sign3A_219 : i32
        %sign3A_221 = arith.extui %sign3A_220 : i1 to i32
        %sign3A_222 = arith.subi %sign3A_218, %sign3A_221 : i32
        %ne3A = arith.cmpi ne, %sign3A_215, %sign3A_222 : i32
        %rem3A_223 = arith.remsi %while3A_208, %jit3A_209 : i32
        %ne3A_224 = arith.constant 0 : i32
        %ne3A_225 = arith.cmpi ne, %rem3A_223, %ne3A_224 : i32
        %and3A = arith.andi %ne3A, %ne3A_225 : i1
        %sub3A_226 = arith.constant 1 : i32
        %sub3A_227 = arith.subi %div3A, %sub3A_226 : i32
        %select_n3A_228 = arith.select %and3A, %sub3A_227, %div3A : i32
        %gt3A_229 = arith.constant 0 : i32
        %gt3A_230 = arith.cmpi sgt, %select_n3A_228, %gt3A_229 : i32
        %convert_element_type3A_231 = arith.extui %gt3A_230 : i1 to i32
        %cond3A_232 = arith.constant 0 : i32
        %cond3A_233 = arith.cmpi ne, %convert_element_type3A_231, %cond3A_232 : i32
        scf.if %cond3A_233 {
          %dma_start3A_300 = arith.constant 0 : i32
          %dma_start3A_301 = arith.constant 0 : i32
          %dma_start3A_302 = arith.constant 0 : i32
          %dma_start3A_303 = arith.constant 0 : i32
          %dma_start3A_304 = tpu.memref_slice %arg13[%dma_start3A_300, %dma_start3A_302, %dma_start3A_303] : memref<4x64x128xf32, #tpu.memory_space<vmem>> -> memref<1x64x128xf32, #tpu.memory_space<vmem>>
          %dma_start3A_305 = tpu.memref_squeeze %dma_start3A_304 : memref<1x64x128xf32, #tpu.memory_space<vmem>> -> memref<64x128xf32, #tpu.memory_space<vmem>>
          %dma_start3A_306 = arith.constant 0 : i32
          %dma_start3A_307 = tpu.memref_slice %arg10[%dma_start3A_306] : memref<2176xi32, #tpu.memory_space<vmem>> -> memref<64xi32, #tpu.memory_space<vmem>>
          %dma_start3A_308 = arith.constant 0 : i32
          %dma_start3A_309 = arith.constant 0 : i32
          %dma_start3A_310 = tpu.memref_slice %arg2[%scan3A_35, %dma_start3A_308, %dma_start3A_309] : memref<8x20000x128xf32, #tpu.memory_space<hbm>> -> memref<1x20000x128xf32, #tpu.memory_space<hbm>>
          %dma_start3A_311 = tpu.memref_squeeze %dma_start3A_310 : memref<1x20000x128xf32, #tpu.memory_space<hbm>> -> memref<20000x128xf32, #tpu.memory_space<hbm>>
          %dma_start3A_312 = arith.constant 0 : i32
          %dma_start3A_313 = arith.constant 0 : i32
          %dma_start3A_314 = tpu.memref_slice %dma_start3A_311[%dma_start3A_312, %dma_start3A_313] : memref<20000x128xf32, #tpu.memory_space<hbm>> -> memref<20000x128xf32, #tpu.memory_space<hbm>>
          %dma_start3A_315 = tpu.memref_slice %arg14[%dma_start3A_301] : memref<4x!tpu.dma_semaphore, #tpu.memory_space<semaphore_mem>> -> memref<1x!tpu.dma_semaphore, #tpu.memory_space<semaphore_mem>>
          %dma_start3A_316 = tpu.memref_squeeze %dma_start3A_315 : memref<1x!tpu.dma_semaphore, #tpu.memory_space<semaphore_mem>> -> memref<!tpu.dma_semaphore, #tpu.memory_space<semaphore_mem>>
          tpu.enqueue_indirect_dma source(%dma_start3A_314 : memref<20000x128xf32, #tpu.memory_space<hbm>>) target(%dma_start3A_305 : memref<64x128xf32, #tpu.memory_space<vmem>>) offsets(%dma_start3A_307 : memref<64xi32, #tpu.memory_space<vmem>>) semaphore(%dma_start3A_316 : memref<!tpu.dma_semaphore, #tpu.memory_space<semaphore_mem>>)
          %gt3A_317 = arith.constant 1 : i32
          %gt3A_318 = arith.cmpi sgt, %select_n3A_228, %gt3A_317 : i32
          %convert_element_type3A_319 = arith.extui %gt3A_318 : i1 to i32
          %cond3A_320 = arith.constant 0 : i32
          %cond3A_321 = arith.cmpi ne, %convert_element_type3A_319, %cond3A_320 : i32
          scf.if %cond3A_321 {
            %dma_start3A_353 = arith.constant 1 : i32
            %dma_start3A_354 = arith.constant 1 : i32
            %dma_start3A_355 = arith.constant 0 : i32
            %dma_start3A_356 = arith.constant 0 : i32
            %dma_start3A_357 = tpu.memref_slice %arg13[%dma_start3A_353, %dma_start3A_355, %dma_start3A_356] : memref<4x64x128xf32, #tpu.memory_space<vmem>> -> memref<1x64x128xf32, #tpu.memory_space<vmem>>
            %dma_start3A_358 = tpu.memref_squeeze %dma_start3A_357 : memref<1x64x128xf32, #tpu.memory_space<vmem>> -> memref<64x128xf32, #tpu.memory_space<vmem>>
            %dma_start3A_359 = arith.constant 64 : i32
            %dma_start3A_360 = tpu.memref_slice %arg10[%dma_start3A_359] : memref<2176xi32, #tpu.memory_space<vmem>> -> memref<64xi32, #tpu.memory_space<vmem>>
            %dma_start3A_361 = arith.constant 0 : i32
            %dma_start3A_362 = arith.constant 0 : i32
            %dma_start3A_363 = tpu.memref_slice %arg2[%scan3A_35, %dma_start3A_361, %dma_start3A_362] : memref<8x20000x128xf32, #tpu.memory_space<hbm>> -> memref<1x20000x128xf32, #tpu.memory_space<hbm>>
            %dma_start3A_364 = tpu.memref_squeeze %dma_start3A_363 : memref<1x20000x128xf32, #tpu.memory_space<hbm>> -> memref<20000x128xf32, #tpu.memory_space<hbm>>
            %dma_start3A_365 = arith.constant 0 : i32
            %dma_start3A_366 = arith.constant 0 : i32
            %dma_start3A_367 = tpu.memref_slice %dma_start3A_364[%dma_start3A_365, %dma_start3A_366] : memref<20000x128xf32, #tpu.memory_space<hbm>> -> memref<20000x128xf32, #tpu.memory_space<hbm>>
            %dma_start3A_368 = tpu.memref_slice %arg14[%dma_start3A_354] : memref<4x!tpu.dma_semaphore, #tpu.memory_space<semaphore_mem>> -> memref<1x!tpu.dma_semaphore, #tpu.memory_space<semaphore_mem>>
            %dma_start3A_369 = tpu.memref_squeeze %dma_start3A_368 : memref<1x!tpu.dma_semaphore, #tpu.memory_space<semaphore_mem>> -> memref<!tpu.dma_semaphore, #tpu.memory_space<semaphore_mem>>
            tpu.enqueue_indirect_dma source(%dma_start3A_367 : memref<20000x128xf32, #tpu.memory_space<hbm>>) target(%dma_start3A_358 : memref<64x128xf32, #tpu.memory_space<vmem>>) offsets(%dma_start3A_360 : memref<64xi32, #tpu.memory_space<vmem>>) semaphore(%dma_start3A_369 : memref<!tpu.dma_semaphore, #tpu.memory_space<semaphore_mem>>)
          } else {
          }
          %while3A_322 = arith.constant 0 : i32
          %while3A_323 = arith.constant 0 : i32
          %while3A_324 = arith.subi %select_n3A_228, %while3A_323 : i32
          %while3A_325 = arith.addi %while3A_323, %while3A_324 : i32
          %while3A_326 = arith.constant 1 : i32
          %while3A_327 = arith.divsi %while3A_324, %while3A_326 : i32
          %while3A_328 = arith.muli %while3A_327, %while3A_326 : i32
          %while3A_329 = arith.addi %while3A_323, %while3A_328 : i32
          %while3A_330 = arith.constant 1 : i32
          scf.for %while3A_353 = %while3A_323 to %while3A_329 step %while3A_330  : i32 {
            %rem3A_354 = arith.constant 4 : i32
            %rem3A_355 = arith.remsi %while3A_353, %rem3A_354 : i32
            %mul3A_356 = arith.constant 64 : i32
            %mul3A_357 = arith.muli %while3A_353, %mul3A_356 : i32
            %dma_wait3A_358 = arith.constant 0 : i32
            %dma_wait3A_359 = arith.constant 0 : i32
            %dma_wait3A_360 = tpu.memref_slice %arg13[%rem3A_355, %dma_wait3A_358, %dma_wait3A_359] : memref<4x64x128xf32, #tpu.memory_space<vmem>> -> memref<1x64x128xf32, #tpu.memory_space<vmem>>
            %dma_wait3A_361 = tpu.memref_squeeze %dma_wait3A_360 : memref<1x64x128xf32, #tpu.memory_space<vmem>> -> memref<64x128xf32, #tpu.memory_space<vmem>>
            %dma_wait3A_362 = tpu.memref_slice %arg10[%mul3A_357] : memref<2176xi32, #tpu.memory_space<vmem>> -> memref<64xi32, #tpu.memory_space<vmem>>
            %dma_wait3A_363 = arith.constant 0 : i32
            %dma_wait3A_364 = arith.constant 0 : i32
            %dma_wait3A_365 = tpu.memref_slice %arg2[%scan3A_35, %dma_wait3A_363, %dma_wait3A_364] : memref<8x20000x128xf32, #tpu.memory_space<hbm>> -> memref<1x20000x128xf32, #tpu.memory_space<hbm>>
            %dma_wait3A_366 = tpu.memref_squeeze %dma_wait3A_365 : memref<1x20000x128xf32, #tpu.memory_space<hbm>> -> memref<20000x128xf32, #tpu.memory_space<hbm>>
            %dma_wait3A_367 = arith.constant 0 : i32
            %dma_wait3A_368 = arith.constant 0 : i32
            %dma_wait3A_369 = tpu.memref_slice %dma_wait3A_366[%dma_wait3A_367, %dma_wait3A_368] : memref<20000x128xf32, #tpu.memory_space<hbm>> -> memref<20000x128xf32, #tpu.memory_space<hbm>>
            %dma_wait3A_370 = tpu.memref_slice %arg14[%rem3A_355] : memref<4x!tpu.dma_semaphore, #tpu.memory_space<semaphore_mem>> -> memref<1x!tpu.dma_semaphore, #tpu.memory_space<semaphore_mem>>
            %dma_wait3A_371 = tpu.memref_squeeze %dma_wait3A_370 : memref<1x!tpu.dma_semaphore, #tpu.memory_space<semaphore_mem>> -> memref<!tpu.dma_semaphore, #tpu.memory_space<semaphore_mem>>
            tpu.wait_indirect_dma semaphore(%dma_wait3A_371 : memref<!tpu.dma_semaphore, #tpu.memory_space<semaphore_mem>>) src(%dma_wait3A_369 : memref<20000x128xf32, #tpu.memory_space<hbm>>) dst(%dma_wait3A_361 : memref<64x128xf32, #tpu.memory_space<vmem>>)
            %mul3A_372 = arith.constant 64 : i32
            %mul3A_373 = arith.muli %while3A_353, %mul3A_372 : i32
            %add3A_374 = arith.constant 0 : i32
            %add3A_375 = arith.addi %mul3A_373, %add3A_374 : i32
            %get3A_376 = arith.index_cast %add3A_375 : i32 to index
            %get3A_377 = tpu.vector_load %arg11[%get3A_376] {strides = array<i32>} : memref<2176xi32, #tpu.memory_space<vmem>>, vector<16xi32>,
            %swap3A_378 = arith.index_cast %rem3A_355 : i32 to index
            %swap3A_379 = arith.constant 0 : index
            %swap3A_380 = tpu.vector_load %arg12[%swap3A_378, %swap3A_379] {strides = array<i32>} : memref<4x64xi32, #tpu.memory_space<vmem>>, vector<16xi32>,
            tpu.vector_store %arg12[%swap3A_378, %swap3A_379], %get3A_377 {strides = array<i32>} : memref<4x64xi32, #tpu.memory_space<vmem>>, vector<16xi32>,
            %mul3A_381 = arith.constant 64 : i32
            %mul3A_382 = arith.muli %while3A_353, %mul3A_381 : i32
            %add3A_383 = arith.constant 16 : i32
            %add3A_384 = arith.addi %mul3A_382, %add3A_383 : i32
            %get3A_385 = arith.index_cast %add3A_384 : i32 to index
            %get3A_386 = tpu.vector_load %arg11[%get3A_385] {strides = array<i32>} : memref<2176xi32, #tpu.memory_space<vmem>>, vector<16xi32>,
            %swap3A_387 = arith.index_cast %rem3A_355 : i32 to index
            %swap3A_388 = arith.constant 16 : index
            %swap3A_389 = tpu.vector_load %arg12[%swap3A_387, %swap3A_388] {strides = array<i32>} : memref<4x64xi32, #tpu.memory_space<vmem>>, vector<16xi32>,
            tpu.vector_store %arg12[%swap3A_387, %swap3A_388], %get3A_386 {strides = array<i32>} : memref<4x64xi32, #tpu.memory_space<vmem>>, vector<16xi32>,
            %mul3A_390 = arith.constant 64 : i32
            %mul3A_391 = arith.muli %while3A_353, %mul3A_390 : i32
            %add3A_392 = arith.constant 32 : i32
            %add3A_393 = arith.addi %mul3A_391, %add3A_392 : i32
            %get3A_394 = arith.index_cast %add3A_393 : i32 to index
            %get3A_395 = tpu.vector_load %arg11[%get3A_394] {strides = array<i32>} : memref<2176xi32, #tpu.memory_space<vmem>>, vector<16xi32>,
            %swap3A_396 = arith.index_cast %rem3A_355 : i32 to index
            %swap3A_397 = arith.constant 32 : index
            %swap3A_398 = tpu.vector_load %arg12[%swap3A_396, %swap3A_397] {strides = array<i32>} : memref<4x64xi32, #tpu.memory_space<vmem>>, vector<16xi32>,
            tpu.vector_store %arg12[%swap3A_396, %swap3A_397], %get3A_395 {strides = array<i32>} : memref<4x64xi32, #tpu.memory_space<vmem>>, vector<16xi32>,
            %mul3A_399 = arith.constant 64 : i32
            %mul3A_400 = arith.muli %while3A_353, %mul3A_399 : i32
            %add3A_401 = arith.constant 48 : i32
            %add3A_402 = arith.addi %mul3A_400, %add3A_401 : i32
            %get3A_403 = arith.index_cast %add3A_402 : i32 to index
            %get3A_404 = tpu.vector_load %arg11[%get3A_403] {strides = array<i32>} : memref<2176xi32, #tpu.memory_space<vmem>>, vector<16xi32>,
            %swap3A_405 = arith.index_cast %rem3A_355 : i32 to index
            %swap3A_406 = arith.constant 48 : index
            %swap3A_407 = tpu.vector_load %arg12[%swap3A_405, %swap3A_406] {strides = array<i32>} : memref<4x64xi32, #tpu.memory_space<vmem>>, vector<16xi32>,
            tpu.vector_store %arg12[%swap3A_405, %swap3A_406], %get3A_404 {strides = array<i32>} : memref<4x64xi32, #tpu.memory_space<vmem>>, vector<16xi32>,
            %dma_start3A_408 = arith.constant 0 : i32
            %dma_start3A_409 = arith.constant 0 : i32
            %dma_start3A_410 = tpu.memref_slice %arg13[%rem3A_355, %dma_start3A_408, %dma_start3A_409] : memref<4x64x128xf32, #tpu.memory_space<vmem>> -> memref<1x64x128xf32, #tpu.memory_space<vmem>>
            %dma_start3A_411 = tpu.memref_squeeze %dma_start3A_410 : memref<1x64x128xf32, #tpu.memory_space<vmem>> -> memref<64x128xf32, #tpu.memory_space<vmem>>
            %dma_start3A_412 = arith.constant 0 : i32
            %dma_start3A_413 = tpu.memref_slice %arg12[%rem3A_355, %dma_start3A_412] : memref<4x64xi32, #tpu.memory_space<vmem>> -> memref<1x64xi32, #tpu.memory_space<vmem>>
            %dma_start3A_414 = tpu.memref_squeeze %dma_start3A_413 : memref<1x64xi32, #tpu.memory_space<vmem>> -> memref<64xi32, #tpu.memory_space<vmem>>
            %dma_start3A_415 = arith.constant 0 : i32
            %dma_start3A_416 = arith.constant 0 : i32
            %dma_start3A_417 = tpu.memref_slice %arg7[%dma_start3A_415, %dma_start3A_416] : memref<10112x128xf32, #tpu.memory_space<vmem_shared>> -> memref<10112x128xf32, #tpu.memory_space<vmem_shared>>
            %dma_start3A_418 = tpu.memref_slice %arg15[%rem3A_355] : memref<4x!tpu.dma_semaphore, #tpu.memory_space<semaphore_mem>> -> memref<1x!tpu.dma_semaphore, #tpu.memory_space<semaphore_mem>>
            %dma_start3A_419 = tpu.memref_squeeze %dma_start3A_418 : memref<1x!tpu.dma_semaphore, #tpu.memory_space<semaphore_mem>> -> memref<!tpu.dma_semaphore, #tpu.memory_space<semaphore_mem>>
            tpu.enqueue_indirect_dma source(%dma_start3A_411 : memref<64x128xf32, #tpu.memory_space<vmem>>) target(%dma_start3A_417 : memref<10112x128xf32, #tpu.memory_space<vmem_shared>>) offsets(%dma_start3A_414 : memref<64xi32, #tpu.memory_space<vmem>>) semaphore(%dma_start3A_419 : memref<!tpu.dma_semaphore, #tpu.memory_space<semaphore_mem>>) {add = true}
            %ge3A = arith.constant 2 : i32
            %ge3A_420 = arith.cmpi sge, %while3A_353, %ge3A : i32
            %convert_element_type3A_421 = arith.extui %ge3A_420 : i1 to i32
            %cond3A_422 = arith.constant 0 : i32
            %cond3A_423 = arith.cmpi ne, %convert_element_type3A_421, %cond3A_422 : i32
            scf.if %cond3A_423 {
              %sub3A_430 = arith.constant 2 : i32
              %sub3A_431 = arith.subi %while3A_353, %sub3A_430 : i32
              %rem3A_432 = arith.constant 4 : i32
              %rem3A_433 = arith.remsi %sub3A_431, %rem3A_432 : i32
              %dma_wait3A_434 = arith.constant 0 : i32
              %dma_wait3A_435 = arith.constant 0 : i32
              %dma_wait3A_436 = tpu.memref_slice %arg13[%rem3A_433, %dma_wait3A_434, %dma_wait3A_435] : memref<4x64x128xf32, #tpu.memory_space<vmem>> -> memref<1x64x128xf32, #tpu.memory_space<vmem>>
              %dma_wait3A_437 = tpu.memref_squeeze %dma_wait3A_436 : memref<1x64x128xf32, #tpu.memory_space<vmem>> -> memref<64x128xf32, #tpu.memory_space<vmem>>
              %dma_wait3A_438 = arith.constant 0 : i32
              %dma_wait3A_439 = tpu.memref_slice %arg12[%rem3A_433, %dma_wait3A_438] : memref<4x64xi32, #tpu.memory_space<vmem>> -> memref<1x64xi32, #tpu.memory_space<vmem>>
              %dma_wait3A_440 = tpu.memref_squeeze %dma_wait3A_439 : memref<1x64xi32, #tpu.memory_space<vmem>> -> memref<64xi32, #tpu.memory_space<vmem>>
              %dma_wait3A_441 = arith.constant 0 : i32
              %dma_wait3A_442 = arith.constant 0 : i32
              %dma_wait3A_443 = tpu.memref_slice %arg7[%dma_wait3A_441, %dma_wait3A_442] : memref<10112x128xf32, #tpu.memory_space<vmem_shared>> -> memref<10112x128xf32, #tpu.memory_space<vmem_shared>>
              %dma_wait3A_444 = tpu.memref_slice %arg15[%rem3A_433] : memref<4x!tpu.dma_semaphore, #tpu.memory_space<semaphore_mem>> -> memref<1x!tpu.dma_semaphore, #tpu.memory_space<semaphore_mem>>
              %dma_wait3A_445 = tpu.memref_squeeze %dma_wait3A_444 : memref<1x!tpu.dma_semaphore, #tpu.memory_space<semaphore_mem>> -> memref<!tpu.dma_semaphore, #tpu.memory_space<semaphore_mem>>
              tpu.wait_indirect_dma semaphore(%dma_wait3A_445 : memref<!tpu.dma_semaphore, #tpu.memory_space<semaphore_mem>>) src(%dma_wait3A_437 : memref<64x128xf32, #tpu.memory_space<vmem>>) dst(%dma_wait3A_443 : memref<10112x128xf32, #tpu.memory_space<vmem_shared>>)
            } else {
            }
            %add3A_424 = arith.constant 2 : i32
            %add3A_425 = arith.addi %while3A_353, %add3A_424 : i32
            %lt3A_426 = arith.cmpi slt, %add3A_425, %select_n3A_228 : i32
            %convert_element_type3A_427 = arith.extui %lt3A_426 : i1 to i32
            %cond3A_428 = arith.constant 0 : i32
            %cond3A_429 = arith.cmpi ne, %convert_element_type3A_427, %cond3A_428 : i32
            scf.if %cond3A_429 {
              %add3A_430 = arith.constant 2 : i32
              %add3A_431 = arith.addi %while3A_353, %add3A_430 : i32
              %rem3A_432 = arith.constant 4 : i32
              %rem3A_433 = arith.remsi %add3A_431, %rem3A_432 : i32
              %add3A_434 = arith.constant 2 : i32
              %add3A_435 = arith.addi %while3A_353, %add3A_434 : i32
              %mul3A_436 = arith.constant 64 : i32
              %mul3A_437 = arith.muli %add3A_435, %mul3A_436 : i32
              %dma_start3A_438 = arith.constant 0 : i32
              %dma_start3A_439 = arith.constant 0 : i32
              %dma_start3A_440 = tpu.memref_slice %arg13[%rem3A_433, %dma_start3A_438, %dma_start3A_439] : memref<4x64x128xf32, #tpu.memory_space<vmem>> -> memref<1x64x128xf32, #tpu.memory_space<vmem>>
              %dma_start3A_441 = tpu.memref_squeeze %dma_start3A_440 : memref<1x64x128xf32, #tpu.memory_space<vmem>> -> memref<64x128xf32, #tpu.memory_space<vmem>>
              %dma_start3A_442 = tpu.memref_slice %arg10[%mul3A_437] : memref<2176xi32, #tpu.memory_space<vmem>> -> memref<64xi32, #tpu.memory_space<vmem>>
              %dma_start3A_443 = arith.constant 0 : i32
              %dma_start3A_444 = arith.constant 0 : i32
              %dma_start3A_445 = tpu.memref_slice %arg2[%scan3A_35, %dma_start3A_443, %dma_start3A_444] : memref<8x20000x128xf32, #tpu.memory_space<hbm>> -> memref<1x20000x128xf32, #tpu.memory_space<hbm>>
              %dma_start3A_446 = tpu.memref_squeeze %dma_start3A_445 : memref<1x20000x128xf32, #tpu.memory_space<hbm>> -> memref<20000x128xf32, #tpu.memory_space<hbm>>
              %dma_start3A_447 = arith.constant 0 : i32
              %dma_start3A_448 = arith.constant 0 : i32
              %dma_start3A_449 = tpu.memref_slice %dma_start3A_446[%dma_start3A_447, %dma_start3A_448] : memref<20000x128xf32, #tpu.memory_space<hbm>> -> memref<20000x128xf32, #tpu.memory_space<hbm>>
              %dma_start3A_450 = tpu.memref_slice %arg14[%rem3A_433] : memref<4x!tpu.dma_semaphore, #tpu.memory_space<semaphore_mem>> -> memref<1x!tpu.dma_semaphore, #tpu.memory_space<semaphore_mem>>
              %dma_start3A_451 = tpu.memref_squeeze %dma_start3A_450 : memref<1x!tpu.dma_semaphore, #tpu.memory_space<semaphore_mem>> -> memref<!tpu.dma_semaphore, #tpu.memory_space<semaphore_mem>>
              tpu.enqueue_indirect_dma source(%dma_start3A_449 : memref<20000x128xf32, #tpu.memory_space<hbm>>) target(%dma_start3A_441 : memref<64x128xf32, #tpu.memory_space<vmem>>) offsets(%dma_start3A_442 : memref<64xi32, #tpu.memory_space<vmem>>) semaphore(%dma_start3A_451 : memref<!tpu.dma_semaphore, #tpu.memory_space<semaphore_mem>>)
            } else {
            }
          }
          %while3A_331 = arith.constant 1 : i32
          scf.for %while3A_353 = %while3A_329 to %while3A_325 step %while3A_331  : i32 {
            %rem3A_354 = arith.constant 4 : i32
            %rem3A_355 = arith.remsi %while3A_353, %rem3A_354 : i32
            %mul3A_356 = arith.constant 64 : i32
            %mul3A_357 = arith.muli %while3A_353, %mul3A_356 : i32
            %dma_wait3A_358 = arith.constant 0 : i32
            %dma_wait3A_359 = arith.constant 0 : i32
            %dma_wait3A_360 = tpu.memref_slice %arg13[%rem3A_355, %dma_wait3A_358, %dma_wait3A_359] : memref<4x64x128xf32, #tpu.memory_space<vmem>> -> memref<1x64x128xf32, #tpu.memory_space<vmem>>
            %dma_wait3A_361 = tpu.memref_squeeze %dma_wait3A_360 : memref<1x64x128xf32, #tpu.memory_space<vmem>> -> memref<64x128xf32, #tpu.memory_space<vmem>>
            %dma_wait3A_362 = tpu.memref_slice %arg10[%mul3A_357] : memref<2176xi32, #tpu.memory_space<vmem>> -> memref<64xi32, #tpu.memory_space<vmem>>
            %dma_wait3A_363 = arith.constant 0 : i32
            %dma_wait3A_364 = arith.constant 0 : i32
            %dma_wait3A_365 = tpu.memref_slice %arg2[%scan3A_35, %dma_wait3A_363, %dma_wait3A_364] : memref<8x20000x128xf32, #tpu.memory_space<hbm>> -> memref<1x20000x128xf32, #tpu.memory_space<hbm>>
            %dma_wait3A_366 = tpu.memref_squeeze %dma_wait3A_365 : memref<1x20000x128xf32, #tpu.memory_space<hbm>> -> memref<20000x128xf32, #tpu.memory_space<hbm>>
            %dma_wait3A_367 = arith.constant 0 : i32
            %dma_wait3A_368 = arith.constant 0 : i32
            %dma_wait3A_369 = tpu.memref_slice %dma_wait3A_366[%dma_wait3A_367, %dma_wait3A_368] : memref<20000x128xf32, #tpu.memory_space<hbm>> -> memref<20000x128xf32, #tpu.memory_space<hbm>>
            %dma_wait3A_370 = tpu.memref_slice %arg14[%rem3A_355] : memref<4x!tpu.dma_semaphore, #tpu.memory_space<semaphore_mem>> -> memref<1x!tpu.dma_semaphore, #tpu.memory_space<semaphore_mem>>
            %dma_wait3A_371 = tpu.memref_squeeze %dma_wait3A_370 : memref<1x!tpu.dma_semaphore, #tpu.memory_space<semaphore_mem>> -> memref<!tpu.dma_semaphore, #tpu.memory_space<semaphore_mem>>
            tpu.wait_indirect_dma semaphore(%dma_wait3A_371 : memref<!tpu.dma_semaphore, #tpu.memory_space<semaphore_mem>>) src(%dma_wait3A_369 : memref<20000x128xf32, #tpu.memory_space<hbm>>) dst(%dma_wait3A_361 : memref<64x128xf32, #tpu.memory_space<vmem>>)
            %mul3A_372 = arith.constant 64 : i32
            %mul3A_373 = arith.muli %while3A_353, %mul3A_372 : i32
            %add3A_374 = arith.constant 0 : i32
            %add3A_375 = arith.addi %mul3A_373, %add3A_374 : i32
            %get3A_376 = arith.index_cast %add3A_375 : i32 to index
            %get3A_377 = tpu.vector_load %arg11[%get3A_376] {strides = array<i32>} : memref<2176xi32, #tpu.memory_space<vmem>>, vector<16xi32>,
            %swap3A_378 = arith.index_cast %rem3A_355 : i32 to index
            %swap3A_379 = arith.constant 0 : index
            %swap3A_380 = tpu.vector_load %arg12[%swap3A_378, %swap3A_379] {strides = array<i32>} : memref<4x64xi32, #tpu.memory_space<vmem>>, vector<16xi32>,
            tpu.vector_store %arg12[%swap3A_378, %swap3A_379], %get3A_377 {strides = array<i32>} : memref<4x64xi32, #tpu.memory_space<vmem>>, vector<16xi32>,
            %mul3A_381 = arith.constant 64 : i32
            %mul3A_382 = arith.muli %while3A_353, %mul3A_381 : i32
            %add3A_383 = arith.constant 16 : i32
            %add3A_384 = arith.addi %mul3A_382, %add3A_383 : i32
            %get3A_385 = arith.index_cast %add3A_384 : i32 to index
            %get3A_386 = tpu.vector_load %arg11[%get3A_385] {strides = array<i32>} : memref<2176xi32, #tpu.memory_space<vmem>>, vector<16xi32>,
            %swap3A_387 = arith.index_cast %rem3A_355 : i32 to index
            %swap3A_388 = arith.constant 16 : index
            %swap3A_389 = tpu.vector_load %arg12[%swap3A_387, %swap3A_388] {strides = array<i32>} : memref<4x64xi32, #tpu.memory_space<vmem>>, vector<16xi32>,
            tpu.vector_store %arg12[%swap3A_387, %swap3A_388], %get3A_386 {strides = array<i32>} : memref<4x64xi32, #tpu.memory_space<vmem>>, vector<16xi32>,
            %mul3A_390 = arith.constant 64 : i32
            %mul3A_391 = arith.muli %while3A_353, %mul3A_390 : i32
            %add3A_392 = arith.constant 32 : i32
            %add3A_393 = arith.addi %mul3A_391, %add3A_392 : i32
            %get3A_394 = arith.index_cast %add3A_393 : i32 to index
            %get3A_395 = tpu.vector_load %arg11[%get3A_394] {strides = array<i32>} : memref<2176xi32, #tpu.memory_space<vmem>>, vector<16xi32>,
            %swap3A_396 = arith.index_cast %rem3A_355 : i32 to index
            %swap3A_397 = arith.constant 32 : index
            %swap3A_398 = tpu.vector_load %arg12[%swap3A_396, %swap3A_397] {strides = array<i32>} : memref<4x64xi32, #tpu.memory_space<vmem>>, vector<16xi32>,
            tpu.vector_store %arg12[%swap3A_396, %swap3A_397], %get3A_395 {strides = array<i32>} : memref<4x64xi32, #tpu.memory_space<vmem>>, vector<16xi32>,
            %mul3A_399 = arith.constant 64 : i32
            %mul3A_400 = arith.muli %while3A_353, %mul3A_399 : i32
            %add3A_401 = arith.constant 48 : i32
            %add3A_402 = arith.addi %mul3A_400, %add3A_401 : i32
            %get3A_403 = arith.index_cast %add3A_402 : i32 to index
            %get3A_404 = tpu.vector_load %arg11[%get3A_403] {strides = array<i32>} : memref<2176xi32, #tpu.memory_space<vmem>>, vector<16xi32>,
            %swap3A_405 = arith.index_cast %rem3A_355 : i32 to index
            %swap3A_406 = arith.constant 48 : index
            %swap3A_407 = tpu.vector_load %arg12[%swap3A_405, %swap3A_406] {strides = array<i32>} : memref<4x64xi32, #tpu.memory_space<vmem>>, vector<16xi32>,
            tpu.vector_store %arg12[%swap3A_405, %swap3A_406], %get3A_404 {strides = array<i32>} : memref<4x64xi32, #tpu.memory_space<vmem>>, vector<16xi32>,
            %dma_start3A_408 = arith.constant 0 : i32
            %dma_start3A_409 = arith.constant 0 : i32
            %dma_start3A_410 = tpu.memref_slice %arg13[%rem3A_355, %dma_start3A_408, %dma_start3A_409] : memref<4x64x128xf32, #tpu.memory_space<vmem>> -> memref<1x64x128xf32, #tpu.memory_space<vmem>>
            %dma_start3A_411 = tpu.memref_squeeze %dma_start3A_410 : memref<1x64x128xf32, #tpu.memory_space<vmem>> -> memref<64x128xf32, #tpu.memory_space<vmem>>
            %dma_start3A_412 = arith.constant 0 : i32
            %dma_start3A_413 = tpu.memref_slice %arg12[%rem3A_355, %dma_start3A_412] : memref<4x64xi32, #tpu.memory_space<vmem>> -> memref<1x64xi32, #tpu.memory_space<vmem>>
            %dma_start3A_414 = tpu.memref_squeeze %dma_start3A_413 : memref<1x64xi32, #tpu.memory_space<vmem>> -> memref<64xi32, #tpu.memory_space<vmem>>
            %dma_start3A_415 = arith.constant 0 : i32
            %dma_start3A_416 = arith.constant 0 : i32
            %dma_start3A_417 = tpu.memref_slice %arg7[%dma_start3A_415, %dma_start3A_416] : memref<10112x128xf32, #tpu.memory_space<vmem_shared>> -> memref<10112x128xf32, #tpu.memory_space<vmem_shared>>
            %dma_start3A_418 = tpu.memref_slice %arg15[%rem3A_355] : memref<4x!tpu.dma_semaphore, #tpu.memory_space<semaphore_mem>> -> memref<1x!tpu.dma_semaphore, #tpu.memory_space<semaphore_mem>>
            %dma_start3A_419 = tpu.memref_squeeze %dma_start3A_418 : memref<1x!tpu.dma_semaphore, #tpu.memory_space<semaphore_mem>> -> memref<!tpu.dma_semaphore, #tpu.memory_space<semaphore_mem>>
            tpu.enqueue_indirect_dma source(%dma_start3A_411 : memref<64x128xf32, #tpu.memory_space<vmem>>) target(%dma_start3A_417 : memref<10112x128xf32, #tpu.memory_space<vmem_shared>>) offsets(%dma_start3A_414 : memref<64xi32, #tpu.memory_space<vmem>>) semaphore(%dma_start3A_419 : memref<!tpu.dma_semaphore, #tpu.memory_space<semaphore_mem>>) {add = true}
            %ge3A = arith.constant 2 : i32
            %ge3A_420 = arith.cmpi sge, %while3A_353, %ge3A : i32
            %convert_element_type3A_421 = arith.extui %ge3A_420 : i1 to i32
            %cond3A_422 = arith.constant 0 : i32
            %cond3A_423 = arith.cmpi ne, %convert_element_type3A_421, %cond3A_422 : i32
            scf.if %cond3A_423 {
              %sub3A_430 = arith.constant 2 : i32
              %sub3A_431 = arith.subi %while3A_353, %sub3A_430 : i32
              %rem3A_432 = arith.constant 4 : i32
              %rem3A_433 = arith.remsi %sub3A_431, %rem3A_432 : i32
              %dma_wait3A_434 = arith.constant 0 : i32
              %dma_wait3A_435 = arith.constant 0 : i32
              %dma_wait3A_436 = tpu.memref_slice %arg13[%rem3A_433, %dma_wait3A_434, %dma_wait3A_435] : memref<4x64x128xf32, #tpu.memory_space<vmem>> -> memref<1x64x128xf32, #tpu.memory_space<vmem>>
              %dma_wait3A_437 = tpu.memref_squeeze %dma_wait3A_436 : memref<1x64x128xf32, #tpu.memory_space<vmem>> -> memref<64x128xf32, #tpu.memory_space<vmem>>
              %dma_wait3A_438 = arith.constant 0 : i32
              %dma_wait3A_439 = tpu.memref_slice %arg12[%rem3A_433, %dma_wait3A_438] : memref<4x64xi32, #tpu.memory_space<vmem>> -> memref<1x64xi32, #tpu.memory_space<vmem>>
              %dma_wait3A_440 = tpu.memref_squeeze %dma_wait3A_439 : memref<1x64xi32, #tpu.memory_space<vmem>> -> memref<64xi32, #tpu.memory_space<vmem>>
              %dma_wait3A_441 = arith.constant 0 : i32
              %dma_wait3A_442 = arith.constant 0 : i32
              %dma_wait3A_443 = tpu.memref_slice %arg7[%dma_wait3A_441, %dma_wait3A_442] : memref<10112x128xf32, #tpu.memory_space<vmem_shared>> -> memref<10112x128xf32, #tpu.memory_space<vmem_shared>>
              %dma_wait3A_444 = tpu.memref_slice %arg15[%rem3A_433] : memref<4x!tpu.dma_semaphore, #tpu.memory_space<semaphore_mem>> -> memref<1x!tpu.dma_semaphore, #tpu.memory_space<semaphore_mem>>
              %dma_wait3A_445 = tpu.memref_squeeze %dma_wait3A_444 : memref<1x!tpu.dma_semaphore, #tpu.memory_space<semaphore_mem>> -> memref<!tpu.dma_semaphore, #tpu.memory_space<semaphore_mem>>
              tpu.wait_indirect_dma semaphore(%dma_wait3A_445 : memref<!tpu.dma_semaphore, #tpu.memory_space<semaphore_mem>>) src(%dma_wait3A_437 : memref<64x128xf32, #tpu.memory_space<vmem>>) dst(%dma_wait3A_443 : memref<10112x128xf32, #tpu.memory_space<vmem_shared>>)
            } else {
            }
            %add3A_424 = arith.constant 2 : i32
            %add3A_425 = arith.addi %while3A_353, %add3A_424 : i32
            %lt3A_426 = arith.cmpi slt, %add3A_425, %select_n3A_228 : i32
            %convert_element_type3A_427 = arith.extui %lt3A_426 : i1 to i32
            %cond3A_428 = arith.constant 0 : i32
            %cond3A_429 = arith.cmpi ne, %convert_element_type3A_427, %cond3A_428 : i32
            scf.if %cond3A_429 {
              %add3A_430 = arith.constant 2 : i32
              %add3A_431 = arith.addi %while3A_353, %add3A_430 : i32
              %rem3A_432 = arith.constant 4 : i32
              %rem3A_433 = arith.remsi %add3A_431, %rem3A_432 : i32
              %add3A_434 = arith.constant 2 : i32
              %add3A_435 = arith.addi %while3A_353, %add3A_434 : i32
              %mul3A_436 = arith.constant 64 : i32
              %mul3A_437 = arith.muli %add3A_435, %mul3A_436 : i32
              %dma_start3A_438 = arith.constant 0 : i32
              %dma_start3A_439 = arith.constant 0 : i32
              %dma_start3A_440 = tpu.memref_slice %arg13[%rem3A_433, %dma_start3A_438, %dma_start3A_439] : memref<4x64x128xf32, #tpu.memory_space<vmem>> -> memref<1x64x128xf32, #tpu.memory_space<vmem>>
              %dma_start3A_441 = tpu.memref_squeeze %dma_start3A_440 : memref<1x64x128xf32, #tpu.memory_space<vmem>> -> memref<64x128xf32, #tpu.memory_space<vmem>>
              %dma_start3A_442 = tpu.memref_slice %arg10[%mul3A_437] : memref<2176xi32, #tpu.memory_space<vmem>> -> memref<64xi32, #tpu.memory_space<vmem>>
              %dma_start3A_443 = arith.constant 0 : i32
              %dma_start3A_444 = arith.constant 0 : i32
              %dma_start3A_445 = tpu.memref_slice %arg2[%scan3A_35, %dma_start3A_443, %dma_start3A_444] : memref<8x20000x128xf32, #tpu.memory_space<hbm>> -> memref<1x20000x128xf32, #tpu.memory_space<hbm>>
              %dma_start3A_446 = tpu.memref_squeeze %dma_start3A_445 : memref<1x20000x128xf32, #tpu.memory_space<hbm>> -> memref<20000x128xf32, #tpu.memory_space<hbm>>
              %dma_start3A_447 = arith.constant 0 : i32
              %dma_start3A_448 = arith.constant 0 : i32
              %dma_start3A_449 = tpu.memref_slice %dma_start3A_446[%dma_start3A_447, %dma_start3A_448] : memref<20000x128xf32, #tpu.memory_space<hbm>> -> memref<20000x128xf32, #tpu.memory_space<hbm>>
              %dma_start3A_450 = tpu.memref_slice %arg14[%rem3A_433] : memref<4x!tpu.dma_semaphore, #tpu.memory_space<semaphore_mem>> -> memref<1x!tpu.dma_semaphore, #tpu.memory_space<semaphore_mem>>
              %dma_start3A_451 = tpu.memref_squeeze %dma_start3A_450 : memref<1x!tpu.dma_semaphore, #tpu.memory_space<semaphore_mem>> -> memref<!tpu.dma_semaphore, #tpu.memory_space<semaphore_mem>>
              tpu.enqueue_indirect_dma source(%dma_start3A_449 : memref<20000x128xf32, #tpu.memory_space<hbm>>) target(%dma_start3A_441 : memref<64x128xf32, #tpu.memory_space<vmem>>) offsets(%dma_start3A_442 : memref<64xi32, #tpu.memory_space<vmem>>) semaphore(%dma_start3A_451 : memref<!tpu.dma_semaphore, #tpu.memory_space<semaphore_mem>>)
            } else {
            }
          }
          %sub3A_332 = arith.constant 1 : i32
          %sub3A_333 = arith.subi %select_n3A_228, %sub3A_332 : i32
          %rem3A_334 = arith.constant 4 : i32
          %rem3A_335 = arith.remsi %sub3A_333, %rem3A_334 : i32
          %dma_wait3A_336 = arith.constant 0 : i32
          %dma_wait3A_337 = arith.constant 0 : i32
          %dma_wait3A_338 = tpu.memref_slice %arg13[%rem3A_335, %dma_wait3A_336, %dma_wait3A_337] : memref<4x64x128xf32, #tpu.memory_space<vmem>> -> memref<1x64x128xf32, #tpu.memory_space<vmem>>
          %dma_wait3A_339 = tpu.memref_squeeze %dma_wait3A_338 : memref<1x64x128xf32, #tpu.memory_space<vmem>> -> memref<64x128xf32, #tpu.memory_space<vmem>>
          %dma_wait3A_340 = arith.constant 0 : i32
          %dma_wait3A_341 = tpu.memref_slice %arg12[%rem3A_335, %dma_wait3A_340] : memref<4x64xi32, #tpu.memory_space<vmem>> -> memref<1x64xi32, #tpu.memory_space<vmem>>
          %dma_wait3A_342 = tpu.memref_squeeze %dma_wait3A_341 : memref<1x64xi32, #tpu.memory_space<vmem>> -> memref<64xi32, #tpu.memory_space<vmem>>
          %dma_wait3A_343 = arith.constant 0 : i32
          %dma_wait3A_344 = arith.constant 0 : i32
          %dma_wait3A_345 = tpu.memref_slice %arg7[%dma_wait3A_343, %dma_wait3A_344] : memref<10112x128xf32, #tpu.memory_space<vmem_shared>> -> memref<10112x128xf32, #tpu.memory_space<vmem_shared>>
          %dma_wait3A_346 = tpu.memref_slice %arg15[%rem3A_335] : memref<4x!tpu.dma_semaphore, #tpu.memory_space<semaphore_mem>> -> memref<1x!tpu.dma_semaphore, #tpu.memory_space<semaphore_mem>>
          %dma_wait3A_347 = tpu.memref_squeeze %dma_wait3A_346 : memref<1x!tpu.dma_semaphore, #tpu.memory_space<semaphore_mem>> -> memref<!tpu.dma_semaphore, #tpu.memory_space<semaphore_mem>>
          tpu.wait_indirect_dma semaphore(%dma_wait3A_347 : memref<!tpu.dma_semaphore, #tpu.memory_space<semaphore_mem>>) src(%dma_wait3A_339 : memref<64x128xf32, #tpu.memory_space<vmem>>) dst(%dma_wait3A_345 : memref<10112x128xf32, #tpu.memory_space<vmem_shared>>)
          %gt3A_348 = arith.constant 1 : i32
          %gt3A_349 = arith.cmpi sgt, %select_n3A_228, %gt3A_348 : i32
          %convert_element_type3A_350 = arith.extui %gt3A_349 : i1 to i32
          %cond3A_351 = arith.constant 0 : i32
          %cond3A_352 = arith.cmpi ne, %convert_element_type3A_350, %cond3A_351 : i32
          scf.if %cond3A_352 {
            %sub3A_353 = arith.constant 2 : i32
            %sub3A_354 = arith.subi %select_n3A_228, %sub3A_353 : i32
            %rem3A_355 = arith.constant 4 : i32
            %rem3A_356 = arith.remsi %sub3A_354, %rem3A_355 : i32
            %dma_wait3A_357 = arith.constant 0 : i32
            %dma_wait3A_358 = arith.constant 0 : i32
            %dma_wait3A_359 = tpu.memref_slice %arg13[%rem3A_356, %dma_wait3A_357, %dma_wait3A_358] : memref<4x64x128xf32, #tpu.memory_space<vmem>> -> memref<1x64x128xf32, #tpu.memory_space<vmem>>
            %dma_wait3A_360 = tpu.memref_squeeze %dma_wait3A_359 : memref<1x64x128xf32, #tpu.memory_space<vmem>> -> memref<64x128xf32, #tpu.memory_space<vmem>>
            %dma_wait3A_361 = arith.constant 0 : i32
            %dma_wait3A_362 = tpu.memref_slice %arg12[%rem3A_356, %dma_wait3A_361] : memref<4x64xi32, #tpu.memory_space<vmem>> -> memref<1x64xi32, #tpu.memory_space<vmem>>
            %dma_wait3A_363 = tpu.memref_squeeze %dma_wait3A_362 : memref<1x64xi32, #tpu.memory_space<vmem>> -> memref<64xi32, #tpu.memory_space<vmem>>
            %dma_wait3A_364 = arith.constant 0 : i32
            %dma_wait3A_365 = arith.constant 0 : i32
            %dma_wait3A_366 = tpu.memref_slice %arg7[%dma_wait3A_364, %dma_wait3A_365] : memref<10112x128xf32, #tpu.memory_space<vmem_shared>> -> memref<10112x128xf32, #tpu.memory_space<vmem_shared>>
            %dma_wait3A_367 = tpu.memref_slice %arg15[%rem3A_356] : memref<4x!tpu.dma_semaphore, #tpu.memory_space<semaphore_mem>> -> memref<1x!tpu.dma_semaphore, #tpu.memory_space<semaphore_mem>>
            %dma_wait3A_368 = tpu.memref_squeeze %dma_wait3A_367 : memref<1x!tpu.dma_semaphore, #tpu.memory_space<semaphore_mem>> -> memref<!tpu.dma_semaphore, #tpu.memory_space<semaphore_mem>>
            tpu.wait_indirect_dma semaphore(%dma_wait3A_368 : memref<!tpu.dma_semaphore, #tpu.memory_space<semaphore_mem>>) src(%dma_wait3A_360 : memref<64x128xf32, #tpu.memory_space<vmem>>) dst(%dma_wait3A_366 : memref<10112x128xf32, #tpu.memory_space<vmem_shared>>)
          } else {
          }
        } else {
        }
        %mul3A_234 = arith.constant 64 : i32
        %mul3A_235 = arith.muli %select_n3A_228, %mul3A_234 : i32
        %sub3A_236 = arith.subi %while3A_208, %mul3A_235 : i32
        %mul3A_237 = arith.constant 64 : i32
        %mul3A_238 = arith.muli %select_n3A_228, %mul3A_237 : i32
        %add3A_239 = arith.constant 0 : i32
        %add3A_240 = arith.addi %mul3A_238, %add3A_239 : i32
        %get3A = arith.index_cast %add3A_240 : i32 to index
        %get3A_241 = tpu.vector_load %arg10[%get3A] {strides = array<i32>} : memref<2176xi32, #tpu.memory_space<vmem>>, vector<16xi32>,
        %mul3A_242 = arith.constant 64 : i32
        %mul3A_243 = arith.muli %select_n3A_228, %mul3A_242 : i32
        %add3A_244 = arith.constant 0 : i32
        %add3A_245 = arith.addi %mul3A_243, %add3A_244 : i32
        %get3A_246 = arith.index_cast %add3A_245 : i32 to index
        %get3A_247 = tpu.vector_load %arg11[%get3A_246] {strides = array<i32>} : memref<2176xi32, #tpu.memory_space<vmem>>, vector<16xi32>,
        %swap3A_248 = arith.constant 0 : index
        %swap3A_249 = tpu.vector_load %arg10[%swap3A_248] {strides = array<i32>} : memref<2176xi32, #tpu.memory_space<vmem>>, vector<16xi32>,
        tpu.vector_store %arg10[%swap3A_248], %get3A_241 {strides = array<i32>} : memref<2176xi32, #tpu.memory_space<vmem>>, vector<16xi32>,
        %swap3A_250 = arith.constant 0 : index
        %swap3A_251 = tpu.vector_load %arg11[%swap3A_250] {strides = array<i32>} : memref<2176xi32, #tpu.memory_space<vmem>>, vector<16xi32>,
        tpu.vector_store %arg11[%swap3A_250], %get3A_247 {strides = array<i32>} : memref<2176xi32, #tpu.memory_space<vmem>>, vector<16xi32>,
        %mul3A_252 = arith.constant 64 : i32
        %mul3A_253 = arith.muli %select_n3A_228, %mul3A_252 : i32
        %add3A_254 = arith.constant 16 : i32
        %add3A_255 = arith.addi %mul3A_253, %add3A_254 : i32
        %get3A_256 = arith.index_cast %add3A_255 : i32 to index
        %get3A_257 = tpu.vector_load %arg10[%get3A_256] {strides = array<i32>} : memref<2176xi32, #tpu.memory_space<vmem>>, vector<16xi32>,
        %mul3A_258 = arith.constant 64 : i32
        %mul3A_259 = arith.muli %select_n3A_228, %mul3A_258 : i32
        %add3A_260 = arith.constant 16 : i32
        %add3A_261 = arith.addi %mul3A_259, %add3A_260 : i32
        %get3A_262 = arith.index_cast %add3A_261 : i32 to index
        %get3A_263 = tpu.vector_load %arg11[%get3A_262] {strides = array<i32>} : memref<2176xi32, #tpu.memory_space<vmem>>, vector<16xi32>,
        %swap3A_264 = arith.constant 16 : index
        %swap3A_265 = tpu.vector_load %arg10[%swap3A_264] {strides = array<i32>} : memref<2176xi32, #tpu.memory_space<vmem>>, vector<16xi32>,
        tpu.vector_store %arg10[%swap3A_264], %get3A_257 {strides = array<i32>} : memref<2176xi32, #tpu.memory_space<vmem>>, vector<16xi32>,
        %swap3A_266 = arith.constant 16 : index
        %swap3A_267 = tpu.vector_load %arg11[%swap3A_266] {strides = array<i32>} : memref<2176xi32, #tpu.memory_space<vmem>>, vector<16xi32>,
        tpu.vector_store %arg11[%swap3A_266], %get3A_263 {strides = array<i32>} : memref<2176xi32, #tpu.memory_space<vmem>>, vector<16xi32>,
        %mul3A_268 = arith.constant 64 : i32
        %mul3A_269 = arith.muli %select_n3A_228, %mul3A_268 : i32
        %add3A_270 = arith.constant 32 : i32
        %add3A_271 = arith.addi %mul3A_269, %add3A_270 : i32
        %get3A_272 = arith.index_cast %add3A_271 : i32 to index
        %get3A_273 = tpu.vector_load %arg10[%get3A_272] {strides = array<i32>} : memref<2176xi32, #tpu.memory_space<vmem>>, vector<16xi32>,
        %mul3A_274 = arith.constant 64 : i32
        %mul3A_275 = arith.muli %select_n3A_228, %mul3A_274 : i32
        %add3A_276 = arith.constant 32 : i32
        %add3A_277 = arith.addi %mul3A_275, %add3A_276 : i32
        %get3A_278 = arith.index_cast %add3A_277 : i32 to index
        %get3A_279 = tpu.vector_load %arg11[%get3A_278] {strides = array<i32>} : memref<2176xi32, #tpu.memory_space<vmem>>, vector<16xi32>,
        %swap3A_280 = arith.constant 32 : index
        %swap3A_281 = tpu.vector_load %arg10[%swap3A_280] {strides = array<i32>} : memref<2176xi32, #tpu.memory_space<vmem>>, vector<16xi32>,
        tpu.vector_store %arg10[%swap3A_280], %get3A_273 {strides = array<i32>} : memref<2176xi32, #tpu.memory_space<vmem>>, vector<16xi32>,
        %swap3A_282 = arith.constant 32 : index
        %swap3A_283 = tpu.vector_load %arg11[%swap3A_282] {strides = array<i32>} : memref<2176xi32, #tpu.memory_space<vmem>>, vector<16xi32>,
        tpu.vector_store %arg11[%swap3A_282], %get3A_279 {strides = array<i32>} : memref<2176xi32, #tpu.memory_space<vmem>>, vector<16xi32>,
        %mul3A_284 = arith.constant 64 : i32
        %mul3A_285 = arith.muli %select_n3A_228, %mul3A_284 : i32
        %add3A_286 = arith.constant 48 : i32
        %add3A_287 = arith.addi %mul3A_285, %add3A_286 : i32
        %get3A_288 = arith.index_cast %add3A_287 : i32 to index
        %get3A_289 = tpu.vector_load %arg10[%get3A_288] {strides = array<i32>} : memref<2176xi32, #tpu.memory_space<vmem>>, vector<16xi32>,
        %mul3A_290 = arith.constant 64 : i32
        %mul3A_291 = arith.muli %select_n3A_228, %mul3A_290 : i32
        %add3A_292 = arith.constant 48 : i32
        %add3A_293 = arith.addi %mul3A_291, %add3A_292 : i32
        %get3A_294 = arith.index_cast %add3A_293 : i32 to index
        %get3A_295 = tpu.vector_load %arg11[%get3A_294] {strides = array<i32>} : memref<2176xi32, #tpu.memory_space<vmem>>, vector<16xi32>,
        %swap3A_296 = arith.constant 48 : index
        %swap3A_297 = tpu.vector_load %arg10[%swap3A_296] {strides = array<i32>} : memref<2176xi32, #tpu.memory_space<vmem>>, vector<16xi32>,
        tpu.vector_store %arg10[%swap3A_296], %get3A_289 {strides = array<i32>} : memref<2176xi32, #tpu.memory_space<vmem>>, vector<16xi32>,
        %swap3A_298 = arith.constant 48 : index
        %swap3A_299 = tpu.vector_load %arg11[%swap3A_298] {strides = array<i32>} : memref<2176xi32, #tpu.memory_space<vmem>>, vector<16xi32>,
        tpu.vector_store %arg11[%swap3A_298], %get3A_295 {strides = array<i32>} : memref<2176xi32, #tpu.memory_space<vmem>>, vector<16xi32>,
        scf.yield %sub3A_236 : i32
      }
      %scan3A_81 = arith.constant 10 : i32
      %broadcast_in_dim3A = arith.constant 0 : i32
      %broadcast_in_dim3A_82 = vector.broadcast %broadcast_in_dim3A : i32 to vector<16xi32>
      %add3A_83 = arith.constant 0 : i32
      %add3A_84 = arith.addi %scan3A_80, %add3A_83 : i32
      %swap3A = arith.index_cast %add3A_84 : i32 to index
      %swap3A_85 = tpu.vector_load %arg10[%swap3A] {strides = array<i32>} : memref<2176xi32, #tpu.memory_space<vmem>>, vector<16xi32>,
      tpu.vector_store %arg10[%swap3A], %broadcast_in_dim3A_82 {strides = array<i32>} : memref<2176xi32, #tpu.memory_space<vmem>>, vector<16xi32>,
      %broadcast_in_dim3A_86 = arith.constant 10000 : i32
      %broadcast_in_dim3A_87 = vector.broadcast %broadcast_in_dim3A_86 : i32 to vector<16xi32>
      %add3A_88 = arith.constant 0 : i32
      %add3A_89 = arith.addi %scan3A_80, %add3A_88 : i32
      %swap3A_90 = arith.index_cast %add3A_89 : i32 to index
      %swap3A_91 = tpu.vector_load %arg11[%swap3A_90] {strides = array<i32>} : memref<2176xi32, #tpu.memory_space<vmem>>, vector<16xi32>,
      tpu.vector_store %arg11[%swap3A_90], %broadcast_in_dim3A_87 {strides = array<i32>} : memref<2176xi32, #tpu.memory_space<vmem>>, vector<16xi32>,
      %broadcast_in_dim3A_92 = arith.constant 0 : i32
      %broadcast_in_dim3A_93 = vector.broadcast %broadcast_in_dim3A_92 : i32 to vector<16xi32>
      %add3A_94 = arith.constant 16 : i32
      %add3A_95 = arith.addi %scan3A_80, %add3A_94 : i32
      %swap3A_96 = arith.index_cast %add3A_95 : i32 to index
      %swap3A_97 = tpu.vector_load %arg10[%swap3A_96] {strides = array<i32>} : memref<2176xi32, #tpu.memory_space<vmem>>, vector<16xi32>,
      tpu.vector_store %arg10[%swap3A_96], %broadcast_in_dim3A_93 {strides = array<i32>} : memref<2176xi32, #tpu.memory_space<vmem>>, vector<16xi32>,
      %broadcast_in_dim3A_98 = arith.constant 10000 : i32
      %broadcast_in_dim3A_99 = vector.broadcast %broadcast_in_dim3A_98 : i32 to vector<16xi32>
      %add3A_100 = arith.constant 16 : i32
      %add3A_101 = arith.addi %scan3A_80, %add3A_100 : i32
      %swap3A_102 = arith.index_cast %add3A_101 : i32 to index
      %swap3A_103 = tpu.vector_load %arg11[%swap3A_102] {strides = array<i32>} : memref<2176xi32, #tpu.memory_space<vmem>>, vector<16xi32>,
      tpu.vector_store %arg11[%swap3A_102], %broadcast_in_dim3A_99 {strides = array<i32>} : memref<2176xi32, #tpu.memory_space<vmem>>, vector<16xi32>,
      %broadcast_in_dim3A_104 = arith.constant 0 : i32
      %broadcast_in_dim3A_105 = vector.broadcast %broadcast_in_dim3A_104 : i32 to vector<16xi32>
      %add3A_106 = arith.constant 32 : i32
      %add3A_107 = arith.addi %scan3A_80, %add3A_106 : i32
      %swap3A_108 = arith.index_cast %add3A_107 : i32 to index
      %swap3A_109 = tpu.vector_load %arg10[%swap3A_108] {strides = array<i32>} : memref<2176xi32, #tpu.memory_space<vmem>>, vector<16xi32>,
      tpu.vector_store %arg10[%swap3A_108], %broadcast_in_dim3A_105 {strides = array<i32>} : memref<2176xi32, #tpu.memory_space<vmem>>, vector<16xi32>,
      %broadcast_in_dim3A_110 = arith.constant 10000 : i32
      %broadcast_in_dim3A_111 = vector.broadcast %broadcast_in_dim3A_110 : i32 to vector<16xi32>
      %add3A_112 = arith.constant 32 : i32
      %add3A_113 = arith.addi %scan3A_80, %add3A_112 : i32
      %swap3A_114 = arith.index_cast %add3A_113 : i32 to index
      %swap3A_115 = tpu.vector_load %arg11[%swap3A_114] {strides = array<i32>} : memref<2176xi32, #tpu.memory_space<vmem>>, vector<16xi32>,
      tpu.vector_store %arg11[%swap3A_114], %broadcast_in_dim3A_111 {strides = array<i32>} : memref<2176xi32, #tpu.memory_space<vmem>>, vector<16xi32>,
      %broadcast_in_dim3A_116 = arith.constant 0 : i32
      %broadcast_in_dim3A_117 = vector.broadcast %broadcast_in_dim3A_116 : i32 to vector<16xi32>
      %add3A_118 = arith.constant 48 : i32
      %add3A_119 = arith.addi %scan3A_80, %add3A_118 : i32
      %swap3A_120 = arith.index_cast %add3A_119 : i32 to index
      %swap3A_121 = tpu.vector_load %arg10[%swap3A_120] {strides = array<i32>} : memref<2176xi32, #tpu.memory_space<vmem>>, vector<16xi32>,
      tpu.vector_store %arg10[%swap3A_120], %broadcast_in_dim3A_117 {strides = array<i32>} : memref<2176xi32, #tpu.memory_space<vmem>>, vector<16xi32>,
      %broadcast_in_dim3A_122 = arith.constant 10000 : i32
      %broadcast_in_dim3A_123 = vector.broadcast %broadcast_in_dim3A_122 : i32 to vector<16xi32>
      %add3A_124 = arith.constant 48 : i32
      %add3A_125 = arith.addi %scan3A_80, %add3A_124 : i32
      %swap3A_126 = arith.index_cast %add3A_125 : i32 to index
      %swap3A_127 = tpu.vector_load %arg11[%swap3A_126] {strides = array<i32>} : memref<2176xi32, #tpu.memory_space<vmem>>, vector<16xi32>,
      tpu.vector_store %arg11[%swap3A_126], %broadcast_in_dim3A_123 {strides = array<i32>} : memref<2176xi32, #tpu.memory_space<vmem>>, vector<16xi32>,
      %gt3A = arith.constant 1 : i32
      %gt3A_128 = arith.constant 0 : i32
      %gt3A_129 = arith.cmpi sgt, %gt3A, %gt3A_128 : i32
      %convert_element_type3A_130 = arith.extui %gt3A_129 : i1 to i32
      %cond3A_131 = arith.constant 1 : i32
      %cond3A_132 = arith.constant 0 : i32
      %cond3A_133 = arith.cmpi ne, %convert_element_type3A_130, %cond3A_132 : i32
      scf.if %cond3A_133 {
        %dma_start3A_147 = arith.constant 0 : i32
        %dma_start3A_148 = arith.constant 0 : i32
        %dma_start3A_149 = arith.constant 0 : i32
        %dma_start3A_150 = arith.constant 0 : i32
        %dma_start3A_151 = tpu.memref_slice %arg13[%dma_start3A_147, %dma_start3A_149, %dma_start3A_150] : memref<4x64x128xf32, #tpu.memory_space<vmem>> -> memref<1x64x128xf32, #tpu.memory_space<vmem>>
        %dma_start3A_152 = tpu.memref_squeeze %dma_start3A_151 : memref<1x64x128xf32, #tpu.memory_space<vmem>> -> memref<64x128xf32, #tpu.memory_space<vmem>>
        %dma_start3A_153 = arith.constant 0 : i32
        %dma_start3A_154 = tpu.memref_slice %arg10[%dma_start3A_153] : memref<2176xi32, #tpu.memory_space<vmem>> -> memref<64xi32, #tpu.memory_space<vmem>>
        %dma_start3A_155 = arith.constant 0 : i32
        %dma_start3A_156 = arith.constant 0 : i32
        %dma_start3A_157 = tpu.memref_slice %arg2[%scan3A_35, %dma_start3A_155, %dma_start3A_156] : memref<8x20000x128xf32, #tpu.memory_space<hbm>> -> memref<1x20000x128xf32, #tpu.memory_space<hbm>>
        %dma_start3A_158 = tpu.memref_squeeze %dma_start3A_157 : memref<1x20000x128xf32, #tpu.memory_space<hbm>> -> memref<20000x128xf32, #tpu.memory_space<hbm>>
        %dma_start3A_159 = arith.constant 0 : i32
        %dma_start3A_160 = arith.constant 0 : i32
        %dma_start3A_161 = tpu.memref_slice %dma_start3A_158[%dma_start3A_159, %dma_start3A_160] : memref<20000x128xf32, #tpu.memory_space<hbm>> -> memref<20000x128xf32, #tpu.memory_space<hbm>>
        %dma_start3A_162 = tpu.memref_slice %arg14[%dma_start3A_148] : memref<4x!tpu.dma_semaphore, #tpu.memory_space<semaphore_mem>> -> memref<1x!tpu.dma_semaphore, #tpu.memory_space<semaphore_mem>>
        %dma_start3A_163 = tpu.memref_squeeze %dma_start3A_162 : memref<1x!tpu.dma_semaphore, #tpu.memory_space<semaphore_mem>> -> memref<!tpu.dma_semaphore, #tpu.memory_space<semaphore_mem>>
        tpu.enqueue_indirect_dma source(%dma_start3A_161 : memref<20000x128xf32, #tpu.memory_space<hbm>>) target(%dma_start3A_152 : memref<64x128xf32, #tpu.memory_space<vmem>>) offsets(%dma_start3A_154 : memref<64xi32, #tpu.memory_space<vmem>>) semaphore(%dma_start3A_163 : memref<!tpu.dma_semaphore, #tpu.memory_space<semaphore_mem>>)
        %gt3A_164 = arith.constant 1 : i32
        %gt3A_165 = arith.cmpi sgt, %cond3A_131, %gt3A_164 : i32
        %convert_element_type3A_166 = arith.extui %gt3A_165 : i1 to i32
        %cond3A_167 = arith.constant 0 : i32
        %cond3A_168 = arith.cmpi ne, %convert_element_type3A_166, %cond3A_167 : i32
        scf.if %cond3A_168 {
          %dma_start3A_197 = arith.constant 1 : i32
          %dma_start3A_198 = arith.constant 1 : i32
          %dma_start3A_199 = arith.constant 0 : i32
          %dma_start3A_200 = arith.constant 0 : i32
          %dma_start3A_201 = tpu.memref_slice %arg13[%dma_start3A_197, %dma_start3A_199, %dma_start3A_200] : memref<4x64x128xf32, #tpu.memory_space<vmem>> -> memref<1x64x128xf32, #tpu.memory_space<vmem>>
          %dma_start3A_202 = tpu.memref_squeeze %dma_start3A_201 : memref<1x64x128xf32, #tpu.memory_space<vmem>> -> memref<64x128xf32, #tpu.memory_space<vmem>>
          %dma_start3A_203 = arith.constant 64 : i32
          %dma_start3A_204 = tpu.memref_slice %arg10[%dma_start3A_203] : memref<2176xi32, #tpu.memory_space<vmem>> -> memref<64xi32, #tpu.memory_space<vmem>>
          %dma_start3A_205 = arith.constant 0 : i32
          %dma_start3A_206 = arith.constant 0 : i32
          %dma_start3A_207 = tpu.memref_slice %arg2[%scan3A_35, %dma_start3A_205, %dma_start3A_206] : memref<8x20000x128xf32, #tpu.memory_space<hbm>> -> memref<1x20000x128xf32, #tpu.memory_space<hbm>>
          %dma_start3A_208 = tpu.memref_squeeze %dma_start3A_207 : memref<1x20000x128xf32, #tpu.memory_space<hbm>> -> memref<20000x128xf32, #tpu.memory_space<hbm>>
          %dma_start3A_209 = arith.constant 0 : i32
          %dma_start3A_210 = arith.constant 0 : i32
          %dma_start3A_211 = tpu.memref_slice %dma_start3A_208[%dma_start3A_209, %dma_start3A_210] : memref<20000x128xf32, #tpu.memory_space<hbm>> -> memref<20000x128xf32, #tpu.memory_space<hbm>>
          %dma_start3A_212 = tpu.memref_slice %arg14[%dma_start3A_198] : memref<4x!tpu.dma_semaphore, #tpu.memory_space<semaphore_mem>> -> memref<1x!tpu.dma_semaphore, #tpu.memory_space<semaphore_mem>>
          %dma_start3A_213 = tpu.memref_squeeze %dma_start3A_212 : memref<1x!tpu.dma_semaphore, #tpu.memory_space<semaphore_mem>> -> memref<!tpu.dma_semaphore, #tpu.memory_space<semaphore_mem>>
          tpu.enqueue_indirect_dma source(%dma_start3A_211 : memref<20000x128xf32, #tpu.memory_space<hbm>>) target(%dma_start3A_202 : memref<64x128xf32, #tpu.memory_space<vmem>>) offsets(%dma_start3A_204 : memref<64xi32, #tpu.memory_space<vmem>>) semaphore(%dma_start3A_213 : memref<!tpu.dma_semaphore, #tpu.memory_space<semaphore_mem>>)
        } else {
        }
        %while3A = arith.constant 0 : i32
        %while3A_169 = arith.constant 0 : i32
        %while3A_170 = arith.subi %cond3A_131, %while3A_169 : i32
        %while3A_171 = arith.addi %while3A_169, %while3A_170 : i32
        %while3A_172 = arith.constant 1 : i32
        %while3A_173 = arith.divsi %while3A_170, %while3A_172 : i32
        %while3A_174 = arith.muli %while3A_173, %while3A_172 : i32
        %while3A_175 = arith.addi %while3A_169, %while3A_174 : i32
        %while3A_176 = arith.constant 1 : i32
        scf.for %while3A_197 = %while3A_169 to %while3A_175 step %while3A_176  : i32 {
          %rem3A_198 = arith.constant 4 : i32
          %rem3A_199 = arith.remsi %while3A_197, %rem3A_198 : i32
          %mul3A_200 = arith.constant 64 : i32
          %mul3A_201 = arith.muli %while3A_197, %mul3A_200 : i32
          %dma_wait3A_202 = arith.constant 0 : i32
          %dma_wait3A_203 = arith.constant 0 : i32
          %dma_wait3A_204 = tpu.memref_slice %arg13[%rem3A_199, %dma_wait3A_202, %dma_wait3A_203] : memref<4x64x128xf32, #tpu.memory_space<vmem>> -> memref<1x64x128xf32, #tpu.memory_space<vmem>>
          %dma_wait3A_205 = tpu.memref_squeeze %dma_wait3A_204 : memref<1x64x128xf32, #tpu.memory_space<vmem>> -> memref<64x128xf32, #tpu.memory_space<vmem>>
          %dma_wait3A_206 = tpu.memref_slice %arg10[%mul3A_201] : memref<2176xi32, #tpu.memory_space<vmem>> -> memref<64xi32, #tpu.memory_space<vmem>>
          %dma_wait3A_207 = arith.constant 0 : i32
          %dma_wait3A_208 = arith.constant 0 : i32
          %dma_wait3A_209 = tpu.memref_slice %arg2[%scan3A_35, %dma_wait3A_207, %dma_wait3A_208] : memref<8x20000x128xf32, #tpu.memory_space<hbm>> -> memref<1x20000x128xf32, #tpu.memory_space<hbm>>
          %dma_wait3A_210 = tpu.memref_squeeze %dma_wait3A_209 : memref<1x20000x128xf32, #tpu.memory_space<hbm>> -> memref<20000x128xf32, #tpu.memory_space<hbm>>
          %dma_wait3A_211 = arith.constant 0 : i32
          %dma_wait3A_212 = arith.constant 0 : i32
          %dma_wait3A_213 = tpu.memref_slice %dma_wait3A_210[%dma_wait3A_211, %dma_wait3A_212] : memref<20000x128xf32, #tpu.memory_space<hbm>> -> memref<20000x128xf32, #tpu.memory_space<hbm>>
          %dma_wait3A_214 = tpu.memref_slice %arg14[%rem3A_199] : memref<4x!tpu.dma_semaphore, #tpu.memory_space<semaphore_mem>> -> memref<1x!tpu.dma_semaphore, #tpu.memory_space<semaphore_mem>>
          %dma_wait3A_215 = tpu.memref_squeeze %dma_wait3A_214 : memref<1x!tpu.dma_semaphore, #tpu.memory_space<semaphore_mem>> -> memref<!tpu.dma_semaphore, #tpu.memory_space<semaphore_mem>>
          tpu.wait_indirect_dma semaphore(%dma_wait3A_215 : memref<!tpu.dma_semaphore, #tpu.memory_space<semaphore_mem>>) src(%dma_wait3A_213 : memref<20000x128xf32, #tpu.memory_space<hbm>>) dst(%dma_wait3A_205 : memref<64x128xf32, #tpu.memory_space<vmem>>)
          %mul3A_216 = arith.constant 64 : i32
          %mul3A_217 = arith.muli %while3A_197, %mul3A_216 : i32
          %add3A_218 = arith.constant 0 : i32
          %add3A_219 = arith.addi %mul3A_217, %add3A_218 : i32
          %get3A = arith.index_cast %add3A_219 : i32 to index
          %get3A_220 = tpu.vector_load %arg11[%get3A] {strides = array<i32>} : memref<2176xi32, #tpu.memory_space<vmem>>, vector<16xi32>,
          %swap3A_221 = arith.index_cast %rem3A_199 : i32 to index
          %swap3A_222 = arith.constant 0 : index
          %swap3A_223 = tpu.vector_load %arg12[%swap3A_221, %swap3A_222] {strides = array<i32>} : memref<4x64xi32, #tpu.memory_space<vmem>>, vector<16xi32>,
          tpu.vector_store %arg12[%swap3A_221, %swap3A_222], %get3A_220 {strides = array<i32>} : memref<4x64xi32, #tpu.memory_space<vmem>>, vector<16xi32>,
          %mul3A_224 = arith.constant 64 : i32
          %mul3A_225 = arith.muli %while3A_197, %mul3A_224 : i32
          %add3A_226 = arith.constant 16 : i32
          %add3A_227 = arith.addi %mul3A_225, %add3A_226 : i32
          %get3A_228 = arith.index_cast %add3A_227 : i32 to index
          %get3A_229 = tpu.vector_load %arg11[%get3A_228] {strides = array<i32>} : memref<2176xi32, #tpu.memory_space<vmem>>, vector<16xi32>,
          %swap3A_230 = arith.index_cast %rem3A_199 : i32 to index
          %swap3A_231 = arith.constant 16 : index
          %swap3A_232 = tpu.vector_load %arg12[%swap3A_230, %swap3A_231] {strides = array<i32>} : memref<4x64xi32, #tpu.memory_space<vmem>>, vector<16xi32>,
          tpu.vector_store %arg12[%swap3A_230, %swap3A_231], %get3A_229 {strides = array<i32>} : memref<4x64xi32, #tpu.memory_space<vmem>>, vector<16xi32>,
          %mul3A_233 = arith.constant 64 : i32
          %mul3A_234 = arith.muli %while3A_197, %mul3A_233 : i32
          %add3A_235 = arith.constant 32 : i32
          %add3A_236 = arith.addi %mul3A_234, %add3A_235 : i32
          %get3A_237 = arith.index_cast %add3A_236 : i32 to index
          %get3A_238 = tpu.vector_load %arg11[%get3A_237] {strides = array<i32>} : memref<2176xi32, #tpu.memory_space<vmem>>, vector<16xi32>,
          %swap3A_239 = arith.index_cast %rem3A_199 : i32 to index
          %swap3A_240 = arith.constant 32 : index
          %swap3A_241 = tpu.vector_load %arg12[%swap3A_239, %swap3A_240] {strides = array<i32>} : memref<4x64xi32, #tpu.memory_space<vmem>>, vector<16xi32>,
          tpu.vector_store %arg12[%swap3A_239, %swap3A_240], %get3A_238 {strides = array<i32>} : memref<4x64xi32, #tpu.memory_space<vmem>>, vector<16xi32>,
          %mul3A_242 = arith.constant 64 : i32
          %mul3A_243 = arith.muli %while3A_197, %mul3A_242 : i32
          %add3A_244 = arith.constant 48 : i32
          %add3A_245 = arith.addi %mul3A_243, %add3A_244 : i32
          %get3A_246 = arith.index_cast %add3A_245 : i32 to index
          %get3A_247 = tpu.vector_load %arg11[%get3A_246] {strides = array<i32>} : memref<2176xi32, #tpu.memory_space<vmem>>, vector<16xi32>,
          %swap3A_248 = arith.index_cast %rem3A_199 : i32 to index
          %swap3A_249 = arith.constant 48 : index
          %swap3A_250 = tpu.vector_load %arg12[%swap3A_248, %swap3A_249] {strides = array<i32>} : memref<4x64xi32, #tpu.memory_space<vmem>>, vector<16xi32>,
          tpu.vector_store %arg12[%swap3A_248, %swap3A_249], %get3A_247 {strides = array<i32>} : memref<4x64xi32, #tpu.memory_space<vmem>>, vector<16xi32>,
          %dma_start3A_251 = arith.constant 0 : i32
          %dma_start3A_252 = arith.constant 0 : i32
          %dma_start3A_253 = tpu.memref_slice %arg13[%rem3A_199, %dma_start3A_251, %dma_start3A_252] : memref<4x64x128xf32, #tpu.memory_space<vmem>> -> memref<1x64x128xf32, #tpu.memory_space<vmem>>
          %dma_start3A_254 = tpu.memref_squeeze %dma_start3A_253 : memref<1x64x128xf32, #tpu.memory_space<vmem>> -> memref<64x128xf32, #tpu.memory_space<vmem>>
          %dma_start3A_255 = arith.constant 0 : i32
          %dma_start3A_256 = tpu.memref_slice %arg12[%rem3A_199, %dma_start3A_255] : memref<4x64xi32, #tpu.memory_space<vmem>> -> memref<1x64xi32, #tpu.memory_space<vmem>>
          %dma_start3A_257 = tpu.memref_squeeze %dma_start3A_256 : memref<1x64xi32, #tpu.memory_space<vmem>> -> memref<64xi32, #tpu.memory_space<vmem>>
          %dma_start3A_258 = arith.constant 0 : i32
          %dma_start3A_259 = arith.constant 0 : i32
          %dma_start3A_260 = tpu.memref_slice %arg7[%dma_start3A_258, %dma_start3A_259] : memref<10112x128xf32, #tpu.memory_space<vmem_shared>> -> memref<10112x128xf32, #tpu.memory_space<vmem_shared>>
          %dma_start3A_261 = tpu.memref_slice %arg15[%rem3A_199] : memref<4x!tpu.dma_semaphore, #tpu.memory_space<semaphore_mem>> -> memref<1x!tpu.dma_semaphore, #tpu.memory_space<semaphore_mem>>
          %dma_start3A_262 = tpu.memref_squeeze %dma_start3A_261 : memref<1x!tpu.dma_semaphore, #tpu.memory_space<semaphore_mem>> -> memref<!tpu.dma_semaphore, #tpu.memory_space<semaphore_mem>>
          tpu.enqueue_indirect_dma source(%dma_start3A_254 : memref<64x128xf32, #tpu.memory_space<vmem>>) target(%dma_start3A_260 : memref<10112x128xf32, #tpu.memory_space<vmem_shared>>) offsets(%dma_start3A_257 : memref<64xi32, #tpu.memory_space<vmem>>) semaphore(%dma_start3A_262 : memref<!tpu.dma_semaphore, #tpu.memory_space<semaphore_mem>>) {add = true}
          %ge3A = arith.constant 2 : i32
          %ge3A_263 = arith.cmpi sge, %while3A_197, %ge3A : i32
          %convert_element_type3A_264 = arith.extui %ge3A_263 : i1 to i32
          %cond3A_265 = arith.constant 0 : i32
          %cond3A_266 = arith.cmpi ne, %convert_element_type3A_264, %cond3A_265 : i32
          scf.if %cond3A_266 {
            %sub3A_273 = arith.constant 2 : i32
            %sub3A_274 = arith.subi %while3A_197, %sub3A_273 : i32
            %rem3A_275 = arith.constant 4 : i32
            %rem3A_276 = arith.remsi %sub3A_274, %rem3A_275 : i32
            %dma_wait3A_277 = arith.constant 0 : i32
            %dma_wait3A_278 = arith.constant 0 : i32
            %dma_wait3A_279 = tpu.memref_slice %arg13[%rem3A_276, %dma_wait3A_277, %dma_wait3A_278] : memref<4x64x128xf32, #tpu.memory_space<vmem>> -> memref<1x64x128xf32, #tpu.memory_space<vmem>>
            %dma_wait3A_280 = tpu.memref_squeeze %dma_wait3A_279 : memref<1x64x128xf32, #tpu.memory_space<vmem>> -> memref<64x128xf32, #tpu.memory_space<vmem>>
            %dma_wait3A_281 = arith.constant 0 : i32
            %dma_wait3A_282 = tpu.memref_slice %arg12[%rem3A_276, %dma_wait3A_281] : memref<4x64xi32, #tpu.memory_space<vmem>> -> memref<1x64xi32, #tpu.memory_space<vmem>>
            %dma_wait3A_283 = tpu.memref_squeeze %dma_wait3A_282 : memref<1x64xi32, #tpu.memory_space<vmem>> -> memref<64xi32, #tpu.memory_space<vmem>>
            %dma_wait3A_284 = arith.constant 0 : i32
            %dma_wait3A_285 = arith.constant 0 : i32
            %dma_wait3A_286 = tpu.memref_slice %arg7[%dma_wait3A_284, %dma_wait3A_285] : memref<10112x128xf32, #tpu.memory_space<vmem_shared>> -> memref<10112x128xf32, #tpu.memory_space<vmem_shared>>
            %dma_wait3A_287 = tpu.memref_slice %arg15[%rem3A_276] : memref<4x!tpu.dma_semaphore, #tpu.memory_space<semaphore_mem>> -> memref<1x!tpu.dma_semaphore, #tpu.memory_space<semaphore_mem>>
            %dma_wait3A_288 = tpu.memref_squeeze %dma_wait3A_287 : memref<1x!tpu.dma_semaphore, #tpu.memory_space<semaphore_mem>> -> memref<!tpu.dma_semaphore, #tpu.memory_space<semaphore_mem>>
            tpu.wait_indirect_dma semaphore(%dma_wait3A_288 : memref<!tpu.dma_semaphore, #tpu.memory_space<semaphore_mem>>) src(%dma_wait3A_280 : memref<64x128xf32, #tpu.memory_space<vmem>>) dst(%dma_wait3A_286 : memref<10112x128xf32, #tpu.memory_space<vmem_shared>>)
          } else {
          }
          %add3A_267 = arith.constant 2 : i32
          %add3A_268 = arith.addi %while3A_197, %add3A_267 : i32
          %lt3A_269 = arith.cmpi slt, %add3A_268, %cond3A_131 : i32
          %convert_element_type3A_270 = arith.extui %lt3A_269 : i1 to i32
          %cond3A_271 = arith.constant 0 : i32
          %cond3A_272 = arith.cmpi ne, %convert_element_type3A_270, %cond3A_271 : i32
          scf.if %cond3A_272 {
            %add3A_273 = arith.constant 2 : i32
            %add3A_274 = arith.addi %while3A_197, %add3A_273 : i32
            %rem3A_275 = arith.constant 4 : i32
            %rem3A_276 = arith.remsi %add3A_274, %rem3A_275 : i32
            %add3A_277 = arith.constant 2 : i32
            %add3A_278 = arith.addi %while3A_197, %add3A_277 : i32
            %mul3A_279 = arith.constant 64 : i32
            %mul3A_280 = arith.muli %add3A_278, %mul3A_279 : i32
            %dma_start3A_281 = arith.constant 0 : i32
            %dma_start3A_282 = arith.constant 0 : i32
            %dma_start3A_283 = tpu.memref_slice %arg13[%rem3A_276, %dma_start3A_281, %dma_start3A_282] : memref<4x64x128xf32, #tpu.memory_space<vmem>> -> memref<1x64x128xf32, #tpu.memory_space<vmem>>
            %dma_start3A_284 = tpu.memref_squeeze %dma_start3A_283 : memref<1x64x128xf32, #tpu.memory_space<vmem>> -> memref<64x128xf32, #tpu.memory_space<vmem>>
            %dma_start3A_285 = tpu.memref_slice %arg10[%mul3A_280] : memref<2176xi32, #tpu.memory_space<vmem>> -> memref<64xi32, #tpu.memory_space<vmem>>
            %dma_start3A_286 = arith.constant 0 : i32
            %dma_start3A_287 = arith.constant 0 : i32
            %dma_start3A_288 = tpu.memref_slice %arg2[%scan3A_35, %dma_start3A_286, %dma_start3A_287] : memref<8x20000x128xf32, #tpu.memory_space<hbm>> -> memref<1x20000x128xf32, #tpu.memory_space<hbm>>
            %dma_start3A_289 = tpu.memref_squeeze %dma_start3A_288 : memref<1x20000x128xf32, #tpu.memory_space<hbm>> -> memref<20000x128xf32, #tpu.memory_space<hbm>>
            %dma_start3A_290 = arith.constant 0 : i32
            %dma_start3A_291 = arith.constant 0 : i32
            %dma_start3A_292 = tpu.memref_slice %dma_start3A_289[%dma_start3A_290, %dma_start3A_291] : memref<20000x128xf32, #tpu.memory_space<hbm>> -> memref<20000x128xf32, #tpu.memory_space<hbm>>
            %dma_start3A_293 = tpu.memref_slice %arg14[%rem3A_276] : memref<4x!tpu.dma_semaphore, #tpu.memory_space<semaphore_mem>> -> memref<1x!tpu.dma_semaphore, #tpu.memory_space<semaphore_mem>>
            %dma_start3A_294 = tpu.memref_squeeze %dma_start3A_293 : memref<1x!tpu.dma_semaphore, #tpu.memory_space<semaphore_mem>> -> memref<!tpu.dma_semaphore, #tpu.memory_space<semaphore_mem>>
            tpu.enqueue_indirect_dma source(%dma_start3A_292 : memref<20000x128xf32, #tpu.memory_space<hbm>>) target(%dma_start3A_284 : memref<64x128xf32, #tpu.memory_space<vmem>>) offsets(%dma_start3A_285 : memref<64xi32, #tpu.memory_space<vmem>>) semaphore(%dma_start3A_294 : memref<!tpu.dma_semaphore, #tpu.memory_space<semaphore_mem>>)
          } else {
          }
        }
        %while3A_177 = arith.constant 1 : i32
        scf.for %while3A_197 = %while3A_175 to %while3A_171 step %while3A_177  : i32 {
          %rem3A_198 = arith.constant 4 : i32
          %rem3A_199 = arith.remsi %while3A_197, %rem3A_198 : i32
          %mul3A_200 = arith.constant 64 : i32
          %mul3A_201 = arith.muli %while3A_197, %mul3A_200 : i32
          %dma_wait3A_202 = arith.constant 0 : i32
          %dma_wait3A_203 = arith.constant 0 : i32
          %dma_wait3A_204 = tpu.memref_slice %arg13[%rem3A_199, %dma_wait3A_202, %dma_wait3A_203] : memref<4x64x128xf32, #tpu.memory_space<vmem>> -> memref<1x64x128xf32, #tpu.memory_space<vmem>>
          %dma_wait3A_205 = tpu.memref_squeeze %dma_wait3A_204 : memref<1x64x128xf32, #tpu.memory_space<vmem>> -> memref<64x128xf32, #tpu.memory_space<vmem>>
          %dma_wait3A_206 = tpu.memref_slice %arg10[%mul3A_201] : memref<2176xi32, #tpu.memory_space<vmem>> -> memref<64xi32, #tpu.memory_space<vmem>>
          %dma_wait3A_207 = arith.constant 0 : i32
          %dma_wait3A_208 = arith.constant 0 : i32
          %dma_wait3A_209 = tpu.memref_slice %arg2[%scan3A_35, %dma_wait3A_207, %dma_wait3A_208] : memref<8x20000x128xf32, #tpu.memory_space<hbm>> -> memref<1x20000x128xf32, #tpu.memory_space<hbm>>
          %dma_wait3A_210 = tpu.memref_squeeze %dma_wait3A_209 : memref<1x20000x128xf32, #tpu.memory_space<hbm>> -> memref<20000x128xf32, #tpu.memory_space<hbm>>
          %dma_wait3A_211 = arith.constant 0 : i32
          %dma_wait3A_212 = arith.constant 0 : i32
          %dma_wait3A_213 = tpu.memref_slice %dma_wait3A_210[%dma_wait3A_211, %dma_wait3A_212] : memref<20000x128xf32, #tpu.memory_space<hbm>> -> memref<20000x128xf32, #tpu.memory_space<hbm>>
          %dma_wait3A_214 = tpu.memref_slice %arg14[%rem3A_199] : memref<4x!tpu.dma_semaphore, #tpu.memory_space<semaphore_mem>> -> memref<1x!tpu.dma_semaphore, #tpu.memory_space<semaphore_mem>>
          %dma_wait3A_215 = tpu.memref_squeeze %dma_wait3A_214 : memref<1x!tpu.dma_semaphore, #tpu.memory_space<semaphore_mem>> -> memref<!tpu.dma_semaphore, #tpu.memory_space<semaphore_mem>>
          tpu.wait_indirect_dma semaphore(%dma_wait3A_215 : memref<!tpu.dma_semaphore, #tpu.memory_space<semaphore_mem>>) src(%dma_wait3A_213 : memref<20000x128xf32, #tpu.memory_space<hbm>>) dst(%dma_wait3A_205 : memref<64x128xf32, #tpu.memory_space<vmem>>)
          %mul3A_216 = arith.constant 64 : i32
          %mul3A_217 = arith.muli %while3A_197, %mul3A_216 : i32
          %add3A_218 = arith.constant 0 : i32
          %add3A_219 = arith.addi %mul3A_217, %add3A_218 : i32
          %get3A = arith.index_cast %add3A_219 : i32 to index
          %get3A_220 = tpu.vector_load %arg11[%get3A] {strides = array<i32>} : memref<2176xi32, #tpu.memory_space<vmem>>, vector<16xi32>,
          %swap3A_221 = arith.index_cast %rem3A_199 : i32 to index
          %swap3A_222 = arith.constant 0 : index
          %swap3A_223 = tpu.vector_load %arg12[%swap3A_221, %swap3A_222] {strides = array<i32>} : memref<4x64xi32, #tpu.memory_space<vmem>>, vector<16xi32>,
          tpu.vector_store %arg12[%swap3A_221, %swap3A_222], %get3A_220 {strides = array<i32>} : memref<4x64xi32, #tpu.memory_space<vmem>>, vector<16xi32>,
          %mul3A_224 = arith.constant 64 : i32
          %mul3A_225 = arith.muli %while3A_197, %mul3A_224 : i32
          %add3A_226 = arith.constant 16 : i32
          %add3A_227 = arith.addi %mul3A_225, %add3A_226 : i32
          %get3A_228 = arith.index_cast %add3A_227 : i32 to index
          %get3A_229 = tpu.vector_load %arg11[%get3A_228] {strides = array<i32>} : memref<2176xi32, #tpu.memory_space<vmem>>, vector<16xi32>,
          %swap3A_230 = arith.index_cast %rem3A_199 : i32 to index
          %swap3A_231 = arith.constant 16 : index
          %swap3A_232 = tpu.vector_load %arg12[%swap3A_230, %swap3A_231] {strides = array<i32>} : memref<4x64xi32, #tpu.memory_space<vmem>>, vector<16xi32>,
          tpu.vector_store %arg12[%swap3A_230, %swap3A_231], %get3A_229 {strides = array<i32>} : memref<4x64xi32, #tpu.memory_space<vmem>>, vector<16xi32>,
          %mul3A_233 = arith.constant 64 : i32
          %mul3A_234 = arith.muli %while3A_197, %mul3A_233 : i32
          %add3A_235 = arith.constant 32 : i32
          %add3A_236 = arith.addi %mul3A_234, %add3A_235 : i32
          %get3A_237 = arith.index_cast %add3A_236 : i32 to index
          %get3A_238 = tpu.vector_load %arg11[%get3A_237] {strides = array<i32>} : memref<2176xi32, #tpu.memory_space<vmem>>, vector<16xi32>,
          %swap3A_239 = arith.index_cast %rem3A_199 : i32 to index
          %swap3A_240 = arith.constant 32 : index
          %swap3A_241 = tpu.vector_load %arg12[%swap3A_239, %swap3A_240] {strides = array<i32>} : memref<4x64xi32, #tpu.memory_space<vmem>>, vector<16xi32>,
          tpu.vector_store %arg12[%swap3A_239, %swap3A_240], %get3A_238 {strides = array<i32>} : memref<4x64xi32, #tpu.memory_space<vmem>>, vector<16xi32>,
          %mul3A_242 = arith.constant 64 : i32
          %mul3A_243 = arith.muli %while3A_197, %mul3A_242 : i32
          %add3A_244 = arith.constant 48 : i32
          %add3A_245 = arith.addi %mul3A_243, %add3A_244 : i32
          %get3A_246 = arith.index_cast %add3A_245 : i32 to index
          %get3A_247 = tpu.vector_load %arg11[%get3A_246] {strides = array<i32>} : memref<2176xi32, #tpu.memory_space<vmem>>, vector<16xi32>,
          %swap3A_248 = arith.index_cast %rem3A_199 : i32 to index
          %swap3A_249 = arith.constant 48 : index
          %swap3A_250 = tpu.vector_load %arg12[%swap3A_248, %swap3A_249] {strides = array<i32>} : memref<4x64xi32, #tpu.memory_space<vmem>>, vector<16xi32>,
          tpu.vector_store %arg12[%swap3A_248, %swap3A_249], %get3A_247 {strides = array<i32>} : memref<4x64xi32, #tpu.memory_space<vmem>>, vector<16xi32>,
          %dma_start3A_251 = arith.constant 0 : i32
          %dma_start3A_252 = arith.constant 0 : i32
          %dma_start3A_253 = tpu.memref_slice %arg13[%rem3A_199, %dma_start3A_251, %dma_start3A_252] : memref<4x64x128xf32, #tpu.memory_space<vmem>> -> memref<1x64x128xf32, #tpu.memory_space<vmem>>
          %dma_start3A_254 = tpu.memref_squeeze %dma_start3A_253 : memref<1x64x128xf32, #tpu.memory_space<vmem>> -> memref<64x128xf32, #tpu.memory_space<vmem>>
          %dma_start3A_255 = arith.constant 0 : i32
          %dma_start3A_256 = tpu.memref_slice %arg12[%rem3A_199, %dma_start3A_255] : memref<4x64xi32, #tpu.memory_space<vmem>> -> memref<1x64xi32, #tpu.memory_space<vmem>>
          %dma_start3A_257 = tpu.memref_squeeze %dma_start3A_256 : memref<1x64xi32, #tpu.memory_space<vmem>> -> memref<64xi32, #tpu.memory_space<vmem>>
          %dma_start3A_258 = arith.constant 0 : i32
          %dma_start3A_259 = arith.constant 0 : i32
          %dma_start3A_260 = tpu.memref_slice %arg7[%dma_start3A_258, %dma_start3A_259] : memref<10112x128xf32, #tpu.memory_space<vmem_shared>> -> memref<10112x128xf32, #tpu.memory_space<vmem_shared>>
          %dma_start3A_261 = tpu.memref_slice %arg15[%rem3A_199] : memref<4x!tpu.dma_semaphore, #tpu.memory_space<semaphore_mem>> -> memref<1x!tpu.dma_semaphore, #tpu.memory_space<semaphore_mem>>
          %dma_start3A_262 = tpu.memref_squeeze %dma_start3A_261 : memref<1x!tpu.dma_semaphore, #tpu.memory_space<semaphore_mem>> -> memref<!tpu.dma_semaphore, #tpu.memory_space<semaphore_mem>>
          tpu.enqueue_indirect_dma source(%dma_start3A_254 : memref<64x128xf32, #tpu.memory_space<vmem>>) target(%dma_start3A_260 : memref<10112x128xf32, #tpu.memory_space<vmem_shared>>) offsets(%dma_start3A_257 : memref<64xi32, #tpu.memory_space<vmem>>) semaphore(%dma_start3A_262 : memref<!tpu.dma_semaphore, #tpu.memory_space<semaphore_mem>>) {add = true}
          %ge3A = arith.constant 2 : i32
          %ge3A_263 = arith.cmpi sge, %while3A_197, %ge3A : i32
          %convert_element_type3A_264 = arith.extui %ge3A_263 : i1 to i32
          %cond3A_265 = arith.constant 0 : i32
          %cond3A_266 = arith.cmpi ne, %convert_element_type3A_264, %cond3A_265 : i32
          scf.if %cond3A_266 {
            %sub3A_273 = arith.constant 2 : i32
            %sub3A_274 = arith.subi %while3A_197, %sub3A_273 : i32
            %rem3A_275 = arith.constant 4 : i32
            %rem3A_276 = arith.remsi %sub3A_274, %rem3A_275 : i32
            %dma_wait3A_277 = arith.constant 0 : i32
            %dma_wait3A_278 = arith.constant 0 : i32
            %dma_wait3A_279 = tpu.memref_slice %arg13[%rem3A_276, %dma_wait3A_277, %dma_wait3A_278] : memref<4x64x128xf32, #tpu.memory_space<vmem>> -> memref<1x64x128xf32, #tpu.memory_space<vmem>>
            %dma_wait3A_280 = tpu.memref_squeeze %dma_wait3A_279 : memref<1x64x128xf32, #tpu.memory_space<vmem>> -> memref<64x128xf32, #tpu.memory_space<vmem>>
            %dma_wait3A_281 = arith.constant 0 : i32
            %dma_wait3A_282 = tpu.memref_slice %arg12[%rem3A_276, %dma_wait3A_281] : memref<4x64xi32, #tpu.memory_space<vmem>> -> memref<1x64xi32, #tpu.memory_space<vmem>>
            %dma_wait3A_283 = tpu.memref_squeeze %dma_wait3A_282 : memref<1x64xi32, #tpu.memory_space<vmem>> -> memref<64xi32, #tpu.memory_space<vmem>>
            %dma_wait3A_284 = arith.constant 0 : i32
            %dma_wait3A_285 = arith.constant 0 : i32
            %dma_wait3A_286 = tpu.memref_slice %arg7[%dma_wait3A_284, %dma_wait3A_285] : memref<10112x128xf32, #tpu.memory_space<vmem_shared>> -> memref<10112x128xf32, #tpu.memory_space<vmem_shared>>
            %dma_wait3A_287 = tpu.memref_slice %arg15[%rem3A_276] : memref<4x!tpu.dma_semaphore, #tpu.memory_space<semaphore_mem>> -> memref<1x!tpu.dma_semaphore, #tpu.memory_space<semaphore_mem>>
            %dma_wait3A_288 = tpu.memref_squeeze %dma_wait3A_287 : memref<1x!tpu.dma_semaphore, #tpu.memory_space<semaphore_mem>> -> memref<!tpu.dma_semaphore, #tpu.memory_space<semaphore_mem>>
            tpu.wait_indirect_dma semaphore(%dma_wait3A_288 : memref<!tpu.dma_semaphore, #tpu.memory_space<semaphore_mem>>) src(%dma_wait3A_280 : memref<64x128xf32, #tpu.memory_space<vmem>>) dst(%dma_wait3A_286 : memref<10112x128xf32, #tpu.memory_space<vmem_shared>>)
          } else {
          }
          %add3A_267 = arith.constant 2 : i32
          %add3A_268 = arith.addi %while3A_197, %add3A_267 : i32
          %lt3A_269 = arith.cmpi slt, %add3A_268, %cond3A_131 : i32
          %convert_element_type3A_270 = arith.extui %lt3A_269 : i1 to i32
          %cond3A_271 = arith.constant 0 : i32
          %cond3A_272 = arith.cmpi ne, %convert_element_type3A_270, %cond3A_271 : i32
          scf.if %cond3A_272 {
            %add3A_273 = arith.constant 2 : i32
            %add3A_274 = arith.addi %while3A_197, %add3A_273 : i32
            %rem3A_275 = arith.constant 4 : i32
            %rem3A_276 = arith.remsi %add3A_274, %rem3A_275 : i32
            %add3A_277 = arith.constant 2 : i32
            %add3A_278 = arith.addi %while3A_197, %add3A_277 : i32
            %mul3A_279 = arith.constant 64 : i32
            %mul3A_280 = arith.muli %add3A_278, %mul3A_279 : i32
            %dma_start3A_281 = arith.constant 0 : i32
            %dma_start3A_282 = arith.constant 0 : i32
            %dma_start3A_283 = tpu.memref_slice %arg13[%rem3A_276, %dma_start3A_281, %dma_start3A_282] : memref<4x64x128xf32, #tpu.memory_space<vmem>> -> memref<1x64x128xf32, #tpu.memory_space<vmem>>
            %dma_start3A_284 = tpu.memref_squeeze %dma_start3A_283 : memref<1x64x128xf32, #tpu.memory_space<vmem>> -> memref<64x128xf32, #tpu.memory_space<vmem>>
            %dma_start3A_285 = tpu.memref_slice %arg10[%mul3A_280] : memref<2176xi32, #tpu.memory_space<vmem>> -> memref<64xi32, #tpu.memory_space<vmem>>
            %dma_start3A_286 = arith.constant 0 : i32
            %dma_start3A_287 = arith.constant 0 : i32
            %dma_start3A_288 = tpu.memref_slice %arg2[%scan3A_35, %dma_start3A_286, %dma_start3A_287] : memref<8x20000x128xf32, #tpu.memory_space<hbm>> -> memref<1x20000x128xf32, #tpu.memory_space<hbm>>
            %dma_start3A_289 = tpu.memref_squeeze %dma_start3A_288 : memref<1x20000x128xf32, #tpu.memory_space<hbm>> -> memref<20000x128xf32, #tpu.memory_space<hbm>>
            %dma_start3A_290 = arith.constant 0 : i32
            %dma_start3A_291 = arith.constant 0 : i32
            %dma_start3A_292 = tpu.memref_slice %dma_start3A_289[%dma_start3A_290, %dma_start3A_291] : memref<20000x128xf32, #tpu.memory_space<hbm>> -> memref<20000x128xf32, #tpu.memory_space<hbm>>
            %dma_start3A_293 = tpu.memref_slice %arg14[%rem3A_276] : memref<4x!tpu.dma_semaphore, #tpu.memory_space<semaphore_mem>> -> memref<1x!tpu.dma_semaphore, #tpu.memory_space<semaphore_mem>>
            %dma_start3A_294 = tpu.memref_squeeze %dma_start3A_293 : memref<1x!tpu.dma_semaphore, #tpu.memory_space<semaphore_mem>> -> memref<!tpu.dma_semaphore, #tpu.memory_space<semaphore_mem>>
            tpu.enqueue_indirect_dma source(%dma_start3A_292 : memref<20000x128xf32, #tpu.memory_space<hbm>>) target(%dma_start3A_284 : memref<64x128xf32, #tpu.memory_space<vmem>>) offsets(%dma_start3A_285 : memref<64xi32, #tpu.memory_space<vmem>>) semaphore(%dma_start3A_294 : memref<!tpu.dma_semaphore, #tpu.memory_space<semaphore_mem>>)
          } else {
          }
        }
        %sub3A_178 = arith.constant 1 : i32
        %sub3A_179 = arith.subi %cond3A_131, %sub3A_178 : i32
        %rem3A = arith.constant 4 : i32
        %rem3A_180 = arith.remsi %sub3A_179, %rem3A : i32
        %dma_wait3A = arith.constant 0 : i32
        %dma_wait3A_181 = arith.constant 0 : i32
        %dma_wait3A_182 = tpu.memref_slice %arg13[%rem3A_180, %dma_wait3A, %dma_wait3A_181] : memref<4x64x128xf32, #tpu.memory_space<vmem>> -> memref<1x64x128xf32, #tpu.memory_space<vmem>>
        %dma_wait3A_183 = tpu.memref_squeeze %dma_wait3A_182 : memref<1x64x128xf32, #tpu.memory_space<vmem>> -> memref<64x128xf32, #tpu.memory_space<vmem>>
        %dma_wait3A_184 = arith.constant 0 : i32
        %dma_wait3A_185 = tpu.memref_slice %arg12[%rem3A_180, %dma_wait3A_184] : memref<4x64xi32, #tpu.memory_space<vmem>> -> memref<1x64xi32, #tpu.memory_space<vmem>>
        %dma_wait3A_186 = tpu.memref_squeeze %dma_wait3A_185 : memref<1x64xi32, #tpu.memory_space<vmem>> -> memref<64xi32, #tpu.memory_space<vmem>>
        %dma_wait3A_187 = arith.constant 0 : i32
        %dma_wait3A_188 = arith.constant 0 : i32
        %dma_wait3A_189 = tpu.memref_slice %arg7[%dma_wait3A_187, %dma_wait3A_188] : memref<10112x128xf32, #tpu.memory_space<vmem_shared>> -> memref<10112x128xf32, #tpu.memory_space<vmem_shared>>
        %dma_wait3A_190 = tpu.memref_slice %arg15[%rem3A_180] : memref<4x!tpu.dma_semaphore, #tpu.memory_space<semaphore_mem>> -> memref<1x!tpu.dma_semaphore, #tpu.memory_space<semaphore_mem>>
        %dma_wait3A_191 = tpu.memref_squeeze %dma_wait3A_190 : memref<1x!tpu.dma_semaphore, #tpu.memory_space<semaphore_mem>> -> memref<!tpu.dma_semaphore, #tpu.memory_space<semaphore_mem>>
        tpu.wait_indirect_dma semaphore(%dma_wait3A_191 : memref<!tpu.dma_semaphore, #tpu.memory_space<semaphore_mem>>) src(%dma_wait3A_183 : memref<64x128xf32, #tpu.memory_space<vmem>>) dst(%dma_wait3A_189 : memref<10112x128xf32, #tpu.memory_space<vmem_shared>>)
        %gt3A_192 = arith.constant 1 : i32
        %gt3A_193 = arith.cmpi sgt, %cond3A_131, %gt3A_192 : i32
        %convert_element_type3A_194 = arith.extui %gt3A_193 : i1 to i32
        %cond3A_195 = arith.constant 0 : i32
        %cond3A_196 = arith.cmpi ne, %convert_element_type3A_194, %cond3A_195 : i32
        scf.if %cond3A_196 {
          %sub3A_197 = arith.constant 2 : i32
          %sub3A_198 = arith.subi %cond3A_131, %sub3A_197 : i32
          %rem3A_199 = arith.constant 4 : i32
          %rem3A_200 = arith.remsi %sub3A_198, %rem3A_199 : i32
          %dma_wait3A_201 = arith.constant 0 : i32
          %dma_wait3A_202 = arith.constant 0 : i32
          %dma_wait3A_203 = tpu.memref_slice %arg13[%rem3A_200, %dma_wait3A_201, %dma_wait3A_202] : memref<4x64x128xf32, #tpu.memory_space<vmem>> -> memref<1x64x128xf32, #tpu.memory_space<vmem>>
          %dma_wait3A_204 = tpu.memref_squeeze %dma_wait3A_203 : memref<1x64x128xf32, #tpu.memory_space<vmem>> -> memref<64x128xf32, #tpu.memory_space<vmem>>
          %dma_wait3A_205 = arith.constant 0 : i32
          %dma_wait3A_206 = tpu.memref_slice %arg12[%rem3A_200, %dma_wait3A_205] : memref<4x64xi32, #tpu.memory_space<vmem>> -> memref<1x64xi32, #tpu.memory_space<vmem>>
          %dma_wait3A_207 = tpu.memref_squeeze %dma_wait3A_206 : memref<1x64xi32, #tpu.memory_space<vmem>> -> memref<64xi32, #tpu.memory_space<vmem>>
          %dma_wait3A_208 = arith.constant 0 : i32
          %dma_wait3A_209 = arith.constant 0 : i32
          %dma_wait3A_210 = tpu.memref_slice %arg7[%dma_wait3A_208, %dma_wait3A_209] : memref<10112x128xf32, #tpu.memory_space<vmem_shared>> -> memref<10112x128xf32, #tpu.memory_space<vmem_shared>>
          %dma_wait3A_211 = tpu.memref_slice %arg15[%rem3A_200] : memref<4x!tpu.dma_semaphore, #tpu.memory_space<semaphore_mem>> -> memref<1x!tpu.dma_semaphore, #tpu.memory_space<semaphore_mem>>
          %dma_wait3A_212 = tpu.memref_squeeze %dma_wait3A_211 : memref<1x!tpu.dma_semaphore, #tpu.memory_space<semaphore_mem>> -> memref<!tpu.dma_semaphore, #tpu.memory_space<semaphore_mem>>
          tpu.wait_indirect_dma semaphore(%dma_wait3A_212 : memref<!tpu.dma_semaphore, #tpu.memory_space<semaphore_mem>>) src(%dma_wait3A_204 : memref<64x128xf32, #tpu.memory_space<vmem>>) dst(%dma_wait3A_210 : memref<10112x128xf32, #tpu.memory_space<vmem_shared>>)
        } else {
        }
      } else {
      }
      %barrier3A_134 = arith.constant 0 : index
      tpu.barrier barrier_id(%barrier3A_134)
      %add3A_135 = arith.addi %mul3A_0, %select_n3A_26 : i32
      "tpu.region"() ({
        %run_scoped3A = tpu.sem_alloc : memref<!tpu.dma_semaphore, #tpu.memory_space<semaphore_mem>>
        %dma_start3A_147 = arith.constant 0 : i32
        %dma_start3A_148 = tpu.memref_slice %arg6[%scan3A_35, %add3A_135, %dma_start3A_147] : memref<8x20000x128xf32, #tpu.memory_space<hbm>> -> memref<1x624x128xf32, #tpu.memory_space<hbm>>
        %dma_start3A_149 = tpu.memref_squeeze %dma_start3A_148 : memref<1x624x128xf32, #tpu.memory_space<hbm>> -> memref<624x128xf32, #tpu.memory_space<hbm>>
        %dma_start3A_150 = arith.constant 0 : i32
        %dma_start3A_151 = tpu.memref_slice %arg7[%select_n3A_26, %dma_start3A_150] : memref<10112x128xf32, #tpu.memory_space<vmem_shared>> -> memref<624x128xf32, #tpu.memory_space<vmem_shared>>
        tpu.enqueue_dma source(%dma_start3A_151 : memref<624x128xf32, #tpu.memory_space<vmem_shared>>) target(%dma_start3A_149 : memref<624x128xf32, #tpu.memory_space<hbm>>) target_semaphore(%run_scoped3A : memref<!tpu.dma_semaphore, #tpu.memory_space<semaphore_mem>>)
        %dma_wait3A = arith.constant 0 : i32
        %dma_wait3A_152 = tpu.memref_slice %arg6[%scan3A_35, %add3A_135, %dma_wait3A] : memref<8x20000x128xf32, #tpu.memory_space<hbm>> -> memref<1x624x128xf32, #tpu.memory_space<hbm>>
        %dma_wait3A_153 = tpu.memref_squeeze %dma_wait3A_152 : memref<1x624x128xf32, #tpu.memory_space<hbm>> -> memref<624x128xf32, #tpu.memory_space<hbm>>
        %dma_wait3A_154 = arith.constant 0 : i32
        %dma_wait3A_155 = tpu.memref_slice %arg7[%select_n3A_26, %dma_wait3A_154] : memref<10112x128xf32, #tpu.memory_space<vmem_shared>> -> memref<624x128xf32, #tpu.memory_space<vmem_shared>>
        tpu.wait_dma2 semaphore(%run_scoped3A : memref<!tpu.dma_semaphore, #tpu.memory_space<semaphore_mem>>) src(%dma_wait3A_155 : memref<624x128xf32, #tpu.memory_space<vmem_shared>>) dst(%dma_wait3A_153 : memref<624x128xf32, #tpu.memory_space<hbm>>)
        tpu.yield
      }) : () -> ()
      %lt3A_136 = arith.constant 2 : i32
      %lt3A_137 = arith.cmpi slt, %arg1, %lt3A_136 : i32
      %convert_element_type3A_138 = arith.extui %lt3A_137 : i1 to i32
      %cond3A_139 = arith.constant 0 : i32
      %cond3A_140 = arith.cmpi ne, %convert_element_type3A_138, %cond3A_139 : i32
      scf.if %cond3A_140 {
        %add3A_147 = arith.constant 624 : i32
        %add3A_148 = arith.addi %select_n3A_26, %add3A_147 : i32
        %add3A_149 = arith.addi %mul3A_0, %select_n3A_26 : i32
        %add3A_150 = arith.constant 624 : i32
        %add3A_151 = arith.addi %add3A_149, %add3A_150 : i32
        "tpu.region"() ({
          %run_scoped3A = tpu.sem_alloc : memref<!tpu.dma_semaphore, #tpu.memory_space<semaphore_mem>>
          %dma_start3A_152 = arith.constant 0 : i32
          %dma_start3A_153 = tpu.memref_slice %arg6[%scan3A_35, %add3A_151, %dma_start3A_152] : memref<8x20000x128xf32, #tpu.memory_space<hbm>> -> memref<1x8x128xf32, #tpu.memory_space<hbm>>
          %dma_start3A_154 = tpu.memref_squeeze %dma_start3A_153 : memref<1x8x128xf32, #tpu.memory_space<hbm>> -> memref<8x128xf32, #tpu.memory_space<hbm>>
          %dma_start3A_155 = arith.constant 0 : i32
          %dma_start3A_156 = tpu.memref_slice %arg7[%add3A_148, %dma_start3A_155] : memref<10112x128xf32, #tpu.memory_space<vmem_shared>> -> memref<8x128xf32, #tpu.memory_space<vmem_shared>>
          tpu.enqueue_dma source(%dma_start3A_156 : memref<8x128xf32, #tpu.memory_space<vmem_shared>>) target(%dma_start3A_154 : memref<8x128xf32, #tpu.memory_space<hbm>>) target_semaphore(%run_scoped3A : memref<!tpu.dma_semaphore, #tpu.memory_space<semaphore_mem>>)
          %dma_wait3A = arith.constant 0 : i32
          %dma_wait3A_157 = tpu.memref_slice %arg6[%scan3A_35, %add3A_151, %dma_wait3A] : memref<8x20000x128xf32, #tpu.memory_space<hbm>> -> memref<1x8x128xf32, #tpu.memory_space<hbm>>
          %dma_wait3A_158 = tpu.memref_squeeze %dma_wait3A_157 : memref<1x8x128xf32, #tpu.memory_space<hbm>> -> memref<8x128xf32, #tpu.memory_space<hbm>>
          %dma_wait3A_159 = arith.constant 0 : i32
          %dma_wait3A_160 = tpu.memref_slice %arg7[%add3A_148, %dma_wait3A_159] : memref<10112x128xf32, #tpu.memory_space<vmem_shared>> -> memref<8x128xf32, #tpu.memory_space<vmem_shared>>
          tpu.wait_dma2 semaphore(%run_scoped3A : memref<!tpu.dma_semaphore, #tpu.memory_space<semaphore_mem>>) src(%dma_wait3A_160 : memref<8x128xf32, #tpu.memory_space<vmem_shared>>) dst(%dma_wait3A_158 : memref<8x128xf32, #tpu.memory_space<hbm>>)
          tpu.yield
        }) : () -> ()
      } else {
      }
      "tpu.region"() ({
        %run_scoped3A = tpu.sem_alloc : memref<!tpu.dma_semaphore, #tpu.memory_space<semaphore_mem>>
        %dma_start3A_147 = arith.constant 0 : i32
        %dma_start3A_148 = tpu.memref_slice %arg7[%select_n3A_26, %dma_start3A_147] : memref<10112x128xf32, #tpu.memory_space<vmem_shared>> -> memref<624x128xf32, #tpu.memory_space<vmem_shared>>
        %dma_start3A_149 = arith.constant 0 : i32
        %dma_start3A_150 = arith.constant 0 : i32
        %dma_start3A_151 = tpu.memref_slice %arg5[%dma_start3A_149, %dma_start3A_150] : memref<632x128xf32, #tpu.memory_space<hbm>> -> memref<624x128xf32, #tpu.memory_space<hbm>>
        tpu.enqueue_dma source(%dma_start3A_151 : memref<624x128xf32, #tpu.memory_space<hbm>>) target(%dma_start3A_148 : memref<624x128xf32, #tpu.memory_space<vmem_shared>>) target_semaphore(%run_scoped3A : memref<!tpu.dma_semaphore, #tpu.memory_space<semaphore_mem>>)
        %dma_wait3A = arith.constant 0 : i32
        %dma_wait3A_152 = tpu.memref_slice %arg7[%select_n3A_26, %dma_wait3A] : memref<10112x128xf32, #tpu.memory_space<vmem_shared>> -> memref<624x128xf32, #tpu.memory_space<vmem_shared>>
        %dma_wait3A_153 = arith.constant 0 : i32
        %dma_wait3A_154 = arith.constant 0 : i32
        %dma_wait3A_155 = tpu.memref_slice %arg5[%dma_wait3A_153, %dma_wait3A_154] : memref<632x128xf32, #tpu.memory_space<hbm>> -> memref<624x128xf32, #tpu.memory_space<hbm>>
        tpu.wait_dma2 semaphore(%run_scoped3A : memref<!tpu.dma_semaphore, #tpu.memory_space<semaphore_mem>>) src(%dma_wait3A_155 : memref<624x128xf32, #tpu.memory_space<hbm>>) dst(%dma_wait3A_152 : memref<624x128xf32, #tpu.memory_space<vmem_shared>>)
        tpu.yield
      }) : () -> ()
      %lt3A_141 = arith.constant 2 : i32
      %lt3A_142 = arith.cmpi slt, %arg1, %lt3A_141 : i32
      %convert_element_type3A_143 = arith.extui %lt3A_142 : i1 to i32
      %cond3A_144 = arith.constant 0 : i32
      %cond3A_145 = arith.cmpi ne, %convert_element_type3A_143, %cond3A_144 : i32
      scf.if %cond3A_145 {
        %add3A_147 = arith.constant 624 : i32
        %add3A_148 = arith.addi %select_n3A_26, %add3A_147 : i32
        "tpu.region"() ({
          %run_scoped3A = tpu.sem_alloc : memref<!tpu.dma_semaphore, #tpu.memory_space<semaphore_mem>>
          %dma_start3A_149 = arith.constant 0 : i32
          %dma_start3A_150 = tpu.memref_slice %arg7[%add3A_148, %dma_start3A_149] : memref<10112x128xf32, #tpu.memory_space<vmem_shared>> -> memref<8x128xf32, #tpu.memory_space<vmem_shared>>
          %dma_start3A_151 = arith.constant 624 : i32
          %dma_start3A_152 = arith.constant 0 : i32
          %dma_start3A_153 = tpu.memref_slice %arg5[%dma_start3A_151, %dma_start3A_152] : memref<632x128xf32, #tpu.memory_space<hbm>> -> memref<8x128xf32, #tpu.memory_space<hbm>>
          tpu.enqueue_dma source(%dma_start3A_153 : memref<8x128xf32, #tpu.memory_space<hbm>>) target(%dma_start3A_150 : memref<8x128xf32, #tpu.memory_space<vmem_shared>>) target_semaphore(%run_scoped3A : memref<!tpu.dma_semaphore, #tpu.memory_space<semaphore_mem>>)
          %dma_wait3A = arith.constant 0 : i32
          %dma_wait3A_154 = tpu.memref_slice %arg7[%add3A_148, %dma_wait3A] : memref<10112x128xf32, #tpu.memory_space<vmem_shared>> -> memref<8x128xf32, #tpu.memory_space<vmem_shared>>
          %dma_wait3A_155 = arith.constant 624 : i32
          %dma_wait3A_156 = arith.constant 0 : i32
          %dma_wait3A_157 = tpu.memref_slice %arg5[%dma_wait3A_155, %dma_wait3A_156] : memref<632x128xf32, #tpu.memory_space<hbm>> -> memref<8x128xf32, #tpu.memory_space<hbm>>
          tpu.wait_dma2 semaphore(%run_scoped3A : memref<!tpu.dma_semaphore, #tpu.memory_space<semaphore_mem>>) src(%dma_wait3A_157 : memref<8x128xf32, #tpu.memory_space<hbm>>) dst(%dma_wait3A_154 : memref<8x128xf32, #tpu.memory_space<vmem_shared>>)
          tpu.yield
        }) : () -> ()
      } else {
      }
      %barrier3A_146 = arith.constant 0 : index
      tpu.barrier barrier_id(%barrier3A_146)
    }
    %scan3A_34 = arith.constant 8 : i32
    return
  }
}

module attributes {stable_mosaic.version = 14 : i64} {
  func.func @_tc_finish_body(%arg0: i32, %arg1: memref<8x1000x128xf32, #tpu.memory_space<vmem>>, %arg2: memref<1000x8xf32, #tpu.memory_space<vmem>>, %arg3: memref<18x128x128xf32, #tpu.memory_space<vmem>>, %arg4: memref<18x128xf32, #tpu.memory_space<vmem>>, %arg5: memref<6xf32, #tpu.memory_space<smem>>, %arg6: memref<1000x128xf32, #tpu.memory_space<vmem>>, %arg7: memref<1000x128xf32, #tpu.memory_space<vmem>>, %arg8: memref<1000x128xf32, #tpu.memory_space<vmem>>, %arg9: memref<1000x128xf32, #tpu.memory_space<vmem>>, %arg10: memref<1000x128xf32, #tpu.memory_space<vmem>>) attributes {dimension_semantics = [#tpu.dimension_semantics<arbitrary>], iteration_bounds = array<i64: 20>, scalar_prefetch = 0 : i64, scratch_operands = 0 : i64, tpu.core_type = #tpu.core_type<tc>, window_params = [{transform_indices = @transform_0, window_bounds = array<i64: 8, 1000, 128>}, {transform_indices = @transform_1, window_bounds = array<i64: 1000, 8>}, {pipeline_mode = #tpu.pipeline_mode<synchronous>, transform_indices = @transform_2, window_bounds = array<i64: 18, 128, 128>}, {pipeline_mode = #tpu.pipeline_mode<synchronous>, transform_indices = @transform_3, window_bounds = array<i64: 18, 128>}, {transform_indices = @transform_4, window_bounds = array<i64: 6>}, {transform_indices = @transform_5, window_bounds = array<i64: 1000, 128>}, {transform_indices = @transform_6, window_bounds = array<i64: 1000, 128>}, {transform_indices = @transform_7, window_bounds = array<i64: 1000, 128>}, {transform_indices = @transform_8, window_bounds = array<i64: 1000, 128>}, {transform_indices = @transform_9, window_bounds = array<i64: 1000, 128>}]} {
    %get3A = arith.constant 0 : index
    %get3A_0 = arith.constant 0 : index
    %get3A_1 = arith.constant 0 : index
    %get3A_2 = vector.load %arg1[%get3A, %get3A_0, %get3A_1] : memref<8x1000x128xf32, #tpu.memory_space<vmem>>, vector<1x1000x128xf32>
    %get3A_3 = vector.shape_cast %get3A_2 : vector<1x1000x128xf32> to vector<1000x128xf32>
    %get3A_4 = arith.constant 0 : index
    %get3A_5 = arith.constant 0 : index
    %get3A_6 = vector.load %arg2[%get3A_4, %get3A_5] : memref<1000x8xf32, #tpu.memory_space<vmem>>, vector<1000x1xf32>
    %get3A_7 = vector.shape_cast %get3A_6 : vector<1000x1xf32> to vector<1000xf32>
    %broadcast_in_dim3A = vector.shape_cast %get3A_7 : vector<1000xf32> to vector<1000x1xf32>
    %mul3A = vector.broadcast %broadcast_in_dim3A : vector<1000x1xf32> to vector<1000x128xf32>
    %mul3A_8 = arith.mulf %get3A_3, %mul3A : vector<1000x128xf32>
    %get3A_9 = arith.constant 0 : index
    %get3A_10 = arith.constant 0 : index
    %get3A_11 = arith.constant 0 : index
    %get3A_12 = vector.load %arg3[%get3A_9, %get3A_10, %get3A_11] : memref<18x128x128xf32, #tpu.memory_space<vmem>>, vector<1x128x128xf32>
    %get3A_13 = vector.shape_cast %get3A_12 : vector<1x128x128xf32> to vector<128x128xf32>
    %dot_general3A = arith.constant dense<0.000000e+00> : vector<1000x128xf32>
    %dot_general3A_14 = tpu.matmul %mul3A_8, %get3A_13, %dot_general3A {dimension_numbers = #tpu.dot_dimension_numbers<[1], [0], [0], [1], [0, 0, 1, 1], [], []>, transpose_lhs_hint = false} : vector<1000x128xf32>, vector<128x128xf32>, vector<1000x128xf32> -> vector<1000x128xf32>
    %get3A_15 = arith.constant 0 : index
    %get3A_16 = arith.constant 0 : index
    %get3A_17 = vector.load %arg4[%get3A_15, %get3A_16] : memref<18x128xf32, #tpu.memory_space<vmem>>, vector<1x128xf32>
    %get3A_18 = vector.shape_cast %get3A_17 : vector<1x128xf32> to vector<128xf32>
    %broadcast_in_dim3A_19 = vector.shape_cast %get3A_18 : vector<128xf32> to vector<1x128xf32>
    %add3A = vector.broadcast %broadcast_in_dim3A_19 : vector<1x128xf32> to vector<1000x128xf32>
    %add3A_20 = arith.addf %dot_general3A_14, %add3A : vector<1000x128xf32>
    %get3A_21 = arith.constant 0 : index
    %get3A_22 = memref.load %arg5[%get3A_21] : memref<6xf32, #tpu.memory_space<smem>>
    %ge3A = arith.constant 0.000000e+00 : f32
    %ge3A_23 = vector.broadcast %ge3A : f32 to vector<1000x128xf32>
    %ge3A_24 = arith.cmpf oge, %add3A_20, %ge3A_23 : vector<1000x128xf32>
    %mul3A_25 = vector.broadcast %get3A_22 : f32 to vector<1000x128xf32>
    %mul3A_26 = arith.mulf %mul3A_25, %add3A_20 : vector<1000x128xf32>
    %select_n3A = arith.select %ge3A_24, %add3A_20, %mul3A_26 : vector<1000x128xi1>, vector<1000x128xf32>
    %swap3A = arith.constant 0 : index
    %swap3A_27 = arith.constant 0 : index
    %swap3A_28 = vector.load %arg6[%swap3A, %swap3A_27] : memref<1000x128xf32, #tpu.memory_space<vmem>>, vector<1000x128xf32>
    tpu.vector_store %arg6[%swap3A, %swap3A_27], %select_n3A {strides = array<i32>} : memref<1000x128xf32, #tpu.memory_space<vmem>>, vector<1000x128xf32>,
    %get3A_29 = arith.constant 1 : index
    %get3A_30 = arith.constant 0 : index
    %get3A_31 = arith.constant 0 : index
    %get3A_32 = vector.load %arg1[%get3A_29, %get3A_30, %get3A_31] : memref<8x1000x128xf32, #tpu.memory_space<vmem>>, vector<1x1000x128xf32>
    %get3A_33 = vector.shape_cast %get3A_32 : vector<1x1000x128xf32> to vector<1000x128xf32>
    %get3A_34 = arith.constant 0 : index
    %get3A_35 = arith.constant 1 : index
    %get3A_36 = vector.load %arg2[%get3A_34, %get3A_35] : memref<1000x8xf32, #tpu.memory_space<vmem>>, vector<1000x1xf32>
    %get3A_37 = vector.shape_cast %get3A_36 : vector<1000x1xf32> to vector<1000xf32>
    %broadcast_in_dim3A_38 = vector.shape_cast %get3A_37 : vector<1000xf32> to vector<1000x1xf32>
    %mul3A_39 = vector.broadcast %broadcast_in_dim3A_38 : vector<1000x1xf32> to vector<1000x128xf32>
    %mul3A_40 = arith.mulf %get3A_33, %mul3A_39 : vector<1000x128xf32>
    %get3A_41 = arith.constant 1 : index
    %get3A_42 = arith.constant 0 : index
    %get3A_43 = arith.constant 0 : index
    %get3A_44 = vector.load %arg3[%get3A_41, %get3A_42, %get3A_43] : memref<18x128x128xf32, #tpu.memory_space<vmem>>, vector<1x128x128xf32>
    %get3A_45 = vector.shape_cast %get3A_44 : vector<1x128x128xf32> to vector<128x128xf32>
    %dot_general3A_46 = arith.constant dense<0.000000e+00> : vector<1000x128xf32>
    %dot_general3A_47 = tpu.matmul %mul3A_40, %get3A_45, %dot_general3A_46 {dimension_numbers = #tpu.dot_dimension_numbers<[1], [0], [0], [1], [0, 0, 1, 1], [], []>, transpose_lhs_hint = false} : vector<1000x128xf32>, vector<128x128xf32>, vector<1000x128xf32> -> vector<1000x128xf32>
    %get3A_48 = arith.constant 1 : index
    %get3A_49 = arith.constant 0 : index
    %get3A_50 = vector.load %arg4[%get3A_48, %get3A_49] : memref<18x128xf32, #tpu.memory_space<vmem>>, vector<1x128xf32>
    %get3A_51 = vector.shape_cast %get3A_50 : vector<1x128xf32> to vector<128xf32>
    %broadcast_in_dim3A_52 = vector.shape_cast %get3A_51 : vector<128xf32> to vector<1x128xf32>
    %add3A_53 = vector.broadcast %broadcast_in_dim3A_52 : vector<1x128xf32> to vector<1000x128xf32>
    %add3A_54 = arith.addf %dot_general3A_47, %add3A_53 : vector<1000x128xf32>
    %get3A_55 = arith.constant 2 : index
    %get3A_56 = arith.constant 0 : index
    %get3A_57 = arith.constant 0 : index
    %get3A_58 = vector.load %arg1[%get3A_55, %get3A_56, %get3A_57] : memref<8x1000x128xf32, #tpu.memory_space<vmem>>, vector<1x1000x128xf32>
    %get3A_59 = vector.shape_cast %get3A_58 : vector<1x1000x128xf32> to vector<1000x128xf32>
    %get3A_60 = arith.constant 0 : index
    %get3A_61 = arith.constant 2 : index
    %get3A_62 = vector.load %arg2[%get3A_60, %get3A_61] : memref<1000x8xf32, #tpu.memory_space<vmem>>, vector<1000x1xf32>
    %get3A_63 = vector.shape_cast %get3A_62 : vector<1000x1xf32> to vector<1000xf32>
    %broadcast_in_dim3A_64 = vector.shape_cast %get3A_63 : vector<1000xf32> to vector<1000x1xf32>
    %mul3A_65 = vector.broadcast %broadcast_in_dim3A_64 : vector<1000x1xf32> to vector<1000x128xf32>
    %mul3A_66 = arith.mulf %get3A_59, %mul3A_65 : vector<1000x128xf32>
    %get3A_67 = arith.constant 2 : index
    %get3A_68 = arith.constant 0 : index
    %get3A_69 = arith.constant 0 : index
    %get3A_70 = vector.load %arg3[%get3A_67, %get3A_68, %get3A_69] : memref<18x128x128xf32, #tpu.memory_space<vmem>>, vector<1x128x128xf32>
    %get3A_71 = vector.shape_cast %get3A_70 : vector<1x128x128xf32> to vector<128x128xf32>
    %dot_general3A_72 = arith.constant dense<0.000000e+00> : vector<1000x128xf32>
    %dot_general3A_73 = tpu.matmul %mul3A_66, %get3A_71, %dot_general3A_72 {dimension_numbers = #tpu.dot_dimension_numbers<[1], [0], [0], [1], [0, 0, 1, 1], [], []>, transpose_lhs_hint = false} : vector<1000x128xf32>, vector<128x128xf32>, vector<1000x128xf32> -> vector<1000x128xf32>
    %get3A_74 = arith.constant 2 : index
    %get3A_75 = arith.constant 0 : index
    %get3A_76 = vector.load %arg4[%get3A_74, %get3A_75] : memref<18x128xf32, #tpu.memory_space<vmem>>, vector<1x128xf32>
    %get3A_77 = vector.shape_cast %get3A_76 : vector<1x128xf32> to vector<128xf32>
    %broadcast_in_dim3A_78 = vector.shape_cast %get3A_77 : vector<128xf32> to vector<1x128xf32>
    %add3A_79 = vector.broadcast %broadcast_in_dim3A_78 : vector<1x128xf32> to vector<1000x128xf32>
    %add3A_80 = arith.addf %dot_general3A_73, %add3A_79 : vector<1000x128xf32>
    %add3A_81 = arith.addf %add3A_54, %add3A_80 : vector<1000x128xf32>
    %get3A_82 = arith.constant 0 : index
    %get3A_83 = memref.load %arg5[%get3A_82] : memref<6xf32, #tpu.memory_space<smem>>
    %ge3A_84 = arith.constant 0.000000e+00 : f32
    %ge3A_85 = vector.broadcast %ge3A_84 : f32 to vector<1000x128xf32>
    %ge3A_86 = arith.cmpf oge, %add3A_81, %ge3A_85 : vector<1000x128xf32>
    %mul3A_87 = vector.broadcast %get3A_83 : f32 to vector<1000x128xf32>
    %mul3A_88 = arith.mulf %mul3A_87, %add3A_81 : vector<1000x128xf32>
    %select_n3A_89 = arith.select %ge3A_86, %add3A_81, %mul3A_88 : vector<1000x128xi1>, vector<1000x128xf32>
    %swap3A_90 = arith.constant 0 : index
    %swap3A_91 = arith.constant 0 : index
    %swap3A_92 = vector.load %arg7[%swap3A_90, %swap3A_91] : memref<1000x128xf32, #tpu.memory_space<vmem>>, vector<1000x128xf32>
    tpu.vector_store %arg7[%swap3A_90, %swap3A_91], %select_n3A_89 {strides = array<i32>} : memref<1000x128xf32, #tpu.memory_space<vmem>>, vector<1000x128xf32>,
    %get3A_93 = arith.constant 3 : index
    %get3A_94 = arith.constant 0 : index
    %get3A_95 = arith.constant 0 : index
    %get3A_96 = vector.load %arg1[%get3A_93, %get3A_94, %get3A_95] : memref<8x1000x128xf32, #tpu.memory_space<vmem>>, vector<1x1000x128xf32>
    %get3A_97 = vector.shape_cast %get3A_96 : vector<1x1000x128xf32> to vector<1000x128xf32>
    %get3A_98 = arith.constant 0 : index
    %get3A_99 = arith.constant 3 : index
    %get3A_100 = vector.load %arg2[%get3A_98, %get3A_99] : memref<1000x8xf32, #tpu.memory_space<vmem>>, vector<1000x1xf32>
    %get3A_101 = vector.shape_cast %get3A_100 : vector<1000x1xf32> to vector<1000xf32>
    %broadcast_in_dim3A_102 = vector.shape_cast %get3A_101 : vector<1000xf32> to vector<1000x1xf32>
    %mul3A_103 = vector.broadcast %broadcast_in_dim3A_102 : vector<1000x1xf32> to vector<1000x128xf32>
    %mul3A_104 = arith.mulf %get3A_97, %mul3A_103 : vector<1000x128xf32>
    %get3A_105 = arith.constant 3 : index
    %get3A_106 = arith.constant 0 : index
    %get3A_107 = arith.constant 0 : index
    %get3A_108 = vector.load %arg3[%get3A_105, %get3A_106, %get3A_107] : memref<18x128x128xf32, #tpu.memory_space<vmem>>, vector<1x128x128xf32>
    %get3A_109 = vector.shape_cast %get3A_108 : vector<1x128x128xf32> to vector<128x128xf32>
    %dot_general3A_110 = arith.constant dense<0.000000e+00> : vector<1000x128xf32>
    %dot_general3A_111 = tpu.matmul %mul3A_104, %get3A_109, %dot_general3A_110 {dimension_numbers = #tpu.dot_dimension_numbers<[1], [0], [0], [1], [0, 0, 1, 1], [], []>, transpose_lhs_hint = false} : vector<1000x128xf32>, vector<128x128xf32>, vector<1000x128xf32> -> vector<1000x128xf32>
    %get3A_112 = arith.constant 3 : index
    %get3A_113 = arith.constant 0 : index
    %get3A_114 = vector.load %arg4[%get3A_112, %get3A_113] : memref<18x128xf32, #tpu.memory_space<vmem>>, vector<1x128xf32>
    %get3A_115 = vector.shape_cast %get3A_114 : vector<1x128xf32> to vector<128xf32>
    %broadcast_in_dim3A_116 = vector.shape_cast %get3A_115 : vector<128xf32> to vector<1x128xf32>
    %add3A_117 = vector.broadcast %broadcast_in_dim3A_116 : vector<1x128xf32> to vector<1000x128xf32>
    %add3A_118 = arith.addf %dot_general3A_111, %add3A_117 : vector<1000x128xf32>
    %get3A_119 = arith.constant 1 : index
    %get3A_120 = memref.load %arg5[%get3A_119] : memref<6xf32, #tpu.memory_space<smem>>
    %ge3A_121 = arith.constant 0.000000e+00 : f32
    %ge3A_122 = vector.broadcast %ge3A_121 : f32 to vector<1000x128xf32>
    %ge3A_123 = arith.cmpf oge, %add3A_118, %ge3A_122 : vector<1000x128xf32>
    %mul3A_124 = vector.broadcast %get3A_120 : f32 to vector<1000x128xf32>
    %mul3A_125 = arith.mulf %mul3A_124, %add3A_118 : vector<1000x128xf32>
    %select_n3A_126 = arith.select %ge3A_123, %add3A_118, %mul3A_125 : vector<1000x128xi1>, vector<1000x128xf32>
    %swap3A_127 = arith.constant 0 : index
    %swap3A_128 = arith.constant 0 : index
    %swap3A_129 = vector.load %arg8[%swap3A_127, %swap3A_128] : memref<1000x128xf32, #tpu.memory_space<vmem>>, vector<1000x128xf32>
    tpu.vector_store %arg8[%swap3A_127, %swap3A_128], %select_n3A_126 {strides = array<i32>} : memref<1000x128xf32, #tpu.memory_space<vmem>>, vector<1000x128xf32>,
    %get3A_130 = arith.constant 4 : index
    %get3A_131 = arith.constant 0 : index
    %get3A_132 = arith.constant 0 : index
    %get3A_133 = vector.load %arg1[%get3A_130, %get3A_131, %get3A_132] : memref<8x1000x128xf32, #tpu.memory_space<vmem>>, vector<1x1000x128xf32>
    %get3A_134 = vector.shape_cast %get3A_133 : vector<1x1000x128xf32> to vector<1000x128xf32>
    %get3A_135 = arith.constant 0 : index
    %get3A_136 = arith.constant 4 : index
    %get3A_137 = vector.load %arg2[%get3A_135, %get3A_136] : memref<1000x8xf32, #tpu.memory_space<vmem>>, vector<1000x1xf32>
    %get3A_138 = vector.shape_cast %get3A_137 : vector<1000x1xf32> to vector<1000xf32>
    %broadcast_in_dim3A_139 = vector.shape_cast %get3A_138 : vector<1000xf32> to vector<1000x1xf32>
    %mul3A_140 = vector.broadcast %broadcast_in_dim3A_139 : vector<1000x1xf32> to vector<1000x128xf32>
    %mul3A_141 = arith.mulf %get3A_134, %mul3A_140 : vector<1000x128xf32>
    %get3A_142 = arith.constant 7 : index
    %get3A_143 = arith.constant 0 : index
    %get3A_144 = arith.constant 0 : index
    %get3A_145 = vector.load %arg3[%get3A_142, %get3A_143, %get3A_144] : memref<18x128x128xf32, #tpu.memory_space<vmem>>, vector<1x128x128xf32>
    %get3A_146 = vector.shape_cast %get3A_145 : vector<1x128x128xf32> to vector<128x128xf32>
    %dot_general3A_147 = arith.constant dense<0.000000e+00> : vector<1000x128xf32>
    %dot_general3A_148 = tpu.matmul %mul3A_141, %get3A_146, %dot_general3A_147 {dimension_numbers = #tpu.dot_dimension_numbers<[1], [0], [0], [1], [0, 0, 1, 1], [], []>, transpose_lhs_hint = false} : vector<1000x128xf32>, vector<128x128xf32>, vector<1000x128xf32> -> vector<1000x128xf32>
    %get3A_149 = arith.constant 7 : index
    %get3A_150 = arith.constant 0 : index
    %get3A_151 = vector.load %arg4[%get3A_149, %get3A_150] : memref<18x128xf32, #tpu.memory_space<vmem>>, vector<1x128xf32>
    %get3A_152 = vector.shape_cast %get3A_151 : vector<1x128xf32> to vector<128xf32>
    %broadcast_in_dim3A_153 = vector.shape_cast %get3A_152 : vector<128xf32> to vector<1x128xf32>
    %add3A_154 = vector.broadcast %broadcast_in_dim3A_153 : vector<1x128xf32> to vector<1000x128xf32>
    %add3A_155 = arith.addf %dot_general3A_148, %add3A_154 : vector<1000x128xf32>
    %get3A_156 = arith.constant 5 : index
    %get3A_157 = arith.constant 0 : index
    %get3A_158 = arith.constant 0 : index
    %get3A_159 = vector.load %arg1[%get3A_156, %get3A_157, %get3A_158] : memref<8x1000x128xf32, #tpu.memory_space<vmem>>, vector<1x1000x128xf32>
    %get3A_160 = vector.shape_cast %get3A_159 : vector<1x1000x128xf32> to vector<1000x128xf32>
    %get3A_161 = arith.constant 0 : index
    %get3A_162 = arith.constant 5 : index
    %get3A_163 = vector.load %arg2[%get3A_161, %get3A_162] : memref<1000x8xf32, #tpu.memory_space<vmem>>, vector<1000x1xf32>
    %get3A_164 = vector.shape_cast %get3A_163 : vector<1000x1xf32> to vector<1000xf32>
    %broadcast_in_dim3A_165 = vector.shape_cast %get3A_164 : vector<1000xf32> to vector<1000x1xf32>
    %mul3A_166 = vector.broadcast %broadcast_in_dim3A_165 : vector<1000x1xf32> to vector<1000x128xf32>
    %mul3A_167 = arith.mulf %get3A_160, %mul3A_166 : vector<1000x128xf32>
    %get3A_168 = arith.constant 8 : index
    %get3A_169 = arith.constant 0 : index
    %get3A_170 = arith.constant 0 : index
    %get3A_171 = vector.load %arg3[%get3A_168, %get3A_169, %get3A_170] : memref<18x128x128xf32, #tpu.memory_space<vmem>>, vector<1x128x128xf32>
    %get3A_172 = vector.shape_cast %get3A_171 : vector<1x128x128xf32> to vector<128x128xf32>
    %dot_general3A_173 = arith.constant dense<0.000000e+00> : vector<1000x128xf32>
    %dot_general3A_174 = tpu.matmul %mul3A_167, %get3A_172, %dot_general3A_173 {dimension_numbers = #tpu.dot_dimension_numbers<[1], [0], [0], [1], [0, 0, 1, 1], [], []>, transpose_lhs_hint = false} : vector<1000x128xf32>, vector<128x128xf32>, vector<1000x128xf32> -> vector<1000x128xf32>
    %get3A_175 = arith.constant 8 : index
    %get3A_176 = arith.constant 0 : index
    %get3A_177 = vector.load %arg4[%get3A_175, %get3A_176] : memref<18x128xf32, #tpu.memory_space<vmem>>, vector<1x128xf32>
    %get3A_178 = vector.shape_cast %get3A_177 : vector<1x128xf32> to vector<128xf32>
    %broadcast_in_dim3A_179 = vector.shape_cast %get3A_178 : vector<128xf32> to vector<1x128xf32>
    %add3A_180 = vector.broadcast %broadcast_in_dim3A_179 : vector<1x128xf32> to vector<1000x128xf32>
    %add3A_181 = arith.addf %dot_general3A_174, %add3A_180 : vector<1000x128xf32>
    %add3A_182 = arith.addf %add3A_155, %add3A_181 : vector<1000x128xf32>
    %get3A_183 = arith.constant 2 : index
    %get3A_184 = memref.load %arg5[%get3A_183] : memref<6xf32, #tpu.memory_space<smem>>
    %ge3A_185 = arith.constant 0.000000e+00 : f32
    %ge3A_186 = vector.broadcast %ge3A_185 : f32 to vector<1000x128xf32>
    %ge3A_187 = arith.cmpf oge, %add3A_182, %ge3A_186 : vector<1000x128xf32>
    %mul3A_188 = vector.broadcast %get3A_184 : f32 to vector<1000x128xf32>
    %mul3A_189 = arith.mulf %mul3A_188, %add3A_182 : vector<1000x128xf32>
    %select_n3A_190 = arith.select %ge3A_187, %add3A_182, %mul3A_189 : vector<1000x128xi1>, vector<1000x128xf32>
    %swap3A_191 = arith.constant 0 : index
    %swap3A_192 = arith.constant 0 : index
    %swap3A_193 = vector.load %arg9[%swap3A_191, %swap3A_192] : memref<1000x128xf32, #tpu.memory_space<vmem>>, vector<1000x128xf32>
    tpu.vector_store %arg9[%swap3A_191, %swap3A_192], %select_n3A_190 {strides = array<i32>} : memref<1000x128xf32, #tpu.memory_space<vmem>>, vector<1000x128xf32>,
    %get3A_194 = arith.constant 6 : index
    %get3A_195 = arith.constant 0 : index
    %get3A_196 = arith.constant 0 : index
    %get3A_197 = vector.load %arg1[%get3A_194, %get3A_195, %get3A_196] : memref<8x1000x128xf32, #tpu.memory_space<vmem>>, vector<1x1000x128xf32>
    %get3A_198 = vector.shape_cast %get3A_197 : vector<1x1000x128xf32> to vector<1000x128xf32>
    %get3A_199 = arith.constant 0 : index
    %get3A_200 = arith.constant 6 : index
    %get3A_201 = vector.load %arg2[%get3A_199, %get3A_200] : memref<1000x8xf32, #tpu.memory_space<vmem>>, vector<1000x1xf32>
    %get3A_202 = vector.shape_cast %get3A_201 : vector<1000x1xf32> to vector<1000xf32>
    %broadcast_in_dim3A_203 = vector.shape_cast %get3A_202 : vector<1000xf32> to vector<1000x1xf32>
    %mul3A_204 = vector.broadcast %broadcast_in_dim3A_203 : vector<1000x1xf32> to vector<1000x128xf32>
    %mul3A_205 = arith.mulf %get3A_198, %mul3A_204 : vector<1000x128xf32>
    %get3A_206 = arith.constant 13 : index
    %get3A_207 = arith.constant 0 : index
    %get3A_208 = arith.constant 0 : index
    %get3A_209 = vector.load %arg3[%get3A_206, %get3A_207, %get3A_208] : memref<18x128x128xf32, #tpu.memory_space<vmem>>, vector<1x128x128xf32>
    %get3A_210 = vector.shape_cast %get3A_209 : vector<1x128x128xf32> to vector<128x128xf32>
    %dot_general3A_211 = arith.constant dense<0.000000e+00> : vector<1000x128xf32>
    %dot_general3A_212 = tpu.matmul %mul3A_205, %get3A_210, %dot_general3A_211 {dimension_numbers = #tpu.dot_dimension_numbers<[1], [0], [0], [1], [0, 0, 1, 1], [], []>, transpose_lhs_hint = false} : vector<1000x128xf32>, vector<128x128xf32>, vector<1000x128xf32> -> vector<1000x128xf32>
    %get3A_213 = arith.constant 13 : index
    %get3A_214 = arith.constant 0 : index
    %get3A_215 = vector.load %arg4[%get3A_213, %get3A_214] : memref<18x128xf32, #tpu.memory_space<vmem>>, vector<1x128xf32>
    %get3A_216 = vector.shape_cast %get3A_215 : vector<1x128xf32> to vector<128xf32>
    %broadcast_in_dim3A_217 = vector.shape_cast %get3A_216 : vector<128xf32> to vector<1x128xf32>
    %add3A_218 = vector.broadcast %broadcast_in_dim3A_217 : vector<1x128xf32> to vector<1000x128xf32>
    %add3A_219 = arith.addf %dot_general3A_212, %add3A_218 : vector<1000x128xf32>
    %get3A_220 = arith.constant 7 : index
    %get3A_221 = arith.constant 0 : index
    %get3A_222 = arith.constant 0 : index
    %get3A_223 = vector.load %arg1[%get3A_220, %get3A_221, %get3A_222] : memref<8x1000x128xf32, #tpu.memory_space<vmem>>, vector<1x1000x128xf32>
    %get3A_224 = vector.shape_cast %get3A_223 : vector<1x1000x128xf32> to vector<1000x128xf32>
    %get3A_225 = arith.constant 0 : index
    %get3A_226 = arith.constant 7 : index
    %get3A_227 = vector.load %arg2[%get3A_225, %get3A_226] : memref<1000x8xf32, #tpu.memory_space<vmem>>, vector<1000x1xf32>
    %get3A_228 = vector.shape_cast %get3A_227 : vector<1000x1xf32> to vector<1000xf32>
    %broadcast_in_dim3A_229 = vector.shape_cast %get3A_228 : vector<1000xf32> to vector<1000x1xf32>
    %mul3A_230 = vector.broadcast %broadcast_in_dim3A_229 : vector<1000x1xf32> to vector<1000x128xf32>
    %mul3A_231 = arith.mulf %get3A_224, %mul3A_230 : vector<1000x128xf32>
    %get3A_232 = arith.constant 14 : index
    %get3A_233 = arith.constant 0 : index
    %get3A_234 = arith.constant 0 : index
    %get3A_235 = vector.load %arg3[%get3A_232, %get3A_233, %get3A_234] : memref<18x128x128xf32, #tpu.memory_space<vmem>>, vector<1x128x128xf32>
    %get3A_236 = vector.shape_cast %get3A_235 : vector<1x128x128xf32> to vector<128x128xf32>
    %dot_general3A_237 = arith.constant dense<0.000000e+00> : vector<1000x128xf32>
    %dot_general3A_238 = tpu.matmul %mul3A_231, %get3A_236, %dot_general3A_237 {dimension_numbers = #tpu.dot_dimension_numbers<[1], [0], [0], [1], [0, 0, 1, 1], [], []>, transpose_lhs_hint = false} : vector<1000x128xf32>, vector<128x128xf32>, vector<1000x128xf32> -> vector<1000x128xf32>
    %get3A_239 = arith.constant 14 : index
    %get3A_240 = arith.constant 0 : index
    %get3A_241 = vector.load %arg4[%get3A_239, %get3A_240] : memref<18x128xf32, #tpu.memory_space<vmem>>, vector<1x128xf32>
    %get3A_242 = vector.shape_cast %get3A_241 : vector<1x128xf32> to vector<128xf32>
    %broadcast_in_dim3A_243 = vector.shape_cast %get3A_242 : vector<128xf32> to vector<1x128xf32>
    %add3A_244 = vector.broadcast %broadcast_in_dim3A_243 : vector<1x128xf32> to vector<1000x128xf32>
    %add3A_245 = arith.addf %dot_general3A_238, %add3A_244 : vector<1000x128xf32>
    %add3A_246 = arith.addf %add3A_219, %add3A_245 : vector<1000x128xf32>
    %get3A_247 = arith.constant 4 : index
    %get3A_248 = memref.load %arg5[%get3A_247] : memref<6xf32, #tpu.memory_space<smem>>
    %ge3A_249 = arith.constant 0.000000e+00 : f32
    %ge3A_250 = vector.broadcast %ge3A_249 : f32 to vector<1000x128xf32>
    %ge3A_251 = arith.cmpf oge, %add3A_246, %ge3A_250 : vector<1000x128xf32>
    %mul3A_252 = vector.broadcast %get3A_248 : f32 to vector<1000x128xf32>
    %mul3A_253 = arith.mulf %mul3A_252, %add3A_246 : vector<1000x128xf32>
    %select_n3A_254 = arith.select %ge3A_251, %add3A_246, %mul3A_253 : vector<1000x128xi1>, vector<1000x128xf32>
    %swap3A_255 = arith.constant 0 : index
    %swap3A_256 = arith.constant 0 : index
    %swap3A_257 = vector.load %arg10[%swap3A_255, %swap3A_256] : memref<1000x128xf32, #tpu.memory_space<vmem>>, vector<1000x128xf32>
    tpu.vector_store %arg10[%swap3A_255, %swap3A_256], %select_n3A_254 {strides = array<i32>} : memref<1000x128xf32, #tpu.memory_space<vmem>>, vector<1000x128xf32>,
    return
  }
  func.func @transform_0(%arg0: i32) -> (i32, i32, i32) {
    %c0_i32 = arith.constant 0 : i32
    %c0_i32_0 = arith.constant 0 : i32
    %c0_i32_1 = arith.constant 0 : i32
    return %c0_i32, %arg0, %c0_i32_0 : i32, i32, i32
  }
  func.func @transform_1(%arg0: i32) -> (i32, i32) {
    %c0_i32 = arith.constant 0 : i32
    %c0_i32_0 = arith.constant 0 : i32
    return %arg0, %c0_i32 : i32, i32
  }
  func.func @transform_2(%arg0: i32) -> (i32, i32, i32) {
    %c0_i32 = arith.constant 0 : i32
    %c0_i32_0 = arith.constant 0 : i32
    %c0_i32_1 = arith.constant 0 : i32
    %c0_i32_2 = arith.constant 0 : i32
    return %c0_i32, %c0_i32_0, %c0_i32_1 : i32, i32, i32
  }
  func.func @transform_3(%arg0: i32) -> (i32, i32) {
    %c0_i32 = arith.constant 0 : i32
    %c0_i32_0 = arith.constant 0 : i32
    %c0_i32_1 = arith.constant 0 : i32
    return %c0_i32, %c0_i32_0 : i32, i32
  }
  func.func @transform_4(%arg0: i32) -> i32 {
    %c0_i32 = arith.constant 0 : i32
    %c0_i32_0 = arith.constant 0 : i32
    return %c0_i32 : i32
  }
  func.func @transform_5(%arg0: i32) -> (i32, i32) {
    %c0_i32 = arith.constant 0 : i32
    %c0_i32_0 = arith.constant 0 : i32
    return %arg0, %c0_i32 : i32, i32
  }
  func.func @transform_6(%arg0: i32) -> (i32, i32) {
    %c0_i32 = arith.constant 0 : i32
    %c0_i32_0 = arith.constant 0 : i32
    return %arg0, %c0_i32 : i32, i32
  }
  func.func @transform_7(%arg0: i32) -> (i32, i32) {
    %c0_i32 = arith.constant 0 : i32
    %c0_i32_0 = arith.constant 0 : i32
    return %arg0, %c0_i32 : i32, i32
  }
  func.func @transform_8(%arg0: i32) -> (i32, i32) {
    %c0_i32 = arith.constant 0 : i32
    %c0_i32_0 = arith.constant 0 : i32
    return %arg0, %c0_i32 : i32, i32
  }
  func.func @transform_9(%arg0: i32) -> (i32, i32) {
    %c0_i32 = arith.constant 0 : i32
    %c0_i32_0 = arith.constant 0 : i32
    return %arg0, %c0_i32 : i32, i32
  }
}

module attributes {stable_mosaic.version = 14 : i64} {
  func.func @_tc_prep_body(%arg0: i32, %arg1: memref<1000x32xf32, #tpu.memory_space<vmem>>, %arg2: memref<1000x128xf32, #tpu.memory_space<vmem>>, %arg3: memref<1000x128xf32, #tpu.memory_space<vmem>>, %arg4: memref<1000x128xf32, #tpu.memory_space<vmem>>, %arg5: memref<1000x128xf32, #tpu.memory_space<vmem>>, %arg6: memref<1000x128xf32, #tpu.memory_space<vmem>>, %arg7: memref<8x1000x128xf32, #tpu.memory_space<vmem>>, %arg8: memref<1000x8xf32, #tpu.memory_space<vmem>>) attributes {dimension_semantics = [#tpu.dimension_semantics<arbitrary>], iteration_bounds = array<i64: 20>, scalar_prefetch = 0 : i64, scratch_operands = 0 : i64, tpu.core_type = #tpu.core_type<tc>, window_params = [{transform_indices = @transform_0, window_bounds = array<i64: 1000, 32>}, {transform_indices = @transform_1, window_bounds = array<i64: 1000, 128>}, {transform_indices = @transform_2, window_bounds = array<i64: 1000, 128>}, {transform_indices = @transform_3, window_bounds = array<i64: 1000, 128>}, {transform_indices = @transform_4, window_bounds = array<i64: 1000, 128>}, {transform_indices = @transform_5, window_bounds = array<i64: 1000, 128>}, {transform_indices = @transform_6, window_bounds = array<i64: 8, 1000, 128>}, {transform_indices = @transform_7, window_bounds = array<i64: 1000, 8>}]} {
    %get3A = arith.constant 0 : index
    %get3A_0 = arith.constant 0 : index
    %get3A_1 = vector.load %arg1[%get3A, %get3A_0] : memref<1000x32xf32, #tpu.memory_space<vmem>>, vector<1000x16xf32>
    %get3A_2 = arith.constant 0 : index
    %get3A_3 = arith.constant 16 : index
    %get3A_4 = vector.load %arg1[%get3A_2, %get3A_3] : memref<1000x32xf32, #tpu.memory_space<vmem>>, vector<1000x16xf32>
    %add3A = arith.addf %get3A_1, %get3A_4 : vector<1000x16xf32>
    %max3A = arith.constant 1.000000e+00 : f32
    %max3A_5 = vector.broadcast %max3A : f32 to vector<1000x16xf32>
    %max3A_6 = arith.maximumf %add3A, %max3A_5 : vector<1000x16xf32>
    %rsqrt3A = math.rsqrt %max3A_6 : vector<1000x16xf32>
    %get3A_7 = arith.constant 0 : index
    %get3A_8 = arith.constant 0 : index
    %get3A_9 = vector.load %arg2[%get3A_7, %get3A_8] : memref<1000x128xf32, #tpu.memory_space<vmem>>, vector<1000x128xf32>
    %slice3A = vector.extract_strided_slice %rsqrt3A {offsets = [0, 0], sizes = [1000, 1], strides = [1, 1]} : vector<1000x16xf32> to vector<1000x1xf32>
    %squeeze3A = vector.shape_cast %slice3A : vector<1000x1xf32> to vector<1000xf32>
    %broadcast_in_dim3A = vector.shape_cast %squeeze3A : vector<1000xf32> to vector<1000x1xf32>
    %mul3A = vector.broadcast %broadcast_in_dim3A : vector<1000x1xf32> to vector<1000x128xf32>
    %mul3A_10 = arith.mulf %get3A_9, %mul3A : vector<1000x128xf32>
    %swap3A = arith.constant 0 : index
    %swap3A_11 = arith.constant 0 : index
    %swap3A_12 = arith.constant 0 : index
    %swap3A_13 = vector.load %arg7[%swap3A, %swap3A_11, %swap3A_12] : memref<8x1000x128xf32, #tpu.memory_space<vmem>>, vector<1x1000x128xf32>
    %swap3A_14 = vector.shape_cast %swap3A_13 : vector<1x1000x128xf32> to vector<1000x128xf32>
    %swap3A_15 = vector.shape_cast %mul3A_10 : vector<1000x128xf32> to vector<1x1000x128xf32>
    tpu.vector_store %arg7[%swap3A, %swap3A_11, %swap3A_12], %swap3A_15 {strides = array<i32>} : memref<8x1000x128xf32, #tpu.memory_space<vmem>>, vector<1x1000x128xf32>,
    %get3A_16 = arith.constant 0 : index
    %get3A_17 = arith.constant 0 : index
    %get3A_18 = vector.load %arg2[%get3A_16, %get3A_17] : memref<1000x128xf32, #tpu.memory_space<vmem>>, vector<1000x128xf32>
    %slice3A_19 = vector.extract_strided_slice %rsqrt3A {offsets = [0, 2], sizes = [1000, 1], strides = [1, 1]} : vector<1000x16xf32> to vector<1000x1xf32>
    %squeeze3A_20 = vector.shape_cast %slice3A_19 : vector<1000x1xf32> to vector<1000xf32>
    %broadcast_in_dim3A_21 = vector.shape_cast %squeeze3A_20 : vector<1000xf32> to vector<1000x1xf32>
    %mul3A_22 = vector.broadcast %broadcast_in_dim3A_21 : vector<1000x1xf32> to vector<1000x128xf32>
    %mul3A_23 = arith.mulf %get3A_18, %mul3A_22 : vector<1000x128xf32>
    %swap3A_24 = arith.constant 1 : index
    %swap3A_25 = arith.constant 0 : index
    %swap3A_26 = arith.constant 0 : index
    %swap3A_27 = vector.load %arg7[%swap3A_24, %swap3A_25, %swap3A_26] : memref<8x1000x128xf32, #tpu.memory_space<vmem>>, vector<1x1000x128xf32>
    %swap3A_28 = vector.shape_cast %swap3A_27 : vector<1x1000x128xf32> to vector<1000x128xf32>
    %swap3A_29 = vector.shape_cast %mul3A_23 : vector<1000x128xf32> to vector<1x1000x128xf32>
    tpu.vector_store %arg7[%swap3A_24, %swap3A_25, %swap3A_26], %swap3A_29 {strides = array<i32>} : memref<8x1000x128xf32, #tpu.memory_space<vmem>>, vector<1x1000x128xf32>,
    %get3A_30 = arith.constant 0 : index
    %get3A_31 = arith.constant 0 : index
    %get3A_32 = vector.load %arg3[%get3A_30, %get3A_31] : memref<1000x128xf32, #tpu.memory_space<vmem>>, vector<1000x128xf32>
    %slice3A_33 = vector.extract_strided_slice %rsqrt3A {offsets = [0, 4], sizes = [1000, 1], strides = [1, 1]} : vector<1000x16xf32> to vector<1000x1xf32>
    %squeeze3A_34 = vector.shape_cast %slice3A_33 : vector<1000x1xf32> to vector<1000xf32>
    %broadcast_in_dim3A_35 = vector.shape_cast %squeeze3A_34 : vector<1000xf32> to vector<1000x1xf32>
    %mul3A_36 = vector.broadcast %broadcast_in_dim3A_35 : vector<1000x1xf32> to vector<1000x128xf32>
    %mul3A_37 = arith.mulf %get3A_32, %mul3A_36 : vector<1000x128xf32>
    %swap3A_38 = arith.constant 2 : index
    %swap3A_39 = arith.constant 0 : index
    %swap3A_40 = arith.constant 0 : index
    %swap3A_41 = vector.load %arg7[%swap3A_38, %swap3A_39, %swap3A_40] : memref<8x1000x128xf32, #tpu.memory_space<vmem>>, vector<1x1000x128xf32>
    %swap3A_42 = vector.shape_cast %swap3A_41 : vector<1x1000x128xf32> to vector<1000x128xf32>
    %swap3A_43 = vector.shape_cast %mul3A_37 : vector<1000x128xf32> to vector<1x1000x128xf32>
    tpu.vector_store %arg7[%swap3A_38, %swap3A_39, %swap3A_40], %swap3A_43 {strides = array<i32>} : memref<8x1000x128xf32, #tpu.memory_space<vmem>>, vector<1x1000x128xf32>,
    %get3A_44 = arith.constant 0 : index
    %get3A_45 = arith.constant 0 : index
    %get3A_46 = vector.load %arg4[%get3A_44, %get3A_45] : memref<1000x128xf32, #tpu.memory_space<vmem>>, vector<1000x128xf32>
    %slice3A_47 = vector.extract_strided_slice %rsqrt3A {offsets = [0, 6], sizes = [1000, 1], strides = [1, 1]} : vector<1000x16xf32> to vector<1000x1xf32>
    %squeeze3A_48 = vector.shape_cast %slice3A_47 : vector<1000x1xf32> to vector<1000xf32>
    %broadcast_in_dim3A_49 = vector.shape_cast %squeeze3A_48 : vector<1000xf32> to vector<1000x1xf32>
    %mul3A_50 = vector.broadcast %broadcast_in_dim3A_49 : vector<1000x1xf32> to vector<1000x128xf32>
    %mul3A_51 = arith.mulf %get3A_46, %mul3A_50 : vector<1000x128xf32>
    %swap3A_52 = arith.constant 3 : index
    %swap3A_53 = arith.constant 0 : index
    %swap3A_54 = arith.constant 0 : index
    %swap3A_55 = vector.load %arg7[%swap3A_52, %swap3A_53, %swap3A_54] : memref<8x1000x128xf32, #tpu.memory_space<vmem>>, vector<1x1000x128xf32>
    %swap3A_56 = vector.shape_cast %swap3A_55 : vector<1x1000x128xf32> to vector<1000x128xf32>
    %swap3A_57 = vector.shape_cast %mul3A_51 : vector<1000x128xf32> to vector<1x1000x128xf32>
    tpu.vector_store %arg7[%swap3A_52, %swap3A_53, %swap3A_54], %swap3A_57 {strides = array<i32>} : memref<8x1000x128xf32, #tpu.memory_space<vmem>>, vector<1x1000x128xf32>,
    %get3A_58 = arith.constant 0 : index
    %get3A_59 = arith.constant 0 : index
    %get3A_60 = vector.load %arg4[%get3A_58, %get3A_59] : memref<1000x128xf32, #tpu.memory_space<vmem>>, vector<1000x128xf32>
    %slice3A_61 = vector.extract_strided_slice %rsqrt3A {offsets = [0, 8], sizes = [1000, 1], strides = [1, 1]} : vector<1000x16xf32> to vector<1000x1xf32>
    %squeeze3A_62 = vector.shape_cast %slice3A_61 : vector<1000x1xf32> to vector<1000xf32>
    %broadcast_in_dim3A_63 = vector.shape_cast %squeeze3A_62 : vector<1000xf32> to vector<1000x1xf32>
    %mul3A_64 = vector.broadcast %broadcast_in_dim3A_63 : vector<1000x1xf32> to vector<1000x128xf32>
    %mul3A_65 = arith.mulf %get3A_60, %mul3A_64 : vector<1000x128xf32>
    %swap3A_66 = arith.constant 4 : index
    %swap3A_67 = arith.constant 0 : index
    %swap3A_68 = arith.constant 0 : index
    %swap3A_69 = vector.load %arg7[%swap3A_66, %swap3A_67, %swap3A_68] : memref<8x1000x128xf32, #tpu.memory_space<vmem>>, vector<1x1000x128xf32>
    %swap3A_70 = vector.shape_cast %swap3A_69 : vector<1x1000x128xf32> to vector<1000x128xf32>
    %swap3A_71 = vector.shape_cast %mul3A_65 : vector<1000x128xf32> to vector<1x1000x128xf32>
    tpu.vector_store %arg7[%swap3A_66, %swap3A_67, %swap3A_68], %swap3A_71 {strides = array<i32>} : memref<8x1000x128xf32, #tpu.memory_space<vmem>>, vector<1x1000x128xf32>,
    %get3A_72 = arith.constant 0 : index
    %get3A_73 = arith.constant 0 : index
    %get3A_74 = vector.load %arg5[%get3A_72, %get3A_73] : memref<1000x128xf32, #tpu.memory_space<vmem>>, vector<1000x128xf32>
    %slice3A_75 = vector.extract_strided_slice %rsqrt3A {offsets = [0, 10], sizes = [1000, 1], strides = [1, 1]} : vector<1000x16xf32> to vector<1000x1xf32>
    %squeeze3A_76 = vector.shape_cast %slice3A_75 : vector<1000x1xf32> to vector<1000xf32>
    %broadcast_in_dim3A_77 = vector.shape_cast %squeeze3A_76 : vector<1000xf32> to vector<1000x1xf32>
    %mul3A_78 = vector.broadcast %broadcast_in_dim3A_77 : vector<1000x1xf32> to vector<1000x128xf32>
    %mul3A_79 = arith.mulf %get3A_74, %mul3A_78 : vector<1000x128xf32>
    %swap3A_80 = arith.constant 5 : index
    %swap3A_81 = arith.constant 0 : index
    %swap3A_82 = arith.constant 0 : index
    %swap3A_83 = vector.load %arg7[%swap3A_80, %swap3A_81, %swap3A_82] : memref<8x1000x128xf32, #tpu.memory_space<vmem>>, vector<1x1000x128xf32>
    %swap3A_84 = vector.shape_cast %swap3A_83 : vector<1x1000x128xf32> to vector<1000x128xf32>
    %swap3A_85 = vector.shape_cast %mul3A_79 : vector<1000x128xf32> to vector<1x1000x128xf32>
    tpu.vector_store %arg7[%swap3A_80, %swap3A_81, %swap3A_82], %swap3A_85 {strides = array<i32>} : memref<8x1000x128xf32, #tpu.memory_space<vmem>>, vector<1x1000x128xf32>,
    %get3A_86 = arith.constant 0 : index
    %get3A_87 = arith.constant 0 : index
    %get3A_88 = vector.load %arg2[%get3A_86, %get3A_87] : memref<1000x128xf32, #tpu.memory_space<vmem>>, vector<1000x128xf32>
    %slice3A_89 = vector.extract_strided_slice %rsqrt3A {offsets = [0, 12], sizes = [1000, 1], strides = [1, 1]} : vector<1000x16xf32> to vector<1000x1xf32>
    %squeeze3A_90 = vector.shape_cast %slice3A_89 : vector<1000x1xf32> to vector<1000xf32>
    %broadcast_in_dim3A_91 = vector.shape_cast %squeeze3A_90 : vector<1000xf32> to vector<1000x1xf32>
    %mul3A_92 = vector.broadcast %broadcast_in_dim3A_91 : vector<1000x1xf32> to vector<1000x128xf32>
    %mul3A_93 = arith.mulf %get3A_88, %mul3A_92 : vector<1000x128xf32>
    %swap3A_94 = arith.constant 6 : index
    %swap3A_95 = arith.constant 0 : index
    %swap3A_96 = arith.constant 0 : index
    %swap3A_97 = vector.load %arg7[%swap3A_94, %swap3A_95, %swap3A_96] : memref<8x1000x128xf32, #tpu.memory_space<vmem>>, vector<1x1000x128xf32>
    %swap3A_98 = vector.shape_cast %swap3A_97 : vector<1x1000x128xf32> to vector<1000x128xf32>
    %swap3A_99 = vector.shape_cast %mul3A_93 : vector<1000x128xf32> to vector<1x1000x128xf32>
    tpu.vector_store %arg7[%swap3A_94, %swap3A_95, %swap3A_96], %swap3A_99 {strides = array<i32>} : memref<8x1000x128xf32, #tpu.memory_space<vmem>>, vector<1x1000x128xf32>,
    %get3A_100 = arith.constant 0 : index
    %get3A_101 = arith.constant 0 : index
    %get3A_102 = vector.load %arg6[%get3A_100, %get3A_101] : memref<1000x128xf32, #tpu.memory_space<vmem>>, vector<1000x128xf32>
    %slice3A_103 = vector.extract_strided_slice %rsqrt3A {offsets = [0, 14], sizes = [1000, 1], strides = [1, 1]} : vector<1000x16xf32> to vector<1000x1xf32>
    %squeeze3A_104 = vector.shape_cast %slice3A_103 : vector<1000x1xf32> to vector<1000xf32>
    %broadcast_in_dim3A_105 = vector.shape_cast %squeeze3A_104 : vector<1000xf32> to vector<1000x1xf32>
    %mul3A_106 = vector.broadcast %broadcast_in_dim3A_105 : vector<1000x1xf32> to vector<1000x128xf32>
    %mul3A_107 = arith.mulf %get3A_102, %mul3A_106 : vector<1000x128xf32>
    %swap3A_108 = arith.constant 7 : index
    %swap3A_109 = arith.constant 0 : index
    %swap3A_110 = arith.constant 0 : index
    %swap3A_111 = vector.load %arg7[%swap3A_108, %swap3A_109, %swap3A_110] : memref<8x1000x128xf32, #tpu.memory_space<vmem>>, vector<1x1000x128xf32>
    %swap3A_112 = vector.shape_cast %swap3A_111 : vector<1x1000x128xf32> to vector<1000x128xf32>
    %swap3A_113 = vector.shape_cast %mul3A_107 : vector<1000x128xf32> to vector<1x1000x128xf32>
    tpu.vector_store %arg7[%swap3A_108, %swap3A_109, %swap3A_110], %swap3A_113 {strides = array<i32>} : memref<8x1000x128xf32, #tpu.memory_space<vmem>>, vector<1x1000x128xf32>,
    %slice3A_114 = vector.extract_strided_slice %rsqrt3A {offsets = [0, 1], sizes = [1000, 1], strides = [1, 1]} : vector<1000x16xf32> to vector<1000x1xf32>
    %squeeze3A_115 = vector.shape_cast %slice3A_114 : vector<1000x1xf32> to vector<1000xf32>
    %slice3A_116 = vector.extract_strided_slice %rsqrt3A {offsets = [0, 3], sizes = [1000, 1], strides = [1, 1]} : vector<1000x16xf32> to vector<1000x1xf32>
    %squeeze3A_117 = vector.shape_cast %slice3A_116 : vector<1000x1xf32> to vector<1000xf32>
    %slice3A_118 = vector.extract_strided_slice %rsqrt3A {offsets = [0, 5], sizes = [1000, 1], strides = [1, 1]} : vector<1000x16xf32> to vector<1000x1xf32>
    %squeeze3A_119 = vector.shape_cast %slice3A_118 : vector<1000x1xf32> to vector<1000xf32>
    %slice3A_120 = vector.extract_strided_slice %rsqrt3A {offsets = [0, 7], sizes = [1000, 1], strides = [1, 1]} : vector<1000x16xf32> to vector<1000x1xf32>
    %squeeze3A_121 = vector.shape_cast %slice3A_120 : vector<1000x1xf32> to vector<1000xf32>
    %slice3A_122 = vector.extract_strided_slice %rsqrt3A {offsets = [0, 9], sizes = [1000, 1], strides = [1, 1]} : vector<1000x16xf32> to vector<1000x1xf32>
    %squeeze3A_123 = vector.shape_cast %slice3A_122 : vector<1000x1xf32> to vector<1000xf32>
    %slice3A_124 = vector.extract_strided_slice %rsqrt3A {offsets = [0, 11], sizes = [1000, 1], strides = [1, 1]} : vector<1000x16xf32> to vector<1000x1xf32>
    %squeeze3A_125 = vector.shape_cast %slice3A_124 : vector<1000x1xf32> to vector<1000xf32>
    %slice3A_126 = vector.extract_strided_slice %rsqrt3A {offsets = [0, 13], sizes = [1000, 1], strides = [1, 1]} : vector<1000x16xf32> to vector<1000x1xf32>
    %squeeze3A_127 = vector.shape_cast %slice3A_126 : vector<1000x1xf32> to vector<1000xf32>
    %slice3A_128 = vector.extract_strided_slice %rsqrt3A {offsets = [0, 15], sizes = [1000, 1], strides = [1, 1]} : vector<1000x16xf32> to vector<1000x1xf32>
    %squeeze3A_129 = vector.shape_cast %slice3A_128 : vector<1000x1xf32> to vector<1000xf32>
    %stack3A = vector.shape_cast %squeeze3A_115 : vector<1000xf32> to vector<1000x1xf32>
    %stack3A_130 = vector.shape_cast %squeeze3A_117 : vector<1000xf32> to vector<1000x1xf32>
    %stack3A_131 = vector.shape_cast %squeeze3A_119 : vector<1000xf32> to vector<1000x1xf32>
    %stack3A_132 = vector.shape_cast %squeeze3A_121 : vector<1000xf32> to vector<1000x1xf32>
    %stack3A_133 = vector.shape_cast %squeeze3A_123 : vector<1000xf32> to vector<1000x1xf32>
    %stack3A_134 = vector.shape_cast %squeeze3A_125 : vector<1000xf32> to vector<1000x1xf32>
    %stack3A_135 = vector.shape_cast %squeeze3A_127 : vector<1000xf32> to vector<1000x1xf32>
    %stack3A_136 = vector.shape_cast %squeeze3A_129 : vector<1000xf32> to vector<1000x1xf32>
    %stack3A_137 = tpu.concatenate %stack3A, %stack3A_130, %stack3A_131, %stack3A_132, %stack3A_133, %stack3A_134, %stack3A_135, %stack3A_136 in 1 : vector<1000x1xf32>, vector<1000x1xf32>, vector<1000x1xf32>, vector<1000x1xf32>, vector<1000x1xf32>, vector<1000x1xf32>, vector<1000x1xf32>, vector<1000x1xf32> -> vector<1000x8xf32>
    %swap3A_138 = arith.constant 0 : index
    %swap3A_139 = arith.constant 0 : index
    %swap3A_140 = vector.load %arg8[%swap3A_138, %swap3A_139] : memref<1000x8xf32, #tpu.memory_space<vmem>>, vector<1000x8xf32>
    tpu.vector_store %arg8[%swap3A_138, %swap3A_139], %stack3A_137 {strides = array<i32>} : memref<1000x8xf32, #tpu.memory_space<vmem>>, vector<1000x8xf32>,
    return
  }
  func.func @transform_0(%arg0: i32) -> (i32, i32) {
    %c0_i32 = arith.constant 0 : i32
    %c0_i32_0 = arith.constant 0 : i32
    return %arg0, %c0_i32 : i32, i32
  }
  func.func @transform_1(%arg0: i32) -> (i32, i32) {
    %c0_i32 = arith.constant 0 : i32
    %c0_i32_0 = arith.constant 0 : i32
    return %arg0, %c0_i32 : i32, i32
  }
  func.func @transform_2(%arg0: i32) -> (i32, i32) {
    %c0_i32 = arith.constant 0 : i32
    %c0_i32_0 = arith.constant 0 : i32
    return %arg0, %c0_i32 : i32, i32
  }
  func.func @transform_3(%arg0: i32) -> (i32, i32) {
    %c0_i32 = arith.constant 0 : i32
    %c0_i32_0 = arith.constant 0 : i32
    return %arg0, %c0_i32 : i32, i32
  }
  func.func @transform_4(%arg0: i32) -> (i32, i32) {
    %c0_i32 = arith.constant 0 : i32
    %c0_i32_0 = arith.constant 0 : i32
    return %arg0, %c0_i32 : i32, i32
  }
  func.func @transform_5(%arg0: i32) -> (i32, i32) {
    %c0_i32 = arith.constant 0 : i32
    %c0_i32_0 = arith.constant 0 : i32
    return %arg0, %c0_i32 : i32, i32
  }
  func.func @transform_6(%arg0: i32) -> (i32, i32, i32) {
    %c0_i32 = arith.constant 0 : i32
    %c0_i32_0 = arith.constant 0 : i32
    %c0_i32_1 = arith.constant 0 : i32
    return %c0_i32, %arg0, %c0_i32_0 : i32, i32, i32
  }
  func.func @transform_7(%arg0: i32) -> (i32, i32) {
    %c0_i32 = arith.constant 0 : i32
    %c0_i32_0 = arith.constant 0 : i32
    return %arg0, %c0_i32 : i32, i32
  }
}

</mosaic_0001>

<sc_bundles>
// kernel: kernel.6.cloned.1.call-start
scs
__scs_entry_jumppad:
0x0: {  	(pc) =	sbr.rel $0x88, $3  }
0x1: {  	(tag) =	ssettag $0x0;
	lr =	simm.s32 $0x1  }
0x2: {  	[smem:$0x3F91] =	sst lr;
	_ =	strace $0xD0000000  }
0x3: {  	_ = 	snop  }
0x4: {  	_ = 	snop  }
0x5: {  	_ = 	snop  }
0x6: {  	_ = 	snop  }
0x7: {  	_ = 	snop  }
__scs_overlays_trampoline_lowered:
0x8: {  	[smem:$0x3FA0] =	sst s0  }
0x9: {  	[smem:$0x3FA1] =	sst s1  }
0xa: {  	[smem:$0x3FA2] =	sst s2  }
0xb: {  	[smem:$0x3FA3] =	sst s3  }
0xc: {  	[smem:$0x3FA4] =	sst s4  }
0xd: {  	[smem:$0x3FA5] =	sst s5  }
0xe: {  	[smem:$0x3FA6] =	sst s6  }
0xf: {  	[smem:$0x3FA7] =	sst s7  }
0x10: {  	[smem:$0x3FA8] =	sst s8  }
0x11: {  	[smem:$0x3FA9] =	sst s9;
	s0 =	simm.s32 @!p0 $0x0  }
0x12: {  	s1 =	sld [smem:$0x3F8F];
	s0 =	simm.s32 @p0 $0x1  }
0x13: {  	[smem:$0x3FAA] =	sst s0;
	s0 =	simm.s32 @!p1 $0x0  }
0x14: {  	s2 =	sld [smem:$0x3F8E];
	s0 =	simm.s32 @p1 $0x1  }
0x15: {  	[smem:$0x3FAB] =	sst s0;
	s0 =	simm.s32 @!p2 $0x0  }
0x16: {  	s3 =	sld [smem:$0x3FDB];
	s0 =	simm.s32 @p2 $0x1  }
0x17: {  	s4 =	simm.s32 $0x1BF5;
	[smem:$0x3FAD] =	sst s0  }
0x18: {  	s0 =	sld [smem:$0x3F90];
	_ =	swait.ge [sflag:s4], $0x0  }
0x19: {  	s7 =	sld [smem:$0x3F91]  }
0x1a: {  	s8 =	sadd.s32 $0xFFFFE003, lr  }
0x1b: {  	s9 =	sadd.s32 $0xFFFFFEF7, lr;
	s5 =	simm.s32 $0xFFFFFFFF;
	p2 =	slt.u32 s8, $0xFFFFF086  }
0x1c: {  	p1 =	slt.u32 s9, $0xF7A;
	s5 =	simm.s32 @!p2 $0x0  }
0x1d: {  	s5 =	simm.s32 @p1 $0x1;
	p0 =	seq.s32 s7, s2  }
0x1e: {  	s7 =	smul.u32 @!p0 $0xF7A, s2;
	p2 =	seq.s32 @!p0 s5, $0x0  }
0x1f: {  	s9 =	smul.u32 $0xF7A, s1;
	s8 =	simm.s32 @!p0 $0x1BF5;
	p2 =	por !p2, p0  }
0x20: {  	[sflag:s8] =	ssyncset.s32 @!p0 $0xFFFFF086;
	s6 =	sadd.s32 @!p0 s3, s7;
	s7 =	simm.s32 @!p0 $0x108  }
0x21: {  	s3 =	sadd.s32 s3, s9;
	s6 =	sadd.s32 @!p0 $0x88, s6;
	s7 =	simm.s32 @p2 $0x1082  }
0x22: {  	[simem:s7], [sflag:s8] =	dma.local @!p0 [hbm:s6], $0xF7A  }
0x23: {  	s9 =	sor.u32 $0xD0000000, s2;
	s6 =	simm.s32 $0x108;
	_ =	swait.ge @!p0 [sflag:s8], $0x0  }
0x24: {  	s3 =	sadd.s32 $0x88, s3;
	s6 =	simm.s32 @!p1 $0x1082;
	[sflag:s4] =	ssyncset.s32 $0xFFFFF086  }
0x25: {  	[simem:s6], [sflag:s4] =	dma.local [hbm:s3], $0xF7A  }
0x26: {  	[smem:$0x3F91] =	sst s1;
	(tag) =	ssettag s2;
	_ =	strace s9  }
0x27: {  	s1 =	sld [smem:$0x3FA1]  }
0x28: {  	s2 =	sld [smem:$0x3FA2]  }
0x29: {  	s4 =	sld [smem:$0x3FA4]  }
0x2a: {  	p0 =	seq.s32 s5, $0x0;
	s5 =	sld [smem:$0x3FA5]  }
0x2b: {  	s6 =	sld [smem:$0x3FA6]  }
0x2c: {  	s7 =	sld [smem:$0x3FA7]  }
0x2d: {  	s3 =	simm.s32 $0x108;
	s8 =	sld [smem:$0x3FA8]  }
0x2e: {  	s3 =	simm.s32 @!p0 $0x1082;
	s9 =	sld [smem:$0x3FA9]  }
0x2f: {  	lr =	sadd.s32 s0, s3;
	s0 =	sld [smem:$0x3FA0]  }
0x30: {  	s3 =	sld [smem:$0x3FA3]  }
0x31: {  	[smem:$0x3FAC] =	sst s10  }
0x32: {  	s10 =	sld [smem:$0x3FAA];
	_ =	sdelay $0x3  }
0x33: {  	p0 =	seq.s32 s10, $0x1;
	s10 =	sld [smem:$0x3FAC];
	_ =	sdelay $0x3  }
0x34: {  	[smem:$0x3FAC] =	sst s10  }
0x35: {  	s10 =	sld [smem:$0x3FAB];
	_ =	sdelay $0x3  }
0x36: {  	p1 =	seq.s32 s10, $0x1;
	s10 =	sld [smem:$0x3FAC];
	_ =	sdelay $0x3  }
0x37: {  	[smem:$0x3FAC] =	sst s10  }
0x38: {  	s10 =	sld [smem:$0x3FAD]  }
0x39: {  	_ = 	snop;
	(pc) =	sbr.ind lr, $3  }
0x3a: {  	_ = 	snop  }
0x3b: {  	_ = 	snop  }
0x3c: {  	p2 =	seq.s32 s10, $0x1;
	s10 =	sld [smem:$0x3FAC]  }
0x3d: {  	_ =	shalt  }
0x3e: {  	_ =	shalt  }
0x3f: {  	_ =	shalt  }
0x40: {  	_ =	shalt  }
0x41: {  	_ =	shalt  }
0x42: {  	_ =	shalt  }
0x43: {  	_ =	shalt  }
0x44: {  	_ =	shalt  }
0x45: {  	_ =	shalt  }
0x46: {  	_ =	shalt  }
0x47: {  	_ =	shalt  }
0x48: {  	_ =	shalt  }
0x49: {  	_ =	shalt  }
0x4a: {  	_ =	shalt  }
0x4b: {  	_ =	shalt  }
0x4c: {  	_ =	shalt  }
0x4d: {  	_ =	shalt  }
0x4e: {  	_ =	shalt  }
0x4f: {  	_ =	shalt  }
0x50: {  	_ =	shalt  }
0x51: {  	_ =	shalt  }
0x52: {  	_ =	shalt  }
0x53: {  	_ =	shalt  }
0x54: {  	_ =	shalt  }
0x55: {  	_ =	shalt  }
0x56: {  	_ =	shalt  }
0x57: {  	_ =	shalt  }
0x58: {  	_ =	shalt  }
0x59: {  	_ =	shalt  }
0x5a: {  	_ =	shalt  }
0x5b: {  	_ =	shalt  }
0x5c: {  	_ =	shalt  }
0x5d: {  	_ =	shalt  }
0x5e: {  	_ =	shalt  }
0x5f: {  	_ =	shalt  }
0x60: {  	_ =	shalt  }
0x61: {  	_ =	shalt  }
0x62: {  	_ =	shalt  }
0x63: {  	_ =	shalt  }
0x64: {  	_ =	shalt  }
0x65: {  	_ =	shalt  }
0x66: {  	_ =	shalt  }
0x67: {  	_ =	shalt  }
0x68: {  	_ =	shalt  }
0x69: {  	_ =	shalt  }
0x6a: {  	_ =	shalt  }
0x6b: {  	_ =	shalt  }
0x6c: {  	_ =	shalt  }
0x6d: {  	_ =	shalt  }
0x6e: {  	_ =	shalt  }
0x6f: {  	_ =	shalt  }
0x70: {  	_ =	shalt  }
0x71: {  	_ =	shalt  }
0x72: {  	_ =	shalt  }
0x73: {  	_ =	shalt  }
0x74: {  	_ =	shalt  }
0x75: {  	_ =	shalt  }
0x76: {  	_ =	shalt  }
0x77: {  	_ =	shalt  }
0x78: {  	_ =	shalt  }
0x79: {  	_ =	shalt  }
0x7a: {  	_ =	shalt  }
0x7b: {  	_ =	shalt  }
0x7c: {  	_ =	shalt  }
0x7d: {  	_ =	shalt  }
0x7e: {  	_ =	shalt  }
0x7f: {  	_ =	shalt  }
0x80: {  	_ =	shalt  }
0x81: {  	_ =	shalt  }
0x82: {  	_ =	shalt  }
0x83: {  	_ =	shalt  }
0x84: {  	_ =	shalt  }
0x85: {  	_ =	shalt  }
0x86: {  	_ =	shalt  }
0x87: {  	_ =	shalt  }
.Lfunc_end0:
.L_simem_size_0:
called_computation_lowered:
.L_overlay_start_0:
0x88: {  	s2 =	sld [smem:$0x3FD9]  }
0x89: {  	s3 =	sld [smem:$0x3FFE];
	_ =	sdelay $0x1  }
0x8a: {  	s1 =	srdreg.scid  }
0x8b: {  	s0 =	sand.u32 $0x1, s1  }
0x8c: {  	s14 =	sshll.u32 s0, $0xA;
	s2 =	sadd.s32 s3, s2  }
0x8d: {  	s2 =	sadd.s32 s2, s14  }
0x8e: {  	[smem:$0x3FB8] =	sst s2  }
0x8f: {  	_ = 	snop  }
0x90: {  	s2 =	sld [smem:$0x3FD0];
	_ =	sdelay $0x2  }
0x91: {  	s15 =	simm.s32 $0xA;
	s4 =	simm.s32 $0x10  }
0x92: {  	[smem:s4], [sflag:s15] =	dma.local [hbm:s2], $0x1  }
0x93: {  	_ =	swait.eq [sflag:s15], $0x1  }
0x94: {  	[sflag:s15] =	ssyncset.done $0x0  }
0x95: {  	[sflag:s15] =	ssyncadd.s32 $0xFFFFFFFF  }
0x96: {  	s16 =	sld [smem:$0x14];
	(tm) =	ssettm $0x1  }
0x97: {  	s17 =	sld [smem:$0x3FFB];
	_ =	sdelay $0x3  }
0x98: {  	_ =	strace s17  }
0x99: {  	s3 =	sld [smem:$0x3FFC];
	_ =	sdelay $0x3  }
0x9a: {  	_ =	strace s3  }
0x9b: {  	s3 =	sld [smem:$0x3FFD];
	_ =	sdelay $0x3  }
0x9c: {  	_ =	strace s3  }
0x9d: {  	_ =	strace $0x8FFFFFFF  }
0x9e: {  	s18 =	sld [smem:$0x3FDB];
	_ =	sdelay $0x1  }
0x9f: {  	s19 =	simm.s32 $_scs_section_size  }
0xa0: {  	s5 =	simm.s32 $_size__tile_overlayer_lowered;
	s6 =	simm.s32 $_tile_overlayer_lowered  }
0xa1: {  	s22 =	simm.s32 $0x1BFF;
	s21 =	sshll.u32 s6, $0x1;
	s3 =	sadd.s32 s19, s18  }
0xa2: {  	s7 =	simm.s32 $0x0;
	s20 =	sshll.u32 s5, $0x1;
	s5 =	sadd.s32 s21, s3  }
0xa3: {  	[timem:s7], [sflag:s22] =	dma.local [hbm:s5], s20  }
0xa4: {  	_ =	swait.ge [sflag:s22], s20  }
0xa5: {  	s4 =	ssub.s32 $0x0, s20;
	[sflag:s22] =	ssyncset.done $0x0  }
0xa6: {  	[sflag:s22] =	ssyncadd.s32 s4;
	_ =	sdelay $0x1  }
0xa7: {  	s23 =	simm.s32 $0x1B8B  }
0xa8: {  	_ =	swait.ge [sflag:s23], $0x1  }
0xa9: {  	[sflag:s23] =	ssyncset.done $0x0  }
0xaa: {  	s25 =	simm.s32 $0x1B8E;
	s24 =	sld [smem:$0x3FFE];
	[sflag:s23] =	ssyncadd.s32 $0xFFFFFFFF  }
0xab: {  	s26 =	simm.s32 $execute0_lowered;
	[smem:$0x3FD2] =	sst s25  }
0xac: {  	s5 =	sshll.u32 s26, $0x1;
	_ =	strace $0x80000046;
	[dreg:$0x1] =	wrdreg $0xFFFFFFFF  }
0xad: {  	s28 =	simm.s32 $_size_execute0_lowered;
	s3 =	sadd.s32 s3, s5;
	[dreg:$0x0] =	wrdreg $0x0  }
0xae: {  	s5 =	sshll.u32 s28, $0x1;
	[dreg:$0x2] =	wrdreg s3  }
0xaf: {  	[dreg:$0x3] =	wrdreg s5  }
0xb0: {  	[dreg:$0x4] =	wrdreg $0xC0  }
0xb1: {  	_ =	task [dreg:s7], $0x5FFFF  }
0xb2: {  	[dreg:$0x1] =	wrdreg $0xFFFFFFFF  }
0xb3: {  	[dreg:$0x0] =	wrdreg $0x60  }
0xb4: {  	[dreg:$0x2] =	wrdreg s24  }
0xb5: {  	[dreg:$0x3] =	wrdreg s16  }
0xb6: {  	[dreg:$0x4] =	wrdreg $0x9  }
0xb7: {  	_ =	task.clear_ibuf [dreg:s7], $0x5FFFF;
	_ =	strace $0x90000046  }
0xb8: {  	s29 =	simm.s32 $0x9;
	_ =	strace $0x80000048  }
0xb9: {  	_ =	swait.ge [sflag:s29], $0x1  }
0xba: {  	[sflag:s29] =	ssyncadd.s32 $0xFFFFFFFF  }
0xbb: {  	_ =	strace $0x90000048  }
0xbc: {  	_ =	sfence  }
0xbd: {  	s30 =	sld [smem:$0x0];
	_ =	sdelay $0x2  }
0xbe: {  	s31 =	sshll.u32 s1, $0xD;
	s1 =	sshrl.u32 s1, $0x2  }
0xbf: {  	s3 =	sand.u32 $0x4000, s31;
	s1 =	sadd.s32 s1, s30  }
0xc0: {  	s0 =	sor.u32 s3, s0;
	s1 =	sshll.u32 s1, $0x11  }
0xc1: {  	s0 =	sor.u32 s1, s0  }
0xc2: {  	s0 =	sadd.s32 $0x8F2B, s0  }
0xc3: {  	[sflag:s0] =	ssyncadd.remote.s32 $0x1  }
0xc4: {  	_ =	sfence.sel $0xFFFF  }
0xc5: {  	[dreg:$0x0] =	wrdreg $0xFFFFFFFF;
	(pc) =	sbr.abs _section_cstart, $3  }
0xc6: {  	[dreg:$0x1] =	wrdreg $0xFFFFFFFF  }
0xc7: {  	_ =	task.clear_ibuf [dreg:s7], $0x2FFFF;
	_ =	strace $0x9FFFFFFF  }
0xc8: {  	(tm) =	ssettm $0x7FFFFFFF  }
0xc9: {  	_ =	shalt  }
tec
execute0_lowered:
.L_overlay_start_1:
0x0: {  	(tag) =	ssettag $0x1  }
0x1: {  	s3 =	rddreg [dreg:$0x0]  }
0x2: {  	s16 =	rddreg [dreg:$0x1]  }
0x3: {  	s0 =	rddreg [dreg:$0x2]  }
0x4: {  	s2 =	simm.s32 $0x0;
	s1 =	stileid.u32;
	s5 =	srdreg.scid  }
0x5: {  	s14 =	simm.s32 $0x80;
	s20 =	simm.s32 $0x4E80;
	[smem:$0x7FF] =	sst s2  }
0x6: {  	s4 =	sand.u32 $0x7, s1;
	s21 =	sand.u32 $0x1, s5;
	s30 =	sshrl.u32 s1, $0x3  }
0x7: {  	s6 =	sshll.u32 s1, $0x1;
	s4 =	smul.u32 $0xA000, s4;
	_ =	strace $0x80000047  }
0x8: {  	s29 =	ssub.s32 $0x2, s21;
	s7 =	smul.u32 $0x28000, s30;
	s12 =	sor.u32 s21, s6  }
0x9: {  	p1 =	seq.s32 s30, $0x0;
	p0 =	seq.s32 s21, $0x1;
	s31 =	sshrl.u32 s29, $0x1  }
0xa: {  	s18 =	smul.u32 $0x9D0, s12;
	s14 =	simm.s32 @!p1 $0x44;
	p1 =	seq.s32 s21, $0x0  }
0xb: {  	s21 =	simm.s32 $0x0;
	s15 =	sadd.s32 s4, s3;
	s17 =	ssub.s32 s29, s31  }
0xc: {  	s3 =	smul.u32 $0x5000, s30;
	s13 =	sshrl.u32 s7, $0x3;
	s4 =	sadd.s32 $0x52400, s15  }
.Ltmp0:
0xd: {  	s6 =	sadd.s32 $0x1000, s13;
	s7 =	sadd.s32 $0x1800, s13;
	(pc) =	sbr.rel .LBB2_1-.Ltmp0, $4  }
0xe: {  	s8 =	sadd.s32 $0x2000, s13;
	s9 =	sadd.s32 $0x2800, s13;
	s10 =	sadd.s32 $0x3000, s13  }
0xf: {  	s11 =	sadd.s32 $0x3800, s13;
	s12 =	sadd.s32 $0x4000, s13;
	s13 =	sadd.s32 $0x4800, s13  }
0x10: {  	s15 =	sadd.s32 $0x2400, s15;
	s16 =	sadd.s32 s16, s18;
	s17 =	smax.u32 s17, $0x1  }
0x11: {  	v0 =	vimm.f32 $0.0e+00;
	v1 =	vimm.f32 $1.000000000e+00;
	s18 =	simm.s32 $0x1;
	s5 =	sor.u32 $0x800, s3;
	s19 =	sadd.s32 s3, s15  }
.LBB2_45:
0x12: {  	s21 =	sadd.s32 $0x1, s21  }
0x13: {  	p2 =	sne.s32 s21, s17  }
.Ltmp1:
0x14: {  	_ = 	snop;
	(pc) =	sbr.rel @!p2 .LBB2_46-.Ltmp1, $4  }
0x15: {  	[hbm4b:s16+s2] =	stream.linear.scatter [tilespmem:s2], [sflag:$0x1], $0x4E80, $0x38;
	[tilespmem:$0x8E80] =	vst v63  }
0x16: {  	_ =	swait.ge [sflag:s18], $0x4E80  }
0x17: {  	[sflag:s18] =	ssyncset.done $0x0  }
0x18: {  	[sflag:s18] =	ssyncadd.s32 $0xFFFFB180  }
.LBB2_1:
0x19: {  	s22 =	simm.s32 $0x40;
	s23 =	simm.s32 $0x0  }
.LBB2_2:
0x1a: {  	p2 =	sne.s32 s22, $0x13840;
	[tilespmem:s23+$0x0] =	vst v0;
	s23 =	smov.u32 s22;
	s22 =	sadd.s32 $0x40, s22  }
.Ltmp2:
0x1b: {  	(pc) =	sbr.rel @p2 .LBB2_2-.Ltmp2, $2  }
0x1c: {  	_ =	sdelay $0x2  }
0x1d: {  	s23 =	sshra.s32 s23, $0x2  }
.Ltmp3:
0x1e: {  	(pc) =	sbr.rel @p0 .LBB2_25-.Ltmp3, $2  }
0x1f: {  	_ =	sdelay $0x2  }
0x20: {  	[tilespmem:s23+$0x0] =	vst v0  }
0x21: {  	s23 =	sadd.s32 s3, s4;
	s22 =	simm.s32 $0x0  }
0x22: {  	[tilespmem:s20], [sflag:$0x1] =	stream.linear.gather [hbm4b:s23+s22], $0x4000, $0x38;
	[tilespmem:$0x8E80] =	vst v63  }
0x23: {  	_ =	swait.ge [sflag:s18], $0x4000  }
0x24: {  	[sflag:s18] =	ssyncset.done $0x0  }
0x25: {  	[sflag:s18] =	ssyncadd.s32 $0xFFFFC000  }
.LBB2_5:
0x26: {  	s23 =	sshra.s32 s22, $0x2  }
0x27: {  	v2 =	vld [tilespmem:s23+$0x4E80];
	_ =	sdelay $0x7  }
0x28: {  	[tilespmem:v2+s2+$0x0] =	vst.idx.add.f32.msk $0xffff, v1  }
0x29: {  	v2 =	vld [tilespmem:s23+$0x4E90];
	_ =	sdelay $0x7  }
0x2a: {  	[tilespmem:v2+s2+$0x0] =	vst.idx.add.f32.msk $0xffff, v1  }
0x2b: {  	v2 =	vld [tilespmem:s23+$0x4EA0];
	_ =	sdelay $0x7  }
0x2c: {  	[tilespmem:v2+s2+$0x0] =	vst.idx.add.f32.msk $0xffff, v1  }
0x2d: {  	v2 =	vld [tilespmem:s23+$0x4EB0];
	_ =	sdelay $0x7  }
0x2e: {  	[tilespmem:v2+s2+$0x0] =	vst.idx.add.f32.msk $0xffff, v1  }
0x2f: {  	v2 =	vld [tilespmem:s23+$0x4EC0];
	_ =	sdelay $0x7  }
0x30: {  	[tilespmem:v2+s2+$0x0] =	vst.idx.add.f32.msk $0xffff, v1  }
0x31: {  	v2 =	vld [tilespmem:s23+$0x4ED0];
	_ =	sdelay $0x7  }
0x32: {  	[tilespmem:v2+s2+$0x0] =	vst.idx.add.f32.msk $0xffff, v1  }
0x33: {  	v2 =	vld [tilespmem:s23+$0x4EE0];
	_ =	sdelay $0x7  }
0x34: {  	[tilespmem:v2+s2+$0x0] =	vst.idx.add.f32.msk $0xffff, v1  }
0x35: {  	v2 =	vld [tilespmem:s23+$0x4EF0];
	_ =	sdelay $0x2  }
0x36: {  	p2 =	sne.s32 s22, $0xFE00  }
.Ltmp4:
0x37: {  	_ = 	snop;
	(pc) =	sbr.rel @p2 .LBB2_5-.Ltmp4, $2  }
0x38: {  	_ =	sdelay $0x2  }
0x39: {  	s22 =	sadd.s32 $0x200, s22;
	[tilespmem:v2+s2+$0x0] =	vst.idx.add.f32.msk $0xffff, v1  }
0x3a: {  	s23 =	sadd.s32 s4, s5;
	s22 =	simm.s32 $0x0  }
0x3b: {  	[tilespmem:s20], [sflag:$0x1] =	stream.linear.gather [hbm4b:s23+s22], $0x4000, $0x38;
	[tilespmem:$0x8E80] =	vst v63  }
0x3c: {  	_ =	swait.ge [sflag:s18], $0x4000  }
0x3d: {  	[sflag:s18] =	ssyncset.done $0x0  }
0x3e: {  	[sflag:s18] =	ssyncadd.s32 $0xFFFFC000  }
.LBB2_7:
0x3f: {  	s23 =	sshra.s32 s22, $0x2  }
0x40: {  	v2 =	vld [tilespmem:s23+$0x4E80];
	_ =	sdelay $0x7  }
0x41: {  	[tilespmem:v2+s2+$0x0] =	vst.idx.add.f32.msk $0xffff, v1  }
0x42: {  	v2 =	vld [tilespmem:s23+$0x4E90];
	_ =	sdelay $0x7  }
0x43: {  	[tilespmem:v2+s2+$0x0] =	vst.idx.add.f32.msk $0xffff, v1  }
0x44: {  	v2 =	vld [tilespmem:s23+$0x4EA0];
	_ =	sdelay $0x7  }
0x45: {  	[tilespmem:v2+s2+$0x0] =	vst.idx.add.f32.msk $0xffff, v1  }
0x46: {  	v2 =	vld [tilespmem:s23+$0x4EB0];
	_ =	sdelay $0x7  }
0x47: {  	[tilespmem:v2+s2+$0x0] =	vst.idx.add.f32.msk $0xffff, v1  }
0x48: {  	v2 =	vld [tilespmem:s23+$0x4EC0];
	_ =	sdelay $0x7  }
0x49: {  	[tilespmem:v2+s2+$0x0] =	vst.idx.add.f32.msk $0xffff, v1  }
0x4a: {  	v2 =	vld [tilespmem:s23+$0x4ED0];
	_ =	sdelay $0x7  }
0x4b: {  	[tilespmem:v2+s2+$0x0] =	vst.idx.add.f32.msk $0xffff, v1  }
0x4c: {  	v2 =	vld [tilespmem:s23+$0x4EE0];
	_ =	sdelay $0x7  }
0x4d: {  	[tilespmem:v2+s2+$0x0] =	vst.idx.add.f32.msk $0xffff, v1  }
0x4e: {  	v2 =	vld [tilespmem:s23+$0x4EF0];
	_ =	sdelay $0x2  }
0x4f: {  	p2 =	sne.s32 s22, $0xFE00  }
.Ltmp5:
0x50: {  	_ = 	snop;
	(pc) =	sbr.rel @p2 .LBB2_7-.Ltmp5, $2  }
0x51: {  	_ =	sdelay $0x2  }
0x52: {  	s22 =	sadd.s32 $0x200, s22;
	[tilespmem:v2+s2+$0x0] =	vst.idx.add.f32.msk $0xffff, v1  }
0x53: {  	s23 =	sadd.s32 s6, s4;
	s22 =	simm.s32 $0x0  }
0x54: {  	[tilespmem:s20], [sflag:$0x1] =	stream.linear.gather [hbm4b:s23+s22], $0x4000, $0x38;
	[tilespmem:$0x8E80] =	vst v63  }
0x55: {  	_ =	swait.ge [sflag:s18], $0x4000  }
0x56: {  	[sflag:s18] =	ssyncset.done $0x0  }
0x57: {  	[sflag:s18] =	ssyncadd.s32 $0xFFFFC000  }
.LBB2_9:
0x58: {  	s23 =	sshra.s32 s22, $0x2  }
0x59: {  	v2 =	vld [tilespmem:s23+$0x4E80];
	_ =	sdelay $0x7  }
0x5a: {  	[tilespmem:v2+s2+$0x0] =	vst.idx.add.f32.msk $0xffff, v1  }
0x5b: {  	v2 =	vld [tilespmem:s23+$0x4E90];
	_ =	sdelay $0x7  }
0x5c: {  	[tilespmem:v2+s2+$0x0] =	vst.idx.add.f32.msk $0xffff, v1  }
0x5d: {  	v2 =	vld [tilespmem:s23+$0x4EA0];
	_ =	sdelay $0x7  }
0x5e: {  	[tilespmem:v2+s2+$0x0] =	vst.idx.add.f32.msk $0xffff, v1  }
0x5f: {  	v2 =	vld [tilespmem:s23+$0x4EB0];
	_ =	sdelay $0x7  }
0x60: {  	[tilespmem:v2+s2+$0x0] =	vst.idx.add.f32.msk $0xffff, v1  }
0x61: {  	v2 =	vld [tilespmem:s23+$0x4EC0];
	_ =	sdelay $0x7  }
0x62: {  	[tilespmem:v2+s2+$0x0] =	vst.idx.add.f32.msk $0xffff, v1  }
0x63: {  	v2 =	vld [tilespmem:s23+$0x4ED0];
	_ =	sdelay $0x7  }
0x64: {  	[tilespmem:v2+s2+$0x0] =	vst.idx.add.f32.msk $0xffff, v1  }
0x65: {  	v2 =	vld [tilespmem:s23+$0x4EE0];
	_ =	sdelay $0x7  }
0x66: {  	[tilespmem:v2+s2+$0x0] =	vst.idx.add.f32.msk $0xffff, v1  }
0x67: {  	v2 =	vld [tilespmem:s23+$0x4EF0];
	_ =	sdelay $0x2  }
0x68: {  	p2 =	sne.s32 s22, $0xFE00  }
.Ltmp6:
0x69: {  	_ = 	snop;
	(pc) =	sbr.rel @p2 .LBB2_9-.Ltmp6, $2  }
0x6a: {  	_ =	sdelay $0x2  }
0x6b: {  	s22 =	sadd.s32 $0x200, s22;
	[tilespmem:v2+s2+$0x0] =	vst.idx.add.f32.msk $0xffff, v1  }
0x6c: {  	s23 =	sadd.s32 s7, s4;
	s22 =	simm.s32 $0x0  }
0x6d: {  	[tilespmem:s20], [sflag:$0x1] =	stream.linear.gather [hbm4b:s23+s22], $0x4000, $0x38;
	[tilespmem:$0x8E80] =	vst v63  }
0x6e: {  	_ =	swait.ge [sflag:s18], $0x4000  }
0x6f: {  	[sflag:s18] =	ssyncset.done $0x0  }
0x70: {  	[sflag:s18] =	ssyncadd.s32 $0xFFFFC000  }
.LBB2_11:
0x71: {  	s23 =	sshra.s32 s22, $0x2  }
0x72: {  	v2 =	vld [tilespmem:s23+$0x4E80];
	_ =	sdelay $0x7  }
0x73: {  	[tilespmem:v2+s2+$0x0] =	vst.idx.add.f32.msk $0xffff, v1  }
0x74: {  	v2 =	vld [tilespmem:s23+$0x4E90];
	_ =	sdelay $0x7  }
0x75: {  	[tilespmem:v2+s2+$0x0] =	vst.idx.add.f32.msk $0xffff, v1  }
0x76: {  	v2 =	vld [tilespmem:s23+$0x4EA0];
	_ =	sdelay $0x7  }
0x77: {  	[tilespmem:v2+s2+$0x0] =	vst.idx.add.f32.msk $0xffff, v1  }
0x78: {  	v2 =	vld [tilespmem:s23+$0x4EB0];
	_ =	sdelay $0x7  }
0x79: {  	[tilespmem:v2+s2+$0x0] =	vst.idx.add.f32.msk $0xffff, v1  }
0x7a: {  	v2 =	vld [tilespmem:s23+$0x4EC0];
	_ =	sdelay $0x7  }
0x7b: {  	[tilespmem:v2+s2+$0x0] =	vst.idx.add.f32.msk $0xffff, v1  }
0x7c: {  	v2 =	vld [tilespmem:s23+$0x4ED0];
	_ =	sdelay $0x7  }
0x7d: {  	[tilespmem:v2+s2+$0x0] =	vst.idx.add.f32.msk $0xffff, v1  }
0x7e: {  	v2 =	vld [tilespmem:s23+$0x4EE0];
	_ =	sdelay $0x7  }
0x7f: {  	[tilespmem:v2+s2+$0x0] =	vst.idx.add.f32.msk $0xffff, v1  }
0x80: {  	v2 =	vld [tilespmem:s23+$0x4EF0];
	_ =	sdelay $0x2  }
0x81: {  	p2 =	sne.s32 s22, $0xFE00  }
.Ltmp7:
0x82: {  	_ = 	snop;
	(pc) =	sbr.rel @p2 .LBB2_11-.Ltmp7, $2  }
0x83: {  	_ =	sdelay $0x2  }
0x84: {  	s22 =	sadd.s32 $0x200, s22;
	[tilespmem:v2+s2+$0x0] =	vst.idx.add.f32.msk $0xffff, v1  }
0x85: {  	s23 =	sadd.s32 s8, s4;
	s22 =	simm.s32 $0x0  }
0x86: {  	[tilespmem:s20], [sflag:$0x1] =	stream.linear.gather [hbm4b:s23+s22], $0x4000, $0x38;
	[tilespmem:$0x8E80] =	vst v63  }
0x87: {  	_ =	swait.ge [sflag:s18], $0x4000  }
0x88: {  	[sflag:s18] =	ssyncset.done $0x0  }
0x89: {  	[sflag:s18] =	ssyncadd.s32 $0xFFFFC000  }
.LBB2_13:
0x8a: {  	s23 =	sshra.s32 s22, $0x2  }
0x8b: {  	v2 =	vld [tilespmem:s23+$0x4E80];
	_ =	sdelay $0x7  }
0x8c: {  	[tilespmem:v2+s2+$0x0] =	vst.idx.add.f32.msk $0xffff, v1  }
0x8d: {  	v2 =	vld [tilespmem:s23+$0x4E90];
	_ =	sdelay $0x7  }
0x8e: {  	[tilespmem:v2+s2+$0x0] =	vst.idx.add.f32.msk $0xffff, v1  }
0x8f: {  	v2 =	vld [tilespmem:s23+$0x4EA0];
	_ =	sdelay $0x7  }
0x90: {  	[tilespmem:v2+s2+$0x0] =	vst.idx.add.f32.msk $0xffff, v1  }
0x91: {  	v2 =	vld [tilespmem:s23+$0x4EB0];
	_ =	sdelay $0x7  }
0x92: {  	[tilespmem:v2+s2+$0x0] =	vst.idx.add.f32.msk $0xffff, v1  }
0x93: {  	v2 =	vld [tilespmem:s23+$0x4EC0];
	_ =	sdelay $0x7  }
0x94: {  	[tilespmem:v2+s2+$0x0] =	vst.idx.add.f32.msk $0xffff, v1  }
0x95: {  	v2 =	vld [tilespmem:s23+$0x4ED0];
	_ =	sdelay $0x7  }
0x96: {  	[tilespmem:v2+s2+$0x0] =	vst.idx.add.f32.msk $0xffff, v1  }
0x97: {  	v2 =	vld [tilespmem:s23+$0x4EE0];
	_ =	sdelay $0x7  }
0x98: {  	[tilespmem:v2+s2+$0x0] =	vst.idx.add.f32.msk $0xffff, v1  }
0x99: {  	v2 =	vld [tilespmem:s23+$0x4EF0];
	_ =	sdelay $0x2  }
0x9a: {  	p2 =	sne.s32 s22, $0xFE00  }
.Ltmp8:
0x9b: {  	_ = 	snop;
	(pc) =	sbr.rel @p2 .LBB2_13-.Ltmp8, $2  }
0x9c: {  	_ =	sdelay $0x2  }
0x9d: {  	s22 =	sadd.s32 $0x200, s22;
	[tilespmem:v2+s2+$0x0] =	vst.idx.add.f32.msk $0xffff, v1  }
0x9e: {  	s23 =	sadd.s32 s9, s4;
	s22 =	simm.s32 $0x0  }
0x9f: {  	[tilespmem:s20], [sflag:$0x1] =	stream.linear.gather [hbm4b:s23+s22], $0x4000, $0x38;
	[tilespmem:$0x8E80] =	vst v63  }
0xa0: {  	_ =	swait.ge [sflag:s18], $0x4000  }
0xa1: {  	[sflag:s18] =	ssyncset.done $0x0  }
0xa2: {  	[sflag:s18] =	ssyncadd.s32 $0xFFFFC000  }
.LBB2_15:
0xa3: {  	s23 =	sshra.s32 s22, $0x2  }
0xa4: {  	v2 =	vld [tilespmem:s23+$0x4E80];
	_ =	sdelay $0x7  }
0xa5: {  	[tilespmem:v2+s2+$0x0] =	vst.idx.add.f32.msk $0xffff, v1  }
0xa6: {  	v2 =	vld [tilespmem:s23+$0x4E90];
	_ =	sdelay $0x7  }
0xa7: {  	[tilespmem:v2+s2+$0x0] =	vst.idx.add.f32.msk $0xffff, v1  }
0xa8: {  	v2 =	vld [tilespmem:s23+$0x4EA0];
	_ =	sdelay $0x7  }
0xa9: {  	[tilespmem:v2+s2+$0x0] =	vst.idx.add.f32.msk $0xffff, v1  }
0xaa: {  	v2 =	vld [tilespmem:s23+$0x4EB0];
	_ =	sdelay $0x7  }
0xab: {  	[tilespmem:v2+s2+$0x0] =	vst.idx.add.f32.msk $0xffff, v1  }
0xac: {  	v2 =	vld [tilespmem:s23+$0x4EC0];
	_ =	sdelay $0x7  }
0xad: {  	[tilespmem:v2+s2+$0x0] =	vst.idx.add.f32.msk $0xffff, v1  }
0xae: {  	v2 =	vld [tilespmem:s23+$0x4ED0];
	_ =	sdelay $0x7  }
0xaf: {  	[tilespmem:v2+s2+$0x0] =	vst.idx.add.f32.msk $0xffff, v1  }
0xb0: {  	v2 =	vld [tilespmem:s23+$0x4EE0];
	_ =	sdelay $0x7  }
0xb1: {  	[tilespmem:v2+s2+$0x0] =	vst.idx.add.f32.msk $0xffff, v1  }
0xb2: {  	v2 =	vld [tilespmem:s23+$0x4EF0];
	_ =	sdelay $0x2  }
0xb3: {  	p2 =	sne.s32 s22, $0xFE00  }
.Ltmp9:
0xb4: {  	_ = 	snop;
	(pc) =	sbr.rel @p2 .LBB2_15-.Ltmp9, $2  }
0xb5: {  	_ =	sdelay $0x2  }
0xb6: {  	s22 =	sadd.s32 $0x200, s22;
	[tilespmem:v2+s2+$0x0] =	vst.idx.add.f32.msk $0xffff, v1  }
0xb7: {  	s23 =	sadd.s32 s10, s4;
	s22 =	simm.s32 $0x0  }
0xb8: {  	[tilespmem:s20], [sflag:$0x1] =	stream.linear.gather [hbm4b:s23+s22], $0x4000, $0x38;
	[tilespmem:$0x8E80] =	vst v63  }
0xb9: {  	_ =	swait.ge [sflag:s18], $0x4000  }
0xba: {  	[sflag:s18] =	ssyncset.done $0x0  }
0xbb: {  	[sflag:s18] =	ssyncadd.s32 $0xFFFFC000  }
.LBB2_17:
0xbc: {  	s23 =	sshra.s32 s22, $0x2  }
0xbd: {  	v2 =	vld [tilespmem:s23+$0x4E80];
	_ =	sdelay $0x7  }
0xbe: {  	[tilespmem:v2+s2+$0x0] =	vst.idx.add.f32.msk $0xffff, v1  }
0xbf: {  	v2 =	vld [tilespmem:s23+$0x4E90];
	_ =	sdelay $0x7  }
0xc0: {  	[tilespmem:v2+s2+$0x0] =	vst.idx.add.f32.msk $0xffff, v1  }
0xc1: {  	v2 =	vld [tilespmem:s23+$0x4EA0];
	_ =	sdelay $0x7  }
0xc2: {  	[tilespmem:v2+s2+$0x0] =	vst.idx.add.f32.msk $0xffff, v1  }
0xc3: {  	v2 =	vld [tilespmem:s23+$0x4EB0];
	_ =	sdelay $0x7  }
0xc4: {  	[tilespmem:v2+s2+$0x0] =	vst.idx.add.f32.msk $0xffff, v1  }
0xc5: {  	v2 =	vld [tilespmem:s23+$0x4EC0];
	_ =	sdelay $0x7  }
0xc6: {  	[tilespmem:v2+s2+$0x0] =	vst.idx.add.f32.msk $0xffff, v1  }
0xc7: {  	v2 =	vld [tilespmem:s23+$0x4ED0];
	_ =	sdelay $0x7  }
0xc8: {  	[tilespmem:v2+s2+$0x0] =	vst.idx.add.f32.msk $0xffff, v1  }
0xc9: {  	v2 =	vld [tilespmem:s23+$0x4EE0];
	_ =	sdelay $0x7  }
0xca: {  	[tilespmem:v2+s2+$0x0] =	vst.idx.add.f32.msk $0xffff, v1  }
0xcb: {  	v2 =	vld [tilespmem:s23+$0x4EF0];
	_ =	sdelay $0x2  }
0xcc: {  	p2 =	sne.s32 s22, $0xFE00  }
.Ltmp10:
0xcd: {  	_ = 	snop;
	(pc) =	sbr.rel @p2 .LBB2_17-.Ltmp10, $2  }
0xce: {  	_ =	sdelay $0x2  }
0xcf: {  	s22 =	sadd.s32 $0x200, s22;
	[tilespmem:v2+s2+$0x0] =	vst.idx.add.f32.msk $0xffff, v1  }
0xd0: {  	s23 =	sadd.s32 s11, s4;
	s22 =	simm.s32 $0x0  }
0xd1: {  	[tilespmem:s20], [sflag:$0x1] =	stream.linear.gather [hbm4b:s23+s22], $0x4000, $0x38;
	[tilespmem:$0x8E80] =	vst v63  }
0xd2: {  	_ =	swait.ge [sflag:s18], $0x4000  }
0xd3: {  	[sflag:s18] =	ssyncset.done $0x0  }
0xd4: {  	[sflag:s18] =	ssyncadd.s32 $0xFFFFC000  }
.LBB2_19:
0xd5: {  	s23 =	sshra.s32 s22, $0x2  }
0xd6: {  	v2 =	vld [tilespmem:s23+$0x4E80];
	_ =	sdelay $0x7  }
0xd7: {  	[tilespmem:v2+s2+$0x0] =	vst.idx.add.f32.msk $0xffff, v1  }
0xd8: {  	v2 =	vld [tilespmem:s23+$0x4E90];
	_ =	sdelay $0x7  }
0xd9: {  	[tilespmem:v2+s2+$0x0] =	vst.idx.add.f32.msk $0xffff, v1  }
0xda: {  	v2 =	vld [tilespmem:s23+$0x4EA0];
	_ =	sdelay $0x7  }
0xdb: {  	[tilespmem:v2+s2+$0x0] =	vst.idx.add.f32.msk $0xffff, v1  }
0xdc: {  	v2 =	vld [tilespmem:s23+$0x4EB0];
	_ =	sdelay $0x7  }
0xdd: {  	[tilespmem:v2+s2+$0x0] =	vst.idx.add.f32.msk $0xffff, v1  }
0xde: {  	v2 =	vld [tilespmem:s23+$0x4EC0];
	_ =	sdelay $0x7  }
0xdf: {  	[tilespmem:v2+s2+$0x0] =	vst.idx.add.f32.msk $0xffff, v1  }
0xe0: {  	v2 =	vld [tilespmem:s23+$0x4ED0];
	_ =	sdelay $0x7  }
0xe1: {  	[tilespmem:v2+s2+$0x0] =	vst.idx.add.f32.msk $0xffff, v1  }
0xe2: {  	v2 =	vld [tilespmem:s23+$0x4EE0];
	_ =	sdelay $0x7  }
0xe3: {  	[tilespmem:v2+s2+$0x0] =	vst.idx.add.f32.msk $0xffff, v1  }
0xe4: {  	v2 =	vld [tilespmem:s23+$0x4EF0];
	_ =	sdelay $0x2  }
0xe5: {  	p2 =	sne.s32 s22, $0xFE00  }
.Ltmp11:
0xe6: {  	_ = 	snop;
	(pc) =	sbr.rel @p2 .LBB2_19-.Ltmp11, $2  }
0xe7: {  	_ =	sdelay $0x2  }
0xe8: {  	s22 =	sadd.s32 $0x200, s22;
	[tilespmem:v2+s2+$0x0] =	vst.idx.add.f32.msk $0xffff, v1  }
0xe9: {  	s23 =	sadd.s32 s12, s4;
	s22 =	simm.s32 $0x0  }
0xea: {  	[tilespmem:s20], [sflag:$0x1] =	stream.linear.gather [hbm4b:s23+s22], $0x4000, $0x38;
	[tilespmem:$0x8E80] =	vst v63  }
0xeb: {  	_ =	swait.ge [sflag:s18], $0x4000  }
0xec: {  	[sflag:s18] =	ssyncset.done $0x0  }
0xed: {  	[sflag:s18] =	ssyncadd.s32 $0xFFFFC000  }
.LBB2_21:
0xee: {  	s23 =	sshra.s32 s22, $0x2  }
0xef: {  	v2 =	vld [tilespmem:s23+$0x4E80];
	_ =	sdelay $0x7  }
0xf0: {  	[tilespmem:v2+s2+$0x0] =	vst.idx.add.f32.msk $0xffff, v1  }
0xf1: {  	v2 =	vld [tilespmem:s23+$0x4E90];
	_ =	sdelay $0x7  }
0xf2: {  	[tilespmem:v2+s2+$0x0] =	vst.idx.add.f32.msk $0xffff, v1  }
0xf3: {  	v2 =	vld [tilespmem:s23+$0x4EA0];
	_ =	sdelay $0x7  }
0xf4: {  	[tilespmem:v2+s2+$0x0] =	vst.idx.add.f32.msk $0xffff, v1  }
0xf5: {  	v2 =	vld [tilespmem:s23+$0x4EB0];
	_ =	sdelay $0x7  }
0xf6: {  	[tilespmem:v2+s2+$0x0] =	vst.idx.add.f32.msk $0xffff, v1  }
0xf7: {  	v2 =	vld [tilespmem:s23+$0x4EC0];
	_ =	sdelay $0x7  }
0xf8: {  	[tilespmem:v2+s2+$0x0] =	vst.idx.add.f32.msk $0xffff, v1  }
0xf9: {  	v2 =	vld [tilespmem:s23+$0x4ED0];
	_ =	sdelay $0x7  }
0xfa: {  	[tilespmem:v2+s2+$0x0] =	vst.idx.add.f32.msk $0xffff, v1  }
0xfb: {  	v2 =	vld [tilespmem:s23+$0x4EE0];
	_ =	sdelay $0x7  }
0xfc: {  	[tilespmem:v2+s2+$0x0] =	vst.idx.add.f32.msk $0xffff, v1  }
0xfd: {  	v2 =	vld [tilespmem:s23+$0x4EF0];
	_ =	sdelay $0x2  }
0xfe: {  	p2 =	sne.s32 s22, $0xFE00  }
.Ltmp12:
0xff: {  	_ = 	snop;
	(pc) =	sbr.rel @p2 .LBB2_21-.Ltmp12, $2  }
0x100: {  	_ =	sdelay $0x2  }
0x101: {  	s22 =	sadd.s32 $0x200, s22;
	[tilespmem:v2+s2+$0x0] =	vst.idx.add.f32.msk $0xffff, v1  }
0x102: {  	s22 =	sadd.s32 s13, s4  }
0x103: {  	[tilespmem:s20], [sflag:$0x1] =	stream.linear.gather [hbm4b:s22+s2], $0x4000, $0x38;
	[tilespmem:$0x8E80] =	vst v63  }
0x104: {  	_ =	swait.ge [sflag:s18], $0x4000  }
0x105: {  	[sflag:s18] =	ssyncset.done $0x0  }
0x106: {  	s23 =	smov.u32 s14;
	s22 =	simm.s32 $0x4EC0;
	[sflag:s18] =	ssyncadd.s32 $0xFFFFC000  }
.LBB2_23:
0x107: {  	v2 =	vld [tilespmem:s22+$0xFFFFFFC0];
	_ =	sdelay $0x7  }
0x108: {  	[tilespmem:v2+s2+$0x0] =	vst.idx.add.f32.msk $0xffff, v1  }
0x109: {  	v2 =	vld [tilespmem:s22+$0xFFFFFFD0];
	_ =	sdelay $0x7  }
0x10a: {  	[tilespmem:v2+s2+$0x0] =	vst.idx.add.f32.msk $0xffff, v1  }
0x10b: {  	v2 =	vld [tilespmem:s22+$0xFFFFFFE0];
	_ =	sdelay $0x7  }
0x10c: {  	[tilespmem:v2+s2+$0x0] =	vst.idx.add.f32.msk $0xffff, v1  }
0x10d: {  	v2 =	vld [tilespmem:s22+$0xFFFFFFF0];
	_ =	sdelay $0x7  }
0x10e: {  	[tilespmem:v2+s2+$0x0] =	vst.idx.add.f32.msk $0xffff, v1  }
0x10f: {  	v2 =	vld [tilespmem:s22+$0x0];
	_ =	sdelay $0x7  }
0x110: {  	[tilespmem:v2+s2+$0x0] =	vst.idx.add.f32.msk $0xffff, v1  }
0x111: {  	v2 =	vld [tilespmem:s22+$0x10];
	_ =	sdelay $0x7  }
0x112: {  	[tilespmem:v2+s2+$0x0] =	vst.idx.add.f32.msk $0xffff, v1  }
0x113: {  	v2 =	vld [tilespmem:s22+$0x20];
	_ =	sdelay $0x7  }
0x114: {  	[tilespmem:v2+s2+$0x0] =	vst.idx.add.f32.msk $0xffff, v1  }
0x115: {  	v2 =	vld [tilespmem:s22+$0x30];
	_ =	sdelay $0x2  }
0x116: {  	p2 =	sne.s32 s23, $0x1  }
.Ltmp13:
0x117: {  	_ = 	snop;
	(pc) =	sbr.rel @p2 .LBB2_23-.Ltmp13, $2  }
0x118: {  	_ =	sdelay $0x2  }
0x119: {  	s23 =	sadd.s32 $0xFFFFFFFF, s23;
	s22 =	sadd.s32 $0x80, s22;
	[tilespmem:v2+s2+$0x0] =	vst.idx.add.f32.msk $0xffff, v1  }
.Ltmp14:
0x11a: {  	(pc) =	sbr.rel @p1 .LBB2_45-.Ltmp14, $1  }
0x11b: {  	_ =	sdelay $0x3  }
.LBB2_25:
0x11c: {  	s22 =	simm.s32 $0x0  }
0x11d: {  	[tilespmem:s20], [sflag:$0x1] =	stream.linear.gather [hbm4b:s19+s22], $0x4000, $0x38;
	[tilespmem:$0x8E80] =	vst v63  }
0x11e: {  	_ =	swait.ge [sflag:s18], $0x4000  }
0x11f: {  	[sflag:s18] =	ssyncset.done $0x0  }
0x120: {  	[sflag:s18] =	ssyncadd.s32 $0xFFFFC000  }
.LBB2_26:
0x121: {  	s23 =	sshra.s32 s22, $0x2  }
0x122: {  	v2 =	vld [tilespmem:s23+$0x4E80];
	_ =	sdelay $0x7  }
0x123: {  	[tilespmem:v2+s2+$0x0] =	vst.idx.add.f32.msk $0xffff, v1  }
0x124: {  	v2 =	vld [tilespmem:s23+$0x4E90];
	_ =	sdelay $0x7  }
0x125: {  	[tilespmem:v2+s2+$0x0] =	vst.idx.add.f32.msk $0xffff, v1  }
0x126: {  	v2 =	vld [tilespmem:s23+$0x4EA0];
	_ =	sdelay $0x7  }
0x127: {  	[tilespmem:v2+s2+$0x0] =	vst.idx.add.f32.msk $0xffff, v1  }
0x128: {  	v2 =	vld [tilespmem:s23+$0x4EB0];
	_ =	sdelay $0x7  }
0x129: {  	[tilespmem:v2+s2+$0x0] =	vst.idx.add.f32.msk $0xffff, v1  }
0x12a: {  	v2 =	vld [tilespmem:s23+$0x4EC0];
	_ =	sdelay $0x7  }
0x12b: {  	[tilespmem:v2+s2+$0x0] =	vst.idx.add.f32.msk $0xffff, v1  }
0x12c: {  	v2 =	vld [tilespmem:s23+$0x4ED0];
	_ =	sdelay $0x7  }
0x12d: {  	[tilespmem:v2+s2+$0x0] =	vst.idx.add.f32.msk $0xffff, v1  }
0x12e: {  	v2 =	vld [tilespmem:s23+$0x4EE0];
	_ =	sdelay $0x7  }
0x12f: {  	[tilespmem:v2+s2+$0x0] =	vst.idx.add.f32.msk $0xffff, v1  }
0x130: {  	v2 =	vld [tilespmem:s23+$0x4EF0];
	_ =	sdelay $0x2  }
0x131: {  	p2 =	sne.s32 s22, $0xFE00  }
.Ltmp15:
0x132: {  	_ = 	snop;
	(pc) =	sbr.rel @p2 .LBB2_26-.Ltmp15, $2  }
0x133: {  	_ =	sdelay $0x2  }
0x134: {  	s22 =	sadd.s32 $0x200, s22;
	[tilespmem:v2+s2+$0x0] =	vst.idx.add.f32.msk $0xffff, v1  }
0x135: {  	s23 =	sadd.s32 s15, s5;
	s22 =	simm.s32 $0x0  }
0x136: {  	[tilespmem:s20], [sflag:$0x1] =	stream.linear.gather [hbm4b:s23+s22], $0x4000, $0x38;
	[tilespmem:$0x8E80] =	vst v63  }
0x137: {  	_ =	swait.ge [sflag:s18], $0x4000  }
0x138: {  	[sflag:s18] =	ssyncset.done $0x0  }
0x139: {  	[sflag:s18] =	ssyncadd.s32 $0xFFFFC000  }
.LBB2_28:
0x13a: {  	s23 =	sshra.s32 s22, $0x2  }
0x13b: {  	v2 =	vld [tilespmem:s23+$0x4E80];
	_ =	sdelay $0x7  }
0x13c: {  	[tilespmem:v2+s2+$0x0] =	vst.idx.add.f32.msk $0xffff, v1  }
0x13d: {  	v2 =	vld [tilespmem:s23+$0x4E90];
	_ =	sdelay $0x7  }
0x13e: {  	[tilespmem:v2+s2+$0x0] =	vst.idx.add.f32.msk $0xffff, v1  }
0x13f: {  	v2 =	vld [tilespmem:s23+$0x4EA0];
	_ =	sdelay $0x7  }
0x140: {  	[tilespmem:v2+s2+$0x0] =	vst.idx.add.f32.msk $0xffff, v1  }
0x141: {  	v2 =	vld [tilespmem:s23+$0x4EB0];
	_ =	sdelay $0x7  }
0x142: {  	[tilespmem:v2+s2+$0x0] =	vst.idx.add.f32.msk $0xffff, v1  }
0x143: {  	v2 =	vld [tilespmem:s23+$0x4EC0];
	_ =	sdelay $0x7  }
0x144: {  	[tilespmem:v2+s2+$0x0] =	vst.idx.add.f32.msk $0xffff, v1  }
0x145: {  	v2 =	vld [tilespmem:s23+$0x4ED0];
	_ =	sdelay $0x7  }
0x146: {  	[tilespmem:v2+s2+$0x0] =	vst.idx.add.f32.msk $0xffff, v1  }
0x147: {  	v2 =	vld [tilespmem:s23+$0x4EE0];
	_ =	sdelay $0x7  }
0x148: {  	[tilespmem:v2+s2+$0x0] =	vst.idx.add.f32.msk $0xffff, v1  }
0x149: {  	v2 =	vld [tilespmem:s23+$0x4EF0];
	_ =	sdelay $0x2  }
0x14a: {  	p2 =	sne.s32 s22, $0xFE00  }
.Ltmp16:
0x14b: {  	_ = 	snop;
	(pc) =	sbr.rel @p2 .LBB2_28-.Ltmp16, $2  }
0x14c: {  	_ =	sdelay $0x2  }
0x14d: {  	s22 =	sadd.s32 $0x200, s22;
	[tilespmem:v2+s2+$0x0] =	vst.idx.add.f32.msk $0xffff, v1  }
0x14e: {  	s23 =	sadd.s32 s6, s15;
	s22 =	simm.s32 $0x0  }
0x14f: {  	[tilespmem:s20], [sflag:$0x1] =	stream.linear.gather [hbm4b:s23+s22], $0x4000, $0x38;
	[tilespmem:$0x8E80] =	vst v63  }
0x150: {  	_ =	swait.ge [sflag:s18], $0x4000  }
0x151: {  	[sflag:s18] =	ssyncset.done $0x0  }
0x152: {  	[sflag:s18] =	ssyncadd.s32 $0xFFFFC000  }
.LBB2_30:
0x153: {  	s23 =	sshra.s32 s22, $0x2  }
0x154: {  	v2 =	vld [tilespmem:s23+$0x4E80];
	_ =	sdelay $0x7  }
0x155: {  	[tilespmem:v2+s2+$0x0] =	vst.idx.add.f32.msk $0xffff, v1  }
0x156: {  	v2 =	vld [tilespmem:s23+$0x4E90];
	_ =	sdelay $0x7  }
0x157: {  	[tilespmem:v2+s2+$0x0] =	vst.idx.add.f32.msk $0xffff, v1  }
0x158: {  	v2 =	vld [tilespmem:s23+$0x4EA0];
	_ =	sdelay $0x7  }
0x159: {  	[tilespmem:v2+s2+$0x0] =	vst.idx.add.f32.msk $0xffff, v1  }
0x15a: {  	v2 =	vld [tilespmem:s23+$0x4EB0];
	_ =	sdelay $0x7  }
0x15b: {  	[tilespmem:v2+s2+$0x0] =	vst.idx.add.f32.msk $0xffff, v1  }
0x15c: {  	v2 =	vld [tilespmem:s23+$0x4EC0];
	_ =	sdelay $0x7  }
0x15d: {  	[tilespmem:v2+s2+$0x0] =	vst.idx.add.f32.msk $0xffff, v1  }
0x15e: {  	v2 =	vld [tilespmem:s23+$0x4ED0];
	_ =	sdelay $0x7  }
0x15f: {  	[tilespmem:v2+s2+$0x0] =	vst.idx.add.f32.msk $0xffff, v1  }
0x160: {  	v2 =	vld [tilespmem:s23+$0x4EE0];
	_ =	sdelay $0x7  }
0x161: {  	[tilespmem:v2+s2+$0x0] =	vst.idx.add.f32.msk $0xffff, v1  }
0x162: {  	v2 =	vld [tilespmem:s23+$0x4EF0];
	_ =	sdelay $0x2  }
0x163: {  	p2 =	sne.s32 s22, $0xFE00  }
.Ltmp17:
0x164: {  	_ = 	snop;
	(pc) =	sbr.rel @p2 .LBB2_30-.Ltmp17, $2  }
0x165: {  	_ =	sdelay $0x2  }
0x166: {  	s22 =	sadd.s32 $0x200, s22;
	[tilespmem:v2+s2+$0x0] =	vst.idx.add.f32.msk $0xffff, v1  }
0x167: {  	s23 =	sadd.s32 s7, s15;
	s22 =	simm.s32 $0x0  }
0x168: {  	[tilespmem:s20], [sflag:$0x1] =	stream.linear.gather [hbm4b:s23+s22], $0x4000, $0x38;
	[tilespmem:$0x8E80] =	vst v63  }
0x169: {  	_ =	swait.ge [sflag:s18], $0x4000  }
0x16a: {  	[sflag:s18] =	ssyncset.done $0x0  }
0x16b: {  	[sflag:s18] =	ssyncadd.s32 $0xFFFFC000  }
.LBB2_32:
0x16c: {  	s23 =	sshra.s32 s22, $0x2  }
0x16d: {  	v2 =	vld [tilespmem:s23+$0x4E80];
	_ =	sdelay $0x7  }
0x16e: {  	[tilespmem:v2+s2+$0x0] =	vst.idx.add.f32.msk $0xffff, v1  }
0x16f: {  	v2 =	vld [tilespmem:s23+$0x4E90];
	_ =	sdelay $0x7  }
0x170: {  	[tilespmem:v2+s2+$0x0] =	vst.idx.add.f32.msk $0xffff, v1  }
0x171: {  	v2 =	vld [tilespmem:s23+$0x4EA0];
	_ =	sdelay $0x7  }
0x172: {  	[tilespmem:v2+s2+$0x0] =	vst.idx.add.f32.msk $0xffff, v1  }
0x173: {  	v2 =	vld [tilespmem:s23+$0x4EB0];
	_ =	sdelay $0x7  }
0x174: {  	[tilespmem:v2+s2+$0x0] =	vst.idx.add.f32.msk $0xffff, v1  }
0x175: {  	v2 =	vld [tilespmem:s23+$0x4EC0];
	_ =	sdelay $0x7  }
0x176: {  	[tilespmem:v2+s2+$0x0] =	vst.idx.add.f32.msk $0xffff, v1  }
0x177: {  	v2 =	vld [tilespmem:s23+$0x4ED0];
	_ =	sdelay $0x7  }
0x178: {  	[tilespmem:v2+s2+$0x0] =	vst.idx.add.f32.msk $0xffff, v1  }
0x179: {  	v2 =	vld [tilespmem:s23+$0x4EE0];
	_ =	sdelay $0x7  }
0x17a: {  	[tilespmem:v2+s2+$0x0] =	vst.idx.add.f32.msk $0xffff, v1  }
0x17b: {  	v2 =	vld [tilespmem:s23+$0x4EF0];
	_ =	sdelay $0x2  }
0x17c: {  	p2 =	sne.s32 s22, $0xFE00  }
.Ltmp18:
0x17d: {  	_ = 	snop;
	(pc) =	sbr.rel @p2 .LBB2_32-.Ltmp18, $2  }
0x17e: {  	_ =	sdelay $0x2  }
0x17f: {  	s22 =	sadd.s32 $0x200, s22;
	[tilespmem:v2+s2+$0x0] =	vst.idx.add.f32.msk $0xffff, v1  }
0x180: {  	s23 =	sadd.s32 s8, s15;
	s22 =	simm.s32 $0x0  }
0x181: {  	[tilespmem:s20], [sflag:$0x1] =	stream.linear.gather [hbm4b:s23+s22], $0x4000, $0x38;
	[tilespmem:$0x8E80] =	vst v63  }
0x182: {  	_ =	swait.ge [sflag:s18], $0x4000  }
0x183: {  	[sflag:s18] =	ssyncset.done $0x0  }
0x184: {  	[sflag:s18] =	ssyncadd.s32 $0xFFFFC000  }
.LBB2_34:
0x185: {  	s23 =	sshra.s32 s22, $0x2  }
0x186: {  	v2 =	vld [tilespmem:s23+$0x4E80];
	_ =	sdelay $0x7  }
0x187: {  	[tilespmem:v2+s2+$0x0] =	vst.idx.add.f32.msk $0xffff, v1  }
0x188: {  	v2 =	vld [tilespmem:s23+$0x4E90];
	_ =	sdelay $0x7  }
0x189: {  	[tilespmem:v2+s2+$0x0] =	vst.idx.add.f32.msk $0xffff, v1  }
0x18a: {  	v2 =	vld [tilespmem:s23+$0x4EA0];
	_ =	sdelay $0x7  }
0x18b: {  	[tilespmem:v2+s2+$0x0] =	vst.idx.add.f32.msk $0xffff, v1  }
0x18c: {  	v2 =	vld [tilespmem:s23+$0x4EB0];
	_ =	sdelay $0x7  }
0x18d: {  	[tilespmem:v2+s2+$0x0] =	vst.idx.add.f32.msk $0xffff, v1  }
0x18e: {  	v2 =	vld [tilespmem:s23+$0x4EC0];
	_ =	sdelay $0x7  }
0x18f: {  	[tilespmem:v2+s2+$0x0] =	vst.idx.add.f32.msk $0xffff, v1  }
0x190: {  	v2 =	vld [tilespmem:s23+$0x4ED0];
	_ =	sdelay $0x7  }
0x191: {  	[tilespmem:v2+s2+$0x0] =	vst.idx.add.f32.msk $0xffff, v1  }
0x192: {  	v2 =	vld [tilespmem:s23+$0x4EE0];
	_ =	sdelay $0x7  }
0x193: {  	[tilespmem:v2+s2+$0x0] =	vst.idx.add.f32.msk $0xffff, v1  }
0x194: {  	v2 =	vld [tilespmem:s23+$0x4EF0];
	_ =	sdelay $0x2  }
0x195: {  	p2 =	sne.s32 s22, $0xFE00  }
.Ltmp19:
0x196: {  	_ = 	snop;
	(pc) =	sbr.rel @p2 .LBB2_34-.Ltmp19, $2  }
0x197: {  	_ =	sdelay $0x2  }
0x198: {  	s22 =	sadd.s32 $0x200, s22;
	[tilespmem:v2+s2+$0x0] =	vst.idx.add.f32.msk $0xffff, v1  }
0x199: {  	s23 =	sadd.s32 s9, s15;
	s22 =	simm.s32 $0x0  }
0x19a: {  	[tilespmem:s20], [sflag:$0x1] =	stream.linear.gather [hbm4b:s23+s22], $0x4000, $0x38;
	[tilespmem:$0x8E80] =	vst v63  }
0x19b: {  	_ =	swait.ge [sflag:s18], $0x4000  }
0x19c: {  	[sflag:s18] =	ssyncset.done $0x0  }
0x19d: {  	[sflag:s18] =	ssyncadd.s32 $0xFFFFC000  }
.LBB2_36:
0x19e: {  	s23 =	sshra.s32 s22, $0x2  }
0x19f: {  	v2 =	vld [tilespmem:s23+$0x4E80];
	_ =	sdelay $0x7  }
0x1a0: {  	[tilespmem:v2+s2+$0x0] =	vst.idx.add.f32.msk $0xffff, v1  }
0x1a1: {  	v2 =	vld [tilespmem:s23+$0x4E90];
	_ =	sdelay $0x7  }
0x1a2: {  	[tilespmem:v2+s2+$0x0] =	vst.idx.add.f32.msk $0xffff, v1  }
0x1a3: {  	v2 =	vld [tilespmem:s23+$0x4EA0];
	_ =	sdelay $0x7  }
0x1a4: {  	[tilespmem:v2+s2+$0x0] =	vst.idx.add.f32.msk $0xffff, v1  }
0x1a5: {  	v2 =	vld [tilespmem:s23+$0x4EB0];
	_ =	sdelay $0x7  }
0x1a6: {  	[tilespmem:v2+s2+$0x0] =	vst.idx.add.f32.msk $0xffff, v1  }
0x1a7: {  	v2 =	vld [tilespmem:s23+$0x4EC0];
	_ =	sdelay $0x7  }
0x1a8: {  	[tilespmem:v2+s2+$0x0] =	vst.idx.add.f32.msk $0xffff, v1  }
0x1a9: {  	v2 =	vld [tilespmem:s23+$0x4ED0];
	_ =	sdelay $0x7  }
0x1aa: {  	[tilespmem:v2+s2+$0x0] =	vst.idx.add.f32.msk $0xffff, v1  }
0x1ab: {  	v2 =	vld [tilespmem:s23+$0x4EE0];
	_ =	sdelay $0x7  }
0x1ac: {  	[tilespmem:v2+s2+$0x0] =	vst.idx.add.f32.msk $0xffff, v1  }
0x1ad: {  	v2 =	vld [tilespmem:s23+$0x4EF0];
	_ =	sdelay $0x2  }
0x1ae: {  	p2 =	sne.s32 s22, $0xFE00  }
.Ltmp20:
0x1af: {  	_ = 	snop;
	(pc) =	sbr.rel @p2 .LBB2_36-.Ltmp20, $2  }
0x1b0: {  	_ =	sdelay $0x2  }
0x1b1: {  	s22 =	sadd.s32 $0x200, s22;
	[tilespmem:v2+s2+$0x0] =	vst.idx.add.f32.msk $0xffff, v1  }
0x1b2: {  	s23 =	sadd.s32 s10, s15;
	s22 =	simm.s32 $0x0  }
0x1b3: {  	[tilespmem:s20], [sflag:$0x1] =	stream.linear.gather [hbm4b:s23+s22], $0x4000, $0x38;
	[tilespmem:$0x8E80] =	vst v63  }
0x1b4: {  	_ =	swait.ge [sflag:s18], $0x4000  }
0x1b5: {  	[sflag:s18] =	ssyncset.done $0x0  }
0x1b6: {  	[sflag:s18] =	ssyncadd.s32 $0xFFFFC000  }
.LBB2_38:
0x1b7: {  	s23 =	sshra.s32 s22, $0x2  }
0x1b8: {  	v2 =	vld [tilespmem:s23+$0x4E80];
	_ =	sdelay $0x7  }
0x1b9: {  	[tilespmem:v2+s2+$0x0] =	vst.idx.add.f32.msk $0xffff, v1  }
0x1ba: {  	v2 =	vld [tilespmem:s23+$0x4E90];
	_ =	sdelay $0x7  }
0x1bb: {  	[tilespmem:v2+s2+$0x0] =	vst.idx.add.f32.msk $0xffff, v1  }
0x1bc: {  	v2 =	vld [tilespmem:s23+$0x4EA0];
	_ =	sdelay $0x7  }
0x1bd: {  	[tilespmem:v2+s2+$0x0] =	vst.idx.add.f32.msk $0xffff, v1  }
0x1be: {  	v2 =	vld [tilespmem:s23+$0x4EB0];
	_ =	sdelay $0x7  }
0x1bf: {  	[tilespmem:v2+s2+$0x0] =	vst.idx.add.f32.msk $0xffff, v1  }
0x1c0: {  	v2 =	vld [tilespmem:s23+$0x4EC0];
	_ =	sdelay $0x7  }
0x1c1: {  	[tilespmem:v2+s2+$0x0] =	vst.idx.add.f32.msk $0xffff, v1  }
0x1c2: {  	v2 =	vld [tilespmem:s23+$0x4ED0];
	_ =	sdelay $0x7  }
0x1c3: {  	[tilespmem:v2+s2+$0x0] =	vst.idx.add.f32.msk $0xffff, v1  }
0x1c4: {  	v2 =	vld [tilespmem:s23+$0x4EE0];
	_ =	sdelay $0x7  }
0x1c5: {  	[tilespmem:v2+s2+$0x0] =	vst.idx.add.f32.msk $0xffff, v1  }
0x1c6: {  	v2 =	vld [tilespmem:s23+$0x4EF0];
	_ =	sdelay $0x2  }
0x1c7: {  	p2 =	sne.s32 s22, $0xFE00  }
.Ltmp21:
0x1c8: {  	_ = 	snop;
	(pc) =	sbr.rel @p2 .LBB2_38-.Ltmp21, $2  }
0x1c9: {  	_ =	sdelay $0x2  }
0x1ca: {  	s22 =	sadd.s32 $0x200, s22;
	[tilespmem:v2+s2+$0x0] =	vst.idx.add.f32.msk $0xffff, v1  }
0x1cb: {  	s23 =	sadd.s32 s11, s15;
	s22 =	simm.s32 $0x0  }
0x1cc: {  	[tilespmem:s20], [sflag:$0x1] =	stream.linear.gather [hbm4b:s23+s22], $0x4000, $0x38;
	[tilespmem:$0x8E80] =	vst v63  }
0x1cd: {  	_ =	swait.ge [sflag:s18], $0x4000  }
0x1ce: {  	[sflag:s18] =	ssyncset.done $0x0  }
0x1cf: {  	[sflag:s18] =	ssyncadd.s32 $0xFFFFC000  }
.LBB2_40:
0x1d0: {  	s23 =	sshra.s32 s22, $0x2  }
0x1d1: {  	v2 =	vld [tilespmem:s23+$0x4E80];
	_ =	sdelay $0x7  }
0x1d2: {  	[tilespmem:v2+s2+$0x0] =	vst.idx.add.f32.msk $0xffff, v1  }
0x1d3: {  	v2 =	vld [tilespmem:s23+$0x4E90];
	_ =	sdelay $0x7  }
0x1d4: {  	[tilespmem:v2+s2+$0x0] =	vst.idx.add.f32.msk $0xffff, v1  }
0x1d5: {  	v2 =	vld [tilespmem:s23+$0x4EA0];
	_ =	sdelay $0x7  }
0x1d6: {  	[tilespmem:v2+s2+$0x0] =	vst.idx.add.f32.msk $0xffff, v1  }
0x1d7: {  	v2 =	vld [tilespmem:s23+$0x4EB0];
	_ =	sdelay $0x7  }
0x1d8: {  	[tilespmem:v2+s2+$0x0] =	vst.idx.add.f32.msk $0xffff, v1  }
0x1d9: {  	v2 =	vld [tilespmem:s23+$0x4EC0];
	_ =	sdelay $0x7  }
0x1da: {  	[tilespmem:v2+s2+$0x0] =	vst.idx.add.f32.msk $0xffff, v1  }
0x1db: {  	v2 =	vld [tilespmem:s23+$0x4ED0];
	_ =	sdelay $0x7  }
0x1dc: {  	[tilespmem:v2+s2+$0x0] =	vst.idx.add.f32.msk $0xffff, v1  }
0x1dd: {  	v2 =	vld [tilespmem:s23+$0x4EE0];
	_ =	sdelay $0x7  }
0x1de: {  	[tilespmem:v2+s2+$0x0] =	vst.idx.add.f32.msk $0xffff, v1  }
0x1df: {  	v2 =	vld [tilespmem:s23+$0x4EF0];
	_ =	sdelay $0x2  }
0x1e0: {  	p2 =	sne.s32 s22, $0xFE00  }
.Ltmp22:
0x1e1: {  	_ = 	snop;
	(pc) =	sbr.rel @p2 .LBB2_40-.Ltmp22, $2  }
0x1e2: {  	_ =	sdelay $0x2  }
0x1e3: {  	s22 =	sadd.s32 $0x200, s22;
	[tilespmem:v2+s2+$0x0] =	vst.idx.add.f32.msk $0xffff, v1  }
0x1e4: {  	s23 =	sadd.s32 s12, s15;
	s22 =	simm.s32 $0x0  }
0x1e5: {  	[tilespmem:s20], [sflag:$0x1] =	stream.linear.gather [hbm4b:s23+s22], $0x4000, $0x38;
	[tilespmem:$0x8E80] =	vst v63  }
0x1e6: {  	_ =	swait.ge [sflag:s18], $0x4000  }
0x1e7: {  	[sflag:s18] =	ssyncset.done $0x0  }
0x1e8: {  	[sflag:s18] =	ssyncadd.s32 $0xFFFFC000  }
.LBB2_42:
0x1e9: {  	s23 =	sshra.s32 s22, $0x2  }
0x1ea: {  	v2 =	vld [tilespmem:s23+$0x4E80];
	_ =	sdelay $0x7  }
0x1eb: {  	[tilespmem:v2+s2+$0x0] =	vst.idx.add.f32.msk $0xffff, v1  }
0x1ec: {  	v2 =	vld [tilespmem:s23+$0x4E90];
	_ =	sdelay $0x7  }
0x1ed: {  	[tilespmem:v2+s2+$0x0] =	vst.idx.add.f32.msk $0xffff, v1  }
0x1ee: {  	v2 =	vld [tilespmem:s23+$0x4EA0];
	_ =	sdelay $0x7  }
0x1ef: {  	[tilespmem:v2+s2+$0x0] =	vst.idx.add.f32.msk $0xffff, v1  }
0x1f0: {  	v2 =	vld [tilespmem:s23+$0x4EB0];
	_ =	sdelay $0x7  }
0x1f1: {  	[tilespmem:v2+s2+$0x0] =	vst.idx.add.f32.msk $0xffff, v1  }
0x1f2: {  	v2 =	vld [tilespmem:s23+$0x4EC0];
	_ =	sdelay $0x7  }
0x1f3: {  	[tilespmem:v2+s2+$0x0] =	vst.idx.add.f32.msk $0xffff, v1  }
0x1f4: {  	v2 =	vld [tilespmem:s23+$0x4ED0];
	_ =	sdelay $0x7  }
0x1f5: {  	[tilespmem:v2+s2+$0x0] =	vst.idx.add.f32.msk $0xffff, v1  }
0x1f6: {  	v2 =	vld [tilespmem:s23+$0x4EE0];
	_ =	sdelay $0x7  }
0x1f7: {  	[tilespmem:v2+s2+$0x0] =	vst.idx.add.f32.msk $0xffff, v1  }
0x1f8: {  	v2 =	vld [tilespmem:s23+$0x4EF0];
	_ =	sdelay $0x2  }
0x1f9: {  	p2 =	sne.s32 s22, $0xFE00  }
.Ltmp23:
0x1fa: {  	_ = 	snop;
	(pc) =	sbr.rel @p2 .LBB2_42-.Ltmp23, $2  }
0x1fb: {  	_ =	sdelay $0x2  }
0x1fc: {  	s22 =	sadd.s32 $0x200, s22;
	[tilespmem:v2+s2+$0x0] =	vst.idx.add.f32.msk $0xffff, v1  }
0x1fd: {  	s22 =	sadd.s32 s13, s15  }
0x1fe: {  	[tilespmem:s20], [sflag:$0x1] =	stream.linear.gather [hbm4b:s22+s2], $0x4000, $0x38;
	[tilespmem:$0x8E80] =	vst v63  }
0x1ff: {  	_ =	swait.ge [sflag:s18], $0x4000  }
0x200: {  	[sflag:s18] =	ssyncset.done $0x0  }
0x201: {  	s23 =	smov.u32 s14;
	s22 =	simm.s32 $0x4EC0;
	[sflag:s18] =	ssyncadd.s32 $0xFFFFC000  }
.LBB2_44:
0x202: {  	v2 =	vld [tilespmem:s22+$0xFFFFFFC0];
	_ =	sdelay $0x7  }
0x203: {  	[tilespmem:v2+s2+$0x0] =	vst.idx.add.f32.msk $0xffff, v1  }
0x204: {  	v2 =	vld [tilespmem:s22+$0xFFFFFFD0];
	_ =	sdelay $0x7  }
0x205: {  	[tilespmem:v2+s2+$0x0] =	vst.idx.add.f32.msk $0xffff, v1  }
0x206: {  	v2 =	vld [tilespmem:s22+$0xFFFFFFE0];
	_ =	sdelay $0x7  }
0x207: {  	[tilespmem:v2+s2+$0x0] =	vst.idx.add.f32.msk $0xffff, v1  }
0x208: {  	v2 =	vld [tilespmem:s22+$0xFFFFFFF0];
	_ =	sdelay $0x7  }
0x209: {  	[tilespmem:v2+s2+$0x0] =	vst.idx.add.f32.msk $0xffff, v1  }
0x20a: {  	v2 =	vld [tilespmem:s22+$0x0];
	_ =	sdelay $0x7  }
0x20b: {  	[tilespmem:v2+s2+$0x0] =	vst.idx.add.f32.msk $0xffff, v1  }
0x20c: {  	v2 =	vld [tilespmem:s22+$0x10];
	_ =	sdelay $0x7  }
0x20d: {  	[tilespmem:v2+s2+$0x0] =	vst.idx.add.f32.msk $0xffff, v1  }
0x20e: {  	v2 =	vld [tilespmem:s22+$0x20];
	_ =	sdelay $0x7  }
0x20f: {  	[tilespmem:v2+s2+$0x0] =	vst.idx.add.f32.msk $0xffff, v1  }
0x210: {  	v2 =	vld [tilespmem:s22+$0x30];
	_ =	sdelay $0x2  }
0x211: {  	p2 =	sne.s32 s23, $0x1  }
.Ltmp24:
0x212: {  	_ = 	snop;
	(pc) =	sbr.rel @p2 .LBB2_44-.Ltmp24, $2  }
0x213: {  	_ =	sdelay $0x2  }
0x214: {  	s23 =	sadd.s32 $0xFFFFFFFF, s23;
	s22 =	sadd.s32 $0x80, s22;
	[tilespmem:v2+s2+$0x0] =	vst.idx.add.f32.msk $0xffff, v1  }
.Ltmp25:
0x215: {  	_ = 	snop;
	(pc) =	sbr.rel .LBB2_45-.Ltmp25, $1  }
0x216: {  	_ =	sdelay $0x3  }
.LBB2_46:
0x217: {  	_ =	sfence.sel $0x180000  }
0x218: {  	[bflag:$0x0] =	sbarrier.arrive $0xFFFF  }
0x219: {  	p0 =	sne.s32 s1, $0x0;
	_ =	strace $0x90000047  }
0x21a: {  	s0 =	sadd.s32 @!p0 $0x100000, s0;
	[bflag:$0x2] =	sbarrier.arrive $0xFFFF  }
0x21b: {  	[sflag:s0] =	ssyncadd.tile.s32 @!p0 $0x1;
	_ =	shalt  }
.Lfunc_end2:
_tile_overlayer_lowered:
.L_overlay_start_2:
0x21c: {  	(tag) =	ssettag $0x2  }
0x21d: {  	s0 =	rddreg [dreg:$0x0];
	s2 =	stileid.u32  }
0x21e: {  	s1 =	rddreg [dreg:$0x1];
	p0 =	sne.s32 s2, $0x0  }
0x21f: {  	s3 =	rddreg [dreg:$0x2];
	[bflag:$0x3] =	sbarrier.arrive $0xFFFF;
	s2 =	simm.s32 @!p0 $0x1C01  }
0x220: {  	[timem:s3], [sflag:s2] =	dma.local @!p0 [hbm:s0], s1  }
0x221: {  	s0 =	simm.s32 @!p0 $0x1  }
0x222: {  	_ =	swait.ge @!p0 [sflag:s0], s1  }
0x223: {  	s1 =	ssub.s32 @!p0 $0x0, s1;
	[sflag:s0] =	ssyncset.done @!p0 $0x0  }
0x224: {  	[sflag:s0] =	ssyncadd.s32 @!p0 s1  }
0x225: {  	[bflag:$0x3] =	sbarrier.arrive $0xFFFF  }
0x226: {  	_ =	shalt  }

// kernel: kernel.9.cloned.1.call-start
scs
__scs_entry_jumppad:
0x0: {  	(pc) =	sbr.rel $0x88, $3  }
0x1: {  	(tag) =	ssettag $0x0;
	lr =	simm.s32 $0x1  }
0x2: {  	[smem:$0x3F91] =	sst lr;
	_ =	strace $0xD0000000  }
0x3: {  	_ = 	snop  }
0x4: {  	_ = 	snop  }
0x5: {  	_ = 	snop  }
0x6: {  	_ = 	snop  }
0x7: {  	_ = 	snop  }
__scs_overlays_trampoline_lowered:
0x8: {  	[smem:$0x3FA0] =	sst s0  }
0x9: {  	[smem:$0x3FA1] =	sst s1  }
0xa: {  	[smem:$0x3FA2] =	sst s2  }
0xb: {  	[smem:$0x3FA3] =	sst s3  }
0xc: {  	[smem:$0x3FA4] =	sst s4  }
0xd: {  	[smem:$0x3FA5] =	sst s5  }
0xe: {  	[smem:$0x3FA6] =	sst s6  }
0xf: {  	[smem:$0x3FA7] =	sst s7  }
0x10: {  	[smem:$0x3FA8] =	sst s8  }
0x11: {  	[smem:$0x3FA9] =	sst s9;
	s0 =	simm.s32 @!p0 $0x0  }
0x12: {  	s1 =	sld [smem:$0x3F8F];
	s0 =	simm.s32 @p0 $0x1  }
0x13: {  	[smem:$0x3FAA] =	sst s0;
	s0 =	simm.s32 @!p1 $0x0  }
0x14: {  	s2 =	sld [smem:$0x3F8E];
	s0 =	simm.s32 @p1 $0x1  }
0x15: {  	[smem:$0x3FAB] =	sst s0;
	s0 =	simm.s32 @!p2 $0x0  }
0x16: {  	s3 =	sld [smem:$0x3FDB];
	s0 =	simm.s32 @p2 $0x1  }
0x17: {  	s4 =	simm.s32 $0x1BF5;
	[smem:$0x3FAD] =	sst s0  }
0x18: {  	s0 =	sld [smem:$0x3F90];
	_ =	swait.ge [sflag:s4], $0x0  }
0x19: {  	s7 =	sld [smem:$0x3F91]  }
0x1a: {  	s8 =	sadd.s32 $0xFFFFE003, lr  }
0x1b: {  	s9 =	sadd.s32 $0xFFFFFEF7, lr;
	s5 =	simm.s32 $0xFFFFFFFF;
	p2 =	slt.u32 s8, $0xFFFFF086  }
0x1c: {  	p1 =	slt.u32 s9, $0xF7A;
	s5 =	simm.s32 @!p2 $0x0  }
0x1d: {  	s5 =	simm.s32 @p1 $0x1;
	p0 =	seq.s32 s7, s2  }
0x1e: {  	s7 =	smul.u32 @!p0 $0xF7A, s2;
	p2 =	seq.s32 @!p0 s5, $0x0  }
0x1f: {  	s9 =	smul.u32 $0xF7A, s1;
	s8 =	simm.s32 @!p0 $0x1BF5;
	p2 =	por !p2, p0  }
0x20: {  	[sflag:s8] =	ssyncset.s32 @!p0 $0xFFFFF086;
	s6 =	sadd.s32 @!p0 s3, s7;
	s7 =	simm.s32 @!p0 $0x108  }
0x21: {  	s3 =	sadd.s32 s3, s9;
	s6 =	sadd.s32 @!p0 $0x88, s6;
	s7 =	simm.s32 @p2 $0x1082  }
0x22: {  	[simem:s7], [sflag:s8] =	dma.local @!p0 [hbm:s6], $0xF7A  }
0x23: {  	s9 =	sor.u32 $0xD0000000, s2;
	s6 =	simm.s32 $0x108;
	_ =	swait.ge @!p0 [sflag:s8], $0x0  }
0x24: {  	s3 =	sadd.s32 $0x88, s3;
	s6 =	simm.s32 @!p1 $0x1082;
	[sflag:s4] =	ssyncset.s32 $0xFFFFF086  }
0x25: {  	[simem:s6], [sflag:s4] =	dma.local [hbm:s3], $0xF7A  }
0x26: {  	[smem:$0x3F91] =	sst s1;
	(tag) =	ssettag s2;
	_ =	strace s9  }
0x27: {  	s1 =	sld [smem:$0x3FA1]  }
0x28: {  	s2 =	sld [smem:$0x3FA2]  }
0x29: {  	s4 =	sld [smem:$0x3FA4]  }
0x2a: {  	p0 =	seq.s32 s5, $0x0;
	s5 =	sld [smem:$0x3FA5]  }
0x2b: {  	s6 =	sld [smem:$0x3FA6]  }
0x2c: {  	s7 =	sld [smem:$0x3FA7]  }
0x2d: {  	s3 =	simm.s32 $0x108;
	s8 =	sld [smem:$0x3FA8]  }
0x2e: {  	s3 =	simm.s32 @!p0 $0x1082;
	s9 =	sld [smem:$0x3FA9]  }
0x2f: {  	lr =	sadd.s32 s0, s3;
	s0 =	sld [smem:$0x3FA0]  }
0x30: {  	s3 =	sld [smem:$0x3FA3]  }
0x31: {  	[smem:$0x3FAC] =	sst s10  }
0x32: {  	s10 =	sld [smem:$0x3FAA];
	_ =	sdelay $0x3  }
0x33: {  	p0 =	seq.s32 s10, $0x1;
	s10 =	sld [smem:$0x3FAC];
	_ =	sdelay $0x3  }
0x34: {  	[smem:$0x3FAC] =	sst s10  }
0x35: {  	s10 =	sld [smem:$0x3FAB];
	_ =	sdelay $0x3  }
0x36: {  	p1 =	seq.s32 s10, $0x1;
	s10 =	sld [smem:$0x3FAC];
	_ =	sdelay $0x3  }
0x37: {  	[smem:$0x3FAC] =	sst s10  }
0x38: {  	s10 =	sld [smem:$0x3FAD]  }
0x39: {  	_ = 	snop;
	(pc) =	sbr.ind lr, $3  }
0x3a: {  	_ = 	snop  }
0x3b: {  	_ = 	snop  }
0x3c: {  	p2 =	seq.s32 s10, $0x1;
	s10 =	sld [smem:$0x3FAC]  }
0x3d: {  	_ =	shalt  }
0x3e: {  	_ =	shalt  }
0x3f: {  	_ =	shalt  }
0x40: {  	_ =	shalt  }
0x41: {  	_ =	shalt  }
0x42: {  	_ =	shalt  }
0x43: {  	_ =	shalt  }
0x44: {  	_ =	shalt  }
0x45: {  	_ =	shalt  }
0x46: {  	_ =	shalt  }
0x47: {  	_ =	shalt  }
0x48: {  	_ =	shalt  }
0x49: {  	_ =	shalt  }
0x4a: {  	_ =	shalt  }
0x4b: {  	_ =	shalt  }
0x4c: {  	_ =	shalt  }
0x4d: {  	_ =	shalt  }
0x4e: {  	_ =	shalt  }
0x4f: {  	_ =	shalt  }
0x50: {  	_ =	shalt  }
0x51: {  	_ =	shalt  }
0x52: {  	_ =	shalt  }
0x53: {  	_ =	shalt  }
0x54: {  	_ =	shalt  }
0x55: {  	_ =	shalt  }
0x56: {  	_ =	shalt  }
0x57: {  	_ =	shalt  }
0x58: {  	_ =	shalt  }
0x59: {  	_ =	shalt  }
0x5a: {  	_ =	shalt  }
0x5b: {  	_ =	shalt  }
0x5c: {  	_ =	shalt  }
0x5d: {  	_ =	shalt  }
0x5e: {  	_ =	shalt  }
0x5f: {  	_ =	shalt  }
0x60: {  	_ =	shalt  }
0x61: {  	_ =	shalt  }
0x62: {  	_ =	shalt  }
0x63: {  	_ =	shalt  }
0x64: {  	_ =	shalt  }
0x65: {  	_ =	shalt  }
0x66: {  	_ =	shalt  }
0x67: {  	_ =	shalt  }
0x68: {  	_ =	shalt  }
0x69: {  	_ =	shalt  }
0x6a: {  	_ =	shalt  }
0x6b: {  	_ =	shalt  }
0x6c: {  	_ =	shalt  }
0x6d: {  	_ =	shalt  }
0x6e: {  	_ =	shalt  }
0x6f: {  	_ =	shalt  }
0x70: {  	_ =	shalt  }
0x71: {  	_ =	shalt  }
0x72: {  	_ =	shalt  }
0x73: {  	_ =	shalt  }
0x74: {  	_ =	shalt  }
0x75: {  	_ =	shalt  }
0x76: {  	_ =	shalt  }
0x77: {  	_ =	shalt  }
0x78: {  	_ =	shalt  }
0x79: {  	_ =	shalt  }
0x7a: {  	_ =	shalt  }
0x7b: {  	_ =	shalt  }
0x7c: {  	_ =	shalt  }
0x7d: {  	_ =	shalt  }
0x7e: {  	_ =	shalt  }
0x7f: {  	_ =	shalt  }
0x80: {  	_ =	shalt  }
0x81: {  	_ =	shalt  }
0x82: {  	_ =	shalt  }
0x83: {  	_ =	shalt  }
0x84: {  	_ =	shalt  }
0x85: {  	_ =	shalt  }
0x86: {  	_ =	shalt  }
0x87: {  	_ =	shalt  }
.Lfunc_end0:
.L_simem_size_0:
called_computation.1_lowered:
.L_overlay_start_0:
0x88: {  	s2 =	sld [smem:$0x3FD9]  }
0x89: {  	s3 =	sld [smem:$0x3FFE];
	_ =	sdelay $0x1  }
0x8a: {  	s1 =	srdreg.scid  }
0x8b: {  	s0 =	sand.u32 $0x1, s1  }
0x8c: {  	s14 =	sshll.u32 s0, $0xA;
	s2 =	sadd.s32 s3, s2  }
0x8d: {  	s2 =	sadd.s32 s2, s14  }
0x8e: {  	[smem:$0x3FB8] =	sst s2  }
0x8f: {  	_ = 	snop  }
0x90: {  	s2 =	sld [smem:$0x3FD0];
	_ =	sdelay $0x2  }
0x91: {  	s15 =	simm.s32 $0xA;
	s4 =	simm.s32 $0x10  }
0x92: {  	[smem:s4], [sflag:s15] =	dma.local [hbm:s2], $0x1  }
0x93: {  	_ =	swait.eq [sflag:s15], $0x1  }
0x94: {  	[sflag:s15] =	ssyncset.done $0x0  }
0x95: {  	[sflag:s15] =	ssyncadd.s32 $0xFFFFFFFF  }
0x96: {  	s16 =	sld [smem:$0x13];
	(tm) =	ssettm $0x1  }
0x97: {  	s17 =	sld [smem:$0x3FFB];
	_ =	sdelay $0x3  }
0x98: {  	_ =	strace s17  }
0x99: {  	s3 =	sld [smem:$0x3FFC];
	_ =	sdelay $0x3  }
0x9a: {  	_ =	strace s3  }
0x9b: {  	s3 =	sld [smem:$0x3FFD];
	_ =	sdelay $0x3  }
0x9c: {  	_ =	strace s3  }
0x9d: {  	_ =	strace $0x8FFFFFFF  }
0x9e: {  	s18 =	sld [smem:$0x3FDB];
	_ =	sdelay $0x1  }
0x9f: {  	s19 =	simm.s32 $_scs_section_size  }
0xa0: {  	s5 =	simm.s32 $_size__tile_overlayer_lowered;
	s6 =	simm.s32 $_tile_overlayer_lowered  }
0xa1: {  	s22 =	simm.s32 $0x1BFF;
	s21 =	sshll.u32 s6, $0x1;
	s3 =	sadd.s32 s19, s18  }
0xa2: {  	s7 =	simm.s32 $0x0;
	s20 =	sshll.u32 s5, $0x1;
	s5 =	sadd.s32 s21, s3  }
0xa3: {  	[timem:s7], [sflag:s22] =	dma.local [hbm:s5], s20  }
0xa4: {  	_ =	swait.ge [sflag:s22], s20  }
0xa5: {  	s4 =	ssub.s32 $0x0, s20;
	[sflag:s22] =	ssyncset.done $0x0  }
0xa6: {  	[sflag:s22] =	ssyncadd.s32 s4;
	_ =	sdelay $0x1  }
0xa7: {  	s23 =	simm.s32 $0x1B8B  }
0xa8: {  	_ =	swait.ge [sflag:s23], $0x1  }
0xa9: {  	[sflag:s23] =	ssyncset.done $0x0  }
0xaa: {  	s25 =	simm.s32 $0x1B8E;
	s24 =	sld [smem:$0x3FFE];
	[sflag:s23] =	ssyncadd.s32 $0xFFFFFFFF  }
0xab: {  	s26 =	simm.s32 $execute0_lowered;
	[smem:$0x3FD2] =	sst s25  }
0xac: {  	s5 =	sshll.u32 s26, $0x1;
	_ =	strace $0x80000049;
	[dreg:$0x1] =	wrdreg $0xFFFFFFFF  }
0xad: {  	s28 =	simm.s32 $_size_execute0_lowered;
	s3 =	sadd.s32 s3, s5;
	[dreg:$0x0] =	wrdreg $0x0  }
0xae: {  	s5 =	sshll.u32 s28, $0x1;
	[dreg:$0x2] =	wrdreg s3  }
0xaf: {  	[dreg:$0x3] =	wrdreg s5  }
0xb0: {  	[dreg:$0x4] =	wrdreg $0xC0  }
0xb1: {  	_ =	task [dreg:s7], $0x5FFFF  }
0xb2: {  	[dreg:$0x1] =	wrdreg $0xFFFFFFFF  }
0xb3: {  	[dreg:$0x0] =	wrdreg $0x60  }
0xb4: {  	[dreg:$0x2] =	wrdreg s24  }
0xb5: {  	[dreg:$0x3] =	wrdreg s16  }
0xb6: {  	[dreg:$0x4] =	wrdreg $0x0  }
0xb7: {  	[dreg:$0x5] =	wrdreg $0x9  }
0xb8: {  	_ =	task.clear_ibuf [dreg:s7], $0x6FFFF;
	_ =	strace $0x90000049  }
0xb9: {  	s29 =	simm.s32 $0x9;
	_ =	strace $0x8000004B  }
0xba: {  	_ =	swait.ge [sflag:s29], $0x1  }
0xbb: {  	[sflag:s29] =	ssyncadd.s32 $0xFFFFFFFF  }
0xbc: {  	_ =	strace $0x9000004B  }
0xbd: {  	_ =	sfence  }
0xbe: {  	s30 =	sld [smem:$0x0];
	_ =	sdelay $0x2  }
0xbf: {  	s31 =	sshll.u32 s1, $0xD;
	s1 =	sshrl.u32 s1, $0x2  }
0xc0: {  	s3 =	sand.u32 $0x4000, s31;
	s1 =	sadd.s32 s1, s30  }
0xc1: {  	s0 =	sor.u32 s3, s0;
	s1 =	sshll.u32 s1, $0x11  }
0xc2: {  	s0 =	sor.u32 s1, s0  }
0xc3: {  	s0 =	sadd.s32 $0x8F2B, s0  }
0xc4: {  	[sflag:s0] =	ssyncadd.remote.s32 $0x1  }
0xc5: {  	_ =	sfence.sel $0xFFFF  }
0xc6: {  	[dreg:$0x0] =	wrdreg $0xFFFFFFFF;
	(pc) =	sbr.abs _section_cstart, $3  }
0xc7: {  	[dreg:$0x1] =	wrdreg $0xFFFFFFFF  }
0xc8: {  	_ =	task.clear_ibuf [dreg:s7], $0x2FFFF;
	_ =	strace $0x9FFFFFFF  }
0xc9: {  	(tm) =	ssettm $0x7FFFFFFF  }
tec
execute0_lowered:
.L_overlay_start_1:
0x0: {  	(tag) =	ssettag $0x1  }
0x1: {  	s0 =	rddreg [dreg:$0x0]  }
0x2: {  	s9 =	rddreg [dreg:$0x1]  }
0x3: {  	s2 =	rddreg [dreg:$0x2]  }
0x4: {  	s10 =	simm.s32 $0x0;
	s1 =	srdreg.scid;
	s11 =	stileid.u32  }
0x5: {  	s14 =	simm.s32 $0x9C;
	s22 =	simm.s32 $0x1;
	s23 =	simm.s32 $0x40  }
0x6: {  	s24 =	simm.s32 $0x15C00;
	[smem:$0x7FF] =	sst s10;
	s1 =	sand.u32 $0x1, s1  }
0x7: {  	s12 =	sadd.s32 $0xA2400, s0;
	s6 =	sadd.s32 $0x52400, s0;
	s4 =	smul.u32 $0xA0, s11  }
0x8: {  	s7 =	sadd.s32 $0x2400, s0;
	s5 =	smul.u32 $0x98, s11;
	s0 =	sadd.s32 $0x313400, s0  }
0x9: {  	s8 =	smul.u32 $0x270, s11;
	p0 =	slt.u32 s11, $0x8;
	p1 =	slt.u32 s11, $0x2  }
0xa: {  	s26 =	sshll.u32 s11, $0x6;
	s29 =	sadd.s32 $0x2700, s9;
	_ =	strace $0x8000004A  }
0xb: {  	s3 =	smul.u32 $0x2710, s1;
	s1 =	ssub.s32 $0x2, s1;
	[dreg:$0x6] =	wrdreg s0  }
0xc: {  	[dreg:$0x9] =	wrdreg s29;
	s25 =	sshrl.u32 s1, $0x1;
	s5 =	sadd.s32 $0x40, s5  }
0xd: {  	s0 =	ssub.s32 s1, s25;
	s1 =	smul.u32 $0x278, s11;
	s5 =	smov.u32 @p0 s4  }
0xe: {  	[dreg:$0x5] =	wrdreg s12;
	s8 =	sadd.s32 $0x10, s8;
	s5 =	sshll.u32 s5, $0x7  }
0xf: {  	s0 =	smax.u32 s0, $0x1;
	s8 =	smov.u32 @p1 s1;
	[dreg:$0xa] =	wrdreg s5  }
0x10: {  	p1 =	seq.s32 s11, $0xF;
	[dreg:$0xd] =	wrdreg s0;
	s1 =	sshll.u32 s8, $0x7  }
0x11: {  	s28 =	sadd.s32 s3, s8;
	s13 =	sadd.s32 s1, s2;
	s1 =	sor.u32 $0x1C0B, s26  }
0x12: {  	s14 =	simm.s32 @!p1 $0x98;
	s4 =	sshll.u32 s28, $0x7;
	[dreg:$0x8] =	wrdreg s1  }
.Ltmp0:
0x13: {  	s14 =	simm.s32 @p0 $0xA0;
	[dreg:$0xb] =	wrdreg s4;
	(pc) =	sbr.rel .LBB2_1-.Ltmp0, $4  }
0x14: {  	p0 =	sgt.u32 s11, $0x1;
	s4 =	sadd.s32 $0x13800, s4;
	[dreg:$0x7] =	wrdreg s13  }
0x15: {  	s1 =	sadd.s32 $0x13800, s13;
	s31 =	sshrl.u32 s13, $0x3;
	[dreg:$0xc] =	wrdreg s4  }
0x16: {  	s30 =	simm.s32 $0x2;
	[dreg:$0xe] =	wrdreg s31;
	s0 =	sshrl.u32 @!p0 s1, $0x3  }
0x17: {  	v1 =	vimm.s32 $0x0;
	v2 =	vimm.s32 $0x2710;
	s25 =	simm.s32 $0x16F00;
	v0 =	vmov s3;
	s26 =	simm.s32 $0x16D00;
	[dreg:$0xf] =	wrdreg s0  }
.LBB2_26:
0x18: {  	s10 =	rddreg [dreg:$0x4]  }
0x19: {  	s0 =	rddreg [dreg:$0xd];
	s10 =	sadd.s32 $0x1, s10  }
0x1a: {  	p1 =	sne.s32 s10, s0  }
.Ltmp1:
0x1b: {  	_ = 	snop;
	(pc) =	sbr.rel @!p1 .LBB2_27-.Ltmp1, $1  }
0x1c: {  	_ =	sdelay $0x3  }
.LBB2_1:
0x1d: {  	[dreg:$0x4] =	wrdreg s10  }
0x1e: {  	s0 =	rddreg [dreg:$0x1]  }
0x1f: {  	s1 =	rddreg [dreg:$0x8]  }
0x20: {  	s3 =	rddreg [dreg:$0xe];
	s31 =	simm.s32 $0xB  }
0x21: {  	[spmem:s3], [sflag:s1] =	dma.local [hbm:s0], $0x2700  }
0x22: {  	_ =	swait.ge [sflag:s31], $0x2700  }
0x23: {  	[sflag:s31] =	ssyncset.done $0x0;
	s0 =	rddreg [dreg:$0x9]  }
0x24: {  	s3 =	rddreg [dreg:$0xf];
	[sflag:s31] =	ssyncadd.s32 $0xFFFFD900  }
0x25: {  	[spmem:s3], [sflag:s1] =	dma.local @!p0 [hbm:s0], $0x80  }
0x26: {  	s0 =	simm.s32 @!p0 $0xB  }
.Ltmp2:
0x27: {  	_ =	swait.ge @!p0 [sflag:s0], $0x80;
	(pc) =	sbr.rel .LBB2_2-.Ltmp2, $4  }
0x28: {  	[sflag:s0] =	ssyncset.done @!p0 $0x0  }
0x29: {  	[sflag:s0] =	ssyncadd.s32 @!p0 $0xFFFFFF80  }
0x2a: {  	[bflag:$0x0] =	sbarrier.arrive $0xFFFF  }
0x2b: {  	s20 =	simm.s32 $0x0  }
.LBB2_25:
0x2c: {  	[tilespmem:s15+$0x15C00] =	vst v1  }
0x2d: {  	[tilespmem:s15+$0x16480] =	vst v2  }
0x2e: {  	[tilespmem:s15+$0x15C10] =	vst v1  }
0x2f: {  	[tilespmem:s15+$0x16490] =	vst v2  }
0x30: {  	[tilespmem:s15+$0x15C20] =	vst v1;
	s0 =	smul.u32 $0x271000, s20  }
0x31: {  	[tilespmem:s15+$0x164A0] =	vst v2  }
0x32: {  	[tilespmem:s15+$0x15C30] =	vst v1;
	s12 =	rddreg [dreg:$0x5];
	s1 =	sshrl.u32 s0, $0x3  }
0x33: {  	[tilespmem:s15+$0x164B0] =	vst v2;
	s1 =	sadd.s32 s12, s1  }
0x34: {  	[tilespmem:s25], [sflag:$0x1] =	stream.indirect.gather [hbm4b:s1+s23], $0x80, s24, s23, $0xb8;
	[tilespmem:$0x1EF00] =	vst v63  }
0x35: {  	_ =	swait.ge [sflag:s22], $0x2000  }
0x36: {  	[sflag:s22] =	ssyncset.done $0x0  }
0x37: {  	[sflag:s22] =	ssyncadd.s32 $0xFFFFE000  }
0x38: {  	v3 =	vld [tilespmem:$0x16480]  }
0x39: {  	v4 =	vld [tilespmem:$0x16490]  }
0x3a: {  	v5 =	vld [tilespmem:$0x164A0]  }
0x3b: {  	v6 =	vld [tilespmem:$0x164B0];
	_ =	sdelay $0x1  }
0x3c: {  	[tilespmem:$0x16D00] =	vst v3  }
0x3d: {  	[tilespmem:$0x16D10] =	vst v4  }
0x3e: {  	[tilespmem:$0x16D20] =	vst v5  }
0x3f: {  	s3 =	simm.s32 $0x5;
	[tilespmem:$0x16D30] =	vst v6  }
0x40: {  	[spmem:s2] =	stream.indirect.scatter.add.f32 [tilespmem:s25], [sflag:$0x5], $0x80, s26, s23, $0xb8;
	[tilespmem:$0x1EF00] =	vst v63  }
0x41: {  	_ =	swait.ge [sflag:s3], $0x2000  }
0x42: {  	[sflag:s3] =	ssyncset.done $0x0  }
0x43: {  	[sflag:s3] =	ssyncadd.s32 $0xFFFFE000  }
0x44: {  	s28 =	rddreg [dreg:$0xb];
	[bflag:$0x0] =	sbarrier.arrive $0xFFFF  }
0x45: {  	s1 =	sadd.s32 s28, s0;
	s4 =	rddreg [dreg:$0x6]  }
0x46: {  	s1 =	sshrl.u32 s1, $0x3;
	s8 =	rddreg [dreg:$0x8]  }
0x47: {  	s31 =	simm.s32 $0xB;
	s29 =	rddreg [dreg:$0xe];
	s1 =	sadd.s32 s4, s1  }
0x48: {  	[hbm:s1], [sflag:s8] =	dma.local [spmem:s29], $0x2700  }
0x49: {  	_ =	swait.ge [sflag:s31], $0x2700  }
0x4a: {  	[sflag:s31] =	ssyncset.done $0x0  }
0x4b: {  	s5 =	rddreg [dreg:$0x7];
	[sflag:s31] =	ssyncadd.s32 $0xFFFFD900  }
0x4c: {  	s1 =	sshrl.u32 @p0 s5, $0x3;
	s3 =	rddreg [dreg:$0x1]  }
0x4d: {  	[spmem:s1], [sflag:s8] =	dma.local @p0 [hbm:s3], $0x2700  }
0x4e: {  	s1 =	simm.s32 @p0 $0xB  }
0x4f: {  	_ =	swait.ge @p0 [sflag:s1], $0x2700  }
0x50: {  	s9 =	rddreg [dreg:$0xc]  }
0x51: {  	s0 =	sadd.s32 @!p0 s9, s0  }
0x52: {  	[sflag:s1] =	ssyncset.done @p0 $0x0;
	s0 =	sshrl.u32 @!p0 s0, $0x3  }
0x53: {  	[sflag:s1] =	ssyncadd.s32 @p0 $0xFFFFD900;
	s0 =	sadd.s32 @!p0 s4, s0;
	s4 =	rddreg [dreg:$0xf]  }
0x54: {  	[hbm:s0], [sflag:s8] =	dma.local @!p0 [spmem:s4], $0x80  }
0x55: {  	s0 =	simm.s32 @!p0 $0xB  }
0x56: {  	_ =	swait.ge @!p0 [sflag:s0], $0x80  }
0x57: {  	[sflag:s0] =	ssyncset.done @!p0 $0x0  }
0x58: {  	s1 =	sshrl.u32 @!p0 s5, $0x3;
	[sflag:s0] =	ssyncadd.s32 @!p0 $0xFFFFFF80  }
0x59: {  	[spmem:s1], [sflag:s8] =	dma.local @!p0 [hbm:s3], $0x2700  }
0x5a: {  	_ =	swait.ge @!p0 [sflag:s0], $0x2700  }
0x5b: {  	s20 =	sadd.s32 $0x1, s20;
	[sflag:s0] =	ssyncset.done @!p0 $0x0  }
0x5c: {  	p1 =	sne.s32 s20, $0x8;
	s1 =	rddreg [dreg:$0x9];
	[sflag:s0] =	ssyncadd.s32 @!p0 $0xFFFFD900  }
0x5d: {  	[spmem:s4], [sflag:s8] =	dma.local @!p0 [hbm:s1], $0x80  }
.Ltmp3:
0x5e: {  	_ =	swait.ge @!p0 [sflag:s0], $0x80;
	(pc) =	sbr.rel @!p1 .LBB2_26-.Ltmp3, $3  }
0x5f: {  	[sflag:s0] =	ssyncset.done @!p0 $0x0  }
0x60: {  	[sflag:s0] =	ssyncadd.s32 @!p0 $0xFFFFFF80  }
0x61: {  	[bflag:$0x0] =	sbarrier.arrive $0xFFFF;
	_ =	sdelay $0x1  }
.LBB2_2:
0x62: {  	s0 =	smul.u32 $0x50000, s20  }
0x63: {  	s1 =	rddreg [dreg:$0xa];
	s4 =	simm.s32 $0x13C00  }
0x64: {  	s29 =	simm.s32 $0x14C00;
	s31 =	smul.u32 $0x4E200, s20;
	s21 =	sadd.s32 s1, s0  }
.Ltmp4:
0x65: {  	p1 =	por $0x0, $0x0;
	s0 =	sshrl.u32 s21, $0x3;
	(pc) =	sbr.rel .LBB2_3-.Ltmp4, $4  }
0x66: {  	s9 =	smov.u32 s14;
	s1 =	simm.s32 $0x0;
	s3 =	sadd.s32 s6, s0  }
0x67: {  	[tilespmem:s4], [sflag:$0x9] =	stream.linear.gather [hbm4b:s3+s1], $0x800, $0x38;
	[tilespmem:$0x1EF00] =	vst v63  }
0x68: {  	s15 =	simm.s32 $0x0;
	s13 =	sadd.s32 s12, s31;
	s0 =	sadd.s32 s7, s0  }
0x69: {  	[tilespmem:s29], [sflag:$0x9] =	stream.linear.gather [hbm4b:s0+s1], $0x800, $0x38;
	[tilespmem:$0x1EF00] =	vst v63  }
.LBB2_17:
0x6a: {  	_ = 	snop  }
.LBB2_22:
0x6b: {  	p3 =	por p5, !p3;
	s17 =	sadd.s32 $0x1, s11  }
0x6c: {  	[tilespmem:s31], [sflag:s29] =	stream.indirect.gather @!p3 [hbm4b:s13+s0], $0x80, s19, s0, $0xb8;
	[tilespmem:$0x1EF00] =	vst v63  }
0x6d: {  	_ =	swait.ge [sflag:s17], $0x2000  }
0x6e: {  	[sflag:s17] =	ssyncset.done $0x0  }
0x6f: {  	[sflag:s17] =	ssyncadd.s32 $0xFFFFE000  }
0x70: {  	v3 =	vld [tilespmem:s3+$0xFFFFFFD0];
	_ =	sdelay $0x3  }
0x71: {  	s18 =	sshll.u32 s11, $0x7  }
0x72: {  	[tilespmem:s18+$0x16D00] =	vst v3  }
0x73: {  	v3 =	vld [tilespmem:s3+$0xFFFFFFE0];
	_ =	sdelay $0x4  }
0x74: {  	[tilespmem:s18+$0x16D10] =	vst v3  }
0x75: {  	v3 =	vld [tilespmem:s3+$0xFFFFFFF0];
	_ =	sdelay $0x4  }
0x76: {  	[tilespmem:s18+$0x16D20] =	vst v3  }
0x77: {  	v3 =	vld [tilespmem:s3+$0x0];
	_ =	sdelay $0x3  }
0x78: {  	s5 =	sadd.s32 $0x5, s28;
	s8 =	sadd.s32 $0x2, s10;
	s19 =	sadd.s32 $0x5, s11  }
0x79: {  	s29 =	sadd.s32 $0x16D00, s18;
	s31 =	sadd.s32 $0x16F00, s16;
	p3 =	sge.s32 s8, s12;
	[tilespmem:s18+$0x16D30] =	vst v3  }
0x7a: {  	[spmem:s2] =	stream.indirect.scatter.add.f32 [tilespmem:s31], [sflag:s19], $0x80, s29, s23, $0xb8;
	[tilespmem:$0x1EF00] =	vst v63  }
0x7b: {  	s0 =	sand.u32 @!p3 $0x3, s8;
	_ =	swait.ge [sflag:s5], $0x2000  }
0x7c: {  	s3 =	sshll.u32 @!p3 s0, $0xD;
	s0 =	sadd.s32 @!p3 $0x1, s0;
	[sflag:s5] =	ssyncset.done $0x0  }
0x7d: {  	s3 =	sadd.s32 @!p3 $0x16F00, s3;
	[sflag:s5] =	ssyncadd.s32 $0xFFFFE000;
	s5 =	simm.s32 @!p3 $0x40  }
0x7e: {  	[tilespmem:s3], [sflag:s0] =	stream.indirect.gather @!p3 [hbm4b:s13+s5], $0x80, s4, s5, $0xb8;
	[tilespmem:$0x1EF00] =	vst v63  }
.LBB2_23:
0x7f: {  	s0 =	sadd.s32 $0xFFFFFFFF, s12  }
0x80: {  	s0 =	sand.u32 $0x3, s0  }
0x81: {  	s0 =	sadd.s32 $0x5, s0  }
0x82: {  	s3 =	sand.u32 @!p2 $0x3, s12;
	_ =	swait.ge [sflag:s0], $0x2000  }
0x83: {  	s3 =	sxor.u32 @!p2 $0x2, s3;
	[sflag:s0] =	ssyncset.done $0x0  }
0x84: {  	[sflag:s0] =	ssyncadd.s32 $0xFFFFE000;
	s0 =	sadd.s32 @!p2 $0x5, s3  }
0x85: {  	_ =	swait.ge @!p2 [sflag:s0], $0x2000  }
0x86: {  	[sflag:s0] =	ssyncset.done @!p2 $0x0  }
0x87: {  	[sflag:s0] =	ssyncadd.s32 @!p2 $0xFFFFE000  }
.LBB2_24:
0x88: {  	s0 =	sshll.u32 s12, $0x6  }
0x89: {  	v3 =	vld [tilespmem:s0+$0x15C00]  }
0x8a: {  	v4 =	vld [tilespmem:s0+$0x16480];
	_ =	sdelay $0x3  }
0x8b: {  	[tilespmem:$0x15C00] =	vst v3  }
0x8c: {  	[tilespmem:$0x16480] =	vst v4  }
0x8d: {  	v3 =	vld [tilespmem:s0+$0x15C10]  }
0x8e: {  	v4 =	vld [tilespmem:s0+$0x16490];
	_ =	sdelay $0x3  }
0x8f: {  	[tilespmem:$0x15C10] =	vst v3  }
0x90: {  	[tilespmem:$0x16490] =	vst v4  }
0x91: {  	v3 =	vld [tilespmem:s0+$0x15C20]  }
0x92: {  	v4 =	vld [tilespmem:s0+$0x164A0];
	_ =	sdelay $0x3  }
0x93: {  	[tilespmem:$0x15C20] =	vst v3  }
0x94: {  	[tilespmem:$0x164A0] =	vst v4  }
0x95: {  	v3 =	vld [tilespmem:s0+$0x15C30]  }
0x96: {  	p2 =	sne.s32 s1, $0xA;
	v4 =	vld [tilespmem:s0+$0x164B0]  }
.Ltmp5:
0x97: {  	_ = 	snop;
	(pc) =	sbr.rel @!p2 .LBB2_25-.Ltmp5, $3  }
0x98: {  	_ =	sdelay $0x1  }
0x99: {  	[tilespmem:$0x15C30] =	vst v3  }
0x9a: {  	s9 =	sadd.s32 $0xFFFFFFF0, s9;
	p1 =	por !p1, !p1;
	s15 =	ssub.s32 s15, s0;
	[tilespmem:$0x164B0] =	vst v4  }
.LBB2_3:
0x9b: {  	s0 =	smov.u32 s1  }
0x9c: {  	s1 =	sadd.s32 $0x1, s1;
	p2 =	seq.s32 s0, $0x9  }
0x9d: {  	s29 =	sand.u32 $0x1, s0;
	s3 =	sshll.u32 @!p2 s1, $0xB  }
0x9e: {  	s0 =	sshll.u32 s0, $0x4;
	s4 =	sand.u32 @!p2 $0x1, s1;
	s3 =	sadd.s32 @!p2 s3, s21  }
0x9f: {  	s5 =	sadd.s32 @!p2 $0x9, s4;
	s4 =	sshll.u32 @!p2 s4, $0xB;
	s3 =	sshrl.u32 @!p2 s3, $0x3  }
0xa0: {  	s11 =	simm.s32 @!p2 $0x0;
	s8 =	sadd.s32 @!p2 $0x13C00, s4;
	s10 =	sadd.s32 @!p2 s6, s3  }
0xa1: {  	[tilespmem:s8], [sflag:s5] =	stream.linear.gather @!p2 [hbm4b:s10+s11], $0x800, $0x38;
	[tilespmem:$0x1EF00] =	vst v63  }
0xa2: {  	s31 =	sadd.s32 $0x9, s29;
	s4 =	sadd.s32 @!p2 $0x14C00, s4;
	s3 =	sadd.s32 @!p2 s7, s3  }
0xa3: {  	[tilespmem:s4], [sflag:s5] =	stream.linear.gather @!p2 [hbm4b:s3+s11], $0x800, $0x38;
	[tilespmem:$0x1EF00] =	vst v63  }
0xa4: {  	p2 =	sle.u32 s14, s0;
	_ =	swait.ge [sflag:s31], $0x800  }
.Ltmp6:
0xa5: {  	[sflag:s31] =	ssyncset.done $0x0;
	(pc) =	sbr.rel @p2 .LBB2_9-.Ltmp6, $4  }
0xa6: {  	[sflag:s31] =	ssyncadd.s32 $0xFFFFF800  }
0xa7: {  	_ =	swait.ge [sflag:s31], $0x800  }
0xa8: {  	[sflag:s31] =	ssyncset.done $0x0  }
0xa9: {  	[sflag:s31] =	ssyncadd.s32 $0xFFFFF800  }
0xaa: {  	s0 =	simm.s32 $0x1  }
0xab: {  	p2 =	sgt.s32 s9, $0x1;
	s3 =	smov.u32 s9;
	s0 =	simm.s32 @!p1 $0x0  }
0xac: {  	s3 =	simm.s32 @!p2 $0x1;
	s0 =	sshll.u32 s0, $0xB  }
0xad: {  	s3 =	smin.u32 s3, $0x10;
	s17 =	sadd.s32 $0x14C40, s0  }
0xae: {  	p3 =	sne.s32 s3, $0x1;
	v3 =	vld [tilespmem:s17+$0xFFFFFFC0]  }
.Ltmp7:
0xaf: {  	_ = 	snop;
	(pc) =	sbr.rel @!p3 .LBB2_5-.Ltmp7, $3  }
0xb0: {  	_ =	sdelay $0x1  }
0xb1: {  	s12 =	sadd.s32 $0x13C40, s0  }
0xb2: {  	p2 =	por $0x0, $0x0;
	s3 =	sadd.s32 $0xFFFFFFFF, s3;
	v4 =	vld [tilespmem:s12+$0xFFFFFFC0];
	v3 =	vsub.s32 v3, v0  }
0xb3: {  	_ =	sdelay $0x2  }
0xb4: {  	vm0 =	vlt.u32 v3, $0x2710  }
0xb5: {  	[tilespmem:s15+$0x15C00] =	vst.msk vm0, v4;
	v4 =	vsel vm0, $0x1, v1  }
0xb6: {  	[tilespmem:s15+$0x16480] =	vst.msk vm0, v3;
	(xrf0) =	vadd.scan.msk.s32 $0xffff, v4  }
0xb7: {  	v3 =	vld [tilespmem:s17+$0xFFFFFFD0];
	_ =	sdelay $0x4  }
0xb8: {  	v3 =	vsub.s32 v3, v0;
	v4, _, _ =	vpop (xrf0)  }
0xb9: {  	vm9 =	vlt.u32 v3, $0x2710;
	(v2sf) =	vpush v4, $0xF  }
0xba: {  	v4 =	vsel vm9, $0x1, v1  }
0xbb: {  	(xrf0) =	vadd.scan.msk.s32 $0xffff, v4;
	_ =	sdelay $0x5  }
0xbc: {  	v4, _, _ =	vpop (xrf0)  }
0xbd: {  	(v2sf) =	vpush v4, $0xF;
	_ =	sdelay $0x2  }
0xbe: {  	v4 =	vld [tilespmem:s12+$0xFFFFFFD0];
	_ =	sdelay $0x2  }
0xbf: {  	s0 =	spop (v2sf)  }
0xc0: {  	s0 =	sadd.s32 s15, s0  }
0xc1: {  	[tilespmem:s0+$0x15C00] =	vst.msk vm9, v4  }
0xc2: {  	[tilespmem:s0+$0x16480] =	vst.msk vm9, v3  }
0xc3: {  	v3 =	vld [tilespmem:s17+$0xFFFFFFE0];
	_ =	sdelay $0x1  }
0xc4: {  	v4 =	vld [tilespmem:s12+$0xFFFFFFE0];
	_ =	sdelay $0x2  }
0xc5: {  	v3 =	vsub.s32 v3, v0;
	s4 =	spop (v2sf)  }
0xc6: {  	s0 =	sadd.s32 s0, s4;
	vm10 =	vlt.u32 v3, $0x2710  }
0xc7: {  	[tilespmem:s0+$0x15C00] =	vst.msk vm10, v4;
	v4 =	vsel vm10, $0x1, v1  }
0xc8: {  	[tilespmem:s0+$0x16480] =	vst.msk vm10, v3;
	(xrf0) =	vadd.scan.msk.s32 $0xffff, v4  }
0xc9: {  	v3 =	vld [tilespmem:s17+$0xFFFFFFF0];
	_ =	sdelay $0x4  }
0xca: {  	v3 =	vsub.s32 v3, v0;
	v4, _, _ =	vpop (xrf0)  }
0xcb: {  	vm11 =	vlt.u32 v3, $0x2710;
	(v2sf) =	vpush v4, $0xF  }
0xcc: {  	v4 =	vsel vm11, $0x1, v1  }
0xcd: {  	(xrf0) =	vadd.scan.msk.s32 $0xffff, v4;
	_ =	sdelay $0x5  }
0xce: {  	v4, _, _ =	vpop (xrf0)  }
0xcf: {  	(v2sf) =	vpush v4, $0xF;
	_ =	sdelay $0x2  }
0xd0: {  	v4 =	vld [tilespmem:s12+$0xFFFFFFF0];
	_ =	sdelay $0x2  }
0xd1: {  	s18 =	spop (v2sf)  }
0xd2: {  	s0 =	sadd.s32 s0, s18  }
0xd3: {  	[tilespmem:s0+$0x15C00] =	vst.msk vm11, v4  }
0xd4: {  	[tilespmem:s0+$0x16480] =	vst.msk vm11, v3  }
0xd5: {  	v3 =	vld [tilespmem:s17+$0x0];
	_ =	sdelay $0x1  }
0xd6: {  	v4 =	vld [tilespmem:s12+$0x0];
	_ =	sdelay $0x2  }
0xd7: {  	v3 =	vsub.s32 v3, v0;
	s19 =	spop (v2sf)  }
0xd8: {  	s0 =	sadd.s32 s0, s19;
	vm12 =	vlt.u32 v3, $0x2710  }
0xd9: {  	[tilespmem:s0+$0x15C00] =	vst.msk vm12, v4;
	v4 =	vsel vm12, $0x1, v1  }
0xda: {  	[tilespmem:s0+$0x16480] =	vst.msk vm12, v3;
	(xrf0) =	vadd.scan.msk.s32 $0xffff, v4  }
0xdb: {  	v3 =	vld [tilespmem:s17+$0x10];
	_ =	sdelay $0x4  }
0xdc: {  	v3 =	vsub.s32 v3, v0;
	v4, _, _ =	vpop (xrf0)  }
0xdd: {  	vm13 =	vlt.u32 v3, $0x2710;
	(v2sf) =	vpush v4, $0xF  }
0xde: {  	v4 =	vsel vm13, $0x1, v1  }
0xdf: {  	(xrf0) =	vadd.scan.msk.s32 $0xffff, v4;
	_ =	sdelay $0x5  }
0xe0: {  	v4, _, _ =	vpop (xrf0)  }
0xe1: {  	(v2sf) =	vpush v4, $0xF;
	_ =	sdelay $0x2  }
0xe2: {  	v4 =	vld [tilespmem:s12+$0x10];
	_ =	sdelay $0x2  }
0xe3: {  	s28 =	spop (v2sf)  }
0xe4: {  	s0 =	sadd.s32 s0, s28  }
0xe5: {  	[tilespmem:s0+$0x15C00] =	vst.msk vm13, v4  }
0xe6: {  	[tilespmem:s0+$0x16480] =	vst.msk vm13, v3  }
0xe7: {  	v3 =	vld [tilespmem:s17+$0x20];
	_ =	sdelay $0x1  }
0xe8: {  	v4 =	vld [tilespmem:s12+$0x20];
	_ =	sdelay $0x2  }
0xe9: {  	v3 =	vsub.s32 v3, v0;
	s29 =	spop (v2sf)  }
0xea: {  	s0 =	sadd.s32 s0, s29;
	vm14 =	vlt.u32 v3, $0x2710  }
0xeb: {  	[tilespmem:s0+$0x15C00] =	vst.msk vm14, v4;
	v4 =	vsel vm14, $0x1, v1  }
0xec: {  	[tilespmem:s0+$0x16480] =	vst.msk vm14, v3;
	(xrf0) =	vadd.scan.msk.s32 $0xffff, v4  }
0xed: {  	v3 =	vld [tilespmem:s17+$0x30];
	_ =	sdelay $0x4  }
0xee: {  	v3 =	vsub.s32 v3, v0;
	v4, _, _ =	vpop (xrf0)  }
0xef: {  	vm15 =	vlt.u32 v3, $0x2710;
	(v2sf) =	vpush v4, $0xF  }
0xf0: {  	v4 =	vsel vm15, $0x1, v1  }
0xf1: {  	(xrf0) =	vadd.scan.msk.s32 $0xffff, v4;
	_ =	sdelay $0x5  }
0xf2: {  	v4, _, _ =	vpop (xrf0)  }
0xf3: {  	(v2sf) =	vpush v4, $0xF;
	_ =	sdelay $0x2  }
0xf4: {  	v4 =	vld [tilespmem:s12+$0x30];
	_ =	sdelay $0x2  }
0xf5: {  	s31 =	spop (v2sf)  }
0xf6: {  	s4 =	sadd.s32 s0, s31  }
0xf7: {  	[tilespmem:s4+$0x15C00] =	vst.msk vm15, v4  }
0xf8: {  	s17 =	sadd.s32 $0x80, s17;
	[tilespmem:s4+$0x16480] =	vst.msk vm15, v3  }
0xf9: {  	p3 =	sne.s32 s3, $0x1;
	v3 =	vld [tilespmem:s17+$0xFFFFFFC0]  }
.Ltmp8:
0xfa: {  	s12 =	sadd.s32 $0x80, s12;
	(pc) =	sbr.rel @!p3 .LBB2_8-.Ltmp8, $2  }
0xfb: {  	v4 =	vld [tilespmem:s12+$0xFFFFFFC0];
	_ =	sdelay $0x2  }
0xfc: {  	s3 =	sadd.s32 $0xFFFFFFFF, s3;
	p2 =	por $0x1, $0x1;
	v3 =	vsub.s32 v3, v0;
	s0 =	spop (v2sf)  }
.LBB2_7:
0xfd: {  	p3 =	sne.s32 s3, $0x1;
	s3 =	sadd.s32 $0xFFFFFFFF, s3;
	vm0 =	vlt.u32 v3, $0x2710;
	s0 =	sadd.s32 s4, s0  }
0xfe: {  	[tilespmem:s0+$0x15C00] =	vst.msk vm0, v4;
	v4 =	vsel vm0, $0x1, v1  }
0xff: {  	[tilespmem:s0+$0x16480] =	vst.msk vm0, v3;
	(xrf0) =	vadd.scan.msk.s32 $0xffff, v4  }
0x100: {  	v3 =	vld [tilespmem:s17+$0xFFFFFFD0];
	_ =	sdelay $0x4  }
0x101: {  	v3 =	vsub.s32 v3, v0;
	v4, _, _ =	vpop (xrf0)  }
0x102: {  	vm0 =	vlt.u32 v3, $0x2710;
	(v2sf) =	vpush v4, $0xF  }
0x103: {  	v4 =	vsel vm0, $0x1, v1  }
0x104: {  	(xrf0) =	vadd.scan.msk.s32 $0xffff, v4;
	_ =	sdelay $0x5  }
0x105: {  	v4, _, _ =	vpop (xrf0)  }
0x106: {  	(v2sf) =	vpush v4, $0xF;
	_ =	sdelay $0x2  }
0x107: {  	v4 =	vld [tilespmem:s12+$0xFFFFFFD0];
	_ =	sdelay $0x2  }
0x108: {  	s4 =	spop (v2sf)  }
0x109: {  	s0 =	sadd.s32 s0, s4  }
0x10a: {  	[tilespmem:s0+$0x15C00] =	vst.msk vm0, v4  }
0x10b: {  	[tilespmem:s0+$0x16480] =	vst.msk vm0, v3  }
0x10c: {  	v3 =	vld [tilespmem:s17+$0xFFFFFFE0];
	_ =	sdelay $0x1  }
0x10d: {  	v4 =	vld [tilespmem:s12+$0xFFFFFFE0];
	_ =	sdelay $0x2  }
0x10e: {  	v3 =	vsub.s32 v3, v0;
	s4 =	spop (v2sf)  }
0x10f: {  	s0 =	sadd.s32 s0, s4;
	vm0 =	vlt.u32 v3, $0x2710  }
0x110: {  	[tilespmem:s0+$0x15C00] =	vst.msk vm0, v4;
	v4 =	vsel vm0, $0x1, v1  }
0x111: {  	[tilespmem:s0+$0x16480] =	vst.msk vm0, v3;
	(xrf0) =	vadd.scan.msk.s32 $0xffff, v4  }
0x112: {  	v3 =	vld [tilespmem:s17+$0xFFFFFFF0];
	_ =	sdelay $0x4  }
0x113: {  	v3 =	vsub.s32 v3, v0;
	v4, _, _ =	vpop (xrf0)  }
0x114: {  	vm0 =	vlt.u32 v3, $0x2710;
	(v2sf) =	vpush v4, $0xF  }
0x115: {  	v4 =	vsel vm0, $0x1, v1  }
0x116: {  	(xrf0) =	vadd.scan.msk.s32 $0xffff, v4;
	_ =	sdelay $0x5  }
0x117: {  	v4, _, _ =	vpop (xrf0)  }
0x118: {  	(v2sf) =	vpush v4, $0xF;
	_ =	sdelay $0x2  }
0x119: {  	v4 =	vld [tilespmem:s12+$0xFFFFFFF0];
	_ =	sdelay $0x2  }
0x11a: {  	s4 =	spop (v2sf)  }
0x11b: {  	s0 =	sadd.s32 s0, s4  }
0x11c: {  	[tilespmem:s0+$0x15C00] =	vst.msk vm0, v4  }
0x11d: {  	[tilespmem:s0+$0x16480] =	vst.msk vm0, v3  }
0x11e: {  	v3 =	vld [tilespmem:s17+$0x0];
	_ =	sdelay $0x1  }
0x11f: {  	v4 =	vld [tilespmem:s12+$0x0];
	_ =	sdelay $0x2  }
0x120: {  	v3 =	vsub.s32 v3, v0;
	s4 =	spop (v2sf)  }
0x121: {  	s0 =	sadd.s32 s0, s4;
	vm0 =	vlt.u32 v3, $0x2710  }
0x122: {  	[tilespmem:s0+$0x15C00] =	vst.msk vm0, v4;
	v4 =	vsel vm0, $0x1, v1  }
0x123: {  	[tilespmem:s0+$0x16480] =	vst.msk vm0, v3;
	(xrf0) =	vadd.scan.msk.s32 $0xffff, v4  }
0x124: {  	v3 =	vld [tilespmem:s17+$0x10]  }
0x125: {  	v4 =	vld [tilespmem:s12+$0x10];
	_ =	sdelay $0x3  }
0x126: {  	v3 =	vsub.s32 v3, v0;
	v5, _, _ =	vpop (xrf0)  }
0x127: {  	vm0 =	vlt.u32 v3, $0x2710;
	(v2sf) =	vpush v5, $0xF  }
0x128: {  	v5 =	vsel vm0, $0x1, v1  }
0x129: {  	(xrf0) =	vadd.scan.msk.s32 $0xffff, v5;
	_ =	sdelay $0x5  }
0x12a: {  	v5, _, _ =	vpop (xrf0)  }
0x12b: {  	(v2sf) =	vpush v5, $0xF;
	_ =	sdelay $0x5  }
0x12c: {  	s4 =	spop (v2sf)  }
0x12d: {  	s0 =	sadd.s32 s0, s4  }
0x12e: {  	[tilespmem:s0+$0x15C00] =	vst.msk vm0, v4  }
0x12f: {  	[tilespmem:s0+$0x16480] =	vst.msk vm0, v3  }
0x130: {  	v3 =	vld [tilespmem:s17+$0x20]  }
0x131: {  	v4 =	vld [tilespmem:s12+$0x20];
	_ =	sdelay $0x3  }
0x132: {  	v3 =	vsub.s32 v3, v0;
	s4 =	spop (v2sf)  }
0x133: {  	s0 =	sadd.s32 s0, s4;
	vm0 =	vlt.u32 v3, $0x2710  }
0x134: {  	[tilespmem:s0+$0x15C00] =	vst.msk vm0, v4;
	v4 =	vsel vm0, $0x1, v1  }
0x135: {  	[tilespmem:s0+$0x16480] =	vst.msk vm0, v3;
	(xrf0) =	vadd.scan.msk.s32 $0xffff, v4  }
0x136: {  	v3 =	vld [tilespmem:s17+$0x30]  }
0x137: {  	v4 =	vld [tilespmem:s12+$0x30];
	_ =	sdelay $0x3  }
0x138: {  	v3 =	vsub.s32 v3, v0;
	v5, _, _ =	vpop (xrf0)  }
0x139: {  	vm0 =	vlt.u32 v3, $0x2710;
	(v2sf) =	vpush v5, $0xF  }
0x13a: {  	v5 =	vsel vm0, $0x1, v1  }
0x13b: {  	(xrf0) =	vadd.scan.msk.s32 $0xffff, v5;
	_ =	sdelay $0x5  }
0x13c: {  	v5, _, _ =	vpop (xrf0)  }
0x13d: {  	(v2sf) =	vpush v5, $0xF;
	_ =	sdelay $0x5  }
0x13e: {  	s4 =	spop (v2sf)  }
0x13f: {  	s4 =	sadd.s32 s0, s4  }
0x140: {  	[tilespmem:s4+$0x15C00] =	vst.msk vm0, v4  }
0x141: {  	s17 =	sadd.s32 $0x80, s17;
	[tilespmem:s4+$0x16480] =	vst.msk vm0, v3  }
0x142: {  	v3 =	vld [tilespmem:s17+$0xFFFFFFC0]  }
.Ltmp9:
0x143: {  	s12 =	sadd.s32 $0x80, s12;
	(pc) =	sbr.rel @p3 .LBB2_7-.Ltmp9, $2  }
0x144: {  	v4 =	vld [tilespmem:s12+$0xFFFFFFC0];
	_ =	sdelay $0x2  }
0x145: {  	v3 =	vsub.s32 v3, v0;
	s0 =	spop (v2sf)  }
.LBB2_8:
0x146: {  	s0 =	sadd.s32 @p2 s4, s0  }
0x147: {  	vm0 =	vlt.u32 v3, $0x2710;
	s15 =	smov.u32 @p2 s0  }
0x148: {  	v50 =	vsel vm0, $0x1, v1;
	[tilespmem:s15+$0x15C00] =	vst.msk vm0, v4  }
0x149: {  	(xrf0) =	vadd.scan.msk.s32 $0xffff, v50;
	[tilespmem:s15+$0x16480] =	vst.msk vm0, v3  }
0x14a: {  	v3 =	vld [tilespmem:s17+$0xFFFFFFD0];
	_ =	sdelay $0x4  }
0x14b: {  	v4, _, _ =	vpop (xrf0);
	v3 =	vsub.s32 v3, v0  }
0x14c: {  	(v2sf) =	vpush v4, $0xF;
	vm9 =	vlt.u32 v3, $0x2710  }
0x14d: {  	v51 =	vsel vm9, $0x1, v1  }
0x14e: {  	(xrf0) =	vadd.scan.msk.s32 $0xffff, v51;
	_ =	sdelay $0x5  }
0x14f: {  	v4, _, _ =	vpop (xrf0)  }
0x150: {  	(v2sf) =	vpush v4, $0xF;
	_ =	sdelay $0x2  }
0x151: {  	v52 =	vld [tilespmem:s12+$0xFFFFFFD0];
	_ =	sdelay $0x2  }
0x152: {  	s11 =	spop (v2sf)  }
0x153: {  	s0 =	sadd.s32 s15, s11  }
0x154: {  	[tilespmem:s0+$0x15C00] =	vst.msk vm9, v52  }
0x155: {  	[tilespmem:s0+$0x16480] =	vst.msk vm9, v3  }
0x156: {  	v3 =	vld [tilespmem:s17+$0xFFFFFFE0];
	_ =	sdelay $0x1  }
0x157: {  	v4 =	vld [tilespmem:s12+$0xFFFFFFE0];
	_ =	sdelay $0x2  }
0x158: {  	v3 =	vsub.s32 v3, v0;
	s3 =	spop (v2sf)  }
0x159: {  	vm10 =	vlt.u32 v3, $0x2710;
	s0 =	sadd.s32 s0, s3  }
0x15a: {  	v53 =	vsel vm10, $0x1, v1;
	[tilespmem:s0+$0x15C00] =	vst.msk vm10, v4  }
0x15b: {  	(xrf0) =	vadd.scan.msk.s32 $0xffff, v53;
	[tilespmem:s0+$0x16480] =	vst.msk vm10, v3  }
0x15c: {  	v3 =	vld [tilespmem:s17+$0xFFFFFFF0];
	_ =	sdelay $0x4  }
0x15d: {  	v4, _, _ =	vpop (xrf0);
	v3 =	vsub.s32 v3, v0  }
0x15e: {  	(v2sf) =	vpush v4, $0xF;
	vm11 =	vlt.u32 v3, $0x2710  }
0x15f: {  	v54 =	vsel vm11, $0x1, v1  }
0x160: {  	(xrf0) =	vadd.scan.msk.s32 $0xffff, v54;
	_ =	sdelay $0x5  }
0x161: {  	v4, _, _ =	vpop (xrf0)  }
0x162: {  	(v2sf) =	vpush v4, $0xF;
	_ =	sdelay $0x2  }
0x163: {  	v55 =	vld [tilespmem:s12+$0xFFFFFFF0];
	_ =	sdelay $0x2  }
0x164: {  	s16 =	spop (v2sf)  }
0x165: {  	s0 =	sadd.s32 s0, s16  }
0x166: {  	[tilespmem:s0+$0x15C00] =	vst.msk vm11, v55  }
0x167: {  	[tilespmem:s0+$0x16480] =	vst.msk vm11, v3  }
0x168: {  	v3 =	vld [tilespmem:s17+$0x0];
	_ =	sdelay $0x1  }
0x169: {  	v4 =	vld [tilespmem:s12+$0x0];
	_ =	sdelay $0x2  }
0x16a: {  	v3 =	vsub.s32 v3, v0;
	s18 =	spop (v2sf)  }
0x16b: {  	vm12 =	vlt.u32 v3, $0x2710;
	s0 =	sadd.s32 s0, s18  }
0x16c: {  	v56 =	vsel vm12, $0x1, v1;
	[tilespmem:s0+$0x15C00] =	vst.msk vm12, v4  }
0x16d: {  	(xrf0) =	vadd.scan.msk.s32 $0xffff, v56;
	[tilespmem:s0+$0x16480] =	vst.msk vm12, v3  }
0x16e: {  	v3 =	vld [tilespmem:s17+$0x10];
	_ =	sdelay $0x4  }
0x16f: {  	v4, _, _ =	vpop (xrf0);
	v3 =	vsub.s32 v3, v0  }
0x170: {  	(v2sf) =	vpush v4, $0xF;
	vm13 =	vlt.u32 v3, $0x2710  }
0x171: {  	v57 =	vsel vm13, $0x1, v1  }
0x172: {  	(xrf0) =	vadd.scan.msk.s32 $0xffff, v57;
	_ =	sdelay $0x5  }
0x173: {  	v4, _, _ =	vpop (xrf0)  }
0x174: {  	(v2sf) =	vpush v4, $0xF;
	_ =	sdelay $0x2  }
0x175: {  	v58 =	vld [tilespmem:s12+$0x10];
	_ =	sdelay $0x2  }
0x176: {  	s19 =	spop (v2sf)  }
0x177: {  	s0 =	sadd.s32 s0, s19  }
0x178: {  	[tilespmem:s0+$0x15C00] =	vst.msk vm13, v58  }
0x179: {  	[tilespmem:s0+$0x16480] =	vst.msk vm13, v3  }
0x17a: {  	v3 =	vld [tilespmem:s17+$0x20];
	_ =	sdelay $0x1  }
0x17b: {  	v4 =	vld [tilespmem:s12+$0x20];
	_ =	sdelay $0x2  }
0x17c: {  	v3 =	vsub.s32 v3, v0;
	s28 =	spop (v2sf)  }
0x17d: {  	vm14 =	vlt.u32 v3, $0x2710;
	s0 =	sadd.s32 s0, s28  }
0x17e: {  	[tilespmem:s0+$0x15C00] =	vst.msk vm14, v4  }
0x17f: {  	[tilespmem:s0+$0x16480] =	vst.msk vm14, v3  }
0x180: {  	v3 =	vld [tilespmem:s17+$0x30];
	_ =	sdelay $0x4  }
0x181: {  	v59 =	vsel vm14, $0x1, v1;
	v3 =	vsub.s32 v3, v0  }
0x182: {  	(xrf0) =	vadd.scan.msk.s32 $0xffff, v59;
	vm15 =	vlt.u32 v3, $0x2710  }
0x183: {  	v60 =	vsel vm15, $0x1, v1  }
0x184: {  	(xrf0) =	vadd.scan.msk.s32 $0xffff, v60;
	_ =	sdelay $0x3  }
0x185: {  	v61, _, _ =	vpop (xrf0)  }
0x186: {  	(v2sf) =	vpush v61, $0xF  }
0x187: {  	v62, _, _ =	vpop (xrf0)  }
0x188: {  	(v2sf) =	vpush v62, $0xF;
	_ =	sdelay $0x9  }
0x189: {  	v63 =	vld [tilespmem:s12+$0x30];
	_ =	sdelay $0x2  }
0x18a: {  	s29 =	spop (v2sf)  }
0x18b: {  	s0 =	sadd.s32 s0, s29  }
0x18c: {  	[tilespmem:s0+$0x15C00] =	vst.msk vm15, v63;
	s31 =	spop (v2sf)  }
0x18d: {  	[tilespmem:s0+$0x16480] =	vst.msk vm15, v3;
	s15 =	sadd.s32 s0, s31  }
.LBB2_9:
0x18e: {  	s0 =	sand.u32 $0x3F, s15  }
0x18f: {  	s3 =	sshra.s32 s15, $0x1F;
	p2 =	slt.s32 s15, $0x1;
	p3 =	sne.s32 s0, $0x0  }
0x190: {  	s31 =	sshrl.u32 s3, $0x1A;
	p2 =	por !p2, !p3  }
0x191: {  	s3 =	simm.s32 $0x1;
	s0 =	sadd.s32 s31, s15;
	p2 =	por !p2, !p2  }
0x192: {  	s0 =	sshra.s32 s0, $0x6;
	s3 =	simm.s32 @!p2 $0x0  }
0x193: {  	s12 =	ssub.s32 s0, s3  }
0x194: {  	p2 =	slt.s32 s12, $0x1  }
.Ltmp10:
0x195: {  	_ = 	snop;
	(pc) =	sbr.rel @p2 .LBB2_24-.Ltmp10, $1  }
0x196: {  	_ =	sdelay $0x3  }
0x197: {  	[tilespmem:s25], [sflag:$0x1] =	stream.indirect.gather [hbm4b:s13+s23], $0x80, s24, s23, $0xb8;
	[tilespmem:$0x1EF00] =	vst v63  }
0x198: {  	p2 =	seq.s32 s12, $0x1  }
0x199: {  	s0 =	simm.s32 @!p2 $0x40;
	s3 =	simm.s32 @!p2 $0x15C40;
	s4 =	simm.s32 @!p2 $0x18F00  }
0x19a: {  	[tilespmem:s4], [sflag:$0x2] =	stream.indirect.gather @!p2 [hbm4b:s13+s0], $0x80, s3, s0, $0xb8;
	[tilespmem:$0x1EF00] =	vst v63  }
0x19b: {  	_ =	swait.ge [sflag:s22], $0x2000  }
0x19c: {  	[sflag:s22] =	ssyncset.done $0x0  }
0x19d: {  	[sflag:s22] =	ssyncadd.s32 $0xFFFFE000  }
0x19e: {  	v3 =	vld [tilespmem:$0x16480]  }
0x19f: {  	v4 =	vld [tilespmem:$0x16490]  }
0x1a0: {  	v5 =	vld [tilespmem:$0x164A0]  }
0x1a1: {  	v6 =	vld [tilespmem:$0x164B0]  }
0x1a2: {  	p3 =	slt.u32 s12, $0x3  }
.Ltmp11:
0x1a3: {  	[tilespmem:$0x16D00] =	vst v3;
	(pc) =	sbr.rel @p3 .LBB2_12-.Ltmp11, $4  }
0x1a4: {  	[tilespmem:$0x16D10] =	vst v4  }
0x1a5: {  	[tilespmem:$0x16D20] =	vst v5  }
0x1a6: {  	[tilespmem:$0x16D30] =	vst v6  }
0x1a7: {  	[spmem:s2] =	stream.indirect.scatter.add.f32 [tilespmem:s25], [sflag:$0x5], $0x80, s26, s23, $0xb8;
	[tilespmem:$0x1EF00] =	vst v63  }
.Ltmp12:
0x1a8: {  	(pc) =	sbr.rel .LBB2_13-.Ltmp12, $3  }
0x1a9: {  	_ =	sdelay $0x1  }
0x1aa: {  	s0 =	simm.s32 $0x15C80;
	s3 =	simm.s32 $0x1AF00  }
0x1ab: {  	[tilespmem:s3], [sflag:$0x3] =	stream.indirect.gather [hbm4b:s13+s23], $0x80, s0, s23, $0xb8;
	[tilespmem:$0x1EF00] =	vst v63  }
.LBB2_12:
.Ltmp13:
0x1ac: {  	(pc) =	sbr.rel @p2 .LBB2_23-.Ltmp13, $1  }
0x1ad: {  	_ =	sdelay $0x3  }
.LBB2_13:
0x1ae: {  	_ =	swait.ge [sflag:s30], $0x2000  }
0x1af: {  	[sflag:s30] =	ssyncset.done $0x0  }
0x1b0: {  	[sflag:s30] =	ssyncadd.s32 $0xFFFFE000  }
0x1b1: {  	v3 =	vld [tilespmem:$0x164C0]  }
0x1b2: {  	v4 =	vld [tilespmem:$0x164D0]  }
0x1b3: {  	v5 =	vld [tilespmem:$0x164E0]  }
0x1b4: {  	v6 =	vld [tilespmem:$0x164F0]  }
0x1b5: {  	p3 =	slt.u32 s12, $0x4  }
.Ltmp14:
0x1b6: {  	[tilespmem:$0x16D80] =	vst v3;
	(pc) =	sbr.rel @p3 .LBB2_15-.Ltmp14, $4  }
0x1b7: {  	[tilespmem:$0x16D90] =	vst v4  }
0x1b8: {  	[tilespmem:$0x16DA0] =	vst v5  }
0x1b9: {  	s0 =	simm.s32 $0x16D80;
	s3 =	simm.s32 $0x18F00;
	[tilespmem:$0x16DB0] =	vst v6  }
0x1ba: {  	[spmem:s2] =	stream.indirect.scatter.add.f32 [tilespmem:s3], [sflag:$0x6], $0x80, s0, s23, $0xb8;
	[tilespmem:$0x1EF00] =	vst v63  }
.Ltmp15:
0x1bb: {  	(pc) =	sbr.rel .LBB2_16-.Ltmp15, $3  }
0x1bc: {  	_ =	sdelay $0x1  }
0x1bd: {  	s0 =	simm.s32 $0x15CC0;
	s3 =	simm.s32 $0x1CF00  }
0x1be: {  	[tilespmem:s3], [sflag:$0x4] =	stream.indirect.gather [hbm4b:s13+s23], $0x80, s0, s23, $0xb8;
	[tilespmem:$0x1EF00] =	vst v63  }
.LBB2_15:
0x1bf: {  	p3 =	seq.s32 s12, $0x2  }
.Ltmp16:
0x1c0: {  	_ = 	snop;
	(pc) =	sbr.rel @p3 .LBB2_23-.Ltmp16, $1  }
0x1c1: {  	_ =	sdelay $0x3  }
.LBB2_16:
0x1c2: {  	p4 =	sne.s32 s12, $0x3  }
.Ltmp17:
0x1c3: {  	_ = 	snop;
	(pc) =	sbr.rel @!p4 .LBB2_17-.Ltmp17, $4  }
0x1c4: {  	_ = 	snop  }
0x1c5: {  	s10 =	simm.s32 $0x2;
	s4 =	simm.s32 $0x15D00  }
0x1c6: {  	s3 =	simm.s32 $0x16530;
	s18 =	simm.s32 $0x3;
	s11 =	sand.u32 $0x3, s10  }
0x1c7: {  	p3 =	por $0x0, $0x0;
	s16 =	sshll.u32 s11, $0xD;
	s28 =	sxor.u32 $0x2, s11  }
0x1c8: {  	s0 =	sadd.s32 $0x1, s11  }
0x1c9: {  	_ =	swait.ge [sflag:s0], $0x2000  }
0x1ca: {  	[sflag:s0] =	ssyncset.done $0x0  }
0x1cb: {  	[sflag:s0] =	ssyncadd.s32 $0xFFFFE000  }
0x1cc: {  	v3 =	vld [tilespmem:s3+$0xFFFFFFD0];
	_ =	sdelay $0x3  }
0x1cd: {  	s0 =	sshll.u32 s11, $0x7  }
0x1ce: {  	[tilespmem:s0+$0x16D00] =	vst v3  }
0x1cf: {  	v3 =	vld [tilespmem:s3+$0xFFFFFFE0];
	_ =	sdelay $0x4  }
0x1d0: {  	[tilespmem:s0+$0x16D10] =	vst v3  }
0x1d1: {  	v3 =	vld [tilespmem:s3+$0xFFFFFFF0];
	_ =	sdelay $0x4  }
0x1d2: {  	[tilespmem:s0+$0x16D20] =	vst v3  }
0x1d3: {  	v3 =	vld [tilespmem:s3+$0x0]  }
0x1d4: {  	s10 =	sand.u32 $0x3, s18;
	s19 =	simm.s32 $0x4  }
0x1d5: {  	p4 =	sne.s32 s12, $0x4;
	s28 =	sadd.s32 $0x5, s28;
	s16 =	sadd.s32 $0x16F00, s16  }
0x1d6: {  	p5 =	sle.s32 s12, $0x4;
	p3 =	por $0x1, $0x1;
	s8 =	sshll.u32 s10, $0xD  }
0x1d7: {  	s5 =	sxor.u32 $0x2, s10;
	s11 =	sadd.s32 $0x5, s11;
	s17 =	sadd.s32 $0x16D00, s0  }
.Ltmp18:
0x1d8: {  	s3 =	simm.s32 $0x16570;
	[tilespmem:s0+$0x16D30] =	vst v3;
	s0 =	simm.s32 $0x4;
	(pc) =	sbr.rel @!p4 .LBB2_19-.Ltmp18, $4  }
0x1d9: {  	[spmem:s2] =	stream.indirect.scatter.add.f32 [tilespmem:s16], [sflag:s11], $0x80, s17, s23, $0xb8;
	[tilespmem:$0x1EF00] =	vst v63  }
0x1da: {  	s0 =	sand.u32 @!p5 $0x3, s0;
	s17 =	simm.s32 $0x15D40;
	_ =	swait.ge [sflag:s28], $0x2000  }
0x1db: {  	s11 =	sshll.u32 @!p5 s0, $0xD;
	s29 =	sadd.s32 @!p5 $0x1, s0;
	[sflag:s28] =	ssyncset.done $0x0  }
0x1dc: {  	s0 =	simm.s32 @!p5 $0x40;
	s31 =	sadd.s32 @!p5 $0x16F00, s11;
	[sflag:s28] =	ssyncadd.s32 $0xFFFFE000  }
.LBB2_20:
0x1dd: {  	[tilespmem:s31], [sflag:s29] =	stream.indirect.gather @!p5 [hbm4b:s13+s0], $0x80, s4, s0, $0xb8;
	[tilespmem:$0x1EF00] =	vst v63  }
0x1de: {  	s0 =	smov.u32 s10;
	s11 =	smov.u32 s18;
	s18 =	smov.u32 s19  }
0x1df: {  	s19 =	sadd.s32 $0x1, s19;
	s10 =	sand.u32 $0x3, s18;
	s4 =	sadd.s32 $0x1, s0  }
0x1e0: {  	s16 =	sshll.u32 s10, $0xD;
	s28 =	sxor.u32 $0x2, s10;
	_ =	swait.ge [sflag:s4], $0x2000  }
0x1e1: {  	s29 =	smov.u32 s8;
	p4 =	sne.s32 s12, s19;
	[sflag:s4] =	ssyncset.done $0x0  }
0x1e2: {  	s8 =	smov.u32 s16;
	s16 =	smov.u32 s5;
	[sflag:s4] =	ssyncadd.s32 $0xFFFFE000  }
0x1e3: {  	s5 =	smov.u32 s28;
	s4 =	smov.u32 s17;
	v3 =	vld [tilespmem:s3+$0xFFFFFFD0];
	_ =	sdelay $0x3  }
0x1e4: {  	s28 =	sshll.u32 s0, $0x7  }
0x1e5: {  	[tilespmem:s28+$0x16D00] =	vst v3  }
0x1e6: {  	v3 =	vld [tilespmem:s3+$0xFFFFFFE0];
	_ =	sdelay $0x4  }
0x1e7: {  	[tilespmem:s28+$0x16D10] =	vst v3  }
0x1e8: {  	v3 =	vld [tilespmem:s3+$0xFFFFFFF0];
	_ =	sdelay $0x4  }
0x1e9: {  	[tilespmem:s28+$0x16D20] =	vst v3  }
0x1ea: {  	v3 =	vld [tilespmem:s3+$0x0];
	_ =	sdelay $0x2  }
0x1eb: {  	s11 =	sadd.s32 $0x2, s11;
	s3 =	sadd.s32 $0x40, s3  }
0x1ec: {  	p5 =	sge.s32 s11, s12;
	s0 =	sadd.s32 $0x5, s0;
	s16 =	sadd.s32 $0x5, s16  }
.Ltmp19:
0x1ed: {  	s31 =	sadd.s32 $0x16D00, s28;
	[tilespmem:s28+$0x16D30] =	vst v3;
	s28 =	sadd.s32 $0x16F00, s29;
	(pc) =	sbr.rel @p4 .LBB2_20-.Ltmp19, $4  }
0x1ee: {  	[spmem:s2] =	stream.indirect.scatter.add.f32 [tilespmem:s28], [sflag:s0], $0x80, s31, s23, $0xb8;
	[tilespmem:$0x1EF00] =	vst v63  }
0x1ef: {  	s17 =	sadd.s32 $0x40, s17;
	s0 =	sand.u32 @!p5 $0x3, s11;
	_ =	swait.ge [sflag:s16], $0x2000  }
0x1f0: {  	s11 =	sshll.u32 @!p5 s0, $0xD;
	s29 =	sadd.s32 @!p5 $0x1, s0;
	[sflag:s16] =	ssyncset.done $0x0  }
0x1f1: {  	s0 =	simm.s32 @!p5 $0x40;
	s31 =	sadd.s32 @!p5 $0x16F00, s11;
	[sflag:s16] =	ssyncadd.s32 $0xFFFFE000  }
.Ltmp20:
0x1f2: {  	(pc) =	sbr.rel .LBB2_22-.Ltmp20, $3  }
0x1f3: {  	_ =	sdelay $0x1  }
0x1f4: {  	s19 =	smov.u32 s4;
	s11 =	smov.u32 s10;
	s10 =	smov.u32 s18  }
0x1f5: {  	s16 =	smov.u32 s8;
	s28 =	smov.u32 s5;
	s4 =	smov.u32 s17  }
.LBB2_5:
.Ltmp21:
0x1f6: {  	(pc) =	sbr.rel .LBB2_8-.Ltmp21, $2  }
0x1f7: {  	_ =	sdelay $0x2  }
0x1f8: {  	_ = 	snop  }
.LBB2_19:
.Ltmp22:
0x1f9: {  	(pc) =	sbr.rel .LBB2_22-.Ltmp22, $3  }
0x1fa: {  	_ =	sdelay $0x1  }
0x1fb: {  	s19 =	simm.s32 $0x15D00;
	s11 =	smov.u32 s10;
	s10 =	simm.s32 $0x3  }
0x1fc: {  	s16 =	smov.u32 s8;
	s28 =	smov.u32 s5;
	s4 =	simm.s32 $0x15D40  }
.LBB2_27:
0x1fd: {  	_ =	sfence.sel $0x180000  }
0x1fe: {  	[bflag:$0x0] =	sbarrier.arrive $0xFFFF  }
0x1ff: {  	_ =	strace $0x9000004A  }
0x200: {  	s0 =	stileid.u32;
	[bflag:$0x2] =	sbarrier.arrive $0xFFFF  }
0x201: {  	p0 =	sne.s32 s0, $0x0;
	s0 =	rddreg [dreg:$0x3]  }
0x202: {  	s0 =	sadd.s32 @!p0 $0x100000, s0  }
0x203: {  	[sflag:s0] =	ssyncadd.tile.s32 @!p0 $0x1;
	_ =	shalt  }
.Lfunc_end2:
_tile_overlayer_lowered:
.L_overlay_start_2:
0x204: {  	(tag) =	ssettag $0x2  }
0x205: {  	s0 =	rddreg [dreg:$0x0];
	s2 =	stileid.u32  }
0x206: {  	s1 =	rddreg [dreg:$0x1];
	p0 =	sne.s32 s2, $0x0  }
0x207: {  	s3 =	rddreg [dreg:$0x2];
	[bflag:$0x3] =	sbarrier.arrive $0xFFFF;
	s2 =	simm.s32 @!p0 $0x1C0B  }
0x208: {  	[timem:s3], [sflag:s2] =	dma.local @!p0 [hbm:s0], s1  }
0x209: {  	s0 =	simm.s32 @!p0 $0xB  }
0x20a: {  	_ =	swait.ge @!p0 [sflag:s0], s1  }
0x20b: {  	s1 =	ssub.s32 @!p0 $0x0, s1;
	[sflag:s0] =	ssyncset.done @!p0 $0x0  }
0x20c: {  	[sflag:s0] =	ssyncadd.s32 @!p0 s1  }
0x20d: {  	[bflag:$0x3] =	sbarrier.arrive $0xFFFF  }
0x20e: {  	_ =	shalt  }

</sc_bundles>
